<compile_context>
chip_gen: v7x
topology: tpu7x:2x2x1
jax: 0.10.2.dev20260603
libtpu: 0.0.44.dev20260713+nightly
codegen_flags: <defaults>
</compile_context>

<pallas_src>
import functools

import jax
import jax.numpy as jnp
from jax import lax
from jax.experimental import pallas as pl
from jax.experimental.pallas import tpu as pltpu
from jax.experimental.pallas import tpu_sc as plsc

N_NODES = 10000
NUM_CORES = 2
NUM_SUBCORES = 16
CHUNK = 128
N_CHUNKS = 2500
BASE_CHUNKS = N_CHUNKS // (NUM_CORES * NUM_SUBCORES)
ACC_ROWS = N_NODES
ZERO_ROWS = 632
LAST_ROWS = ACC_ROWS - 15 * ZERO_ROWS
NUM_WORKERS = NUM_CORES * NUM_SUBCORES


def _segsum_sc(feat, src, dst, zeros, d):
    mesh = plsc.VectorSubcoreMesh(
        core_axis_name="c", subcore_axis_name="s",
        num_cores=NUM_CORES, num_subcores=NUM_SUBCORES,
    )

    @functools.partial(
        pl.kernel,
        out_type=jax.ShapeDtypeStruct((NUM_CORES, ACC_ROWS, d), jnp.float32),
        mesh=mesh,
        scratch_types=[
            pltpu.VMEM_SHARED((ACC_ROWS, d), jnp.float32),
            [pltpu.VMEM((CHUNK,), jnp.int32)] * 6,
            [pltpu.VMEM((CHUNK,), jnp.int32)] * 6,
            [pltpu.VMEM((CHUNK, d), jnp.float32)] * 3,
            [pltpu.SemaphoreType.DMA] * 6,
            [pltpu.SemaphoreType.DMA] * 3,
            [pltpu.SemaphoreType.DMA] * 3,
        ],
    )
    def seg_kernel(feat_hbm, src_hbm, dst_hbm, zeros_hbm, out_hbm,
                   acc, srcv, dstv, rows, isem, gsem, ssem):
        cid = lax.axis_index("c")
        sid = lax.axis_index("s")
        wid = cid * NUM_SUBCORES + sid
        n = jnp.where(wid < 4, BASE_CHUNKS + 1, BASE_CHUNKS)

        def crow(k):
            return wid + NUM_WORKERS * k

        def fetch_idx(k, q):
            pltpu.async_copy(src_hbm.at[crow(k)], srcv[q], isem[q])
            pltpu.async_copy(dst_hbm.at[crow(k)], dstv[q], isem[q])

        def wait_idx(q):
            pltpu.make_async_copy(src_hbm.at[0], srcv[q], isem[q]).wait()
            pltpu.make_async_copy(dst_hbm.at[0], dstv[q], isem[q]).wait()

        def issue_gather(q, b):
            pltpu.async_copy(feat_hbm.at[srcv[q]], rows[b], gsem[b])

        def wait_gather(b):
            pltpu.make_async_copy(
                feat_hbm.at[pl.ds(0, CHUNK)], rows[b], gsem[b]).wait()

        def wait_scatter(b):
            pltpu.make_async_copy(rows[b], acc.at[dstv[0]], ssem[b]).wait()

        @pl.when(sid < NUM_SUBCORES - 1)
        def _():
            pltpu.sync_copy(zeros_hbm,
                            acc.at[pl.ds(sid * ZERO_ROWS, ZERO_ROWS)])

        @pl.when(sid == NUM_SUBCORES - 1)
        def _():
            pltpu.sync_copy(zeros_hbm.at[pl.ds(0, LAST_ROWS)],
                            acc.at[pl.ds(15 * ZERO_ROWS, LAST_ROWS)])

        plsc.subcore_barrier()

        for t in range(6):
            fetch_idx(t, t)
        for t in range(2):
            wait_idx(t)
            issue_gather(t, t)

        def step(k, t, next_gather, next_fetch, first=False):
            qn = (t + 2) % 6
            bn = (t + 2) % 3
            if not first:
                wait_scatter(bn)

            def start_next():
                wait_idx(qn)
                issue_gather(qn, bn)

            if next_gather is True:
                start_next()
            elif next_gather is None:
                pl.when(k + 2 < n)(start_next)
            wait_gather(t % 3)
            pltpu.async_copy(rows[t % 3], acc.at[dstv[t % 6]],
                             ssem[t % 3], add=True)
            if next_fetch is True:
                fetch_idx(k + 6, t % 6)
            elif next_fetch is None:
                @pl.when(k + 6 < n)
                def _():
                    fetch_idx(k + 6, t % 6)

        def loop_body(m, carry):
            k = 6 * m
            for t in range(6):
                step(k + t, t, True, True)
            return carry

        for t in range(6):
            step(t, t, True, True, first=(t == 0))
        lax.fori_loop(1, BASE_CHUNKS // 6 - 1, loop_body, 0)
        step(72, 0, True, None)
        step(73, 1, True, False)
        step(74, 2, True, False)
        step(75, 3, True, False)
        step(76, 4, None, False)
        step(77, 5, False, False)

        @pl.when(wid < 4)
        def _():
            step(BASE_CHUNKS, BASE_CHUNKS % 6, False, False)

        @pl.when(wid < 4)
        def _():
            wait_scatter(BASE_CHUNKS % 3)

        @pl.when(wid >= 4)
        def _():
            wait_scatter((BASE_CHUNKS - 1) % 3)

        plsc.subcore_barrier()

        @pl.when(sid < NUM_SUBCORES - 1)
        def _():
            pltpu.sync_copy(
                acc.at[pl.ds(sid * ZERO_ROWS, ZERO_ROWS)],
                out_hbm.at[cid].at[pl.ds(sid * ZERO_ROWS, ZERO_ROWS)],
            )

        @pl.when(sid == NUM_SUBCORES - 1)
        def _():
            pltpu.sync_copy(
                acc.at[pl.ds(15 * ZERO_ROWS, LAST_ROWS)],
                out_hbm.at[cid].at[pl.ds(15 * ZERO_ROWS, LAST_ROWS)],
            )

    return seg_kernel(feat, src, dst, zeros)


def _tc_layer0(x, acc0, W_self0, W_neigh0, b0):
    R = 5000

    def body(x_ref, a_ref, ws_ref, wn_ref, b_ref, h_ref):
        agg = a_ref[0] + a_ref[1]
        h = (
            jnp.dot(x_ref[...], ws_ref[...], preferred_element_type=jnp.float32)
            + jnp.dot(agg, wn_ref[...], preferred_element_type=jnp.float32)
            + b_ref[...]
        )
        h_ref[...] = jnp.maximum(h, 0.0)

    return pl.pallas_call(
        body,
        grid=(N_NODES // R,),
        in_specs=[
            pl.BlockSpec((R, 128), lambda i: (i, 0)),
            pl.BlockSpec((2, R, 128), lambda i: (0, i, 0)),
            pl.BlockSpec((128, 128), lambda i: (0, 0)),
            pl.BlockSpec((128, 128), lambda i: (0, 0)),
            pl.BlockSpec((1, 128), lambda i: (0, 0)),
        ],
        out_specs=pl.BlockSpec((R, 128), lambda i: (i, 0)),
        out_shape=jax.ShapeDtypeStruct((N_NODES, 128), jnp.float32),
    )(x, acc0, W_self0, W_neigh0, b0.reshape(1, 128))


def _tc_layer1(h, acc1, W_self1, W_neigh1, b1):
    R = 5000

    def body(h_ref, a_ref, ws_ref, wn_ref, b_ref, out_ref):
        agg = a_ref[0] + a_ref[1]
        out_ref[...] = (
            jnp.dot(h_ref[...], ws_ref[...], preferred_element_type=jnp.float32)
            + jnp.dot(agg, wn_ref[...], preferred_element_type=jnp.float32)
            + b_ref[...]
        )

    return pl.pallas_call(
        body,
        grid=(N_NODES // R,),
        in_specs=[
            pl.BlockSpec((R, 128), lambda i: (i, 0)),
            pl.BlockSpec((2, R, 128), lambda i: (0, i, 0)),
            pl.BlockSpec((128, 64), lambda i: (0, 0)),
            pl.BlockSpec((128, 64), lambda i: (0, 0)),
            pl.BlockSpec((1, 64), lambda i: (0, 0)),
        ],
        out_specs=pl.BlockSpec((R, 64), lambda i: (i, 0)),
        out_shape=jax.ShapeDtypeStruct((N_NODES, 64), jnp.float32),
    )(h, acc1, W_self1, W_neigh1, b1.reshape(1, 64))


def _split_edges(edge_index):
    src = edge_index[0].reshape(N_CHUNKS, CHUNK)
    dst = edge_index[1].reshape(N_CHUNKS, CHUNK)
    return src, dst


def kernel(x, edge_index0, edge_index1, W_self0, W_neigh0, b0,
           W_self1, W_neigh1, b1):
    src0, dst0 = _split_edges(edge_index0)
    src1, dst1 = _split_edges(edge_index1)
    zeros128 = jnp.zeros((ZERO_ROWS, 128), jnp.float32)

    acc0 = _segsum_sc(x, src0, dst0, zeros128, 128)
    h = _tc_layer0(x, acc0, W_self0, W_neigh0, b0)
    acc1 = _segsum_sc(h, src1, dst1, zeros128, 128)
    return _tc_layer1(h, acc1, W_self1, W_neigh1, b1)

# --- scband reference (transcript-rebuilt; emitter-appended) ---
"""Pipeline reference for scband-dist-sagemodel-62732292325634 (READ-ONLY COPY).

The authoritative reference and input builder live on the scoring server;
editing this copy changes nothing except your own understanding.
"""

import jax, jax.numpy as jnp
import numpy as np

N = 10000
E = 320000
IN_FEATS = 128
N_HIDDEN = 128
N_CLASSES = 64


def setup_inputs(seed: int = 0) -> dict:
    key = jax.random.key(seed)
    ks = jax.random.split(key, 10)
    x = jax.random.normal(ks[0], (N, IN_FEATS), dtype=jnp.float32)
    edge_index0 = jax.random.randint(ks[1], (2, E), 0, N, dtype=jnp.int32)
    edge_index1 = jax.random.randint(ks[2], (2, E), 0, N, dtype=jnp.int32)
    # DistSageConv parameters: self weight + neighbor-aggregation weight + bias per layer
    W_self0 = jax.random.normal(ks[3], (IN_FEATS, N_HIDDEN), dtype=jnp.float32) * 0.05
    W_neigh0 = jax.random.normal(ks[4], (IN_FEATS, N_HIDDEN), dtype=jnp.float32) * 0.05
    b0 = jnp.zeros((N_HIDDEN,), dtype=jnp.float32)
    W_self1 = jax.random.normal(ks[5], (N_HIDDEN, N_CLASSES), dtype=jnp.float32) * 0.05
    W_neigh1 = jax.random.normal(ks[6], (N_HIDDEN, N_CLASSES), dtype=jnp.float32) * 0.05
    b1 = jnp.zeros((N_CLASSES,), dtype=jnp.float32)
    return {
        "x": x,
        "edge_index0": edge_index0,
        "edge_index1": edge_index1,
        "W_self0": W_self0,
        "W_neigh0": W_neigh0,
        "b0": b0,
        "W_self1": W_self1,
        "W_neigh1": W_neigh1,
        "b1": b1,
    }


def _sage_conv(x, edge_index, W_self, W_neigh, b):
    # DistSageConv with 'sum' aggregation:
    # h_v = x_v @ W_self + (sum_{u in N(v)} x_u) @ W_neigh + b
    src = edge_index[0]
    dst = edge_index[1]
    msgs = jnp.take(x, src, axis=0)  # gather source features [E, d]
    agg = jax.ops.segment_sum(msgs, dst, num_segments=x.shape[0])  # scatter-add to dst
    return x @ W_self + agg @ W_neigh + b


def reference(x, edge_index0, edge_index1, W_self0, W_neigh0, b0, W_self1, W_neigh1, b1):
    # layer 0
    h = _sage_conv(x, edge_index0, W_self0, W_neigh0, b0)
    # activation + dropout (p=0.0 -> identity) between layers, not after last
    h = jax.nn.relu(h)
    # layer 1 (output layer, no activation)
    out = _sage_conv(h, edge_index1, W_self1, W_neigh1, b1)
    return out

if __name__ == "__main__":
    import jax
    _d = setup_inputs()
    print(jax.jit(kernel)(*tuple(_d.values())))

</pallas_src>

<mosaic_0001>
#map = affine_map<(d0, d1) -> (0, 0)>
#map1 = affine_map<(d0, d1) -> (0, 0, 0)>
module attributes {stable_mosaic.version = 14 : i64} {
  func.func @seg_kernel(%arg0: i32, %arg1: i32, %arg2: memref<10000x128xf32, #tpu.memory_space<hbm>>, %arg3: memref<2500x128xi32, #tpu.memory_space<hbm>>, %arg4: memref<2500x128xi32, #tpu.memory_space<hbm>>, %arg5: memref<632x128xf32, #tpu.memory_space<hbm>>, %arg6: memref<2x10000x128xf32, #tpu.memory_space<hbm>>, %arg7: memref<10000x128xf32, #tpu.memory_space<vmem_shared>>, %arg8: memref<128xi32, #tpu.memory_space<vmem>>, %arg9: memref<128xi32, #tpu.memory_space<vmem>>, %arg10: memref<128xi32, #tpu.memory_space<vmem>>, %arg11: memref<128xi32, #tpu.memory_space<vmem>>, %arg12: memref<128xi32, #tpu.memory_space<vmem>>, %arg13: memref<128xi32, #tpu.memory_space<vmem>>, %arg14: memref<128xi32, #tpu.memory_space<vmem>>, %arg15: memref<128xi32, #tpu.memory_space<vmem>>, %arg16: memref<128xi32, #tpu.memory_space<vmem>>, %arg17: memref<128xi32, #tpu.memory_space<vmem>>, %arg18: memref<128xi32, #tpu.memory_space<vmem>>, %arg19: memref<128xi32, #tpu.memory_space<vmem>>, %arg20: memref<128x128xf32, #tpu.memory_space<vmem>>, %arg21: memref<128x128xf32, #tpu.memory_space<vmem>>, %arg22: memref<128x128xf32, #tpu.memory_space<vmem>>, %arg23: memref<!tpu.dma_semaphore, #tpu.memory_space<semaphore_mem>>, %arg24: memref<!tpu.dma_semaphore, #tpu.memory_space<semaphore_mem>>, %arg25: memref<!tpu.dma_semaphore, #tpu.memory_space<semaphore_mem>>, %arg26: memref<!tpu.dma_semaphore, #tpu.memory_space<semaphore_mem>>, %arg27: memref<!tpu.dma_semaphore, #tpu.memory_space<semaphore_mem>>, %arg28: memref<!tpu.dma_semaphore, #tpu.memory_space<semaphore_mem>>, %arg29: memref<!tpu.dma_semaphore, #tpu.memory_space<semaphore_mem>>, %arg30: memref<!tpu.dma_semaphore, #tpu.memory_space<semaphore_mem>>, %arg31: memref<!tpu.dma_semaphore, #tpu.memory_space<semaphore_mem>>, %arg32: memref<!tpu.dma_semaphore, #tpu.memory_space<semaphore_mem>>, %arg33: memref<!tpu.dma_semaphore, #tpu.memory_space<semaphore_mem>>, %arg34: memref<!tpu.dma_semaphore, #tpu.memory_space<semaphore_mem>>) attributes {dimension_semantics = [#tpu.dimension_semantics<core_parallel>, #tpu.dimension_semantics<subcore_parallel>], iteration_bounds = array<i64: 2, 16>, scalar_prefetch = 0 : i64, scratch_operands = 28 : i64, tpu.core_type = #tpu.core_type<sc_vector_subcore>, window_params = [{transform_indices = #map}, {transform_indices = #map}, {transform_indices = #map}, {transform_indices = #map}, {transform_indices = #map1}]} {
    %mul3A = arith.constant 16 : i32
    %mul3A_0 = arith.muli %arg0, %mul3A : i32
    %add3A = arith.addi %mul3A_0, %arg1 : i32
    %lt3A = arith.constant 4 : i32
    %lt3A_1 = arith.cmpi slt, %add3A, %lt3A : i32
    %jit3A = arith.constant 79 : i32
    %jit3A_2 = arith.constant 78 : i32
    %select_n3A = arith.select %lt3A_1, %jit3A, %jit3A_2 : i32
    %lt3A_3 = arith.constant 15 : i32
    %lt3A_4 = arith.cmpi slt, %arg1, %lt3A_3 : i32
    %convert_element_type3A = arith.extui %lt3A_4 : i1 to i32
    %cond3A = arith.constant 0 : i32
    %cond3A_5 = arith.cmpi ne, %convert_element_type3A, %cond3A : i32
    scf.if %cond3A_5 {
      %mul3A_584 = arith.constant 632 : i32
      %mul3A_585 = arith.muli %arg1, %mul3A_584 : i32
      "tpu.region"() ({
        %run_scoped3A = tpu.sem_alloc : memref<!tpu.dma_semaphore, #tpu.memory_space<semaphore_mem>>
        %dma_start3A_586 = arith.constant 0 : i32
        %dma_start3A_587 = tpu.memref_slice %arg7[%mul3A_585, %dma_start3A_586] : memref<10000x128xf32, #tpu.memory_space<vmem_shared>> -> memref<632x128xf32, #tpu.memory_space<vmem_shared>>
        tpu.enqueue_dma source(%arg5 : memref<632x128xf32, #tpu.memory_space<hbm>>) target(%dma_start3A_587 : memref<632x128xf32, #tpu.memory_space<vmem_shared>>) target_semaphore(%run_scoped3A : memref<!tpu.dma_semaphore, #tpu.memory_space<semaphore_mem>>)
        %dma_wait3A_588 = arith.constant 0 : i32
        %dma_wait3A_589 = tpu.memref_slice %arg7[%mul3A_585, %dma_wait3A_588] : memref<10000x128xf32, #tpu.memory_space<vmem_shared>> -> memref<632x128xf32, #tpu.memory_space<vmem_shared>>
        tpu.wait_dma2 semaphore(%run_scoped3A : memref<!tpu.dma_semaphore, #tpu.memory_space<semaphore_mem>>) src(%arg5 : memref<632x128xf32, #tpu.memory_space<hbm>>) dst(%dma_wait3A_589 : memref<632x128xf32, #tpu.memory_space<vmem_shared>>)
        tpu.yield
      }) : () -> ()
    } else {
    }
    %eq3A = arith.constant 15 : i32
    %eq3A_6 = arith.cmpi eq, %arg1, %eq3A : i32
    %convert_element_type3A_7 = arith.extui %eq3A_6 : i1 to i32
    %cond3A_8 = arith.constant 0 : i32
    %cond3A_9 = arith.cmpi ne, %convert_element_type3A_7, %cond3A_8 : i32
    scf.if %cond3A_9 {
      "tpu.region"() ({
        %run_scoped3A = tpu.sem_alloc : memref<!tpu.dma_semaphore, #tpu.memory_space<semaphore_mem>>
        %dma_start3A_584 = arith.constant 9480 : i32
        %dma_start3A_585 = arith.constant 0 : i32
        %dma_start3A_586 = tpu.memref_slice %arg7[%dma_start3A_584, %dma_start3A_585] : memref<10000x128xf32, #tpu.memory_space<vmem_shared>> -> memref<520x128xf32, #tpu.memory_space<vmem_shared>>
        %dma_start3A_587 = arith.constant 0 : i32
        %dma_start3A_588 = arith.constant 0 : i32
        %dma_start3A_589 = tpu.memref_slice %arg5[%dma_start3A_587, %dma_start3A_588] : memref<632x128xf32, #tpu.memory_space<hbm>> -> memref<520x128xf32, #tpu.memory_space<hbm>>
        tpu.enqueue_dma source(%dma_start3A_589 : memref<520x128xf32, #tpu.memory_space<hbm>>) target(%dma_start3A_586 : memref<520x128xf32, #tpu.memory_space<vmem_shared>>) target_semaphore(%run_scoped3A : memref<!tpu.dma_semaphore, #tpu.memory_space<semaphore_mem>>)
        %dma_wait3A_590 = arith.constant 9480 : i32
        %dma_wait3A_591 = arith.constant 0 : i32
        %dma_wait3A_592 = tpu.memref_slice %arg7[%dma_wait3A_590, %dma_wait3A_591] : memref<10000x128xf32, #tpu.memory_space<vmem_shared>> -> memref<520x128xf32, #tpu.memory_space<vmem_shared>>
        %dma_wait3A_593 = arith.constant 0 : i32
        %dma_wait3A_594 = arith.constant 0 : i32
        %dma_wait3A_595 = tpu.memref_slice %arg5[%dma_wait3A_593, %dma_wait3A_594] : memref<632x128xf32, #tpu.memory_space<hbm>> -> memref<520x128xf32, #tpu.memory_space<hbm>>
        tpu.wait_dma2 semaphore(%run_scoped3A : memref<!tpu.dma_semaphore, #tpu.memory_space<semaphore_mem>>) src(%dma_wait3A_595 : memref<520x128xf32, #tpu.memory_space<hbm>>) dst(%dma_wait3A_592 : memref<520x128xf32, #tpu.memory_space<vmem_shared>>)
        tpu.yield
      }) : () -> ()
    } else {
    }
    %barrier3A = arith.constant 0 : index
    tpu.barrier barrier_id(%barrier3A)
    %add3A_10 = arith.constant 0 : i32
    %add3A_11 = arith.addi %add3A, %add3A_10 : i32
    %dma_start3A = arith.constant 0 : i32
    %dma_start3A_12 = tpu.memref_slice %arg3[%add3A_11, %dma_start3A] : memref<2500x128xi32, #tpu.memory_space<hbm>> -> memref<1x128xi32, #tpu.memory_space<hbm>>
    %dma_start3A_13 = tpu.memref_squeeze %dma_start3A_12 : memref<1x128xi32, #tpu.memory_space<hbm>> -> memref<128xi32, #tpu.memory_space<hbm>>
    %dma_start3A_14 = arith.constant 0 : i32
    %dma_start3A_15 = tpu.memref_slice %arg3[%add3A_11, %dma_start3A_14] : memref<2500x128xi32, #tpu.memory_space<hbm>> -> memref<1x128xi32, #tpu.memory_space<hbm>>
    %dma_start3A_16 = tpu.memref_squeeze %dma_start3A_15 : memref<1x128xi32, #tpu.memory_space<hbm>> -> memref<128xi32, #tpu.memory_space<hbm>>
    tpu.enqueue_dma source(%dma_start3A_16 : memref<128xi32, #tpu.memory_space<hbm>>) target(%arg8 : memref<128xi32, #tpu.memory_space<vmem>>) target_semaphore(%arg23 : memref<!tpu.dma_semaphore, #tpu.memory_space<semaphore_mem>>)
    %add3A_17 = arith.constant 0 : i32
    %add3A_18 = arith.addi %add3A, %add3A_17 : i32
    %dma_start3A_19 = arith.constant 0 : i32
    %dma_start3A_20 = tpu.memref_slice %arg4[%add3A_18, %dma_start3A_19] : memref<2500x128xi32, #tpu.memory_space<hbm>> -> memref<1x128xi32, #tpu.memory_space<hbm>>
    %dma_start3A_21 = tpu.memref_squeeze %dma_start3A_20 : memref<1x128xi32, #tpu.memory_space<hbm>> -> memref<128xi32, #tpu.memory_space<hbm>>
    %dma_start3A_22 = arith.constant 0 : i32
    %dma_start3A_23 = tpu.memref_slice %arg4[%add3A_18, %dma_start3A_22] : memref<2500x128xi32, #tpu.memory_space<hbm>> -> memref<1x128xi32, #tpu.memory_space<hbm>>
    %dma_start3A_24 = tpu.memref_squeeze %dma_start3A_23 : memref<1x128xi32, #tpu.memory_space<hbm>> -> memref<128xi32, #tpu.memory_space<hbm>>
    tpu.enqueue_dma source(%dma_start3A_24 : memref<128xi32, #tpu.memory_space<hbm>>) target(%arg14 : memref<128xi32, #tpu.memory_space<vmem>>) target_semaphore(%arg23 : memref<!tpu.dma_semaphore, #tpu.memory_space<semaphore_mem>>)
    %add3A_25 = arith.constant 32 : i32
    %add3A_26 = arith.addi %add3A, %add3A_25 : i32
    %dma_start3A_27 = arith.constant 0 : i32
    %dma_start3A_28 = tpu.memref_slice %arg3[%add3A_26, %dma_start3A_27] : memref<2500x128xi32, #tpu.memory_space<hbm>> -> memref<1x128xi32, #tpu.memory_space<hbm>>
    %dma_start3A_29 = tpu.memref_squeeze %dma_start3A_28 : memref<1x128xi32, #tpu.memory_space<hbm>> -> memref<128xi32, #tpu.memory_space<hbm>>
    %dma_start3A_30 = arith.constant 0 : i32
    %dma_start3A_31 = tpu.memref_slice %arg3[%add3A_26, %dma_start3A_30] : memref<2500x128xi32, #tpu.memory_space<hbm>> -> memref<1x128xi32, #tpu.memory_space<hbm>>
    %dma_start3A_32 = tpu.memref_squeeze %dma_start3A_31 : memref<1x128xi32, #tpu.memory_space<hbm>> -> memref<128xi32, #tpu.memory_space<hbm>>
    tpu.enqueue_dma source(%dma_start3A_32 : memref<128xi32, #tpu.memory_space<hbm>>) target(%arg9 : memref<128xi32, #tpu.memory_space<vmem>>) target_semaphore(%arg24 : memref<!tpu.dma_semaphore, #tpu.memory_space<semaphore_mem>>)
    %add3A_33 = arith.constant 32 : i32
    %add3A_34 = arith.addi %add3A, %add3A_33 : i32
    %dma_start3A_35 = arith.constant 0 : i32
    %dma_start3A_36 = tpu.memref_slice %arg4[%add3A_34, %dma_start3A_35] : memref<2500x128xi32, #tpu.memory_space<hbm>> -> memref<1x128xi32, #tpu.memory_space<hbm>>
    %dma_start3A_37 = tpu.memref_squeeze %dma_start3A_36 : memref<1x128xi32, #tpu.memory_space<hbm>> -> memref<128xi32, #tpu.memory_space<hbm>>
    %dma_start3A_38 = arith.constant 0 : i32
    %dma_start3A_39 = tpu.memref_slice %arg4[%add3A_34, %dma_start3A_38] : memref<2500x128xi32, #tpu.memory_space<hbm>> -> memref<1x128xi32, #tpu.memory_space<hbm>>
    %dma_start3A_40 = tpu.memref_squeeze %dma_start3A_39 : memref<1x128xi32, #tpu.memory_space<hbm>> -> memref<128xi32, #tpu.memory_space<hbm>>
    tpu.enqueue_dma source(%dma_start3A_40 : memref<128xi32, #tpu.memory_space<hbm>>) target(%arg15 : memref<128xi32, #tpu.memory_space<vmem>>) target_semaphore(%arg24 : memref<!tpu.dma_semaphore, #tpu.memory_space<semaphore_mem>>)
    %add3A_41 = arith.constant 64 : i32
    %add3A_42 = arith.addi %add3A, %add3A_41 : i32
    %dma_start3A_43 = arith.constant 0 : i32
    %dma_start3A_44 = tpu.memref_slice %arg3[%add3A_42, %dma_start3A_43] : memref<2500x128xi32, #tpu.memory_space<hbm>> -> memref<1x128xi32, #tpu.memory_space<hbm>>
    %dma_start3A_45 = tpu.memref_squeeze %dma_start3A_44 : memref<1x128xi32, #tpu.memory_space<hbm>> -> memref<128xi32, #tpu.memory_space<hbm>>
    %dma_start3A_46 = arith.constant 0 : i32
    %dma_start3A_47 = tpu.memref_slice %arg3[%add3A_42, %dma_start3A_46] : memref<2500x128xi32, #tpu.memory_space<hbm>> -> memref<1x128xi32, #tpu.memory_space<hbm>>
    %dma_start3A_48 = tpu.memref_squeeze %dma_start3A_47 : memref<1x128xi32, #tpu.memory_space<hbm>> -> memref<128xi32, #tpu.memory_space<hbm>>
    tpu.enqueue_dma source(%dma_start3A_48 : memref<128xi32, #tpu.memory_space<hbm>>) target(%arg10 : memref<128xi32, #tpu.memory_space<vmem>>) target_semaphore(%arg25 : memref<!tpu.dma_semaphore, #tpu.memory_space<semaphore_mem>>)
    %add3A_49 = arith.constant 64 : i32
    %add3A_50 = arith.addi %add3A, %add3A_49 : i32
    %dma_start3A_51 = arith.constant 0 : i32
    %dma_start3A_52 = tpu.memref_slice %arg4[%add3A_50, %dma_start3A_51] : memref<2500x128xi32, #tpu.memory_space<hbm>> -> memref<1x128xi32, #tpu.memory_space<hbm>>
    %dma_start3A_53 = tpu.memref_squeeze %dma_start3A_52 : memref<1x128xi32, #tpu.memory_space<hbm>> -> memref<128xi32, #tpu.memory_space<hbm>>
    %dma_start3A_54 = arith.constant 0 : i32
    %dma_start3A_55 = tpu.memref_slice %arg4[%add3A_50, %dma_start3A_54] : memref<2500x128xi32, #tpu.memory_space<hbm>> -> memref<1x128xi32, #tpu.memory_space<hbm>>
    %dma_start3A_56 = tpu.memref_squeeze %dma_start3A_55 : memref<1x128xi32, #tpu.memory_space<hbm>> -> memref<128xi32, #tpu.memory_space<hbm>>
    tpu.enqueue_dma source(%dma_start3A_56 : memref<128xi32, #tpu.memory_space<hbm>>) target(%arg16 : memref<128xi32, #tpu.memory_space<vmem>>) target_semaphore(%arg25 : memref<!tpu.dma_semaphore, #tpu.memory_space<semaphore_mem>>)
    %add3A_57 = arith.constant 96 : i32
    %add3A_58 = arith.addi %add3A, %add3A_57 : i32
    %dma_start3A_59 = arith.constant 0 : i32
    %dma_start3A_60 = tpu.memref_slice %arg3[%add3A_58, %dma_start3A_59] : memref<2500x128xi32, #tpu.memory_space<hbm>> -> memref<1x128xi32, #tpu.memory_space<hbm>>
    %dma_start3A_61 = tpu.memref_squeeze %dma_start3A_60 : memref<1x128xi32, #tpu.memory_space<hbm>> -> memref<128xi32, #tpu.memory_space<hbm>>
    %dma_start3A_62 = arith.constant 0 : i32
    %dma_start3A_63 = tpu.memref_slice %arg3[%add3A_58, %dma_start3A_62] : memref<2500x128xi32, #tpu.memory_space<hbm>> -> memref<1x128xi32, #tpu.memory_space<hbm>>
    %dma_start3A_64 = tpu.memref_squeeze %dma_start3A_63 : memref<1x128xi32, #tpu.memory_space<hbm>> -> memref<128xi32, #tpu.memory_space<hbm>>
    tpu.enqueue_dma source(%dma_start3A_64 : memref<128xi32, #tpu.memory_space<hbm>>) target(%arg11 : memref<128xi32, #tpu.memory_space<vmem>>) target_semaphore(%arg26 : memref<!tpu.dma_semaphore, #tpu.memory_space<semaphore_mem>>)
    %add3A_65 = arith.constant 96 : i32
    %add3A_66 = arith.addi %add3A, %add3A_65 : i32
    %dma_start3A_67 = arith.constant 0 : i32
    %dma_start3A_68 = tpu.memref_slice %arg4[%add3A_66, %dma_start3A_67] : memref<2500x128xi32, #tpu.memory_space<hbm>> -> memref<1x128xi32, #tpu.memory_space<hbm>>
    %dma_start3A_69 = tpu.memref_squeeze %dma_start3A_68 : memref<1x128xi32, #tpu.memory_space<hbm>> -> memref<128xi32, #tpu.memory_space<hbm>>
    %dma_start3A_70 = arith.constant 0 : i32
    %dma_start3A_71 = tpu.memref_slice %arg4[%add3A_66, %dma_start3A_70] : memref<2500x128xi32, #tpu.memory_space<hbm>> -> memref<1x128xi32, #tpu.memory_space<hbm>>
    %dma_start3A_72 = tpu.memref_squeeze %dma_start3A_71 : memref<1x128xi32, #tpu.memory_space<hbm>> -> memref<128xi32, #tpu.memory_space<hbm>>
    tpu.enqueue_dma source(%dma_start3A_72 : memref<128xi32, #tpu.memory_space<hbm>>) target(%arg17 : memref<128xi32, #tpu.memory_space<vmem>>) target_semaphore(%arg26 : memref<!tpu.dma_semaphore, #tpu.memory_space<semaphore_mem>>)
    %add3A_73 = arith.constant 128 : i32
    %add3A_74 = arith.addi %add3A, %add3A_73 : i32
    %dma_start3A_75 = arith.constant 0 : i32
    %dma_start3A_76 = tpu.memref_slice %arg3[%add3A_74, %dma_start3A_75] : memref<2500x128xi32, #tpu.memory_space<hbm>> -> memref<1x128xi32, #tpu.memory_space<hbm>>
    %dma_start3A_77 = tpu.memref_squeeze %dma_start3A_76 : memref<1x128xi32, #tpu.memory_space<hbm>> -> memref<128xi32, #tpu.memory_space<hbm>>
    %dma_start3A_78 = arith.constant 0 : i32
    %dma_start3A_79 = tpu.memref_slice %arg3[%add3A_74, %dma_start3A_78] : memref<2500x128xi32, #tpu.memory_space<hbm>> -> memref<1x128xi32, #tpu.memory_space<hbm>>
    %dma_start3A_80 = tpu.memref_squeeze %dma_start3A_79 : memref<1x128xi32, #tpu.memory_space<hbm>> -> memref<128xi32, #tpu.memory_space<hbm>>
    tpu.enqueue_dma source(%dma_start3A_80 : memref<128xi32, #tpu.memory_space<hbm>>) target(%arg12 : memref<128xi32, #tpu.memory_space<vmem>>) target_semaphore(%arg27 : memref<!tpu.dma_semaphore, #tpu.memory_space<semaphore_mem>>)
    %add3A_81 = arith.constant 128 : i32
    %add3A_82 = arith.addi %add3A, %add3A_81 : i32
    %dma_start3A_83 = arith.constant 0 : i32
    %dma_start3A_84 = tpu.memref_slice %arg4[%add3A_82, %dma_start3A_83] : memref<2500x128xi32, #tpu.memory_space<hbm>> -> memref<1x128xi32, #tpu.memory_space<hbm>>
    %dma_start3A_85 = tpu.memref_squeeze %dma_start3A_84 : memref<1x128xi32, #tpu.memory_space<hbm>> -> memref<128xi32, #tpu.memory_space<hbm>>
    %dma_start3A_86 = arith.constant 0 : i32
    %dma_start3A_87 = tpu.memref_slice %arg4[%add3A_82, %dma_start3A_86] : memref<2500x128xi32, #tpu.memory_space<hbm>> -> memref<1x128xi32, #tpu.memory_space<hbm>>
    %dma_start3A_88 = tpu.memref_squeeze %dma_start3A_87 : memref<1x128xi32, #tpu.memory_space<hbm>> -> memref<128xi32, #tpu.memory_space<hbm>>
    tpu.enqueue_dma source(%dma_start3A_88 : memref<128xi32, #tpu.memory_space<hbm>>) target(%arg18 : memref<128xi32, #tpu.memory_space<vmem>>) target_semaphore(%arg27 : memref<!tpu.dma_semaphore, #tpu.memory_space<semaphore_mem>>)
    %add3A_89 = arith.constant 160 : i32
    %add3A_90 = arith.addi %add3A, %add3A_89 : i32
    %dma_start3A_91 = arith.constant 0 : i32
    %dma_start3A_92 = tpu.memref_slice %arg3[%add3A_90, %dma_start3A_91] : memref<2500x128xi32, #tpu.memory_space<hbm>> -> memref<1x128xi32, #tpu.memory_space<hbm>>
    %dma_start3A_93 = tpu.memref_squeeze %dma_start3A_92 : memref<1x128xi32, #tpu.memory_space<hbm>> -> memref<128xi32, #tpu.memory_space<hbm>>
    %dma_start3A_94 = arith.constant 0 : i32
    %dma_start3A_95 = tpu.memref_slice %arg3[%add3A_90, %dma_start3A_94] : memref<2500x128xi32, #tpu.memory_space<hbm>> -> memref<1x128xi32, #tpu.memory_space<hbm>>
    %dma_start3A_96 = tpu.memref_squeeze %dma_start3A_95 : memref<1x128xi32, #tpu.memory_space<hbm>> -> memref<128xi32, #tpu.memory_space<hbm>>
    tpu.enqueue_dma source(%dma_start3A_96 : memref<128xi32, #tpu.memory_space<hbm>>) target(%arg13 : memref<128xi32, #tpu.memory_space<vmem>>) target_semaphore(%arg28 : memref<!tpu.dma_semaphore, #tpu.memory_space<semaphore_mem>>)
    %add3A_97 = arith.constant 160 : i32
    %add3A_98 = arith.addi %add3A, %add3A_97 : i32
    %dma_start3A_99 = arith.constant 0 : i32
    %dma_start3A_100 = tpu.memref_slice %arg4[%add3A_98, %dma_start3A_99] : memref<2500x128xi32, #tpu.memory_space<hbm>> -> memref<1x128xi32, #tpu.memory_space<hbm>>
    %dma_start3A_101 = tpu.memref_squeeze %dma_start3A_100 : memref<1x128xi32, #tpu.memory_space<hbm>> -> memref<128xi32, #tpu.memory_space<hbm>>
    %dma_start3A_102 = arith.constant 0 : i32
    %dma_start3A_103 = tpu.memref_slice %arg4[%add3A_98, %dma_start3A_102] : memref<2500x128xi32, #tpu.memory_space<hbm>> -> memref<1x128xi32, #tpu.memory_space<hbm>>
    %dma_start3A_104 = tpu.memref_squeeze %dma_start3A_103 : memref<1x128xi32, #tpu.memory_space<hbm>> -> memref<128xi32, #tpu.memory_space<hbm>>
    tpu.enqueue_dma source(%dma_start3A_104 : memref<128xi32, #tpu.memory_space<hbm>>) target(%arg19 : memref<128xi32, #tpu.memory_space<vmem>>) target_semaphore(%arg28 : memref<!tpu.dma_semaphore, #tpu.memory_space<semaphore_mem>>)
    %dma_wait3A = arith.constant 0 : i32
    %dma_wait3A_105 = arith.constant 0 : i32
    %dma_wait3A_106 = tpu.memref_slice %arg3[%dma_wait3A, %dma_wait3A_105] : memref<2500x128xi32, #tpu.memory_space<hbm>> -> memref<1x128xi32, #tpu.memory_space<hbm>>
    %dma_wait3A_107 = tpu.memref_squeeze %dma_wait3A_106 : memref<1x128xi32, #tpu.memory_space<hbm>> -> memref<128xi32, #tpu.memory_space<hbm>>
    %dma_wait3A_108 = arith.constant 0 : i32
    %dma_wait3A_109 = tpu.memref_slice %arg3[%dma_wait3A, %dma_wait3A_108] : memref<2500x128xi32, #tpu.memory_space<hbm>> -> memref<1x128xi32, #tpu.memory_space<hbm>>
    %dma_wait3A_110 = tpu.memref_squeeze %dma_wait3A_109 : memref<1x128xi32, #tpu.memory_space<hbm>> -> memref<128xi32, #tpu.memory_space<hbm>>
    tpu.wait_dma2 semaphore(%arg23 : memref<!tpu.dma_semaphore, #tpu.memory_space<semaphore_mem>>) src(%dma_wait3A_110 : memref<128xi32, #tpu.memory_space<hbm>>) dst(%arg8 : memref<128xi32, #tpu.memory_space<vmem>>)
    %dma_wait3A_111 = arith.constant 0 : i32
    %dma_wait3A_112 = arith.constant 0 : i32
    %dma_wait3A_113 = tpu.memref_slice %arg4[%dma_wait3A_111, %dma_wait3A_112] : memref<2500x128xi32, #tpu.memory_space<hbm>> -> memref<1x128xi32, #tpu.memory_space<hbm>>
    %dma_wait3A_114 = tpu.memref_squeeze %dma_wait3A_113 : memref<1x128xi32, #tpu.memory_space<hbm>> -> memref<128xi32, #tpu.memory_space<hbm>>
    %dma_wait3A_115 = arith.constant 0 : i32
    %dma_wait3A_116 = tpu.memref_slice %arg4[%dma_wait3A_111, %dma_wait3A_115] : memref<2500x128xi32, #tpu.memory_space<hbm>> -> memref<1x128xi32, #tpu.memory_space<hbm>>
    %dma_wait3A_117 = tpu.memref_squeeze %dma_wait3A_116 : memref<1x128xi32, #tpu.memory_space<hbm>> -> memref<128xi32, #tpu.memory_space<hbm>>
    tpu.wait_dma2 semaphore(%arg23 : memref<!tpu.dma_semaphore, #tpu.memory_space<semaphore_mem>>) src(%dma_wait3A_117 : memref<128xi32, #tpu.memory_space<hbm>>) dst(%arg14 : memref<128xi32, #tpu.memory_space<vmem>>)
    %dma_start3A_118 = arith.constant 0 : i32
    %dma_start3A_119 = arith.constant 0 : i32
    %dma_start3A_120 = tpu.memref_slice %arg2[%dma_start3A_118, %dma_start3A_119] : memref<10000x128xf32, #tpu.memory_space<hbm>> -> memref<10000x128xf32, #tpu.memory_space<hbm>>
    tpu.enqueue_indirect_dma source(%dma_start3A_120 : memref<10000x128xf32, #tpu.memory_space<hbm>>) target(%arg20 : memref<128x128xf32, #tpu.memory_space<vmem>>) offsets(%arg8 : memref<128xi32, #tpu.memory_space<vmem>>) semaphore(%arg29 : memref<!tpu.dma_semaphore, #tpu.memory_space<semaphore_mem>>)
    %dma_wait3A_121 = arith.constant 0 : i32
    %dma_wait3A_122 = arith.constant 0 : i32
    %dma_wait3A_123 = tpu.memref_slice %arg3[%dma_wait3A_121, %dma_wait3A_122] : memref<2500x128xi32, #tpu.memory_space<hbm>> -> memref<1x128xi32, #tpu.memory_space<hbm>>
    %dma_wait3A_124 = tpu.memref_squeeze %dma_wait3A_123 : memref<1x128xi32, #tpu.memory_space<hbm>> -> memref<128xi32, #tpu.memory_space<hbm>>
    %dma_wait3A_125 = arith.constant 0 : i32
    %dma_wait3A_126 = tpu.memref_slice %arg3[%dma_wait3A_121, %dma_wait3A_125] : memref<2500x128xi32, #tpu.memory_space<hbm>> -> memref<1x128xi32, #tpu.memory_space<hbm>>
    %dma_wait3A_127 = tpu.memref_squeeze %dma_wait3A_126 : memref<1x128xi32, #tpu.memory_space<hbm>> -> memref<128xi32, #tpu.memory_space<hbm>>
    tpu.wait_dma2 semaphore(%arg24 : memref<!tpu.dma_semaphore, #tpu.memory_space<semaphore_mem>>) src(%dma_wait3A_127 : memref<128xi32, #tpu.memory_space<hbm>>) dst(%arg9 : memref<128xi32, #tpu.memory_space<vmem>>)
    %dma_wait3A_128 = arith.constant 0 : i32
    %dma_wait3A_129 = arith.constant 0 : i32
    %dma_wait3A_130 = tpu.memref_slice %arg4[%dma_wait3A_128, %dma_wait3A_129] : memref<2500x128xi32, #tpu.memory_space<hbm>> -> memref<1x128xi32, #tpu.memory_space<hbm>>
    %dma_wait3A_131 = tpu.memref_squeeze %dma_wait3A_130 : memref<1x128xi32, #tpu.memory_space<hbm>> -> memref<128xi32, #tpu.memory_space<hbm>>
    %dma_wait3A_132 = arith.constant 0 : i32
    %dma_wait3A_133 = tpu.memref_slice %arg4[%dma_wait3A_128, %dma_wait3A_132] : memref<2500x128xi32, #tpu.memory_space<hbm>> -> memref<1x128xi32, #tpu.memory_space<hbm>>
    %dma_wait3A_134 = tpu.memref_squeeze %dma_wait3A_133 : memref<1x128xi32, #tpu.memory_space<hbm>> -> memref<128xi32, #tpu.memory_space<hbm>>
    tpu.wait_dma2 semaphore(%arg24 : memref<!tpu.dma_semaphore, #tpu.memory_space<semaphore_mem>>) src(%dma_wait3A_134 : memref<128xi32, #tpu.memory_space<hbm>>) dst(%arg15 : memref<128xi32, #tpu.memory_space<vmem>>)
    %dma_start3A_135 = arith.constant 0 : i32
    %dma_start3A_136 = arith.constant 0 : i32
    %dma_start3A_137 = tpu.memref_slice %arg2[%dma_start3A_135, %dma_start3A_136] : memref<10000x128xf32, #tpu.memory_space<hbm>> -> memref<10000x128xf32, #tpu.memory_space<hbm>>
    tpu.enqueue_indirect_dma source(%dma_start3A_137 : memref<10000x128xf32, #tpu.memory_space<hbm>>) target(%arg21 : memref<128x128xf32, #tpu.memory_space<vmem>>) offsets(%arg9 : memref<128xi32, #tpu.memory_space<vmem>>) semaphore(%arg30 : memref<!tpu.dma_semaphore, #tpu.memory_space<semaphore_mem>>)
    %dma_wait3A_138 = arith.constant 0 : i32
    %dma_wait3A_139 = arith.constant 0 : i32
    %dma_wait3A_140 = tpu.memref_slice %arg3[%dma_wait3A_138, %dma_wait3A_139] : memref<2500x128xi32, #tpu.memory_space<hbm>> -> memref<1x128xi32, #tpu.memory_space<hbm>>
    %dma_wait3A_141 = tpu.memref_squeeze %dma_wait3A_140 : memref<1x128xi32, #tpu.memory_space<hbm>> -> memref<128xi32, #tpu.memory_space<hbm>>
    %dma_wait3A_142 = arith.constant 0 : i32
    %dma_wait3A_143 = tpu.memref_slice %arg3[%dma_wait3A_138, %dma_wait3A_142] : memref<2500x128xi32, #tpu.memory_space<hbm>> -> memref<1x128xi32, #tpu.memory_space<hbm>>
    %dma_wait3A_144 = tpu.memref_squeeze %dma_wait3A_143 : memref<1x128xi32, #tpu.memory_space<hbm>> -> memref<128xi32, #tpu.memory_space<hbm>>
    tpu.wait_dma2 semaphore(%arg25 : memref<!tpu.dma_semaphore, #tpu.memory_space<semaphore_mem>>) src(%dma_wait3A_144 : memref<128xi32, #tpu.memory_space<hbm>>) dst(%arg10 : memref<128xi32, #tpu.memory_space<vmem>>)
    %dma_wait3A_145 = arith.constant 0 : i32
    %dma_wait3A_146 = arith.constant 0 : i32
    %dma_wait3A_147 = tpu.memref_slice %arg4[%dma_wait3A_145, %dma_wait3A_146] : memref<2500x128xi32, #tpu.memory_space<hbm>> -> memref<1x128xi32, #tpu.memory_space<hbm>>
    %dma_wait3A_148 = tpu.memref_squeeze %dma_wait3A_147 : memref<1x128xi32, #tpu.memory_space<hbm>> -> memref<128xi32, #tpu.memory_space<hbm>>
    %dma_wait3A_149 = arith.constant 0 : i32
    %dma_wait3A_150 = tpu.memref_slice %arg4[%dma_wait3A_145, %dma_wait3A_149] : memref<2500x128xi32, #tpu.memory_space<hbm>> -> memref<1x128xi32, #tpu.memory_space<hbm>>
    %dma_wait3A_151 = tpu.memref_squeeze %dma_wait3A_150 : memref<1x128xi32, #tpu.memory_space<hbm>> -> memref<128xi32, #tpu.memory_space<hbm>>
    tpu.wait_dma2 semaphore(%arg25 : memref<!tpu.dma_semaphore, #tpu.memory_space<semaphore_mem>>) src(%dma_wait3A_151 : memref<128xi32, #tpu.memory_space<hbm>>) dst(%arg16 : memref<128xi32, #tpu.memory_space<vmem>>)
    %dma_start3A_152 = arith.constant 0 : i32
    %dma_start3A_153 = arith.constant 0 : i32
    %dma_start3A_154 = tpu.memref_slice %arg2[%dma_start3A_152, %dma_start3A_153] : memref<10000x128xf32, #tpu.memory_space<hbm>> -> memref<10000x128xf32, #tpu.memory_space<hbm>>
    tpu.enqueue_indirect_dma source(%dma_start3A_154 : memref<10000x128xf32, #tpu.memory_space<hbm>>) target(%arg22 : memref<128x128xf32, #tpu.memory_space<vmem>>) offsets(%arg10 : memref<128xi32, #tpu.memory_space<vmem>>) semaphore(%arg31 : memref<!tpu.dma_semaphore, #tpu.memory_space<semaphore_mem>>)
    %dma_wait3A_155 = arith.constant 0 : i32
    %dma_wait3A_156 = arith.constant 0 : i32
    %dma_wait3A_157 = tpu.memref_slice %arg2[%dma_wait3A_155, %dma_wait3A_156] : memref<10000x128xf32, #tpu.memory_space<hbm>> -> memref<128x128xf32, #tpu.memory_space<hbm>>
    %dma_wait3A_158 = arith.constant 0 : i32
    %dma_wait3A_159 = arith.constant 0 : i32
    %dma_wait3A_160 = tpu.memref_slice %arg2[%dma_wait3A_158, %dma_wait3A_159] : memref<10000x128xf32, #tpu.memory_space<hbm>> -> memref<128x128xf32, #tpu.memory_space<hbm>>
    tpu.wait_dma2 semaphore(%arg29 : memref<!tpu.dma_semaphore, #tpu.memory_space<semaphore_mem>>) src(%dma_wait3A_160 : memref<128x128xf32, #tpu.memory_space<hbm>>) dst(%arg20 : memref<128x128xf32, #tpu.memory_space<vmem>>)
    %dma_start3A_161 = arith.constant 0 : i32
    %dma_start3A_162 = arith.constant 0 : i32
    %dma_start3A_163 = tpu.memref_slice %arg7[%dma_start3A_161, %dma_start3A_162] : memref<10000x128xf32, #tpu.memory_space<vmem_shared>> -> memref<10000x128xf32, #tpu.memory_space<vmem_shared>>
    tpu.enqueue_indirect_dma source(%arg20 : memref<128x128xf32, #tpu.memory_space<vmem>>) target(%dma_start3A_163 : memref<10000x128xf32, #tpu.memory_space<vmem_shared>>) offsets(%arg14 : memref<128xi32, #tpu.memory_space<vmem>>) semaphore(%arg32 : memref<!tpu.dma_semaphore, #tpu.memory_space<semaphore_mem>>) {add = true}
    %add3A_164 = arith.constant 192 : i32
    %add3A_165 = arith.addi %add3A, %add3A_164 : i32
    %dma_start3A_166 = arith.constant 0 : i32
    %dma_start3A_167 = tpu.memref_slice %arg3[%add3A_165, %dma_start3A_166] : memref<2500x128xi32, #tpu.memory_space<hbm>> -> memref<1x128xi32, #tpu.memory_space<hbm>>
    %dma_start3A_168 = tpu.memref_squeeze %dma_start3A_167 : memref<1x128xi32, #tpu.memory_space<hbm>> -> memref<128xi32, #tpu.memory_space<hbm>>
    %dma_start3A_169 = arith.constant 0 : i32
    %dma_start3A_170 = tpu.memref_slice %arg3[%add3A_165, %dma_start3A_169] : memref<2500x128xi32, #tpu.memory_space<hbm>> -> memref<1x128xi32, #tpu.memory_space<hbm>>
    %dma_start3A_171 = tpu.memref_squeeze %dma_start3A_170 : memref<1x128xi32, #tpu.memory_space<hbm>> -> memref<128xi32, #tpu.memory_space<hbm>>
    tpu.enqueue_dma source(%dma_start3A_171 : memref<128xi32, #tpu.memory_space<hbm>>) target(%arg8 : memref<128xi32, #tpu.memory_space<vmem>>) target_semaphore(%arg23 : memref<!tpu.dma_semaphore, #tpu.memory_space<semaphore_mem>>)
    %add3A_172 = arith.constant 192 : i32
    %add3A_173 = arith.addi %add3A, %add3A_172 : i32
    %dma_start3A_174 = arith.constant 0 : i32
    %dma_start3A_175 = tpu.memref_slice %arg4[%add3A_173, %dma_start3A_174] : memref<2500x128xi32, #tpu.memory_space<hbm>> -> memref<1x128xi32, #tpu.memory_space<hbm>>
    %dma_start3A_176 = tpu.memref_squeeze %dma_start3A_175 : memref<1x128xi32, #tpu.memory_space<hbm>> -> memref<128xi32, #tpu.memory_space<hbm>>
    %dma_start3A_177 = arith.constant 0 : i32
    %dma_start3A_178 = tpu.memref_slice %arg4[%add3A_173, %dma_start3A_177] : memref<2500x128xi32, #tpu.memory_space<hbm>> -> memref<1x128xi32, #tpu.memory_space<hbm>>
    %dma_start3A_179 = tpu.memref_squeeze %dma_start3A_178 : memref<1x128xi32, #tpu.memory_space<hbm>> -> memref<128xi32, #tpu.memory_space<hbm>>
    tpu.enqueue_dma source(%dma_start3A_179 : memref<128xi32, #tpu.memory_space<hbm>>) target(%arg14 : memref<128xi32, #tpu.memory_space<vmem>>) target_semaphore(%arg23 : memref<!tpu.dma_semaphore, #tpu.memory_space<semaphore_mem>>)
    %dma_wait3A_180 = arith.constant 0 : i32
    %dma_wait3A_181 = arith.constant 0 : i32
    %dma_wait3A_182 = tpu.memref_slice %arg7[%dma_wait3A_180, %dma_wait3A_181] : memref<10000x128xf32, #tpu.memory_space<vmem_shared>> -> memref<10000x128xf32, #tpu.memory_space<vmem_shared>>
    tpu.wait_indirect_dma semaphore(%arg32 : memref<!tpu.dma_semaphore, #tpu.memory_space<semaphore_mem>>) src(%arg20 : memref<128x128xf32, #tpu.memory_space<vmem>>) dst(%dma_wait3A_182 : memref<10000x128xf32, #tpu.memory_space<vmem_shared>>)
    %dma_wait3A_183 = arith.constant 0 : i32
    %dma_wait3A_184 = arith.constant 0 : i32
    %dma_wait3A_185 = tpu.memref_slice %arg3[%dma_wait3A_183, %dma_wait3A_184] : memref<2500x128xi32, #tpu.memory_space<hbm>> -> memref<1x128xi32, #tpu.memory_space<hbm>>
    %dma_wait3A_186 = tpu.memref_squeeze %dma_wait3A_185 : memref<1x128xi32, #tpu.memory_space<hbm>> -> memref<128xi32, #tpu.memory_space<hbm>>
    %dma_wait3A_187 = arith.constant 0 : i32
    %dma_wait3A_188 = tpu.memref_slice %arg3[%dma_wait3A_183, %dma_wait3A_187] : memref<2500x128xi32, #tpu.memory_space<hbm>> -> memref<1x128xi32, #tpu.memory_space<hbm>>
    %dma_wait3A_189 = tpu.memref_squeeze %dma_wait3A_188 : memref<1x128xi32, #tpu.memory_space<hbm>> -> memref<128xi32, #tpu.memory_space<hbm>>
    tpu.wait_dma2 semaphore(%arg26 : memref<!tpu.dma_semaphore, #tpu.memory_space<semaphore_mem>>) src(%dma_wait3A_189 : memref<128xi32, #tpu.memory_space<hbm>>) dst(%arg11 : memref<128xi32, #tpu.memory_space<vmem>>)
    %dma_wait3A_190 = arith.constant 0 : i32
    %dma_wait3A_191 = arith.constant 0 : i32
    %dma_wait3A_192 = tpu.memref_slice %arg4[%dma_wait3A_190, %dma_wait3A_191] : memref<2500x128xi32, #tpu.memory_space<hbm>> -> memref<1x128xi32, #tpu.memory_space<hbm>>
    %dma_wait3A_193 = tpu.memref_squeeze %dma_wait3A_192 : memref<1x128xi32, #tpu.memory_space<hbm>> -> memref<128xi32, #tpu.memory_space<hbm>>
    %dma_wait3A_194 = arith.constant 0 : i32
    %dma_wait3A_195 = tpu.memref_slice %arg4[%dma_wait3A_190, %dma_wait3A_194] : memref<2500x128xi32, #tpu.memory_space<hbm>> -> memref<1x128xi32, #tpu.memory_space<hbm>>
    %dma_wait3A_196 = tpu.memref_squeeze %dma_wait3A_195 : memref<1x128xi32, #tpu.memory_space<hbm>> -> memref<128xi32, #tpu.memory_space<hbm>>
    tpu.wait_dma2 semaphore(%arg26 : memref<!tpu.dma_semaphore, #tpu.memory_space<semaphore_mem>>) src(%dma_wait3A_196 : memref<128xi32, #tpu.memory_space<hbm>>) dst(%arg17 : memref<128xi32, #tpu.memory_space<vmem>>)
    %dma_start3A_197 = arith.constant 0 : i32
    %dma_start3A_198 = arith.constant 0 : i32
    %dma_start3A_199 = tpu.memref_slice %arg2[%dma_start3A_197, %dma_start3A_198] : memref<10000x128xf32, #tpu.memory_space<hbm>> -> memref<10000x128xf32, #tpu.memory_space<hbm>>
    tpu.enqueue_indirect_dma source(%dma_start3A_199 : memref<10000x128xf32, #tpu.memory_space<hbm>>) target(%arg20 : memref<128x128xf32, #tpu.memory_space<vmem>>) offsets(%arg11 : memref<128xi32, #tpu.memory_space<vmem>>) semaphore(%arg29 : memref<!tpu.dma_semaphore, #tpu.memory_space<semaphore_mem>>)
    %dma_wait3A_200 = arith.constant 0 : i32
    %dma_wait3A_201 = arith.constant 0 : i32
    %dma_wait3A_202 = tpu.memref_slice %arg2[%dma_wait3A_200, %dma_wait3A_201] : memref<10000x128xf32, #tpu.memory_space<hbm>> -> memref<128x128xf32, #tpu.memory_space<hbm>>
    %dma_wait3A_203 = arith.constant 0 : i32
    %dma_wait3A_204 = arith.constant 0 : i32
    %dma_wait3A_205 = tpu.memref_slice %arg2[%dma_wait3A_203, %dma_wait3A_204] : memref<10000x128xf32, #tpu.memory_space<hbm>> -> memref<128x128xf32, #tpu.memory_space<hbm>>
    tpu.wait_dma2 semaphore(%arg30 : memref<!tpu.dma_semaphore, #tpu.memory_space<semaphore_mem>>) src(%dma_wait3A_205 : memref<128x128xf32, #tpu.memory_space<hbm>>) dst(%arg21 : memref<128x128xf32, #tpu.memory_space<vmem>>)
    %dma_start3A_206 = arith.constant 0 : i32
    %dma_start3A_207 = arith.constant 0 : i32
    %dma_start3A_208 = tpu.memref_slice %arg7[%dma_start3A_206, %dma_start3A_207] : memref<10000x128xf32, #tpu.memory_space<vmem_shared>> -> memref<10000x128xf32, #tpu.memory_space<vmem_shared>>
    tpu.enqueue_indirect_dma source(%arg21 : memref<128x128xf32, #tpu.memory_space<vmem>>) target(%dma_start3A_208 : memref<10000x128xf32, #tpu.memory_space<vmem_shared>>) offsets(%arg15 : memref<128xi32, #tpu.memory_space<vmem>>) semaphore(%arg33 : memref<!tpu.dma_semaphore, #tpu.memory_space<semaphore_mem>>) {add = true}
    %add3A_209 = arith.constant 224 : i32
    %add3A_210 = arith.addi %add3A, %add3A_209 : i32
    %dma_start3A_211 = arith.constant 0 : i32
    %dma_start3A_212 = tpu.memref_slice %arg3[%add3A_210, %dma_start3A_211] : memref<2500x128xi32, #tpu.memory_space<hbm>> -> memref<1x128xi32, #tpu.memory_space<hbm>>
    %dma_start3A_213 = tpu.memref_squeeze %dma_start3A_212 : memref<1x128xi32, #tpu.memory_space<hbm>> -> memref<128xi32, #tpu.memory_space<hbm>>
    %dma_start3A_214 = arith.constant 0 : i32
    %dma_start3A_215 = tpu.memref_slice %arg3[%add3A_210, %dma_start3A_214] : memref<2500x128xi32, #tpu.memory_space<hbm>> -> memref<1x128xi32, #tpu.memory_space<hbm>>
    %dma_start3A_216 = tpu.memref_squeeze %dma_start3A_215 : memref<1x128xi32, #tpu.memory_space<hbm>> -> memref<128xi32, #tpu.memory_space<hbm>>
    tpu.enqueue_dma source(%dma_start3A_216 : memref<128xi32, #tpu.memory_space<hbm>>) target(%arg9 : memref<128xi32, #tpu.memory_space<vmem>>) target_semaphore(%arg24 : memref<!tpu.dma_semaphore, #tpu.memory_space<semaphore_mem>>)
    %add3A_217 = arith.constant 224 : i32
    %add3A_218 = arith.addi %add3A, %add3A_217 : i32
    %dma_start3A_219 = arith.constant 0 : i32
    %dma_start3A_220 = tpu.memref_slice %arg4[%add3A_218, %dma_start3A_219] : memref<2500x128xi32, #tpu.memory_space<hbm>> -> memref<1x128xi32, #tpu.memory_space<hbm>>
    %dma_start3A_221 = tpu.memref_squeeze %dma_start3A_220 : memref<1x128xi32, #tpu.memory_space<hbm>> -> memref<128xi32, #tpu.memory_space<hbm>>
    %dma_start3A_222 = arith.constant 0 : i32
    %dma_start3A_223 = tpu.memref_slice %arg4[%add3A_218, %dma_start3A_222] : memref<2500x128xi32, #tpu.memory_space<hbm>> -> memref<1x128xi32, #tpu.memory_space<hbm>>
    %dma_start3A_224 = tpu.memref_squeeze %dma_start3A_223 : memref<1x128xi32, #tpu.memory_space<hbm>> -> memref<128xi32, #tpu.memory_space<hbm>>
    tpu.enqueue_dma source(%dma_start3A_224 : memref<128xi32, #tpu.memory_space<hbm>>) target(%arg15 : memref<128xi32, #tpu.memory_space<vmem>>) target_semaphore(%arg24 : memref<!tpu.dma_semaphore, #tpu.memory_space<semaphore_mem>>)
    %dma_wait3A_225 = arith.constant 0 : i32
    %dma_wait3A_226 = arith.constant 0 : i32
    %dma_wait3A_227 = tpu.memref_slice %arg7[%dma_wait3A_225, %dma_wait3A_226] : memref<10000x128xf32, #tpu.memory_space<vmem_shared>> -> memref<10000x128xf32, #tpu.memory_space<vmem_shared>>
    tpu.wait_indirect_dma semaphore(%arg33 : memref<!tpu.dma_semaphore, #tpu.memory_space<semaphore_mem>>) src(%arg21 : memref<128x128xf32, #tpu.memory_space<vmem>>) dst(%dma_wait3A_227 : memref<10000x128xf32, #tpu.memory_space<vmem_shared>>)
    %dma_wait3A_228 = arith.constant 0 : i32
    %dma_wait3A_229 = arith.constant 0 : i32
    %dma_wait3A_230 = tpu.memref_slice %arg3[%dma_wait3A_228, %dma_wait3A_229] : memref<2500x128xi32, #tpu.memory_space<hbm>> -> memref<1x128xi32, #tpu.memory_space<hbm>>
    %dma_wait3A_231 = tpu.memref_squeeze %dma_wait3A_230 : memref<1x128xi32, #tpu.memory_space<hbm>> -> memref<128xi32, #tpu.memory_space<hbm>>
    %dma_wait3A_232 = arith.constant 0 : i32
    %dma_wait3A_233 = tpu.memref_slice %arg3[%dma_wait3A_228, %dma_wait3A_232] : memref<2500x128xi32, #tpu.memory_space<hbm>> -> memref<1x128xi32, #tpu.memory_space<hbm>>
    %dma_wait3A_234 = tpu.memref_squeeze %dma_wait3A_233 : memref<1x128xi32, #tpu.memory_space<hbm>> -> memref<128xi32, #tpu.memory_space<hbm>>
    tpu.wait_dma2 semaphore(%arg27 : memref<!tpu.dma_semaphore, #tpu.memory_space<semaphore_mem>>) src(%dma_wait3A_234 : memref<128xi32, #tpu.memory_space<hbm>>) dst(%arg12 : memref<128xi32, #tpu.memory_space<vmem>>)
    %dma_wait3A_235 = arith.constant 0 : i32
    %dma_wait3A_236 = arith.constant 0 : i32
    %dma_wait3A_237 = tpu.memref_slice %arg4[%dma_wait3A_235, %dma_wait3A_236] : memref<2500x128xi32, #tpu.memory_space<hbm>> -> memref<1x128xi32, #tpu.memory_space<hbm>>
    %dma_wait3A_238 = tpu.memref_squeeze %dma_wait3A_237 : memref<1x128xi32, #tpu.memory_space<hbm>> -> memref<128xi32, #tpu.memory_space<hbm>>
    %dma_wait3A_239 = arith.constant 0 : i32
    %dma_wait3A_240 = tpu.memref_slice %arg4[%dma_wait3A_235, %dma_wait3A_239] : memref<2500x128xi32, #tpu.memory_space<hbm>> -> memref<1x128xi32, #tpu.memory_space<hbm>>
    %dma_wait3A_241 = tpu.memref_squeeze %dma_wait3A_240 : memref<1x128xi32, #tpu.memory_space<hbm>> -> memref<128xi32, #tpu.memory_space<hbm>>
    tpu.wait_dma2 semaphore(%arg27 : memref<!tpu.dma_semaphore, #tpu.memory_space<semaphore_mem>>) src(%dma_wait3A_241 : memref<128xi32, #tpu.memory_space<hbm>>) dst(%arg18 : memref<128xi32, #tpu.memory_space<vmem>>)
    %dma_start3A_242 = arith.constant 0 : i32
    %dma_start3A_243 = arith.constant 0 : i32
    %dma_start3A_244 = tpu.memref_slice %arg2[%dma_start3A_242, %dma_start3A_243] : memref<10000x128xf32, #tpu.memory_space<hbm>> -> memref<10000x128xf32, #tpu.memory_space<hbm>>
    tpu.enqueue_indirect_dma source(%dma_start3A_244 : memref<10000x128xf32, #tpu.memory_space<hbm>>) target(%arg21 : memref<128x128xf32, #tpu.memory_space<vmem>>) offsets(%arg12 : memref<128xi32, #tpu.memory_space<vmem>>) semaphore(%arg30 : memref<!tpu.dma_semaphore, #tpu.memory_space<semaphore_mem>>)
    %dma_wait3A_245 = arith.constant 0 : i32
    %dma_wait3A_246 = arith.constant 0 : i32
    %dma_wait3A_247 = tpu.memref_slice %arg2[%dma_wait3A_245, %dma_wait3A_246] : memref<10000x128xf32, #tpu.memory_space<hbm>> -> memref<128x128xf32, #tpu.memory_space<hbm>>
    %dma_wait3A_248 = arith.constant 0 : i32
    %dma_wait3A_249 = arith.constant 0 : i32
    %dma_wait3A_250 = tpu.memref_slice %arg2[%dma_wait3A_248, %dma_wait3A_249] : memref<10000x128xf32, #tpu.memory_space<hbm>> -> memref<128x128xf32, #tpu.memory_space<hbm>>
    tpu.wait_dma2 semaphore(%arg31 : memref<!tpu.dma_semaphore, #tpu.memory_space<semaphore_mem>>) src(%dma_wait3A_250 : memref<128x128xf32, #tpu.memory_space<hbm>>) dst(%arg22 : memref<128x128xf32, #tpu.memory_space<vmem>>)
    %dma_start3A_251 = arith.constant 0 : i32
    %dma_start3A_252 = arith.constant 0 : i32
    %dma_start3A_253 = tpu.memref_slice %arg7[%dma_start3A_251, %dma_start3A_252] : memref<10000x128xf32, #tpu.memory_space<vmem_shared>> -> memref<10000x128xf32, #tpu.memory_space<vmem_shared>>
    tpu.enqueue_indirect_dma source(%arg22 : memref<128x128xf32, #tpu.memory_space<vmem>>) target(%dma_start3A_253 : memref<10000x128xf32, #tpu.memory_space<vmem_shared>>) offsets(%arg16 : memref<128xi32, #tpu.memory_space<vmem>>) semaphore(%arg34 : memref<!tpu.dma_semaphore, #tpu.memory_space<semaphore_mem>>) {add = true}
    %add3A_254 = arith.constant 256 : i32
    %add3A_255 = arith.addi %add3A, %add3A_254 : i32
    %dma_start3A_256 = arith.constant 0 : i32
    %dma_start3A_257 = tpu.memref_slice %arg3[%add3A_255, %dma_start3A_256] : memref<2500x128xi32, #tpu.memory_space<hbm>> -> memref<1x128xi32, #tpu.memory_space<hbm>>
    %dma_start3A_258 = tpu.memref_squeeze %dma_start3A_257 : memref<1x128xi32, #tpu.memory_space<hbm>> -> memref<128xi32, #tpu.memory_space<hbm>>
    %dma_start3A_259 = arith.constant 0 : i32
    %dma_start3A_260 = tpu.memref_slice %arg3[%add3A_255, %dma_start3A_259] : memref<2500x128xi32, #tpu.memory_space<hbm>> -> memref<1x128xi32, #tpu.memory_space<hbm>>
    %dma_start3A_261 = tpu.memref_squeeze %dma_start3A_260 : memref<1x128xi32, #tpu.memory_space<hbm>> -> memref<128xi32, #tpu.memory_space<hbm>>
    tpu.enqueue_dma source(%dma_start3A_261 : memref<128xi32, #tpu.memory_space<hbm>>) target(%arg10 : memref<128xi32, #tpu.memory_space<vmem>>) target_semaphore(%arg25 : memref<!tpu.dma_semaphore, #tpu.memory_space<semaphore_mem>>)
    %add3A_262 = arith.constant 256 : i32
    %add3A_263 = arith.addi %add3A, %add3A_262 : i32
    %dma_start3A_264 = arith.constant 0 : i32
    %dma_start3A_265 = tpu.memref_slice %arg4[%add3A_263, %dma_start3A_264] : memref<2500x128xi32, #tpu.memory_space<hbm>> -> memref<1x128xi32, #tpu.memory_space<hbm>>
    %dma_start3A_266 = tpu.memref_squeeze %dma_start3A_265 : memref<1x128xi32, #tpu.memory_space<hbm>> -> memref<128xi32, #tpu.memory_space<hbm>>
    %dma_start3A_267 = arith.constant 0 : i32
    %dma_start3A_268 = tpu.memref_slice %arg4[%add3A_263, %dma_start3A_267] : memref<2500x128xi32, #tpu.memory_space<hbm>> -> memref<1x128xi32, #tpu.memory_space<hbm>>
    %dma_start3A_269 = tpu.memref_squeeze %dma_start3A_268 : memref<1x128xi32, #tpu.memory_space<hbm>> -> memref<128xi32, #tpu.memory_space<hbm>>
    tpu.enqueue_dma source(%dma_start3A_269 : memref<128xi32, #tpu.memory_space<hbm>>) target(%arg16 : memref<128xi32, #tpu.memory_space<vmem>>) target_semaphore(%arg25 : memref<!tpu.dma_semaphore, #tpu.memory_space<semaphore_mem>>)
    %dma_wait3A_270 = arith.constant 0 : i32
    %dma_wait3A_271 = arith.constant 0 : i32
    %dma_wait3A_272 = tpu.memref_slice %arg7[%dma_wait3A_270, %dma_wait3A_271] : memref<10000x128xf32, #tpu.memory_space<vmem_shared>> -> memref<10000x128xf32, #tpu.memory_space<vmem_shared>>
    tpu.wait_indirect_dma semaphore(%arg34 : memref<!tpu.dma_semaphore, #tpu.memory_space<semaphore_mem>>) src(%arg22 : memref<128x128xf32, #tpu.memory_space<vmem>>) dst(%dma_wait3A_272 : memref<10000x128xf32, #tpu.memory_space<vmem_shared>>)
    %dma_wait3A_273 = arith.constant 0 : i32
    %dma_wait3A_274 = arith.constant 0 : i32
    %dma_wait3A_275 = tpu.memref_slice %arg3[%dma_wait3A_273, %dma_wait3A_274] : memref<2500x128xi32, #tpu.memory_space<hbm>> -> memref<1x128xi32, #tpu.memory_space<hbm>>
    %dma_wait3A_276 = tpu.memref_squeeze %dma_wait3A_275 : memref<1x128xi32, #tpu.memory_space<hbm>> -> memref<128xi32, #tpu.memory_space<hbm>>
    %dma_wait3A_277 = arith.constant 0 : i32
    %dma_wait3A_278 = tpu.memref_slice %arg3[%dma_wait3A_273, %dma_wait3A_277] : memref<2500x128xi32, #tpu.memory_space<hbm>> -> memref<1x128xi32, #tpu.memory_space<hbm>>
    %dma_wait3A_279 = tpu.memref_squeeze %dma_wait3A_278 : memref<1x128xi32, #tpu.memory_space<hbm>> -> memref<128xi32, #tpu.memory_space<hbm>>
    tpu.wait_dma2 semaphore(%arg28 : memref<!tpu.dma_semaphore, #tpu.memory_space<semaphore_mem>>) src(%dma_wait3A_279 : memref<128xi32, #tpu.memory_space<hbm>>) dst(%arg13 : memref<128xi32, #tpu.memory_space<vmem>>)
    %dma_wait3A_280 = arith.constant 0 : i32
    %dma_wait3A_281 = arith.constant 0 : i32
    %dma_wait3A_282 = tpu.memref_slice %arg4[%dma_wait3A_280, %dma_wait3A_281] : memref<2500x128xi32, #tpu.memory_space<hbm>> -> memref<1x128xi32, #tpu.memory_space<hbm>>
    %dma_wait3A_283 = tpu.memref_squeeze %dma_wait3A_282 : memref<1x128xi32, #tpu.memory_space<hbm>> -> memref<128xi32, #tpu.memory_space<hbm>>
    %dma_wait3A_284 = arith.constant 0 : i32
    %dma_wait3A_285 = tpu.memref_slice %arg4[%dma_wait3A_280, %dma_wait3A_284] : memref<2500x128xi32, #tpu.memory_space<hbm>> -> memref<1x128xi32, #tpu.memory_space<hbm>>
    %dma_wait3A_286 = tpu.memref_squeeze %dma_wait3A_285 : memref<1x128xi32, #tpu.memory_space<hbm>> -> memref<128xi32, #tpu.memory_space<hbm>>
    tpu.wait_dma2 semaphore(%arg28 : memref<!tpu.dma_semaphore, #tpu.memory_space<semaphore_mem>>) src(%dma_wait3A_286 : memref<128xi32, #tpu.memory_space<hbm>>) dst(%arg19 : memref<128xi32, #tpu.memory_space<vmem>>)
    %dma_start3A_287 = arith.constant 0 : i32
    %dma_start3A_288 = arith.constant 0 : i32
    %dma_start3A_289 = tpu.memref_slice %arg2[%dma_start3A_287, %dma_start3A_288] : memref<10000x128xf32, #tpu.memory_space<hbm>> -> memref<10000x128xf32, #tpu.memory_space<hbm>>
    tpu.enqueue_indirect_dma source(%dma_start3A_289 : memref<10000x128xf32, #tpu.memory_space<hbm>>) target(%arg22 : memref<128x128xf32, #tpu.memory_space<vmem>>) offsets(%arg13 : memref<128xi32, #tpu.memory_space<vmem>>) semaphore(%arg31 : memref<!tpu.dma_semaphore, #tpu.memory_space<semaphore_mem>>)
    %dma_wait3A_290 = arith.constant 0 : i32
    %dma_wait3A_291 = arith.constant 0 : i32
    %dma_wait3A_292 = tpu.memref_slice %arg2[%dma_wait3A_290, %dma_wait3A_291] : memref<10000x128xf32, #tpu.memory_space<hbm>> -> memref<128x128xf32, #tpu.memory_space<hbm>>
    %dma_wait3A_293 = arith.constant 0 : i32
    %dma_wait3A_294 = arith.constant 0 : i32
    %dma_wait3A_295 = tpu.memref_slice %arg2[%dma_wait3A_293, %dma_wait3A_294] : memref<10000x128xf32, #tpu.memory_space<hbm>> -> memref<128x128xf32, #tpu.memory_space<hbm>>
    tpu.wait_dma2 semaphore(%arg29 : memref<!tpu.dma_semaphore, #tpu.memory_space<semaphore_mem>>) src(%dma_wait3A_295 : memref<128x128xf32, #tpu.memory_space<hbm>>) dst(%arg20 : memref<128x128xf32, #tpu.memory_space<vmem>>)
    %dma_start3A_296 = arith.constant 0 : i32
    %dma_start3A_297 = arith.constant 0 : i32
    %dma_start3A_298 = tpu.memref_slice %arg7[%dma_start3A_296, %dma_start3A_297] : memref<10000x128xf32, #tpu.memory_space<vmem_shared>> -> memref<10000x128xf32, #tpu.memory_space<vmem_shared>>
    tpu.enqueue_indirect_dma source(%arg20 : memref<128x128xf32, #tpu.memory_space<vmem>>) target(%dma_start3A_298 : memref<10000x128xf32, #tpu.memory_space<vmem_shared>>) offsets(%arg17 : memref<128xi32, #tpu.memory_space<vmem>>) semaphore(%arg32 : memref<!tpu.dma_semaphore, #tpu.memory_space<semaphore_mem>>) {add = true}
    %add3A_299 = arith.constant 288 : i32
    %add3A_300 = arith.addi %add3A, %add3A_299 : i32
    %dma_start3A_301 = arith.constant 0 : i32
    %dma_start3A_302 = tpu.memref_slice %arg3[%add3A_300, %dma_start3A_301] : memref<2500x128xi32, #tpu.memory_space<hbm>> -> memref<1x128xi32, #tpu.memory_space<hbm>>
    %dma_start3A_303 = tpu.memref_squeeze %dma_start3A_302 : memref<1x128xi32, #tpu.memory_space<hbm>> -> memref<128xi32, #tpu.memory_space<hbm>>
    %dma_start3A_304 = arith.constant 0 : i32
    %dma_start3A_305 = tpu.memref_slice %arg3[%add3A_300, %dma_start3A_304] : memref<2500x128xi32, #tpu.memory_space<hbm>> -> memref<1x128xi32, #tpu.memory_space<hbm>>
    %dma_start3A_306 = tpu.memref_squeeze %dma_start3A_305 : memref<1x128xi32, #tpu.memory_space<hbm>> -> memref<128xi32, #tpu.memory_space<hbm>>
    tpu.enqueue_dma source(%dma_start3A_306 : memref<128xi32, #tpu.memory_space<hbm>>) target(%arg11 : memref<128xi32, #tpu.memory_space<vmem>>) target_semaphore(%arg26 : memref<!tpu.dma_semaphore, #tpu.memory_space<semaphore_mem>>)
    %add3A_307 = arith.constant 288 : i32
    %add3A_308 = arith.addi %add3A, %add3A_307 : i32
    %dma_start3A_309 = arith.constant 0 : i32
    %dma_start3A_310 = tpu.memref_slice %arg4[%add3A_308, %dma_start3A_309] : memref<2500x128xi32, #tpu.memory_space<hbm>> -> memref<1x128xi32, #tpu.memory_space<hbm>>
    %dma_start3A_311 = tpu.memref_squeeze %dma_start3A_310 : memref<1x128xi32, #tpu.memory_space<hbm>> -> memref<128xi32, #tpu.memory_space<hbm>>
    %dma_start3A_312 = arith.constant 0 : i32
    %dma_start3A_313 = tpu.memref_slice %arg4[%add3A_308, %dma_start3A_312] : memref<2500x128xi32, #tpu.memory_space<hbm>> -> memref<1x128xi32, #tpu.memory_space<hbm>>
    %dma_start3A_314 = tpu.memref_squeeze %dma_start3A_313 : memref<1x128xi32, #tpu.memory_space<hbm>> -> memref<128xi32, #tpu.memory_space<hbm>>
    tpu.enqueue_dma source(%dma_start3A_314 : memref<128xi32, #tpu.memory_space<hbm>>) target(%arg17 : memref<128xi32, #tpu.memory_space<vmem>>) target_semaphore(%arg26 : memref<!tpu.dma_semaphore, #tpu.memory_space<semaphore_mem>>)
    %dma_wait3A_315 = arith.constant 0 : i32
    %dma_wait3A_316 = arith.constant 0 : i32
    %dma_wait3A_317 = tpu.memref_slice %arg7[%dma_wait3A_315, %dma_wait3A_316] : memref<10000x128xf32, #tpu.memory_space<vmem_shared>> -> memref<10000x128xf32, #tpu.memory_space<vmem_shared>>
    tpu.wait_indirect_dma semaphore(%arg32 : memref<!tpu.dma_semaphore, #tpu.memory_space<semaphore_mem>>) src(%arg20 : memref<128x128xf32, #tpu.memory_space<vmem>>) dst(%dma_wait3A_317 : memref<10000x128xf32, #tpu.memory_space<vmem_shared>>)
    %dma_wait3A_318 = arith.constant 0 : i32
    %dma_wait3A_319 = arith.constant 0 : i32
    %dma_wait3A_320 = tpu.memref_slice %arg3[%dma_wait3A_318, %dma_wait3A_319] : memref<2500x128xi32, #tpu.memory_space<hbm>> -> memref<1x128xi32, #tpu.memory_space<hbm>>
    %dma_wait3A_321 = tpu.memref_squeeze %dma_wait3A_320 : memref<1x128xi32, #tpu.memory_space<hbm>> -> memref<128xi32, #tpu.memory_space<hbm>>
    %dma_wait3A_322 = arith.constant 0 : i32
    %dma_wait3A_323 = tpu.memref_slice %arg3[%dma_wait3A_318, %dma_wait3A_322] : memref<2500x128xi32, #tpu.memory_space<hbm>> -> memref<1x128xi32, #tpu.memory_space<hbm>>
    %dma_wait3A_324 = tpu.memref_squeeze %dma_wait3A_323 : memref<1x128xi32, #tpu.memory_space<hbm>> -> memref<128xi32, #tpu.memory_space<hbm>>
    tpu.wait_dma2 semaphore(%arg23 : memref<!tpu.dma_semaphore, #tpu.memory_space<semaphore_mem>>) src(%dma_wait3A_324 : memref<128xi32, #tpu.memory_space<hbm>>) dst(%arg8 : memref<128xi32, #tpu.memory_space<vmem>>)
    %dma_wait3A_325 = arith.constant 0 : i32
    %dma_wait3A_326 = arith.constant 0 : i32
    %dma_wait3A_327 = tpu.memref_slice %arg4[%dma_wait3A_325, %dma_wait3A_326] : memref<2500x128xi32, #tpu.memory_space<hbm>> -> memref<1x128xi32, #tpu.memory_space<hbm>>
    %dma_wait3A_328 = tpu.memref_squeeze %dma_wait3A_327 : memref<1x128xi32, #tpu.memory_space<hbm>> -> memref<128xi32, #tpu.memory_space<hbm>>
    %dma_wait3A_329 = arith.constant 0 : i32
    %dma_wait3A_330 = tpu.memref_slice %arg4[%dma_wait3A_325, %dma_wait3A_329] : memref<2500x128xi32, #tpu.memory_space<hbm>> -> memref<1x128xi32, #tpu.memory_space<hbm>>
    %dma_wait3A_331 = tpu.memref_squeeze %dma_wait3A_330 : memref<1x128xi32, #tpu.memory_space<hbm>> -> memref<128xi32, #tpu.memory_space<hbm>>
    tpu.wait_dma2 semaphore(%arg23 : memref<!tpu.dma_semaphore, #tpu.memory_space<semaphore_mem>>) src(%dma_wait3A_331 : memref<128xi32, #tpu.memory_space<hbm>>) dst(%arg14 : memref<128xi32, #tpu.memory_space<vmem>>)
    %dma_start3A_332 = arith.constant 0 : i32
    %dma_start3A_333 = arith.constant 0 : i32
    %dma_start3A_334 = tpu.memref_slice %arg2[%dma_start3A_332, %dma_start3A_333] : memref<10000x128xf32, #tpu.memory_space<hbm>> -> memref<10000x128xf32, #tpu.memory_space<hbm>>
    tpu.enqueue_indirect_dma source(%dma_start3A_334 : memref<10000x128xf32, #tpu.memory_space<hbm>>) target(%arg20 : memref<128x128xf32, #tpu.memory_space<vmem>>) offsets(%arg8 : memref<128xi32, #tpu.memory_space<vmem>>) semaphore(%arg29 : memref<!tpu.dma_semaphore, #tpu.memory_space<semaphore_mem>>)
    %dma_wait3A_335 = arith.constant 0 : i32
    %dma_wait3A_336 = arith.constant 0 : i32
    %dma_wait3A_337 = tpu.memref_slice %arg2[%dma_wait3A_335, %dma_wait3A_336] : memref<10000x128xf32, #tpu.memory_space<hbm>> -> memref<128x128xf32, #tpu.memory_space<hbm>>
    %dma_wait3A_338 = arith.constant 0 : i32
    %dma_wait3A_339 = arith.constant 0 : i32
    %dma_wait3A_340 = tpu.memref_slice %arg2[%dma_wait3A_338, %dma_wait3A_339] : memref<10000x128xf32, #tpu.memory_space<hbm>> -> memref<128x128xf32, #tpu.memory_space<hbm>>
    tpu.wait_dma2 semaphore(%arg30 : memref<!tpu.dma_semaphore, #tpu.memory_space<semaphore_mem>>) src(%dma_wait3A_340 : memref<128x128xf32, #tpu.memory_space<hbm>>) dst(%arg21 : memref<128x128xf32, #tpu.memory_space<vmem>>)
    %dma_start3A_341 = arith.constant 0 : i32
    %dma_start3A_342 = arith.constant 0 : i32
    %dma_start3A_343 = tpu.memref_slice %arg7[%dma_start3A_341, %dma_start3A_342] : memref<10000x128xf32, #tpu.memory_space<vmem_shared>> -> memref<10000x128xf32, #tpu.memory_space<vmem_shared>>
    tpu.enqueue_indirect_dma source(%arg21 : memref<128x128xf32, #tpu.memory_space<vmem>>) target(%dma_start3A_343 : memref<10000x128xf32, #tpu.memory_space<vmem_shared>>) offsets(%arg18 : memref<128xi32, #tpu.memory_space<vmem>>) semaphore(%arg33 : memref<!tpu.dma_semaphore, #tpu.memory_space<semaphore_mem>>) {add = true}
    %add3A_344 = arith.constant 320 : i32
    %add3A_345 = arith.addi %add3A, %add3A_344 : i32
    %dma_start3A_346 = arith.constant 0 : i32
    %dma_start3A_347 = tpu.memref_slice %arg3[%add3A_345, %dma_start3A_346] : memref<2500x128xi32, #tpu.memory_space<hbm>> -> memref<1x128xi32, #tpu.memory_space<hbm>>
    %dma_start3A_348 = tpu.memref_squeeze %dma_start3A_347 : memref<1x128xi32, #tpu.memory_space<hbm>> -> memref<128xi32, #tpu.memory_space<hbm>>
    %dma_start3A_349 = arith.constant 0 : i32
    %dma_start3A_350 = tpu.memref_slice %arg3[%add3A_345, %dma_start3A_349] : memref<2500x128xi32, #tpu.memory_space<hbm>> -> memref<1x128xi32, #tpu.memory_space<hbm>>
    %dma_start3A_351 = tpu.memref_squeeze %dma_start3A_350 : memref<1x128xi32, #tpu.memory_space<hbm>> -> memref<128xi32, #tpu.memory_space<hbm>>
    tpu.enqueue_dma source(%dma_start3A_351 : memref<128xi32, #tpu.memory_space<hbm>>) target(%arg12 : memref<128xi32, #tpu.memory_space<vmem>>) target_semaphore(%arg27 : memref<!tpu.dma_semaphore, #tpu.memory_space<semaphore_mem>>)
    %add3A_352 = arith.constant 320 : i32
    %add3A_353 = arith.addi %add3A, %add3A_352 : i32
    %dma_start3A_354 = arith.constant 0 : i32
    %dma_start3A_355 = tpu.memref_slice %arg4[%add3A_353, %dma_start3A_354] : memref<2500x128xi32, #tpu.memory_space<hbm>> -> memref<1x128xi32, #tpu.memory_space<hbm>>
    %dma_start3A_356 = tpu.memref_squeeze %dma_start3A_355 : memref<1x128xi32, #tpu.memory_space<hbm>> -> memref<128xi32, #tpu.memory_space<hbm>>
    %dma_start3A_357 = arith.constant 0 : i32
    %dma_start3A_358 = tpu.memref_slice %arg4[%add3A_353, %dma_start3A_357] : memref<2500x128xi32, #tpu.memory_space<hbm>> -> memref<1x128xi32, #tpu.memory_space<hbm>>
    %dma_start3A_359 = tpu.memref_squeeze %dma_start3A_358 : memref<1x128xi32, #tpu.memory_space<hbm>> -> memref<128xi32, #tpu.memory_space<hbm>>
    tpu.enqueue_dma source(%dma_start3A_359 : memref<128xi32, #tpu.memory_space<hbm>>) target(%arg18 : memref<128xi32, #tpu.memory_space<vmem>>) target_semaphore(%arg27 : memref<!tpu.dma_semaphore, #tpu.memory_space<semaphore_mem>>)
    %dma_wait3A_360 = arith.constant 0 : i32
    %dma_wait3A_361 = arith.constant 0 : i32
    %dma_wait3A_362 = tpu.memref_slice %arg7[%dma_wait3A_360, %dma_wait3A_361] : memref<10000x128xf32, #tpu.memory_space<vmem_shared>> -> memref<10000x128xf32, #tpu.memory_space<vmem_shared>>
    tpu.wait_indirect_dma semaphore(%arg33 : memref<!tpu.dma_semaphore, #tpu.memory_space<semaphore_mem>>) src(%arg21 : memref<128x128xf32, #tpu.memory_space<vmem>>) dst(%dma_wait3A_362 : memref<10000x128xf32, #tpu.memory_space<vmem_shared>>)
    %dma_wait3A_363 = arith.constant 0 : i32
    %dma_wait3A_364 = arith.constant 0 : i32
    %dma_wait3A_365 = tpu.memref_slice %arg3[%dma_wait3A_363, %dma_wait3A_364] : memref<2500x128xi32, #tpu.memory_space<hbm>> -> memref<1x128xi32, #tpu.memory_space<hbm>>
    %dma_wait3A_366 = tpu.memref_squeeze %dma_wait3A_365 : memref<1x128xi32, #tpu.memory_space<hbm>> -> memref<128xi32, #tpu.memory_space<hbm>>
    %dma_wait3A_367 = arith.constant 0 : i32
    %dma_wait3A_368 = tpu.memref_slice %arg3[%dma_wait3A_363, %dma_wait3A_367] : memref<2500x128xi32, #tpu.memory_space<hbm>> -> memref<1x128xi32, #tpu.memory_space<hbm>>
    %dma_wait3A_369 = tpu.memref_squeeze %dma_wait3A_368 : memref<1x128xi32, #tpu.memory_space<hbm>> -> memref<128xi32, #tpu.memory_space<hbm>>
    tpu.wait_dma2 semaphore(%arg24 : memref<!tpu.dma_semaphore, #tpu.memory_space<semaphore_mem>>) src(%dma_wait3A_369 : memref<128xi32, #tpu.memory_space<hbm>>) dst(%arg9 : memref<128xi32, #tpu.memory_space<vmem>>)
    %dma_wait3A_370 = arith.constant 0 : i32
    %dma_wait3A_371 = arith.constant 0 : i32
    %dma_wait3A_372 = tpu.memref_slice %arg4[%dma_wait3A_370, %dma_wait3A_371] : memref<2500x128xi32, #tpu.memory_space<hbm>> -> memref<1x128xi32, #tpu.memory_space<hbm>>
    %dma_wait3A_373 = tpu.memref_squeeze %dma_wait3A_372 : memref<1x128xi32, #tpu.memory_space<hbm>> -> memref<128xi32, #tpu.memory_space<hbm>>
    %dma_wait3A_374 = arith.constant 0 : i32
    %dma_wait3A_375 = tpu.memref_slice %arg4[%dma_wait3A_370, %dma_wait3A_374] : memref<2500x128xi32, #tpu.memory_space<hbm>> -> memref<1x128xi32, #tpu.memory_space<hbm>>
    %dma_wait3A_376 = tpu.memref_squeeze %dma_wait3A_375 : memref<1x128xi32, #tpu.memory_space<hbm>> -> memref<128xi32, #tpu.memory_space<hbm>>
    tpu.wait_dma2 semaphore(%arg24 : memref<!tpu.dma_semaphore, #tpu.memory_space<semaphore_mem>>) src(%dma_wait3A_376 : memref<128xi32, #tpu.memory_space<hbm>>) dst(%arg15 : memref<128xi32, #tpu.memory_space<vmem>>)
    %dma_start3A_377 = arith.constant 0 : i32
    %dma_start3A_378 = arith.constant 0 : i32
    %dma_start3A_379 = tpu.memref_slice %arg2[%dma_start3A_377, %dma_start3A_378] : memref<10000x128xf32, #tpu.memory_space<hbm>> -> memref<10000x128xf32, #tpu.memory_space<hbm>>
    tpu.enqueue_indirect_dma source(%dma_start3A_379 : memref<10000x128xf32, #tpu.memory_space<hbm>>) target(%arg21 : memref<128x128xf32, #tpu.memory_space<vmem>>) offsets(%arg9 : memref<128xi32, #tpu.memory_space<vmem>>) semaphore(%arg30 : memref<!tpu.dma_semaphore, #tpu.memory_space<semaphore_mem>>)
    %dma_wait3A_380 = arith.constant 0 : i32
    %dma_wait3A_381 = arith.constant 0 : i32
    %dma_wait3A_382 = tpu.memref_slice %arg2[%dma_wait3A_380, %dma_wait3A_381] : memref<10000x128xf32, #tpu.memory_space<hbm>> -> memref<128x128xf32, #tpu.memory_space<hbm>>
    %dma_wait3A_383 = arith.constant 0 : i32
    %dma_wait3A_384 = arith.constant 0 : i32
    %dma_wait3A_385 = tpu.memref_slice %arg2[%dma_wait3A_383, %dma_wait3A_384] : memref<10000x128xf32, #tpu.memory_space<hbm>> -> memref<128x128xf32, #tpu.memory_space<hbm>>
    tpu.wait_dma2 semaphore(%arg31 : memref<!tpu.dma_semaphore, #tpu.memory_space<semaphore_mem>>) src(%dma_wait3A_385 : memref<128x128xf32, #tpu.memory_space<hbm>>) dst(%arg22 : memref<128x128xf32, #tpu.memory_space<vmem>>)
    %dma_start3A_386 = arith.constant 0 : i32
    %dma_start3A_387 = arith.constant 0 : i32
    %dma_start3A_388 = tpu.memref_slice %arg7[%dma_start3A_386, %dma_start3A_387] : memref<10000x128xf32, #tpu.memory_space<vmem_shared>> -> memref<10000x128xf32, #tpu.memory_space<vmem_shared>>
    tpu.enqueue_indirect_dma source(%arg22 : memref<128x128xf32, #tpu.memory_space<vmem>>) target(%dma_start3A_388 : memref<10000x128xf32, #tpu.memory_space<vmem_shared>>) offsets(%arg19 : memref<128xi32, #tpu.memory_space<vmem>>) semaphore(%arg34 : memref<!tpu.dma_semaphore, #tpu.memory_space<semaphore_mem>>) {add = true}
    %add3A_389 = arith.constant 352 : i32
    %add3A_390 = arith.addi %add3A, %add3A_389 : i32
    %dma_start3A_391 = arith.constant 0 : i32
    %dma_start3A_392 = tpu.memref_slice %arg3[%add3A_390, %dma_start3A_391] : memref<2500x128xi32, #tpu.memory_space<hbm>> -> memref<1x128xi32, #tpu.memory_space<hbm>>
    %dma_start3A_393 = tpu.memref_squeeze %dma_start3A_392 : memref<1x128xi32, #tpu.memory_space<hbm>> -> memref<128xi32, #tpu.memory_space<hbm>>
    %dma_start3A_394 = arith.constant 0 : i32
    %dma_start3A_395 = tpu.memref_slice %arg3[%add3A_390, %dma_start3A_394] : memref<2500x128xi32, #tpu.memory_space<hbm>> -> memref<1x128xi32, #tpu.memory_space<hbm>>
    %dma_start3A_396 = tpu.memref_squeeze %dma_start3A_395 : memref<1x128xi32, #tpu.memory_space<hbm>> -> memref<128xi32, #tpu.memory_space<hbm>>
    tpu.enqueue_dma source(%dma_start3A_396 : memref<128xi32, #tpu.memory_space<hbm>>) target(%arg13 : memref<128xi32, #tpu.memory_space<vmem>>) target_semaphore(%arg28 : memref<!tpu.dma_semaphore, #tpu.memory_space<semaphore_mem>>)
    %add3A_397 = arith.constant 352 : i32
    %add3A_398 = arith.addi %add3A, %add3A_397 : i32
    %dma_start3A_399 = arith.constant 0 : i32
    %dma_start3A_400 = tpu.memref_slice %arg4[%add3A_398, %dma_start3A_399] : memref<2500x128xi32, #tpu.memory_space<hbm>> -> memref<1x128xi32, #tpu.memory_space<hbm>>
    %dma_start3A_401 = tpu.memref_squeeze %dma_start3A_400 : memref<1x128xi32, #tpu.memory_space<hbm>> -> memref<128xi32, #tpu.memory_space<hbm>>
    %dma_start3A_402 = arith.constant 0 : i32
    %dma_start3A_403 = tpu.memref_slice %arg4[%add3A_398, %dma_start3A_402] : memref<2500x128xi32, #tpu.memory_space<hbm>> -> memref<1x128xi32, #tpu.memory_space<hbm>>
    %dma_start3A_404 = tpu.memref_squeeze %dma_start3A_403 : memref<1x128xi32, #tpu.memory_space<hbm>> -> memref<128xi32, #tpu.memory_space<hbm>>
    tpu.enqueue_dma source(%dma_start3A_404 : memref<128xi32, #tpu.memory_space<hbm>>) target(%arg19 : memref<128xi32, #tpu.memory_space<vmem>>) target_semaphore(%arg28 : memref<!tpu.dma_semaphore, #tpu.memory_space<semaphore_mem>>)
    %scan3A = arith.constant 0 : i32
    %scan3A_405 = arith.constant 1 : i32
    %scan3A_406 = arith.constant 11 : i32
    %scan3A_407 = arith.addi %scan3A_405, %scan3A_406 : i32
    %scan3A_408 = arith.constant 1 : i32
    scf.for %scan3A_584 = %scan3A_405 to %scan3A_407 step %scan3A_408  : i32 {
      %mul3A_585 = arith.constant 6 : i32
      %mul3A_586 = arith.muli %mul3A_585, %scan3A_584 : i32
      %add3A_587 = arith.constant 0 : i32
      %add3A_588 = arith.addi %mul3A_586, %add3A_587 : i32
      %dma_wait3A_589 = arith.constant 0 : i32
      %dma_wait3A_590 = arith.constant 0 : i32
      %dma_wait3A_591 = tpu.memref_slice %arg7[%dma_wait3A_589, %dma_wait3A_590] : memref<10000x128xf32, #tpu.memory_space<vmem_shared>> -> memref<10000x128xf32, #tpu.memory_space<vmem_shared>>
      tpu.wait_indirect_dma semaphore(%arg34 : memref<!tpu.dma_semaphore, #tpu.memory_space<semaphore_mem>>) src(%arg22 : memref<128x128xf32, #tpu.memory_space<vmem>>) dst(%dma_wait3A_591 : memref<10000x128xf32, #tpu.memory_space<vmem_shared>>)
      %dma_wait3A_592 = arith.constant 0 : i32
      %dma_wait3A_593 = arith.constant 0 : i32
      %dma_wait3A_594 = tpu.memref_slice %arg3[%dma_wait3A_592, %dma_wait3A_593] : memref<2500x128xi32, #tpu.memory_space<hbm>> -> memref<1x128xi32, #tpu.memory_space<hbm>>
      %dma_wait3A_595 = tpu.memref_squeeze %dma_wait3A_594 : memref<1x128xi32, #tpu.memory_space<hbm>> -> memref<128xi32, #tpu.memory_space<hbm>>
      %dma_wait3A_596 = arith.constant 0 : i32
      %dma_wait3A_597 = tpu.memref_slice %arg3[%dma_wait3A_592, %dma_wait3A_596] : memref<2500x128xi32, #tpu.memory_space<hbm>> -> memref<1x128xi32, #tpu.memory_space<hbm>>
      %dma_wait3A_598 = tpu.memref_squeeze %dma_wait3A_597 : memref<1x128xi32, #tpu.memory_space<hbm>> -> memref<128xi32, #tpu.memory_space<hbm>>
      tpu.wait_dma2 semaphore(%arg25 : memref<!tpu.dma_semaphore, #tpu.memory_space<semaphore_mem>>) src(%dma_wait3A_598 : memref<128xi32, #tpu.memory_space<hbm>>) dst(%arg10 : memref<128xi32, #tpu.memory_space<vmem>>)
      %dma_wait3A_599 = arith.constant 0 : i32
      %dma_wait3A_600 = arith.constant 0 : i32
      %dma_wait3A_601 = tpu.memref_slice %arg4[%dma_wait3A_599, %dma_wait3A_600] : memref<2500x128xi32, #tpu.memory_space<hbm>> -> memref<1x128xi32, #tpu.memory_space<hbm>>
      %dma_wait3A_602 = tpu.memref_squeeze %dma_wait3A_601 : memref<1x128xi32, #tpu.memory_space<hbm>> -> memref<128xi32, #tpu.memory_space<hbm>>
      %dma_wait3A_603 = arith.constant 0 : i32
      %dma_wait3A_604 = tpu.memref_slice %arg4[%dma_wait3A_599, %dma_wait3A_603] : memref<2500x128xi32, #tpu.memory_space<hbm>> -> memref<1x128xi32, #tpu.memory_space<hbm>>
      %dma_wait3A_605 = tpu.memref_squeeze %dma_wait3A_604 : memref<1x128xi32, #tpu.memory_space<hbm>> -> memref<128xi32, #tpu.memory_space<hbm>>
      tpu.wait_dma2 semaphore(%arg25 : memref<!tpu.dma_semaphore, #tpu.memory_space<semaphore_mem>>) src(%dma_wait3A_605 : memref<128xi32, #tpu.memory_space<hbm>>) dst(%arg16 : memref<128xi32, #tpu.memory_space<vmem>>)
      %dma_start3A_606 = arith.constant 0 : i32
      %dma_start3A_607 = arith.constant 0 : i32
      %dma_start3A_608 = tpu.memref_slice %arg2[%dma_start3A_606, %dma_start3A_607] : memref<10000x128xf32, #tpu.memory_space<hbm>> -> memref<10000x128xf32, #tpu.memory_space<hbm>>
      tpu.enqueue_indirect_dma source(%dma_start3A_608 : memref<10000x128xf32, #tpu.memory_space<hbm>>) target(%arg22 : memref<128x128xf32, #tpu.memory_space<vmem>>) offsets(%arg10 : memref<128xi32, #tpu.memory_space<vmem>>) semaphore(%arg31 : memref<!tpu.dma_semaphore, #tpu.memory_space<semaphore_mem>>)
      %dma_wait3A_609 = arith.constant 0 : i32
      %dma_wait3A_610 = arith.constant 0 : i32
      %dma_wait3A_611 = tpu.memref_slice %arg2[%dma_wait3A_609, %dma_wait3A_610] : memref<10000x128xf32, #tpu.memory_space<hbm>> -> memref<128x128xf32, #tpu.memory_space<hbm>>
      %dma_wait3A_612 = arith.constant 0 : i32
      %dma_wait3A_613 = arith.constant 0 : i32
      %dma_wait3A_614 = tpu.memref_slice %arg2[%dma_wait3A_612, %dma_wait3A_613] : memref<10000x128xf32, #tpu.memory_space<hbm>> -> memref<128x128xf32, #tpu.memory_space<hbm>>
      tpu.wait_dma2 semaphore(%arg29 : memref<!tpu.dma_semaphore, #tpu.memory_space<semaphore_mem>>) src(%dma_wait3A_614 : memref<128x128xf32, #tpu.memory_space<hbm>>) dst(%arg20 : memref<128x128xf32, #tpu.memory_space<vmem>>)
      %dma_start3A_615 = arith.constant 0 : i32
      %dma_start3A_616 = arith.constant 0 : i32
      %dma_start3A_617 = tpu.memref_slice %arg7[%dma_start3A_615, %dma_start3A_616] : memref<10000x128xf32, #tpu.memory_space<vmem_shared>> -> memref<10000x128xf32, #tpu.memory_space<vmem_shared>>
      tpu.enqueue_indirect_dma source(%arg20 : memref<128x128xf32, #tpu.memory_space<vmem>>) target(%dma_start3A_617 : memref<10000x128xf32, #tpu.memory_space<vmem_shared>>) offsets(%arg14 : memref<128xi32, #tpu.memory_space<vmem>>) semaphore(%arg32 : memref<!tpu.dma_semaphore, #tpu.memory_space<semaphore_mem>>) {add = true}
      %add3A_618 = arith.constant 6 : i32
      %add3A_619 = arith.addi %add3A_588, %add3A_618 : i32
      %mul3A_620 = arith.constant 32 : i32
      %mul3A_621 = arith.muli %mul3A_620, %add3A_619 : i32
      %add3A_622 = arith.addi %add3A, %mul3A_621 : i32
      %dma_start3A_623 = arith.constant 0 : i32
      %dma_start3A_624 = tpu.memref_slice %arg3[%add3A_622, %dma_start3A_623] : memref<2500x128xi32, #tpu.memory_space<hbm>> -> memref<1x128xi32, #tpu.memory_space<hbm>>
      %dma_start3A_625 = tpu.memref_squeeze %dma_start3A_624 : memref<1x128xi32, #tpu.memory_space<hbm>> -> memref<128xi32, #tpu.memory_space<hbm>>
      %dma_start3A_626 = arith.constant 0 : i32
      %dma_start3A_627 = tpu.memref_slice %arg3[%add3A_622, %dma_start3A_626] : memref<2500x128xi32, #tpu.memory_space<hbm>> -> memref<1x128xi32, #tpu.memory_space<hbm>>
      %dma_start3A_628 = tpu.memref_squeeze %dma_start3A_627 : memref<1x128xi32, #tpu.memory_space<hbm>> -> memref<128xi32, #tpu.memory_space<hbm>>
      tpu.enqueue_dma source(%dma_start3A_628 : memref<128xi32, #tpu.memory_space<hbm>>) target(%arg8 : memref<128xi32, #tpu.memory_space<vmem>>) target_semaphore(%arg23 : memref<!tpu.dma_semaphore, #tpu.memory_space<semaphore_mem>>)
      %mul3A_629 = arith.constant 32 : i32
      %mul3A_630 = arith.muli %mul3A_629, %add3A_619 : i32
      %add3A_631 = arith.addi %add3A, %mul3A_630 : i32
      %dma_start3A_632 = arith.constant 0 : i32
      %dma_start3A_633 = tpu.memref_slice %arg4[%add3A_631, %dma_start3A_632] : memref<2500x128xi32, #tpu.memory_space<hbm>> -> memref<1x128xi32, #tpu.memory_space<hbm>>
      %dma_start3A_634 = tpu.memref_squeeze %dma_start3A_633 : memref<1x128xi32, #tpu.memory_space<hbm>> -> memref<128xi32, #tpu.memory_space<hbm>>
      %dma_start3A_635 = arith.constant 0 : i32
      %dma_start3A_636 = tpu.memref_slice %arg4[%add3A_631, %dma_start3A_635] : memref<2500x128xi32, #tpu.memory_space<hbm>> -> memref<1x128xi32, #tpu.memory_space<hbm>>
      %dma_start3A_637 = tpu.memref_squeeze %dma_start3A_636 : memref<1x128xi32, #tpu.memory_space<hbm>> -> memref<128xi32, #tpu.memory_space<hbm>>
      tpu.enqueue_dma source(%dma_start3A_637 : memref<128xi32, #tpu.memory_space<hbm>>) target(%arg14 : memref<128xi32, #tpu.memory_space<vmem>>) target_semaphore(%arg23 : memref<!tpu.dma_semaphore, #tpu.memory_space<semaphore_mem>>)
      %add3A_638 = arith.constant 1 : i32
      %add3A_639 = arith.addi %mul3A_586, %add3A_638 : i32
      %dma_wait3A_640 = arith.constant 0 : i32
      %dma_wait3A_641 = arith.constant 0 : i32
      %dma_wait3A_642 = tpu.memref_slice %arg7[%dma_wait3A_640, %dma_wait3A_641] : memref<10000x128xf32, #tpu.memory_space<vmem_shared>> -> memref<10000x128xf32, #tpu.memory_space<vmem_shared>>
      tpu.wait_indirect_dma semaphore(%arg32 : memref<!tpu.dma_semaphore, #tpu.memory_space<semaphore_mem>>) src(%arg20 : memref<128x128xf32, #tpu.memory_space<vmem>>) dst(%dma_wait3A_642 : memref<10000x128xf32, #tpu.memory_space<vmem_shared>>)
      %dma_wait3A_643 = arith.constant 0 : i32
      %dma_wait3A_644 = arith.constant 0 : i32
      %dma_wait3A_645 = tpu.memref_slice %arg3[%dma_wait3A_643, %dma_wait3A_644] : memref<2500x128xi32, #tpu.memory_space<hbm>> -> memref<1x128xi32, #tpu.memory_space<hbm>>
      %dma_wait3A_646 = tpu.memref_squeeze %dma_wait3A_645 : memref<1x128xi32, #tpu.memory_space<hbm>> -> memref<128xi32, #tpu.memory_space<hbm>>
      %dma_wait3A_647 = arith.constant 0 : i32
      %dma_wait3A_648 = tpu.memref_slice %arg3[%dma_wait3A_643, %dma_wait3A_647] : memref<2500x128xi32, #tpu.memory_space<hbm>> -> memref<1x128xi32, #tpu.memory_space<hbm>>
      %dma_wait3A_649 = tpu.memref_squeeze %dma_wait3A_648 : memref<1x128xi32, #tpu.memory_space<hbm>> -> memref<128xi32, #tpu.memory_space<hbm>>
      tpu.wait_dma2 semaphore(%arg26 : memref<!tpu.dma_semaphore, #tpu.memory_space<semaphore_mem>>) src(%dma_wait3A_649 : memref<128xi32, #tpu.memory_space<hbm>>) dst(%arg11 : memref<128xi32, #tpu.memory_space<vmem>>)
      %dma_wait3A_650 = arith.constant 0 : i32
      %dma_wait3A_651 = arith.constant 0 : i32
      %dma_wait3A_652 = tpu.memref_slice %arg4[%dma_wait3A_650, %dma_wait3A_651] : memref<2500x128xi32, #tpu.memory_space<hbm>> -> memref<1x128xi32, #tpu.memory_space<hbm>>
      %dma_wait3A_653 = tpu.memref_squeeze %dma_wait3A_652 : memref<1x128xi32, #tpu.memory_space<hbm>> -> memref<128xi32, #tpu.memory_space<hbm>>
      %dma_wait3A_654 = arith.constant 0 : i32
      %dma_wait3A_655 = tpu.memref_slice %arg4[%dma_wait3A_650, %dma_wait3A_654] : memref<2500x128xi32, #tpu.memory_space<hbm>> -> memref<1x128xi32, #tpu.memory_space<hbm>>
      %dma_wait3A_656 = tpu.memref_squeeze %dma_wait3A_655 : memref<1x128xi32, #tpu.memory_space<hbm>> -> memref<128xi32, #tpu.memory_space<hbm>>
      tpu.wait_dma2 semaphore(%arg26 : memref<!tpu.dma_semaphore, #tpu.memory_space<semaphore_mem>>) src(%dma_wait3A_656 : memref<128xi32, #tpu.memory_space<hbm>>) dst(%arg17 : memref<128xi32, #tpu.memory_space<vmem>>)
      %dma_start3A_657 = arith.constant 0 : i32
      %dma_start3A_658 = arith.constant 0 : i32
      %dma_start3A_659 = tpu.memref_slice %arg2[%dma_start3A_657, %dma_start3A_658] : memref<10000x128xf32, #tpu.memory_space<hbm>> -> memref<10000x128xf32, #tpu.memory_space<hbm>>
      tpu.enqueue_indirect_dma source(%dma_start3A_659 : memref<10000x128xf32, #tpu.memory_space<hbm>>) target(%arg20 : memref<128x128xf32, #tpu.memory_space<vmem>>) offsets(%arg11 : memref<128xi32, #tpu.memory_space<vmem>>) semaphore(%arg29 : memref<!tpu.dma_semaphore, #tpu.memory_space<semaphore_mem>>)
      %dma_wait3A_660 = arith.constant 0 : i32
      %dma_wait3A_661 = arith.constant 0 : i32
      %dma_wait3A_662 = tpu.memref_slice %arg2[%dma_wait3A_660, %dma_wait3A_661] : memref<10000x128xf32, #tpu.memory_space<hbm>> -> memref<128x128xf32, #tpu.memory_space<hbm>>
      %dma_wait3A_663 = arith.constant 0 : i32
      %dma_wait3A_664 = arith.constant 0 : i32
      %dma_wait3A_665 = tpu.memref_slice %arg2[%dma_wait3A_663, %dma_wait3A_664] : memref<10000x128xf32, #tpu.memory_space<hbm>> -> memref<128x128xf32, #tpu.memory_space<hbm>>
      tpu.wait_dma2 semaphore(%arg30 : memref<!tpu.dma_semaphore, #tpu.memory_space<semaphore_mem>>) src(%dma_wait3A_665 : memref<128x128xf32, #tpu.memory_space<hbm>>) dst(%arg21 : memref<128x128xf32, #tpu.memory_space<vmem>>)
      %dma_start3A_666 = arith.constant 0 : i32
      %dma_start3A_667 = arith.constant 0 : i32
      %dma_start3A_668 = tpu.memref_slice %arg7[%dma_start3A_666, %dma_start3A_667] : memref<10000x128xf32, #tpu.memory_space<vmem_shared>> -> memref<10000x128xf32, #tpu.memory_space<vmem_shared>>
      tpu.enqueue_indirect_dma source(%arg21 : memref<128x128xf32, #tpu.memory_space<vmem>>) target(%dma_start3A_668 : memref<10000x128xf32, #tpu.memory_space<vmem_shared>>) offsets(%arg15 : memref<128xi32, #tpu.memory_space<vmem>>) semaphore(%arg33 : memref<!tpu.dma_semaphore, #tpu.memory_space<semaphore_mem>>) {add = true}
      %add3A_669 = arith.constant 6 : i32
      %add3A_670 = arith.addi %add3A_639, %add3A_669 : i32
      %mul3A_671 = arith.constant 32 : i32
      %mul3A_672 = arith.muli %mul3A_671, %add3A_670 : i32
      %add3A_673 = arith.addi %add3A, %mul3A_672 : i32
      %dma_start3A_674 = arith.constant 0 : i32
      %dma_start3A_675 = tpu.memref_slice %arg3[%add3A_673, %dma_start3A_674] : memref<2500x128xi32, #tpu.memory_space<hbm>> -> memref<1x128xi32, #tpu.memory_space<hbm>>
      %dma_start3A_676 = tpu.memref_squeeze %dma_start3A_675 : memref<1x128xi32, #tpu.memory_space<hbm>> -> memref<128xi32, #tpu.memory_space<hbm>>
      %dma_start3A_677 = arith.constant 0 : i32
      %dma_start3A_678 = tpu.memref_slice %arg3[%add3A_673, %dma_start3A_677] : memref<2500x128xi32, #tpu.memory_space<hbm>> -> memref<1x128xi32, #tpu.memory_space<hbm>>
      %dma_start3A_679 = tpu.memref_squeeze %dma_start3A_678 : memref<1x128xi32, #tpu.memory_space<hbm>> -> memref<128xi32, #tpu.memory_space<hbm>>
      tpu.enqueue_dma source(%dma_start3A_679 : memref<128xi32, #tpu.memory_space<hbm>>) target(%arg9 : memref<128xi32, #tpu.memory_space<vmem>>) target_semaphore(%arg24 : memref<!tpu.dma_semaphore, #tpu.memory_space<semaphore_mem>>)
      %mul3A_680 = arith.constant 32 : i32
      %mul3A_681 = arith.muli %mul3A_680, %add3A_670 : i32
      %add3A_682 = arith.addi %add3A, %mul3A_681 : i32
      %dma_start3A_683 = arith.constant 0 : i32
      %dma_start3A_684 = tpu.memref_slice %arg4[%add3A_682, %dma_start3A_683] : memref<2500x128xi32, #tpu.memory_space<hbm>> -> memref<1x128xi32, #tpu.memory_space<hbm>>
      %dma_start3A_685 = tpu.memref_squeeze %dma_start3A_684 : memref<1x128xi32, #tpu.memory_space<hbm>> -> memref<128xi32, #tpu.memory_space<hbm>>
      %dma_start3A_686 = arith.constant 0 : i32
      %dma_start3A_687 = tpu.memref_slice %arg4[%add3A_682, %dma_start3A_686] : memref<2500x128xi32, #tpu.memory_space<hbm>> -> memref<1x128xi32, #tpu.memory_space<hbm>>
      %dma_start3A_688 = tpu.memref_squeeze %dma_start3A_687 : memref<1x128xi32, #tpu.memory_space<hbm>> -> memref<128xi32, #tpu.memory_space<hbm>>
      tpu.enqueue_dma source(%dma_start3A_688 : memref<128xi32, #tpu.memory_space<hbm>>) target(%arg15 : memref<128xi32, #tpu.memory_space<vmem>>) target_semaphore(%arg24 : memref<!tpu.dma_semaphore, #tpu.memory_space<semaphore_mem>>)
      %add3A_689 = arith.constant 2 : i32
      %add3A_690 = arith.addi %mul3A_586, %add3A_689 : i32
      %dma_wait3A_691 = arith.constant 0 : i32
      %dma_wait3A_692 = arith.constant 0 : i32
      %dma_wait3A_693 = tpu.memref_slice %arg7[%dma_wait3A_691, %dma_wait3A_692] : memref<10000x128xf32, #tpu.memory_space<vmem_shared>> -> memref<10000x128xf32, #tpu.memory_space<vmem_shared>>
      tpu.wait_indirect_dma semaphore(%arg33 : memref<!tpu.dma_semaphore, #tpu.memory_space<semaphore_mem>>) src(%arg21 : memref<128x128xf32, #tpu.memory_space<vmem>>) dst(%dma_wait3A_693 : memref<10000x128xf32, #tpu.memory_space<vmem_shared>>)
      %dma_wait3A_694 = arith.constant 0 : i32
      %dma_wait3A_695 = arith.constant 0 : i32
      %dma_wait3A_696 = tpu.memref_slice %arg3[%dma_wait3A_694, %dma_wait3A_695] : memref<2500x128xi32, #tpu.memory_space<hbm>> -> memref<1x128xi32, #tpu.memory_space<hbm>>
      %dma_wait3A_697 = tpu.memref_squeeze %dma_wait3A_696 : memref<1x128xi32, #tpu.memory_space<hbm>> -> memref<128xi32, #tpu.memory_space<hbm>>
      %dma_wait3A_698 = arith.constant 0 : i32
      %dma_wait3A_699 = tpu.memref_slice %arg3[%dma_wait3A_694, %dma_wait3A_698] : memref<2500x128xi32, #tpu.memory_space<hbm>> -> memref<1x128xi32, #tpu.memory_space<hbm>>
      %dma_wait3A_700 = tpu.memref_squeeze %dma_wait3A_699 : memref<1x128xi32, #tpu.memory_space<hbm>> -> memref<128xi32, #tpu.memory_space<hbm>>
      tpu.wait_dma2 semaphore(%arg27 : memref<!tpu.dma_semaphore, #tpu.memory_space<semaphore_mem>>) src(%dma_wait3A_700 : memref<128xi32, #tpu.memory_space<hbm>>) dst(%arg12 : memref<128xi32, #tpu.memory_space<vmem>>)
      %dma_wait3A_701 = arith.constant 0 : i32
      %dma_wait3A_702 = arith.constant 0 : i32
      %dma_wait3A_703 = tpu.memref_slice %arg4[%dma_wait3A_701, %dma_wait3A_702] : memref<2500x128xi32, #tpu.memory_space<hbm>> -> memref<1x128xi32, #tpu.memory_space<hbm>>
      %dma_wait3A_704 = tpu.memref_squeeze %dma_wait3A_703 : memref<1x128xi32, #tpu.memory_space<hbm>> -> memref<128xi32, #tpu.memory_space<hbm>>
      %dma_wait3A_705 = arith.constant 0 : i32
      %dma_wait3A_706 = tpu.memref_slice %arg4[%dma_wait3A_701, %dma_wait3A_705] : memref<2500x128xi32, #tpu.memory_space<hbm>> -> memref<1x128xi32, #tpu.memory_space<hbm>>
      %dma_wait3A_707 = tpu.memref_squeeze %dma_wait3A_706 : memref<1x128xi32, #tpu.memory_space<hbm>> -> memref<128xi32, #tpu.memory_space<hbm>>
      tpu.wait_dma2 semaphore(%arg27 : memref<!tpu.dma_semaphore, #tpu.memory_space<semaphore_mem>>) src(%dma_wait3A_707 : memref<128xi32, #tpu.memory_space<hbm>>) dst(%arg18 : memref<128xi32, #tpu.memory_space<vmem>>)
      %dma_start3A_708 = arith.constant 0 : i32
      %dma_start3A_709 = arith.constant 0 : i32
      %dma_start3A_710 = tpu.memref_slice %arg2[%dma_start3A_708, %dma_start3A_709] : memref<10000x128xf32, #tpu.memory_space<hbm>> -> memref<10000x128xf32, #tpu.memory_space<hbm>>
      tpu.enqueue_indirect_dma source(%dma_start3A_710 : memref<10000x128xf32, #tpu.memory_space<hbm>>) target(%arg21 : memref<128x128xf32, #tpu.memory_space<vmem>>) offsets(%arg12 : memref<128xi32, #tpu.memory_space<vmem>>) semaphore(%arg30 : memref<!tpu.dma_semaphore, #tpu.memory_space<semaphore_mem>>)
      %dma_wait3A_711 = arith.constant 0 : i32
      %dma_wait3A_712 = arith.constant 0 : i32
      %dma_wait3A_713 = tpu.memref_slice %arg2[%dma_wait3A_711, %dma_wait3A_712] : memref<10000x128xf32, #tpu.memory_space<hbm>> -> memref<128x128xf32, #tpu.memory_space<hbm>>
      %dma_wait3A_714 = arith.constant 0 : i32
      %dma_wait3A_715 = arith.constant 0 : i32
      %dma_wait3A_716 = tpu.memref_slice %arg2[%dma_wait3A_714, %dma_wait3A_715] : memref<10000x128xf32, #tpu.memory_space<hbm>> -> memref<128x128xf32, #tpu.memory_space<hbm>>
      tpu.wait_dma2 semaphore(%arg31 : memref<!tpu.dma_semaphore, #tpu.memory_space<semaphore_mem>>) src(%dma_wait3A_716 : memref<128x128xf32, #tpu.memory_space<hbm>>) dst(%arg22 : memref<128x128xf32, #tpu.memory_space<vmem>>)
      %dma_start3A_717 = arith.constant 0 : i32
      %dma_start3A_718 = arith.constant 0 : i32
      %dma_start3A_719 = tpu.memref_slice %arg7[%dma_start3A_717, %dma_start3A_718] : memref<10000x128xf32, #tpu.memory_space<vmem_shared>> -> memref<10000x128xf32, #tpu.memory_space<vmem_shared>>
      tpu.enqueue_indirect_dma source(%arg22 : memref<128x128xf32, #tpu.memory_space<vmem>>) target(%dma_start3A_719 : memref<10000x128xf32, #tpu.memory_space<vmem_shared>>) offsets(%arg16 : memref<128xi32, #tpu.memory_space<vmem>>) semaphore(%arg34 : memref<!tpu.dma_semaphore, #tpu.memory_space<semaphore_mem>>) {add = true}
      %add3A_720 = arith.constant 6 : i32
      %add3A_721 = arith.addi %add3A_690, %add3A_720 : i32
      %mul3A_722 = arith.constant 32 : i32
      %mul3A_723 = arith.muli %mul3A_722, %add3A_721 : i32
      %add3A_724 = arith.addi %add3A, %mul3A_723 : i32
      %dma_start3A_725 = arith.constant 0 : i32
      %dma_start3A_726 = tpu.memref_slice %arg3[%add3A_724, %dma_start3A_725] : memref<2500x128xi32, #tpu.memory_space<hbm>> -> memref<1x128xi32, #tpu.memory_space<hbm>>
      %dma_start3A_727 = tpu.memref_squeeze %dma_start3A_726 : memref<1x128xi32, #tpu.memory_space<hbm>> -> memref<128xi32, #tpu.memory_space<hbm>>
      %dma_start3A_728 = arith.constant 0 : i32
      %dma_start3A_729 = tpu.memref_slice %arg3[%add3A_724, %dma_start3A_728] : memref<2500x128xi32, #tpu.memory_space<hbm>> -> memref<1x128xi32, #tpu.memory_space<hbm>>
      %dma_start3A_730 = tpu.memref_squeeze %dma_start3A_729 : memref<1x128xi32, #tpu.memory_space<hbm>> -> memref<128xi32, #tpu.memory_space<hbm>>
      tpu.enqueue_dma source(%dma_start3A_730 : memref<128xi32, #tpu.memory_space<hbm>>) target(%arg10 : memref<128xi32, #tpu.memory_space<vmem>>) target_semaphore(%arg25 : memref<!tpu.dma_semaphore, #tpu.memory_space<semaphore_mem>>)
      %mul3A_731 = arith.constant 32 : i32
      %mul3A_732 = arith.muli %mul3A_731, %add3A_721 : i32
      %add3A_733 = arith.addi %add3A, %mul3A_732 : i32
      %dma_start3A_734 = arith.constant 0 : i32
      %dma_start3A_735 = tpu.memref_slice %arg4[%add3A_733, %dma_start3A_734] : memref<2500x128xi32, #tpu.memory_space<hbm>> -> memref<1x128xi32, #tpu.memory_space<hbm>>
      %dma_start3A_736 = tpu.memref_squeeze %dma_start3A_735 : memref<1x128xi32, #tpu.memory_space<hbm>> -> memref<128xi32, #tpu.memory_space<hbm>>
      %dma_start3A_737 = arith.constant 0 : i32
      %dma_start3A_738 = tpu.memref_slice %arg4[%add3A_733, %dma_start3A_737] : memref<2500x128xi32, #tpu.memory_space<hbm>> -> memref<1x128xi32, #tpu.memory_space<hbm>>
      %dma_start3A_739 = tpu.memref_squeeze %dma_start3A_738 : memref<1x128xi32, #tpu.memory_space<hbm>> -> memref<128xi32, #tpu.memory_space<hbm>>
      tpu.enqueue_dma source(%dma_start3A_739 : memref<128xi32, #tpu.memory_space<hbm>>) target(%arg16 : memref<128xi32, #tpu.memory_space<vmem>>) target_semaphore(%arg25 : memref<!tpu.dma_semaphore, #tpu.memory_space<semaphore_mem>>)
      %add3A_740 = arith.constant 3 : i32
      %add3A_741 = arith.addi %mul3A_586, %add3A_740 : i32
      %dma_wait3A_742 = arith.constant 0 : i32
      %dma_wait3A_743 = arith.constant 0 : i32
      %dma_wait3A_744 = tpu.memref_slice %arg7[%dma_wait3A_742, %dma_wait3A_743] : memref<10000x128xf32, #tpu.memory_space<vmem_shared>> -> memref<10000x128xf32, #tpu.memory_space<vmem_shared>>
      tpu.wait_indirect_dma semaphore(%arg34 : memref<!tpu.dma_semaphore, #tpu.memory_space<semaphore_mem>>) src(%arg22 : memref<128x128xf32, #tpu.memory_space<vmem>>) dst(%dma_wait3A_744 : memref<10000x128xf32, #tpu.memory_space<vmem_shared>>)
      %dma_wait3A_745 = arith.constant 0 : i32
      %dma_wait3A_746 = arith.constant 0 : i32
      %dma_wait3A_747 = tpu.memref_slice %arg3[%dma_wait3A_745, %dma_wait3A_746] : memref<2500x128xi32, #tpu.memory_space<hbm>> -> memref<1x128xi32, #tpu.memory_space<hbm>>
      %dma_wait3A_748 = tpu.memref_squeeze %dma_wait3A_747 : memref<1x128xi32, #tpu.memory_space<hbm>> -> memref<128xi32, #tpu.memory_space<hbm>>
      %dma_wait3A_749 = arith.constant 0 : i32
      %dma_wait3A_750 = tpu.memref_slice %arg3[%dma_wait3A_745, %dma_wait3A_749] : memref<2500x128xi32, #tpu.memory_space<hbm>> -> memref<1x128xi32, #tpu.memory_space<hbm>>
      %dma_wait3A_751 = tpu.memref_squeeze %dma_wait3A_750 : memref<1x128xi32, #tpu.memory_space<hbm>> -> memref<128xi32, #tpu.memory_space<hbm>>
      tpu.wait_dma2 semaphore(%arg28 : memref<!tpu.dma_semaphore, #tpu.memory_space<semaphore_mem>>) src(%dma_wait3A_751 : memref<128xi32, #tpu.memory_space<hbm>>) dst(%arg13 : memref<128xi32, #tpu.memory_space<vmem>>)
      %dma_wait3A_752 = arith.constant 0 : i32
      %dma_wait3A_753 = arith.constant 0 : i32
      %dma_wait3A_754 = tpu.memref_slice %arg4[%dma_wait3A_752, %dma_wait3A_753] : memref<2500x128xi32, #tpu.memory_space<hbm>> -> memref<1x128xi32, #tpu.memory_space<hbm>>
      %dma_wait3A_755 = tpu.memref_squeeze %dma_wait3A_754 : memref<1x128xi32, #tpu.memory_space<hbm>> -> memref<128xi32, #tpu.memory_space<hbm>>
      %dma_wait3A_756 = arith.constant 0 : i32
      %dma_wait3A_757 = tpu.memref_slice %arg4[%dma_wait3A_752, %dma_wait3A_756] : memref<2500x128xi32, #tpu.memory_space<hbm>> -> memref<1x128xi32, #tpu.memory_space<hbm>>
      %dma_wait3A_758 = tpu.memref_squeeze %dma_wait3A_757 : memref<1x128xi32, #tpu.memory_space<hbm>> -> memref<128xi32, #tpu.memory_space<hbm>>
      tpu.wait_dma2 semaphore(%arg28 : memref<!tpu.dma_semaphore, #tpu.memory_space<semaphore_mem>>) src(%dma_wait3A_758 : memref<128xi32, #tpu.memory_space<hbm>>) dst(%arg19 : memref<128xi32, #tpu.memory_space<vmem>>)
      %dma_start3A_759 = arith.constant 0 : i32
      %dma_start3A_760 = arith.constant 0 : i32
      %dma_start3A_761 = tpu.memref_slice %arg2[%dma_start3A_759, %dma_start3A_760] : memref<10000x128xf32, #tpu.memory_space<hbm>> -> memref<10000x128xf32, #tpu.memory_space<hbm>>
      tpu.enqueue_indirect_dma source(%dma_start3A_761 : memref<10000x128xf32, #tpu.memory_space<hbm>>) target(%arg22 : memref<128x128xf32, #tpu.memory_space<vmem>>) offsets(%arg13 : memref<128xi32, #tpu.memory_space<vmem>>) semaphore(%arg31 : memref<!tpu.dma_semaphore, #tpu.memory_space<semaphore_mem>>)
      %dma_wait3A_762 = arith.constant 0 : i32
      %dma_wait3A_763 = arith.constant 0 : i32
      %dma_wait3A_764 = tpu.memref_slice %arg2[%dma_wait3A_762, %dma_wait3A_763] : memref<10000x128xf32, #tpu.memory_space<hbm>> -> memref<128x128xf32, #tpu.memory_space<hbm>>
      %dma_wait3A_765 = arith.constant 0 : i32
      %dma_wait3A_766 = arith.constant 0 : i32
      %dma_wait3A_767 = tpu.memref_slice %arg2[%dma_wait3A_765, %dma_wait3A_766] : memref<10000x128xf32, #tpu.memory_space<hbm>> -> memref<128x128xf32, #tpu.memory_space<hbm>>
      tpu.wait_dma2 semaphore(%arg29 : memref<!tpu.dma_semaphore, #tpu.memory_space<semaphore_mem>>) src(%dma_wait3A_767 : memref<128x128xf32, #tpu.memory_space<hbm>>) dst(%arg20 : memref<128x128xf32, #tpu.memory_space<vmem>>)
      %dma_start3A_768 = arith.constant 0 : i32
      %dma_start3A_769 = arith.constant 0 : i32
      %dma_start3A_770 = tpu.memref_slice %arg7[%dma_start3A_768, %dma_start3A_769] : memref<10000x128xf32, #tpu.memory_space<vmem_shared>> -> memref<10000x128xf32, #tpu.memory_space<vmem_shared>>
      tpu.enqueue_indirect_dma source(%arg20 : memref<128x128xf32, #tpu.memory_space<vmem>>) target(%dma_start3A_770 : memref<10000x128xf32, #tpu.memory_space<vmem_shared>>) offsets(%arg17 : memref<128xi32, #tpu.memory_space<vmem>>) semaphore(%arg32 : memref<!tpu.dma_semaphore, #tpu.memory_space<semaphore_mem>>) {add = true}
      %add3A_771 = arith.constant 6 : i32
      %add3A_772 = arith.addi %add3A_741, %add3A_771 : i32
      %mul3A_773 = arith.constant 32 : i32
      %mul3A_774 = arith.muli %mul3A_773, %add3A_772 : i32
      %add3A_775 = arith.addi %add3A, %mul3A_774 : i32
      %dma_start3A_776 = arith.constant 0 : i32
      %dma_start3A_777 = tpu.memref_slice %arg3[%add3A_775, %dma_start3A_776] : memref<2500x128xi32, #tpu.memory_space<hbm>> -> memref<1x128xi32, #tpu.memory_space<hbm>>
      %dma_start3A_778 = tpu.memref_squeeze %dma_start3A_777 : memref<1x128xi32, #tpu.memory_space<hbm>> -> memref<128xi32, #tpu.memory_space<hbm>>
      %dma_start3A_779 = arith.constant 0 : i32
      %dma_start3A_780 = tpu.memref_slice %arg3[%add3A_775, %dma_start3A_779] : memref<2500x128xi32, #tpu.memory_space<hbm>> -> memref<1x128xi32, #tpu.memory_space<hbm>>
      %dma_start3A_781 = tpu.memref_squeeze %dma_start3A_780 : memref<1x128xi32, #tpu.memory_space<hbm>> -> memref<128xi32, #tpu.memory_space<hbm>>
      tpu.enqueue_dma source(%dma_start3A_781 : memref<128xi32, #tpu.memory_space<hbm>>) target(%arg11 : memref<128xi32, #tpu.memory_space<vmem>>) target_semaphore(%arg26 : memref<!tpu.dma_semaphore, #tpu.memory_space<semaphore_mem>>)
      %mul3A_782 = arith.constant 32 : i32
      %mul3A_783 = arith.muli %mul3A_782, %add3A_772 : i32
      %add3A_784 = arith.addi %add3A, %mul3A_783 : i32
      %dma_start3A_785 = arith.constant 0 : i32
      %dma_start3A_786 = tpu.memref_slice %arg4[%add3A_784, %dma_start3A_785] : memref<2500x128xi32, #tpu.memory_space<hbm>> -> memref<1x128xi32, #tpu.memory_space<hbm>>
      %dma_start3A_787 = tpu.memref_squeeze %dma_start3A_786 : memref<1x128xi32, #tpu.memory_space<hbm>> -> memref<128xi32, #tpu.memory_space<hbm>>
      %dma_start3A_788 = arith.constant 0 : i32
      %dma_start3A_789 = tpu.memref_slice %arg4[%add3A_784, %dma_start3A_788] : memref<2500x128xi32, #tpu.memory_space<hbm>> -> memref<1x128xi32, #tpu.memory_space<hbm>>
      %dma_start3A_790 = tpu.memref_squeeze %dma_start3A_789 : memref<1x128xi32, #tpu.memory_space<hbm>> -> memref<128xi32, #tpu.memory_space<hbm>>
      tpu.enqueue_dma source(%dma_start3A_790 : memref<128xi32, #tpu.memory_space<hbm>>) target(%arg17 : memref<128xi32, #tpu.memory_space<vmem>>) target_semaphore(%arg26 : memref<!tpu.dma_semaphore, #tpu.memory_space<semaphore_mem>>)
      %add3A_791 = arith.constant 4 : i32
      %add3A_792 = arith.addi %mul3A_586, %add3A_791 : i32
      %dma_wait3A_793 = arith.constant 0 : i32
      %dma_wait3A_794 = arith.constant 0 : i32
      %dma_wait3A_795 = tpu.memref_slice %arg7[%dma_wait3A_793, %dma_wait3A_794] : memref<10000x128xf32, #tpu.memory_space<vmem_shared>> -> memref<10000x128xf32, #tpu.memory_space<vmem_shared>>
      tpu.wait_indirect_dma semaphore(%arg32 : memref<!tpu.dma_semaphore, #tpu.memory_space<semaphore_mem>>) src(%arg20 : memref<128x128xf32, #tpu.memory_space<vmem>>) dst(%dma_wait3A_795 : memref<10000x128xf32, #tpu.memory_space<vmem_shared>>)
      %dma_wait3A_796 = arith.constant 0 : i32
      %dma_wait3A_797 = arith.constant 0 : i32
      %dma_wait3A_798 = tpu.memref_slice %arg3[%dma_wait3A_796, %dma_wait3A_797] : memref<2500x128xi32, #tpu.memory_space<hbm>> -> memref<1x128xi32, #tpu.memory_space<hbm>>
      %dma_wait3A_799 = tpu.memref_squeeze %dma_wait3A_798 : memref<1x128xi32, #tpu.memory_space<hbm>> -> memref<128xi32, #tpu.memory_space<hbm>>
      %dma_wait3A_800 = arith.constant 0 : i32
      %dma_wait3A_801 = tpu.memref_slice %arg3[%dma_wait3A_796, %dma_wait3A_800] : memref<2500x128xi32, #tpu.memory_space<hbm>> -> memref<1x128xi32, #tpu.memory_space<hbm>>
      %dma_wait3A_802 = tpu.memref_squeeze %dma_wait3A_801 : memref<1x128xi32, #tpu.memory_space<hbm>> -> memref<128xi32, #tpu.memory_space<hbm>>
      tpu.wait_dma2 semaphore(%arg23 : memref<!tpu.dma_semaphore, #tpu.memory_space<semaphore_mem>>) src(%dma_wait3A_802 : memref<128xi32, #tpu.memory_space<hbm>>) dst(%arg8 : memref<128xi32, #tpu.memory_space<vmem>>)
      %dma_wait3A_803 = arith.constant 0 : i32
      %dma_wait3A_804 = arith.constant 0 : i32
      %dma_wait3A_805 = tpu.memref_slice %arg4[%dma_wait3A_803, %dma_wait3A_804] : memref<2500x128xi32, #tpu.memory_space<hbm>> -> memref<1x128xi32, #tpu.memory_space<hbm>>
      %dma_wait3A_806 = tpu.memref_squeeze %dma_wait3A_805 : memref<1x128xi32, #tpu.memory_space<hbm>> -> memref<128xi32, #tpu.memory_space<hbm>>
      %dma_wait3A_807 = arith.constant 0 : i32
      %dma_wait3A_808 = tpu.memref_slice %arg4[%dma_wait3A_803, %dma_wait3A_807] : memref<2500x128xi32, #tpu.memory_space<hbm>> -> memref<1x128xi32, #tpu.memory_space<hbm>>
      %dma_wait3A_809 = tpu.memref_squeeze %dma_wait3A_808 : memref<1x128xi32, #tpu.memory_space<hbm>> -> memref<128xi32, #tpu.memory_space<hbm>>
      tpu.wait_dma2 semaphore(%arg23 : memref<!tpu.dma_semaphore, #tpu.memory_space<semaphore_mem>>) src(%dma_wait3A_809 : memref<128xi32, #tpu.memory_space<hbm>>) dst(%arg14 : memref<128xi32, #tpu.memory_space<vmem>>)
      %dma_start3A_810 = arith.constant 0 : i32
      %dma_start3A_811 = arith.constant 0 : i32
      %dma_start3A_812 = tpu.memref_slice %arg2[%dma_start3A_810, %dma_start3A_811] : memref<10000x128xf32, #tpu.memory_space<hbm>> -> memref<10000x128xf32, #tpu.memory_space<hbm>>
      tpu.enqueue_indirect_dma source(%dma_start3A_812 : memref<10000x128xf32, #tpu.memory_space<hbm>>) target(%arg20 : memref<128x128xf32, #tpu.memory_space<vmem>>) offsets(%arg8 : memref<128xi32, #tpu.memory_space<vmem>>) semaphore(%arg29 : memref<!tpu.dma_semaphore, #tpu.memory_space<semaphore_mem>>)
      %dma_wait3A_813 = arith.constant 0 : i32
      %dma_wait3A_814 = arith.constant 0 : i32
      %dma_wait3A_815 = tpu.memref_slice %arg2[%dma_wait3A_813, %dma_wait3A_814] : memref<10000x128xf32, #tpu.memory_space<hbm>> -> memref<128x128xf32, #tpu.memory_space<hbm>>
      %dma_wait3A_816 = arith.constant 0 : i32
      %dma_wait3A_817 = arith.constant 0 : i32
      %dma_wait3A_818 = tpu.memref_slice %arg2[%dma_wait3A_816, %dma_wait3A_817] : memref<10000x128xf32, #tpu.memory_space<hbm>> -> memref<128x128xf32, #tpu.memory_space<hbm>>
      tpu.wait_dma2 semaphore(%arg30 : memref<!tpu.dma_semaphore, #tpu.memory_space<semaphore_mem>>) src(%dma_wait3A_818 : memref<128x128xf32, #tpu.memory_space<hbm>>) dst(%arg21 : memref<128x128xf32, #tpu.memory_space<vmem>>)
      %dma_start3A_819 = arith.constant 0 : i32
      %dma_start3A_820 = arith.constant 0 : i32
      %dma_start3A_821 = tpu.memref_slice %arg7[%dma_start3A_819, %dma_start3A_820] : memref<10000x128xf32, #tpu.memory_space<vmem_shared>> -> memref<10000x128xf32, #tpu.memory_space<vmem_shared>>
      tpu.enqueue_indirect_dma source(%arg21 : memref<128x128xf32, #tpu.memory_space<vmem>>) target(%dma_start3A_821 : memref<10000x128xf32, #tpu.memory_space<vmem_shared>>) offsets(%arg18 : memref<128xi32, #tpu.memory_space<vmem>>) semaphore(%arg33 : memref<!tpu.dma_semaphore, #tpu.memory_space<semaphore_mem>>) {add = true}
      %add3A_822 = arith.constant 6 : i32
      %add3A_823 = arith.addi %add3A_792, %add3A_822 : i32
      %mul3A_824 = arith.constant 32 : i32
      %mul3A_825 = arith.muli %mul3A_824, %add3A_823 : i32
      %add3A_826 = arith.addi %add3A, %mul3A_825 : i32
      %dma_start3A_827 = arith.constant 0 : i32
      %dma_start3A_828 = tpu.memref_slice %arg3[%add3A_826, %dma_start3A_827] : memref<2500x128xi32, #tpu.memory_space<hbm>> -> memref<1x128xi32, #tpu.memory_space<hbm>>
      %dma_start3A_829 = tpu.memref_squeeze %dma_start3A_828 : memref<1x128xi32, #tpu.memory_space<hbm>> -> memref<128xi32, #tpu.memory_space<hbm>>
      %dma_start3A_830 = arith.constant 0 : i32
      %dma_start3A_831 = tpu.memref_slice %arg3[%add3A_826, %dma_start3A_830] : memref<2500x128xi32, #tpu.memory_space<hbm>> -> memref<1x128xi32, #tpu.memory_space<hbm>>
      %dma_start3A_832 = tpu.memref_squeeze %dma_start3A_831 : memref<1x128xi32, #tpu.memory_space<hbm>> -> memref<128xi32, #tpu.memory_space<hbm>>
      tpu.enqueue_dma source(%dma_start3A_832 : memref<128xi32, #tpu.memory_space<hbm>>) target(%arg12 : memref<128xi32, #tpu.memory_space<vmem>>) target_semaphore(%arg27 : memref<!tpu.dma_semaphore, #tpu.memory_space<semaphore_mem>>)
      %mul3A_833 = arith.constant 32 : i32
      %mul3A_834 = arith.muli %mul3A_833, %add3A_823 : i32
      %add3A_835 = arith.addi %add3A, %mul3A_834 : i32
      %dma_start3A_836 = arith.constant 0 : i32
      %dma_start3A_837 = tpu.memref_slice %arg4[%add3A_835, %dma_start3A_836] : memref<2500x128xi32, #tpu.memory_space<hbm>> -> memref<1x128xi32, #tpu.memory_space<hbm>>
      %dma_start3A_838 = tpu.memref_squeeze %dma_start3A_837 : memref<1x128xi32, #tpu.memory_space<hbm>> -> memref<128xi32, #tpu.memory_space<hbm>>
      %dma_start3A_839 = arith.constant 0 : i32
      %dma_start3A_840 = tpu.memref_slice %arg4[%add3A_835, %dma_start3A_839] : memref<2500x128xi32, #tpu.memory_space<hbm>> -> memref<1x128xi32, #tpu.memory_space<hbm>>
      %dma_start3A_841 = tpu.memref_squeeze %dma_start3A_840 : memref<1x128xi32, #tpu.memory_space<hbm>> -> memref<128xi32, #tpu.memory_space<hbm>>
      tpu.enqueue_dma source(%dma_start3A_841 : memref<128xi32, #tpu.memory_space<hbm>>) target(%arg18 : memref<128xi32, #tpu.memory_space<vmem>>) target_semaphore(%arg27 : memref<!tpu.dma_semaphore, #tpu.memory_space<semaphore_mem>>)
      %add3A_842 = arith.constant 5 : i32
      %add3A_843 = arith.addi %mul3A_586, %add3A_842 : i32
      %dma_wait3A_844 = arith.constant 0 : i32
      %dma_wait3A_845 = arith.constant 0 : i32
      %dma_wait3A_846 = tpu.memref_slice %arg7[%dma_wait3A_844, %dma_wait3A_845] : memref<10000x128xf32, #tpu.memory_space<vmem_shared>> -> memref<10000x128xf32, #tpu.memory_space<vmem_shared>>
      tpu.wait_indirect_dma semaphore(%arg33 : memref<!tpu.dma_semaphore, #tpu.memory_space<semaphore_mem>>) src(%arg21 : memref<128x128xf32, #tpu.memory_space<vmem>>) dst(%dma_wait3A_846 : memref<10000x128xf32, #tpu.memory_space<vmem_shared>>)
      %dma_wait3A_847 = arith.constant 0 : i32
      %dma_wait3A_848 = arith.constant 0 : i32
      %dma_wait3A_849 = tpu.memref_slice %arg3[%dma_wait3A_847, %dma_wait3A_848] : memref<2500x128xi32, #tpu.memory_space<hbm>> -> memref<1x128xi32, #tpu.memory_space<hbm>>
      %dma_wait3A_850 = tpu.memref_squeeze %dma_wait3A_849 : memref<1x128xi32, #tpu.memory_space<hbm>> -> memref<128xi32, #tpu.memory_space<hbm>>
      %dma_wait3A_851 = arith.constant 0 : i32
      %dma_wait3A_852 = tpu.memref_slice %arg3[%dma_wait3A_847, %dma_wait3A_851] : memref<2500x128xi32, #tpu.memory_space<hbm>> -> memref<1x128xi32, #tpu.memory_space<hbm>>
      %dma_wait3A_853 = tpu.memref_squeeze %dma_wait3A_852 : memref<1x128xi32, #tpu.memory_space<hbm>> -> memref<128xi32, #tpu.memory_space<hbm>>
      tpu.wait_dma2 semaphore(%arg24 : memref<!tpu.dma_semaphore, #tpu.memory_space<semaphore_mem>>) src(%dma_wait3A_853 : memref<128xi32, #tpu.memory_space<hbm>>) dst(%arg9 : memref<128xi32, #tpu.memory_space<vmem>>)
      %dma_wait3A_854 = arith.constant 0 : i32
      %dma_wait3A_855 = arith.constant 0 : i32
      %dma_wait3A_856 = tpu.memref_slice %arg4[%dma_wait3A_854, %dma_wait3A_855] : memref<2500x128xi32, #tpu.memory_space<hbm>> -> memref<1x128xi32, #tpu.memory_space<hbm>>
      %dma_wait3A_857 = tpu.memref_squeeze %dma_wait3A_856 : memref<1x128xi32, #tpu.memory_space<hbm>> -> memref<128xi32, #tpu.memory_space<hbm>>
      %dma_wait3A_858 = arith.constant 0 : i32
      %dma_wait3A_859 = tpu.memref_slice %arg4[%dma_wait3A_854, %dma_wait3A_858] : memref<2500x128xi32, #tpu.memory_space<hbm>> -> memref<1x128xi32, #tpu.memory_space<hbm>>
      %dma_wait3A_860 = tpu.memref_squeeze %dma_wait3A_859 : memref<1x128xi32, #tpu.memory_space<hbm>> -> memref<128xi32, #tpu.memory_space<hbm>>
      tpu.wait_dma2 semaphore(%arg24 : memref<!tpu.dma_semaphore, #tpu.memory_space<semaphore_mem>>) src(%dma_wait3A_860 : memref<128xi32, #tpu.memory_space<hbm>>) dst(%arg15 : memref<128xi32, #tpu.memory_space<vmem>>)
      %dma_start3A_861 = arith.constant 0 : i32
      %dma_start3A_862 = arith.constant 0 : i32
      %dma_start3A_863 = tpu.memref_slice %arg2[%dma_start3A_861, %dma_start3A_862] : memref<10000x128xf32, #tpu.memory_space<hbm>> -> memref<10000x128xf32, #tpu.memory_space<hbm>>
      tpu.enqueue_indirect_dma source(%dma_start3A_863 : memref<10000x128xf32, #tpu.memory_space<hbm>>) target(%arg21 : memref<128x128xf32, #tpu.memory_space<vmem>>) offsets(%arg9 : memref<128xi32, #tpu.memory_space<vmem>>) semaphore(%arg30 : memref<!tpu.dma_semaphore, #tpu.memory_space<semaphore_mem>>)
      %dma_wait3A_864 = arith.constant 0 : i32
      %dma_wait3A_865 = arith.constant 0 : i32
      %dma_wait3A_866 = tpu.memref_slice %arg2[%dma_wait3A_864, %dma_wait3A_865] : memref<10000x128xf32, #tpu.memory_space<hbm>> -> memref<128x128xf32, #tpu.memory_space<hbm>>
      %dma_wait3A_867 = arith.constant 0 : i32
      %dma_wait3A_868 = arith.constant 0 : i32
      %dma_wait3A_869 = tpu.memref_slice %arg2[%dma_wait3A_867, %dma_wait3A_868] : memref<10000x128xf32, #tpu.memory_space<hbm>> -> memref<128x128xf32, #tpu.memory_space<hbm>>
      tpu.wait_dma2 semaphore(%arg31 : memref<!tpu.dma_semaphore, #tpu.memory_space<semaphore_mem>>) src(%dma_wait3A_869 : memref<128x128xf32, #tpu.memory_space<hbm>>) dst(%arg22 : memref<128x128xf32, #tpu.memory_space<vmem>>)
      %dma_start3A_870 = arith.constant 0 : i32
      %dma_start3A_871 = arith.constant 0 : i32
      %dma_start3A_872 = tpu.memref_slice %arg7[%dma_start3A_870, %dma_start3A_871] : memref<10000x128xf32, #tpu.memory_space<vmem_shared>> -> memref<10000x128xf32, #tpu.memory_space<vmem_shared>>
      tpu.enqueue_indirect_dma source(%arg22 : memref<128x128xf32, #tpu.memory_space<vmem>>) target(%dma_start3A_872 : memref<10000x128xf32, #tpu.memory_space<vmem_shared>>) offsets(%arg19 : memref<128xi32, #tpu.memory_space<vmem>>) semaphore(%arg34 : memref<!tpu.dma_semaphore, #tpu.memory_space<semaphore_mem>>) {add = true}
      %add3A_873 = arith.constant 6 : i32
      %add3A_874 = arith.addi %add3A_843, %add3A_873 : i32
      %mul3A_875 = arith.constant 32 : i32
      %mul3A_876 = arith.muli %mul3A_875, %add3A_874 : i32
      %add3A_877 = arith.addi %add3A, %mul3A_876 : i32
      %dma_start3A_878 = arith.constant 0 : i32
      %dma_start3A_879 = tpu.memref_slice %arg3[%add3A_877, %dma_start3A_878] : memref<2500x128xi32, #tpu.memory_space<hbm>> -> memref<1x128xi32, #tpu.memory_space<hbm>>
      %dma_start3A_880 = tpu.memref_squeeze %dma_start3A_879 : memref<1x128xi32, #tpu.memory_space<hbm>> -> memref<128xi32, #tpu.memory_space<hbm>>
      %dma_start3A_881 = arith.constant 0 : i32
      %dma_start3A_882 = tpu.memref_slice %arg3[%add3A_877, %dma_start3A_881] : memref<2500x128xi32, #tpu.memory_space<hbm>> -> memref<1x128xi32, #tpu.memory_space<hbm>>
      %dma_start3A_883 = tpu.memref_squeeze %dma_start3A_882 : memref<1x128xi32, #tpu.memory_space<hbm>> -> memref<128xi32, #tpu.memory_space<hbm>>
      tpu.enqueue_dma source(%dma_start3A_883 : memref<128xi32, #tpu.memory_space<hbm>>) target(%arg13 : memref<128xi32, #tpu.memory_space<vmem>>) target_semaphore(%arg28 : memref<!tpu.dma_semaphore, #tpu.memory_space<semaphore_mem>>)
      %mul3A_884 = arith.constant 32 : i32
      %mul3A_885 = arith.muli %mul3A_884, %add3A_874 : i32
      %add3A_886 = arith.addi %add3A, %mul3A_885 : i32
      %dma_start3A_887 = arith.constant 0 : i32
      %dma_start3A_888 = tpu.memref_slice %arg4[%add3A_886, %dma_start3A_887] : memref<2500x128xi32, #tpu.memory_space<hbm>> -> memref<1x128xi32, #tpu.memory_space<hbm>>
      %dma_start3A_889 = tpu.memref_squeeze %dma_start3A_888 : memref<1x128xi32, #tpu.memory_space<hbm>> -> memref<128xi32, #tpu.memory_space<hbm>>
      %dma_start3A_890 = arith.constant 0 : i32
      %dma_start3A_891 = tpu.memref_slice %arg4[%add3A_886, %dma_start3A_890] : memref<2500x128xi32, #tpu.memory_space<hbm>> -> memref<1x128xi32, #tpu.memory_space<hbm>>
      %dma_start3A_892 = tpu.memref_squeeze %dma_start3A_891 : memref<1x128xi32, #tpu.memory_space<hbm>> -> memref<128xi32, #tpu.memory_space<hbm>>
      tpu.enqueue_dma source(%dma_start3A_892 : memref<128xi32, #tpu.memory_space<hbm>>) target(%arg19 : memref<128xi32, #tpu.memory_space<vmem>>) target_semaphore(%arg28 : memref<!tpu.dma_semaphore, #tpu.memory_space<semaphore_mem>>)
    }
    %scan3A_409 = arith.constant 11 : i32
    %dma_wait3A_410 = arith.constant 0 : i32
    %dma_wait3A_411 = arith.constant 0 : i32
    %dma_wait3A_412 = tpu.memref_slice %arg7[%dma_wait3A_410, %dma_wait3A_411] : memref<10000x128xf32, #tpu.memory_space<vmem_shared>> -> memref<10000x128xf32, #tpu.memory_space<vmem_shared>>
    tpu.wait_indirect_dma semaphore(%arg34 : memref<!tpu.dma_semaphore, #tpu.memory_space<semaphore_mem>>) src(%arg22 : memref<128x128xf32, #tpu.memory_space<vmem>>) dst(%dma_wait3A_412 : memref<10000x128xf32, #tpu.memory_space<vmem_shared>>)
    %dma_wait3A_413 = arith.constant 0 : i32
    %dma_wait3A_414 = arith.constant 0 : i32
    %dma_wait3A_415 = tpu.memref_slice %arg3[%dma_wait3A_413, %dma_wait3A_414] : memref<2500x128xi32, #tpu.memory_space<hbm>> -> memref<1x128xi32, #tpu.memory_space<hbm>>
    %dma_wait3A_416 = tpu.memref_squeeze %dma_wait3A_415 : memref<1x128xi32, #tpu.memory_space<hbm>> -> memref<128xi32, #tpu.memory_space<hbm>>
    %dma_wait3A_417 = arith.constant 0 : i32
    %dma_wait3A_418 = tpu.memref_slice %arg3[%dma_wait3A_413, %dma_wait3A_417] : memref<2500x128xi32, #tpu.memory_space<hbm>> -> memref<1x128xi32, #tpu.memory_space<hbm>>
    %dma_wait3A_419 = tpu.memref_squeeze %dma_wait3A_418 : memref<1x128xi32, #tpu.memory_space<hbm>> -> memref<128xi32, #tpu.memory_space<hbm>>
    tpu.wait_dma2 semaphore(%arg25 : memref<!tpu.dma_semaphore, #tpu.memory_space<semaphore_mem>>) src(%dma_wait3A_419 : memref<128xi32, #tpu.memory_space<hbm>>) dst(%arg10 : memref<128xi32, #tpu.memory_space<vmem>>)
    %dma_wait3A_420 = arith.constant 0 : i32
    %dma_wait3A_421 = arith.constant 0 : i32
    %dma_wait3A_422 = tpu.memref_slice %arg4[%dma_wait3A_420, %dma_wait3A_421] : memref<2500x128xi32, #tpu.memory_space<hbm>> -> memref<1x128xi32, #tpu.memory_space<hbm>>
    %dma_wait3A_423 = tpu.memref_squeeze %dma_wait3A_422 : memref<1x128xi32, #tpu.memory_space<hbm>> -> memref<128xi32, #tpu.memory_space<hbm>>
    %dma_wait3A_424 = arith.constant 0 : i32
    %dma_wait3A_425 = tpu.memref_slice %arg4[%dma_wait3A_420, %dma_wait3A_424] : memref<2500x128xi32, #tpu.memory_space<hbm>> -> memref<1x128xi32, #tpu.memory_space<hbm>>
    %dma_wait3A_426 = tpu.memref_squeeze %dma_wait3A_425 : memref<1x128xi32, #tpu.memory_space<hbm>> -> memref<128xi32, #tpu.memory_space<hbm>>
    tpu.wait_dma2 semaphore(%arg25 : memref<!tpu.dma_semaphore, #tpu.memory_space<semaphore_mem>>) src(%dma_wait3A_426 : memref<128xi32, #tpu.memory_space<hbm>>) dst(%arg16 : memref<128xi32, #tpu.memory_space<vmem>>)
    %dma_start3A_427 = arith.constant 0 : i32
    %dma_start3A_428 = arith.constant 0 : i32
    %dma_start3A_429 = tpu.memref_slice %arg2[%dma_start3A_427, %dma_start3A_428] : memref<10000x128xf32, #tpu.memory_space<hbm>> -> memref<10000x128xf32, #tpu.memory_space<hbm>>
    tpu.enqueue_indirect_dma source(%dma_start3A_429 : memref<10000x128xf32, #tpu.memory_space<hbm>>) target(%arg22 : memref<128x128xf32, #tpu.memory_space<vmem>>) offsets(%arg10 : memref<128xi32, #tpu.memory_space<vmem>>) semaphore(%arg31 : memref<!tpu.dma_semaphore, #tpu.memory_space<semaphore_mem>>)
    %dma_wait3A_430 = arith.constant 0 : i32
    %dma_wait3A_431 = arith.constant 0 : i32
    %dma_wait3A_432 = tpu.memref_slice %arg2[%dma_wait3A_430, %dma_wait3A_431] : memref<10000x128xf32, #tpu.memory_space<hbm>> -> memref<128x128xf32, #tpu.memory_space<hbm>>
    %dma_wait3A_433 = arith.constant 0 : i32
    %dma_wait3A_434 = arith.constant 0 : i32
    %dma_wait3A_435 = tpu.memref_slice %arg2[%dma_wait3A_433, %dma_wait3A_434] : memref<10000x128xf32, #tpu.memory_space<hbm>> -> memref<128x128xf32, #tpu.memory_space<hbm>>
    tpu.wait_dma2 semaphore(%arg29 : memref<!tpu.dma_semaphore, #tpu.memory_space<semaphore_mem>>) src(%dma_wait3A_435 : memref<128x128xf32, #tpu.memory_space<hbm>>) dst(%arg20 : memref<128x128xf32, #tpu.memory_space<vmem>>)
    %dma_start3A_436 = arith.constant 0 : i32
    %dma_start3A_437 = arith.constant 0 : i32
    %dma_start3A_438 = tpu.memref_slice %arg7[%dma_start3A_436, %dma_start3A_437] : memref<10000x128xf32, #tpu.memory_space<vmem_shared>> -> memref<10000x128xf32, #tpu.memory_space<vmem_shared>>
    tpu.enqueue_indirect_dma source(%arg20 : memref<128x128xf32, #tpu.memory_space<vmem>>) target(%dma_start3A_438 : memref<10000x128xf32, #tpu.memory_space<vmem_shared>>) offsets(%arg14 : memref<128xi32, #tpu.memory_space<vmem>>) semaphore(%arg32 : memref<!tpu.dma_semaphore, #tpu.memory_space<semaphore_mem>>) {add = true}
    %gt3A = arith.constant 78 : i32
    %gt3A_439 = arith.cmpi sgt, %select_n3A, %gt3A : i32
    %convert_element_type3A_440 = arith.extui %gt3A_439 : i1 to i32
    %cond3A_441 = arith.constant 0 : i32
    %cond3A_442 = arith.cmpi ne, %convert_element_type3A_440, %cond3A_441 : i32
    scf.if %cond3A_442 {
      %add3A_584 = arith.constant 2496 : i32
      %add3A_585 = arith.addi %add3A, %add3A_584 : i32
      %dma_start3A_586 = arith.constant 0 : i32
      %dma_start3A_587 = tpu.memref_slice %arg3[%add3A_585, %dma_start3A_586] : memref<2500x128xi32, #tpu.memory_space<hbm>> -> memref<1x128xi32, #tpu.memory_space<hbm>>
      %dma_start3A_588 = tpu.memref_squeeze %dma_start3A_587 : memref<1x128xi32, #tpu.memory_space<hbm>> -> memref<128xi32, #tpu.memory_space<hbm>>
      %dma_start3A_589 = arith.constant 0 : i32
      %dma_start3A_590 = tpu.memref_slice %arg3[%add3A_585, %dma_start3A_589] : memref<2500x128xi32, #tpu.memory_space<hbm>> -> memref<1x128xi32, #tpu.memory_space<hbm>>
      %dma_start3A_591 = tpu.memref_squeeze %dma_start3A_590 : memref<1x128xi32, #tpu.memory_space<hbm>> -> memref<128xi32, #tpu.memory_space<hbm>>
      tpu.enqueue_dma source(%dma_start3A_591 : memref<128xi32, #tpu.memory_space<hbm>>) target(%arg8 : memref<128xi32, #tpu.memory_space<vmem>>) target_semaphore(%arg23 : memref<!tpu.dma_semaphore, #tpu.memory_space<semaphore_mem>>)
      %add3A_592 = arith.constant 2496 : i32
      %add3A_593 = arith.addi %add3A, %add3A_592 : i32
      %dma_start3A_594 = arith.constant 0 : i32
      %dma_start3A_595 = tpu.memref_slice %arg4[%add3A_593, %dma_start3A_594] : memref<2500x128xi32, #tpu.memory_space<hbm>> -> memref<1x128xi32, #tpu.memory_space<hbm>>
      %dma_start3A_596 = tpu.memref_squeeze %dma_start3A_595 : memref<1x128xi32, #tpu.memory_space<hbm>> -> memref<128xi32, #tpu.memory_space<hbm>>
      %dma_start3A_597 = arith.constant 0 : i32
      %dma_start3A_598 = tpu.memref_slice %arg4[%add3A_593, %dma_start3A_597] : memref<2500x128xi32, #tpu.memory_space<hbm>> -> memref<1x128xi32, #tpu.memory_space<hbm>>
      %dma_start3A_599 = tpu.memref_squeeze %dma_start3A_598 : memref<1x128xi32, #tpu.memory_space<hbm>> -> memref<128xi32, #tpu.memory_space<hbm>>
      tpu.enqueue_dma source(%dma_start3A_599 : memref<128xi32, #tpu.memory_space<hbm>>) target(%arg14 : memref<128xi32, #tpu.memory_space<vmem>>) target_semaphore(%arg23 : memref<!tpu.dma_semaphore, #tpu.memory_space<semaphore_mem>>)
    } else {
    }
    %dma_wait3A_443 = arith.constant 0 : i32
    %dma_wait3A_444 = arith.constant 0 : i32
    %dma_wait3A_445 = tpu.memref_slice %arg7[%dma_wait3A_443, %dma_wait3A_444] : memref<10000x128xf32, #tpu.memory_space<vmem_shared>> -> memref<10000x128xf32, #tpu.memory_space<vmem_shared>>
    tpu.wait_indirect_dma semaphore(%arg32 : memref<!tpu.dma_semaphore, #tpu.memory_space<semaphore_mem>>) src(%arg20 : memref<128x128xf32, #tpu.memory_space<vmem>>) dst(%dma_wait3A_445 : memref<10000x128xf32, #tpu.memory_space<vmem_shared>>)
    %dma_wait3A_446 = arith.constant 0 : i32
    %dma_wait3A_447 = arith.constant 0 : i32
    %dma_wait3A_448 = tpu.memref_slice %arg3[%dma_wait3A_446, %dma_wait3A_447] : memref<2500x128xi32, #tpu.memory_space<hbm>> -> memref<1x128xi32, #tpu.memory_space<hbm>>
    %dma_wait3A_449 = tpu.memref_squeeze %dma_wait3A_448 : memref<1x128xi32, #tpu.memory_space<hbm>> -> memref<128xi32, #tpu.memory_space<hbm>>
    %dma_wait3A_450 = arith.constant 0 : i32
    %dma_wait3A_451 = tpu.memref_slice %arg3[%dma_wait3A_446, %dma_wait3A_450] : memref<2500x128xi32, #tpu.memory_space<hbm>> -> memref<1x128xi32, #tpu.memory_space<hbm>>
    %dma_wait3A_452 = tpu.memref_squeeze %dma_wait3A_451 : memref<1x128xi32, #tpu.memory_space<hbm>> -> memref<128xi32, #tpu.memory_space<hbm>>
    tpu.wait_dma2 semaphore(%arg26 : memref<!tpu.dma_semaphore, #tpu.memory_space<semaphore_mem>>) src(%dma_wait3A_452 : memref<128xi32, #tpu.memory_space<hbm>>) dst(%arg11 : memref<128xi32, #tpu.memory_space<vmem>>)
    %dma_wait3A_453 = arith.constant 0 : i32
    %dma_wait3A_454 = arith.constant 0 : i32
    %dma_wait3A_455 = tpu.memref_slice %arg4[%dma_wait3A_453, %dma_wait3A_454] : memref<2500x128xi32, #tpu.memory_space<hbm>> -> memref<1x128xi32, #tpu.memory_space<hbm>>
    %dma_wait3A_456 = tpu.memref_squeeze %dma_wait3A_455 : memref<1x128xi32, #tpu.memory_space<hbm>> -> memref<128xi32, #tpu.memory_space<hbm>>
    %dma_wait3A_457 = arith.constant 0 : i32
    %dma_wait3A_458 = tpu.memref_slice %arg4[%dma_wait3A_453, %dma_wait3A_457] : memref<2500x128xi32, #tpu.memory_space<hbm>> -> memref<1x128xi32, #tpu.memory_space<hbm>>
    %dma_wait3A_459 = tpu.memref_squeeze %dma_wait3A_458 : memref<1x128xi32, #tpu.memory_space<hbm>> -> memref<128xi32, #tpu.memory_space<hbm>>
    tpu.wait_dma2 semaphore(%arg26 : memref<!tpu.dma_semaphore, #tpu.memory_space<semaphore_mem>>) src(%dma_wait3A_459 : memref<128xi32, #tpu.memory_space<hbm>>) dst(%arg17 : memref<128xi32, #tpu.memory_space<vmem>>)
    %dma_start3A_460 = arith.constant 0 : i32
    %dma_start3A_461 = arith.constant 0 : i32
    %dma_start3A_462 = tpu.memref_slice %arg2[%dma_start3A_460, %dma_start3A_461] : memref<10000x128xf32, #tpu.memory_space<hbm>> -> memref<10000x128xf32, #tpu.memory_space<hbm>>
    tpu.enqueue_indirect_dma source(%dma_start3A_462 : memref<10000x128xf32, #tpu.memory_space<hbm>>) target(%arg20 : memref<128x128xf32, #tpu.memory_space<vmem>>) offsets(%arg11 : memref<128xi32, #tpu.memory_space<vmem>>) semaphore(%arg29 : memref<!tpu.dma_semaphore, #tpu.memory_space<semaphore_mem>>)
    %dma_wait3A_463 = arith.constant 0 : i32
    %dma_wait3A_464 = arith.constant 0 : i32
    %dma_wait3A_465 = tpu.memref_slice %arg2[%dma_wait3A_463, %dma_wait3A_464] : memref<10000x128xf32, #tpu.memory_space<hbm>> -> memref<128x128xf32, #tpu.memory_space<hbm>>
    %dma_wait3A_466 = arith.constant 0 : i32
    %dma_wait3A_467 = arith.constant 0 : i32
    %dma_wait3A_468 = tpu.memref_slice %arg2[%dma_wait3A_466, %dma_wait3A_467] : memref<10000x128xf32, #tpu.memory_space<hbm>> -> memref<128x128xf32, #tpu.memory_space<hbm>>
    tpu.wait_dma2 semaphore(%arg30 : memref<!tpu.dma_semaphore, #tpu.memory_space<semaphore_mem>>) src(%dma_wait3A_468 : memref<128x128xf32, #tpu.memory_space<hbm>>) dst(%arg21 : memref<128x128xf32, #tpu.memory_space<vmem>>)
    %dma_start3A_469 = arith.constant 0 : i32
    %dma_start3A_470 = arith.constant 0 : i32
    %dma_start3A_471 = tpu.memref_slice %arg7[%dma_start3A_469, %dma_start3A_470] : memref<10000x128xf32, #tpu.memory_space<vmem_shared>> -> memref<10000x128xf32, #tpu.memory_space<vmem_shared>>
    tpu.enqueue_indirect_dma source(%arg21 : memref<128x128xf32, #tpu.memory_space<vmem>>) target(%dma_start3A_471 : memref<10000x128xf32, #tpu.memory_space<vmem_shared>>) offsets(%arg15 : memref<128xi32, #tpu.memory_space<vmem>>) semaphore(%arg33 : memref<!tpu.dma_semaphore, #tpu.memory_space<semaphore_mem>>) {add = true}
    %dma_wait3A_472 = arith.constant 0 : i32
    %dma_wait3A_473 = arith.constant 0 : i32
    %dma_wait3A_474 = tpu.memref_slice %arg7[%dma_wait3A_472, %dma_wait3A_473] : memref<10000x128xf32, #tpu.memory_space<vmem_shared>> -> memref<10000x128xf32, #tpu.memory_space<vmem_shared>>
    tpu.wait_indirect_dma semaphore(%arg33 : memref<!tpu.dma_semaphore, #tpu.memory_space<semaphore_mem>>) src(%arg21 : memref<128x128xf32, #tpu.memory_space<vmem>>) dst(%dma_wait3A_474 : memref<10000x128xf32, #tpu.memory_space<vmem_shared>>)
    %dma_wait3A_475 = arith.constant 0 : i32
    %dma_wait3A_476 = arith.constant 0 : i32
    %dma_wait3A_477 = tpu.memref_slice %arg3[%dma_wait3A_475, %dma_wait3A_476] : memref<2500x128xi32, #tpu.memory_space<hbm>> -> memref<1x128xi32, #tpu.memory_space<hbm>>
    %dma_wait3A_478 = tpu.memref_squeeze %dma_wait3A_477 : memref<1x128xi32, #tpu.memory_space<hbm>> -> memref<128xi32, #tpu.memory_space<hbm>>
    %dma_wait3A_479 = arith.constant 0 : i32
    %dma_wait3A_480 = tpu.memref_slice %arg3[%dma_wait3A_475, %dma_wait3A_479] : memref<2500x128xi32, #tpu.memory_space<hbm>> -> memref<1x128xi32, #tpu.memory_space<hbm>>
    %dma_wait3A_481 = tpu.memref_squeeze %dma_wait3A_480 : memref<1x128xi32, #tpu.memory_space<hbm>> -> memref<128xi32, #tpu.memory_space<hbm>>
    tpu.wait_dma2 semaphore(%arg27 : memref<!tpu.dma_semaphore, #tpu.memory_space<semaphore_mem>>) src(%dma_wait3A_481 : memref<128xi32, #tpu.memory_space<hbm>>) dst(%arg12 : memref<128xi32, #tpu.memory_space<vmem>>)
    %dma_wait3A_482 = arith.constant 0 : i32
    %dma_wait3A_483 = arith.constant 0 : i32
    %dma_wait3A_484 = tpu.memref_slice %arg4[%dma_wait3A_482, %dma_wait3A_483] : memref<2500x128xi32, #tpu.memory_space<hbm>> -> memref<1x128xi32, #tpu.memory_space<hbm>>
    %dma_wait3A_485 = tpu.memref_squeeze %dma_wait3A_484 : memref<1x128xi32, #tpu.memory_space<hbm>> -> memref<128xi32, #tpu.memory_space<hbm>>
    %dma_wait3A_486 = arith.constant 0 : i32
    %dma_wait3A_487 = tpu.memref_slice %arg4[%dma_wait3A_482, %dma_wait3A_486] : memref<2500x128xi32, #tpu.memory_space<hbm>> -> memref<1x128xi32, #tpu.memory_space<hbm>>
    %dma_wait3A_488 = tpu.memref_squeeze %dma_wait3A_487 : memref<1x128xi32, #tpu.memory_space<hbm>> -> memref<128xi32, #tpu.memory_space<hbm>>
    tpu.wait_dma2 semaphore(%arg27 : memref<!tpu.dma_semaphore, #tpu.memory_space<semaphore_mem>>) src(%dma_wait3A_488 : memref<128xi32, #tpu.memory_space<hbm>>) dst(%arg18 : memref<128xi32, #tpu.memory_space<vmem>>)
    %dma_start3A_489 = arith.constant 0 : i32
    %dma_start3A_490 = arith.constant 0 : i32
    %dma_start3A_491 = tpu.memref_slice %arg2[%dma_start3A_489, %dma_start3A_490] : memref<10000x128xf32, #tpu.memory_space<hbm>> -> memref<10000x128xf32, #tpu.memory_space<hbm>>
    tpu.enqueue_indirect_dma source(%dma_start3A_491 : memref<10000x128xf32, #tpu.memory_space<hbm>>) target(%arg21 : memref<128x128xf32, #tpu.memory_space<vmem>>) offsets(%arg12 : memref<128xi32, #tpu.memory_space<vmem>>) semaphore(%arg30 : memref<!tpu.dma_semaphore, #tpu.memory_space<semaphore_mem>>)
    %dma_wait3A_492 = arith.constant 0 : i32
    %dma_wait3A_493 = arith.constant 0 : i32
    %dma_wait3A_494 = tpu.memref_slice %arg2[%dma_wait3A_492, %dma_wait3A_493] : memref<10000x128xf32, #tpu.memory_space<hbm>> -> memref<128x128xf32, #tpu.memory_space<hbm>>
    %dma_wait3A_495 = arith.constant 0 : i32
    %dma_wait3A_496 = arith.constant 0 : i32
    %dma_wait3A_497 = tpu.memref_slice %arg2[%dma_wait3A_495, %dma_wait3A_496] : memref<10000x128xf32, #tpu.memory_space<hbm>> -> memref<128x128xf32, #tpu.memory_space<hbm>>
    tpu.wait_dma2 semaphore(%arg31 : memref<!tpu.dma_semaphore, #tpu.memory_space<semaphore_mem>>) src(%dma_wait3A_497 : memref<128x128xf32, #tpu.memory_space<hbm>>) dst(%arg22 : memref<128x128xf32, #tpu.memory_space<vmem>>)
    %dma_start3A_498 = arith.constant 0 : i32
    %dma_start3A_499 = arith.constant 0 : i32
    %dma_start3A_500 = tpu.memref_slice %arg7[%dma_start3A_498, %dma_start3A_499] : memref<10000x128xf32, #tpu.memory_space<vmem_shared>> -> memref<10000x128xf32, #tpu.memory_space<vmem_shared>>
    tpu.enqueue_indirect_dma source(%arg22 : memref<128x128xf32, #tpu.memory_space<vmem>>) target(%dma_start3A_500 : memref<10000x128xf32, #tpu.memory_space<vmem_shared>>) offsets(%arg16 : memref<128xi32, #tpu.memory_space<vmem>>) semaphore(%arg34 : memref<!tpu.dma_semaphore, #tpu.memory_space<semaphore_mem>>) {add = true}
    %dma_wait3A_501 = arith.constant 0 : i32
    %dma_wait3A_502 = arith.constant 0 : i32
    %dma_wait3A_503 = tpu.memref_slice %arg7[%dma_wait3A_501, %dma_wait3A_502] : memref<10000x128xf32, #tpu.memory_space<vmem_shared>> -> memref<10000x128xf32, #tpu.memory_space<vmem_shared>>
    tpu.wait_indirect_dma semaphore(%arg34 : memref<!tpu.dma_semaphore, #tpu.memory_space<semaphore_mem>>) src(%arg22 : memref<128x128xf32, #tpu.memory_space<vmem>>) dst(%dma_wait3A_503 : memref<10000x128xf32, #tpu.memory_space<vmem_shared>>)
    %dma_wait3A_504 = arith.constant 0 : i32
    %dma_wait3A_505 = arith.constant 0 : i32
    %dma_wait3A_506 = tpu.memref_slice %arg3[%dma_wait3A_504, %dma_wait3A_505] : memref<2500x128xi32, #tpu.memory_space<hbm>> -> memref<1x128xi32, #tpu.memory_space<hbm>>
    %dma_wait3A_507 = tpu.memref_squeeze %dma_wait3A_506 : memref<1x128xi32, #tpu.memory_space<hbm>> -> memref<128xi32, #tpu.memory_space<hbm>>
    %dma_wait3A_508 = arith.constant 0 : i32
    %dma_wait3A_509 = tpu.memref_slice %arg3[%dma_wait3A_504, %dma_wait3A_508] : memref<2500x128xi32, #tpu.memory_space<hbm>> -> memref<1x128xi32, #tpu.memory_space<hbm>>
    %dma_wait3A_510 = tpu.memref_squeeze %dma_wait3A_509 : memref<1x128xi32, #tpu.memory_space<hbm>> -> memref<128xi32, #tpu.memory_space<hbm>>
    tpu.wait_dma2 semaphore(%arg28 : memref<!tpu.dma_semaphore, #tpu.memory_space<semaphore_mem>>) src(%dma_wait3A_510 : memref<128xi32, #tpu.memory_space<hbm>>) dst(%arg13 : memref<128xi32, #tpu.memory_space<vmem>>)
    %dma_wait3A_511 = arith.constant 0 : i32
    %dma_wait3A_512 = arith.constant 0 : i32
    %dma_wait3A_513 = tpu.memref_slice %arg4[%dma_wait3A_511, %dma_wait3A_512] : memref<2500x128xi32, #tpu.memory_space<hbm>> -> memref<1x128xi32, #tpu.memory_space<hbm>>
    %dma_wait3A_514 = tpu.memref_squeeze %dma_wait3A_513 : memref<1x128xi32, #tpu.memory_space<hbm>> -> memref<128xi32, #tpu.memory_space<hbm>>
    %dma_wait3A_515 = arith.constant 0 : i32
    %dma_wait3A_516 = tpu.memref_slice %arg4[%dma_wait3A_511, %dma_wait3A_515] : memref<2500x128xi32, #tpu.memory_space<hbm>> -> memref<1x128xi32, #tpu.memory_space<hbm>>
    %dma_wait3A_517 = tpu.memref_squeeze %dma_wait3A_516 : memref<1x128xi32, #tpu.memory_space<hbm>> -> memref<128xi32, #tpu.memory_space<hbm>>
    tpu.wait_dma2 semaphore(%arg28 : memref<!tpu.dma_semaphore, #tpu.memory_space<semaphore_mem>>) src(%dma_wait3A_517 : memref<128xi32, #tpu.memory_space<hbm>>) dst(%arg19 : memref<128xi32, #tpu.memory_space<vmem>>)
    %dma_start3A_518 = arith.constant 0 : i32
    %dma_start3A_519 = arith.constant 0 : i32
    %dma_start3A_520 = tpu.memref_slice %arg2[%dma_start3A_518, %dma_start3A_519] : memref<10000x128xf32, #tpu.memory_space<hbm>> -> memref<10000x128xf32, #tpu.memory_space<hbm>>
    tpu.enqueue_indirect_dma source(%dma_start3A_520 : memref<10000x128xf32, #tpu.memory_space<hbm>>) target(%arg22 : memref<128x128xf32, #tpu.memory_space<vmem>>) offsets(%arg13 : memref<128xi32, #tpu.memory_space<vmem>>) semaphore(%arg31 : memref<!tpu.dma_semaphore, #tpu.memory_space<semaphore_mem>>)
    %dma_wait3A_521 = arith.constant 0 : i32
    %dma_wait3A_522 = arith.constant 0 : i32
    %dma_wait3A_523 = tpu.memref_slice %arg2[%dma_wait3A_521, %dma_wait3A_522] : memref<10000x128xf32, #tpu.memory_space<hbm>> -> memref<128x128xf32, #tpu.memory_space<hbm>>
    %dma_wait3A_524 = arith.constant 0 : i32
    %dma_wait3A_525 = arith.constant 0 : i32
    %dma_wait3A_526 = tpu.memref_slice %arg2[%dma_wait3A_524, %dma_wait3A_525] : memref<10000x128xf32, #tpu.memory_space<hbm>> -> memref<128x128xf32, #tpu.memory_space<hbm>>
    tpu.wait_dma2 semaphore(%arg29 : memref<!tpu.dma_semaphore, #tpu.memory_space<semaphore_mem>>) src(%dma_wait3A_526 : memref<128x128xf32, #tpu.memory_space<hbm>>) dst(%arg20 : memref<128x128xf32, #tpu.memory_space<vmem>>)
    %dma_start3A_527 = arith.constant 0 : i32
    %dma_start3A_528 = arith.constant 0 : i32
    %dma_start3A_529 = tpu.memref_slice %arg7[%dma_start3A_527, %dma_start3A_528] : memref<10000x128xf32, #tpu.memory_space<vmem_shared>> -> memref<10000x128xf32, #tpu.memory_space<vmem_shared>>
    tpu.enqueue_indirect_dma source(%arg20 : memref<128x128xf32, #tpu.memory_space<vmem>>) target(%dma_start3A_529 : memref<10000x128xf32, #tpu.memory_space<vmem_shared>>) offsets(%arg17 : memref<128xi32, #tpu.memory_space<vmem>>) semaphore(%arg32 : memref<!tpu.dma_semaphore, #tpu.memory_space<semaphore_mem>>) {add = true}
    %dma_wait3A_530 = arith.constant 0 : i32
    %dma_wait3A_531 = arith.constant 0 : i32
    %dma_wait3A_532 = tpu.memref_slice %arg7[%dma_wait3A_530, %dma_wait3A_531] : memref<10000x128xf32, #tpu.memory_space<vmem_shared>> -> memref<10000x128xf32, #tpu.memory_space<vmem_shared>>
    tpu.wait_indirect_dma semaphore(%arg32 : memref<!tpu.dma_semaphore, #tpu.memory_space<semaphore_mem>>) src(%arg20 : memref<128x128xf32, #tpu.memory_space<vmem>>) dst(%dma_wait3A_532 : memref<10000x128xf32, #tpu.memory_space<vmem_shared>>)
    %gt3A_533 = arith.constant 78 : i32
    %gt3A_534 = arith.cmpi sgt, %select_n3A, %gt3A_533 : i32
    %convert_element_type3A_535 = arith.extui %gt3A_534 : i1 to i32
    %cond3A_536 = arith.constant 0 : i32
    %cond3A_537 = arith.cmpi ne, %convert_element_type3A_535, %cond3A_536 : i32
    scf.if %cond3A_537 {
      %dma_wait3A_584 = arith.constant 0 : i32
      %dma_wait3A_585 = arith.constant 0 : i32
      %dma_wait3A_586 = tpu.memref_slice %arg3[%dma_wait3A_584, %dma_wait3A_585] : memref<2500x128xi32, #tpu.memory_space<hbm>> -> memref<1x128xi32, #tpu.memory_space<hbm>>
      %dma_wait3A_587 = tpu.memref_squeeze %dma_wait3A_586 : memref<1x128xi32, #tpu.memory_space<hbm>> -> memref<128xi32, #tpu.memory_space<hbm>>
      %dma_wait3A_588 = arith.constant 0 : i32
      %dma_wait3A_589 = tpu.memref_slice %arg3[%dma_wait3A_584, %dma_wait3A_588] : memref<2500x128xi32, #tpu.memory_space<hbm>> -> memref<1x128xi32, #tpu.memory_space<hbm>>
      %dma_wait3A_590 = tpu.memref_squeeze %dma_wait3A_589 : memref<1x128xi32, #tpu.memory_space<hbm>> -> memref<128xi32, #tpu.memory_space<hbm>>
      tpu.wait_dma2 semaphore(%arg23 : memref<!tpu.dma_semaphore, #tpu.memory_space<semaphore_mem>>) src(%dma_wait3A_590 : memref<128xi32, #tpu.memory_space<hbm>>) dst(%arg8 : memref<128xi32, #tpu.memory_space<vmem>>)
      %dma_wait3A_591 = arith.constant 0 : i32
      %dma_wait3A_592 = arith.constant 0 : i32
      %dma_wait3A_593 = tpu.memref_slice %arg4[%dma_wait3A_591, %dma_wait3A_592] : memref<2500x128xi32, #tpu.memory_space<hbm>> -> memref<1x128xi32, #tpu.memory_space<hbm>>
      %dma_wait3A_594 = tpu.memref_squeeze %dma_wait3A_593 : memref<1x128xi32, #tpu.memory_space<hbm>> -> memref<128xi32, #tpu.memory_space<hbm>>
      %dma_wait3A_595 = arith.constant 0 : i32
      %dma_wait3A_596 = tpu.memref_slice %arg4[%dma_wait3A_591, %dma_wait3A_595] : memref<2500x128xi32, #tpu.memory_space<hbm>> -> memref<1x128xi32, #tpu.memory_space<hbm>>
      %dma_wait3A_597 = tpu.memref_squeeze %dma_wait3A_596 : memref<1x128xi32, #tpu.memory_space<hbm>> -> memref<128xi32, #tpu.memory_space<hbm>>
      tpu.wait_dma2 semaphore(%arg23 : memref<!tpu.dma_semaphore, #tpu.memory_space<semaphore_mem>>) src(%dma_wait3A_597 : memref<128xi32, #tpu.memory_space<hbm>>) dst(%arg14 : memref<128xi32, #tpu.memory_space<vmem>>)
      %dma_start3A_598 = arith.constant 0 : i32
      %dma_start3A_599 = arith.constant 0 : i32
      %dma_start3A_600 = tpu.memref_slice %arg2[%dma_start3A_598, %dma_start3A_599] : memref<10000x128xf32, #tpu.memory_space<hbm>> -> memref<10000x128xf32, #tpu.memory_space<hbm>>
      tpu.enqueue_indirect_dma source(%dma_start3A_600 : memref<10000x128xf32, #tpu.memory_space<hbm>>) target(%arg20 : memref<128x128xf32, #tpu.memory_space<vmem>>) offsets(%arg8 : memref<128xi32, #tpu.memory_space<vmem>>) semaphore(%arg29 : memref<!tpu.dma_semaphore, #tpu.memory_space<semaphore_mem>>)
    } else {
    }
    %dma_wait3A_538 = arith.constant 0 : i32
    %dma_wait3A_539 = arith.constant 0 : i32
    %dma_wait3A_540 = tpu.memref_slice %arg2[%dma_wait3A_538, %dma_wait3A_539] : memref<10000x128xf32, #tpu.memory_space<hbm>> -> memref<128x128xf32, #tpu.memory_space<hbm>>
    %dma_wait3A_541 = arith.constant 0 : i32
    %dma_wait3A_542 = arith.constant 0 : i32
    %dma_wait3A_543 = tpu.memref_slice %arg2[%dma_wait3A_541, %dma_wait3A_542] : memref<10000x128xf32, #tpu.memory_space<hbm>> -> memref<128x128xf32, #tpu.memory_space<hbm>>
    tpu.wait_dma2 semaphore(%arg30 : memref<!tpu.dma_semaphore, #tpu.memory_space<semaphore_mem>>) src(%dma_wait3A_543 : memref<128x128xf32, #tpu.memory_space<hbm>>) dst(%arg21 : memref<128x128xf32, #tpu.memory_space<vmem>>)
    %dma_start3A_544 = arith.constant 0 : i32
    %dma_start3A_545 = arith.constant 0 : i32
    %dma_start3A_546 = tpu.memref_slice %arg7[%dma_start3A_544, %dma_start3A_545] : memref<10000x128xf32, #tpu.memory_space<vmem_shared>> -> memref<10000x128xf32, #tpu.memory_space<vmem_shared>>
    tpu.enqueue_indirect_dma source(%arg21 : memref<128x128xf32, #tpu.memory_space<vmem>>) target(%dma_start3A_546 : memref<10000x128xf32, #tpu.memory_space<vmem_shared>>) offsets(%arg18 : memref<128xi32, #tpu.memory_space<vmem>>) semaphore(%arg33 : memref<!tpu.dma_semaphore, #tpu.memory_space<semaphore_mem>>) {add = true}
    %dma_wait3A_547 = arith.constant 0 : i32
    %dma_wait3A_548 = arith.constant 0 : i32
    %dma_wait3A_549 = tpu.memref_slice %arg7[%dma_wait3A_547, %dma_wait3A_548] : memref<10000x128xf32, #tpu.memory_space<vmem_shared>> -> memref<10000x128xf32, #tpu.memory_space<vmem_shared>>
    tpu.wait_indirect_dma semaphore(%arg33 : memref<!tpu.dma_semaphore, #tpu.memory_space<semaphore_mem>>) src(%arg21 : memref<128x128xf32, #tpu.memory_space<vmem>>) dst(%dma_wait3A_549 : memref<10000x128xf32, #tpu.memory_space<vmem_shared>>)
    %dma_wait3A_550 = arith.constant 0 : i32
    %dma_wait3A_551 = arith.constant 0 : i32
    %dma_wait3A_552 = tpu.memref_slice %arg2[%dma_wait3A_550, %dma_wait3A_551] : memref<10000x128xf32, #tpu.memory_space<hbm>> -> memref<128x128xf32, #tpu.memory_space<hbm>>
    %dma_wait3A_553 = arith.constant 0 : i32
    %dma_wait3A_554 = arith.constant 0 : i32
    %dma_wait3A_555 = tpu.memref_slice %arg2[%dma_wait3A_553, %dma_wait3A_554] : memref<10000x128xf32, #tpu.memory_space<hbm>> -> memref<128x128xf32, #tpu.memory_space<hbm>>
    tpu.wait_dma2 semaphore(%arg31 : memref<!tpu.dma_semaphore, #tpu.memory_space<semaphore_mem>>) src(%dma_wait3A_555 : memref<128x128xf32, #tpu.memory_space<hbm>>) dst(%arg22 : memref<128x128xf32, #tpu.memory_space<vmem>>)
    %dma_start3A_556 = arith.constant 0 : i32
    %dma_start3A_557 = arith.constant 0 : i32
    %dma_start3A_558 = tpu.memref_slice %arg7[%dma_start3A_556, %dma_start3A_557] : memref<10000x128xf32, #tpu.memory_space<vmem_shared>> -> memref<10000x128xf32, #tpu.memory_space<vmem_shared>>
    tpu.enqueue_indirect_dma source(%arg22 : memref<128x128xf32, #tpu.memory_space<vmem>>) target(%dma_start3A_558 : memref<10000x128xf32, #tpu.memory_space<vmem_shared>>) offsets(%arg19 : memref<128xi32, #tpu.memory_space<vmem>>) semaphore(%arg34 : memref<!tpu.dma_semaphore, #tpu.memory_space<semaphore_mem>>) {add = true}
    %lt3A_559 = arith.constant 4 : i32
    %lt3A_560 = arith.cmpi slt, %add3A, %lt3A_559 : i32
    %convert_element_type3A_561 = arith.extui %lt3A_560 : i1 to i32
    %cond3A_562 = arith.constant 0 : i32
    %cond3A_563 = arith.cmpi ne, %convert_element_type3A_561, %cond3A_562 : i32
    scf.if %cond3A_563 {
      %dma_wait3A_584 = arith.constant 0 : i32
      %dma_wait3A_585 = arith.constant 0 : i32
      %dma_wait3A_586 = tpu.memref_slice %arg7[%dma_wait3A_584, %dma_wait3A_585] : memref<10000x128xf32, #tpu.memory_space<vmem_shared>> -> memref<10000x128xf32, #tpu.memory_space<vmem_shared>>
      tpu.wait_indirect_dma semaphore(%arg34 : memref<!tpu.dma_semaphore, #tpu.memory_space<semaphore_mem>>) src(%arg22 : memref<128x128xf32, #tpu.memory_space<vmem>>) dst(%dma_wait3A_586 : memref<10000x128xf32, #tpu.memory_space<vmem_shared>>)
      %dma_wait3A_587 = arith.constant 0 : i32
      %dma_wait3A_588 = arith.constant 0 : i32
      %dma_wait3A_589 = tpu.memref_slice %arg2[%dma_wait3A_587, %dma_wait3A_588] : memref<10000x128xf32, #tpu.memory_space<hbm>> -> memref<128x128xf32, #tpu.memory_space<hbm>>
      %dma_wait3A_590 = arith.constant 0 : i32
      %dma_wait3A_591 = arith.constant 0 : i32
      %dma_wait3A_592 = tpu.memref_slice %arg2[%dma_wait3A_590, %dma_wait3A_591] : memref<10000x128xf32, #tpu.memory_space<hbm>> -> memref<128x128xf32, #tpu.memory_space<hbm>>
      tpu.wait_dma2 semaphore(%arg29 : memref<!tpu.dma_semaphore, #tpu.memory_space<semaphore_mem>>) src(%dma_wait3A_592 : memref<128x128xf32, #tpu.memory_space<hbm>>) dst(%arg20 : memref<128x128xf32, #tpu.memory_space<vmem>>)
      %dma_start3A_593 = arith.constant 0 : i32
      %dma_start3A_594 = arith.constant 0 : i32
      %dma_start3A_595 = tpu.memref_slice %arg7[%dma_start3A_593, %dma_start3A_594] : memref<10000x128xf32, #tpu.memory_space<vmem_shared>> -> memref<10000x128xf32, #tpu.memory_space<vmem_shared>>
      tpu.enqueue_indirect_dma source(%arg20 : memref<128x128xf32, #tpu.memory_space<vmem>>) target(%dma_start3A_595 : memref<10000x128xf32, #tpu.memory_space<vmem_shared>>) offsets(%arg14 : memref<128xi32, #tpu.memory_space<vmem>>) semaphore(%arg32 : memref<!tpu.dma_semaphore, #tpu.memory_space<semaphore_mem>>) {add = true}
    } else {
    }
    %lt3A_564 = arith.constant 4 : i32
    %lt3A_565 = arith.cmpi slt, %add3A, %lt3A_564 : i32
    %convert_element_type3A_566 = arith.extui %lt3A_565 : i1 to i32
    %cond3A_567 = arith.constant 0 : i32
    %cond3A_568 = arith.cmpi ne, %convert_element_type3A_566, %cond3A_567 : i32
    scf.if %cond3A_568 {
      %dma_wait3A_584 = arith.constant 0 : i32
      %dma_wait3A_585 = arith.constant 0 : i32
      %dma_wait3A_586 = tpu.memref_slice %arg7[%dma_wait3A_584, %dma_wait3A_585] : memref<10000x128xf32, #tpu.memory_space<vmem_shared>> -> memref<10000x128xf32, #tpu.memory_space<vmem_shared>>
      tpu.wait_indirect_dma semaphore(%arg32 : memref<!tpu.dma_semaphore, #tpu.memory_space<semaphore_mem>>) src(%arg20 : memref<128x128xf32, #tpu.memory_space<vmem>>) dst(%dma_wait3A_586 : memref<10000x128xf32, #tpu.memory_space<vmem_shared>>)
    } else {
    }
    %ge3A = arith.constant 4 : i32
    %ge3A_569 = arith.cmpi sge, %add3A, %ge3A : i32
    %convert_element_type3A_570 = arith.extui %ge3A_569 : i1 to i32
    %cond3A_571 = arith.constant 0 : i32
    %cond3A_572 = arith.cmpi ne, %convert_element_type3A_570, %cond3A_571 : i32
    scf.if %cond3A_572 {
      %dma_wait3A_584 = arith.constant 0 : i32
      %dma_wait3A_585 = arith.constant 0 : i32
      %dma_wait3A_586 = tpu.memref_slice %arg7[%dma_wait3A_584, %dma_wait3A_585] : memref<10000x128xf32, #tpu.memory_space<vmem_shared>> -> memref<10000x128xf32, #tpu.memory_space<vmem_shared>>
      tpu.wait_indirect_dma semaphore(%arg34 : memref<!tpu.dma_semaphore, #tpu.memory_space<semaphore_mem>>) src(%arg22 : memref<128x128xf32, #tpu.memory_space<vmem>>) dst(%dma_wait3A_586 : memref<10000x128xf32, #tpu.memory_space<vmem_shared>>)
    } else {
    }
    %barrier3A_573 = arith.constant 0 : index
    tpu.barrier barrier_id(%barrier3A_573)
    %lt3A_574 = arith.constant 15 : i32
    %lt3A_575 = arith.cmpi slt, %arg1, %lt3A_574 : i32
    %convert_element_type3A_576 = arith.extui %lt3A_575 : i1 to i32
    %cond3A_577 = arith.constant 0 : i32
    %cond3A_578 = arith.cmpi ne, %convert_element_type3A_576, %cond3A_577 : i32
    scf.if %cond3A_578 {
      %mul3A_584 = arith.constant 632 : i32
      %mul3A_585 = arith.muli %arg1, %mul3A_584 : i32
      %mul3A_586 = arith.constant 632 : i32
      %mul3A_587 = arith.muli %arg1, %mul3A_586 : i32
      "tpu.region"() ({
        %run_scoped3A = tpu.sem_alloc : memref<!tpu.dma_semaphore, #tpu.memory_space<semaphore_mem>>
        %dma_start3A_588 = arith.constant 0 : i32
        %dma_start3A_589 = arith.constant 0 : i32
        %dma_start3A_590 = tpu.memref_slice %arg6[%arg0, %dma_start3A_588, %dma_start3A_589] : memref<2x10000x128xf32, #tpu.memory_space<hbm>> -> memref<1x10000x128xf32, #tpu.memory_space<hbm>>
        %dma_start3A_591 = tpu.memref_squeeze %dma_start3A_590 : memref<1x10000x128xf32, #tpu.memory_space<hbm>> -> memref<10000x128xf32, #tpu.memory_space<hbm>>
        %dma_start3A_592 = arith.constant 0 : i32
        %dma_start3A_593 = tpu.memref_slice %dma_start3A_591[%mul3A_587, %dma_start3A_592] : memref<10000x128xf32, #tpu.memory_space<hbm>> -> memref<632x128xf32, #tpu.memory_space<hbm>>
        %dma_start3A_594 = arith.constant 0 : i32
        %dma_start3A_595 = tpu.memref_slice %arg7[%mul3A_585, %dma_start3A_594] : memref<10000x128xf32, #tpu.memory_space<vmem_shared>> -> memref<632x128xf32, #tpu.memory_space<vmem_shared>>
        tpu.enqueue_dma source(%dma_start3A_595 : memref<632x128xf32, #tpu.memory_space<vmem_shared>>) target(%dma_start3A_593 : memref<632x128xf32, #tpu.memory_space<hbm>>) target_semaphore(%run_scoped3A : memref<!tpu.dma_semaphore, #tpu.memory_space<semaphore_mem>>)
        %dma_wait3A_596 = arith.constant 0 : i32
        %dma_wait3A_597 = arith.constant 0 : i32
        %dma_wait3A_598 = tpu.memref_slice %arg6[%arg0, %dma_wait3A_596, %dma_wait3A_597] : memref<2x10000x128xf32, #tpu.memory_space<hbm>> -> memref<1x10000x128xf32, #tpu.memory_space<hbm>>
        %dma_wait3A_599 = tpu.memref_squeeze %dma_wait3A_598 : memref<1x10000x128xf32, #tpu.memory_space<hbm>> -> memref<10000x128xf32, #tpu.memory_space<hbm>>
        %dma_wait3A_600 = arith.constant 0 : i32
        %dma_wait3A_601 = tpu.memref_slice %dma_wait3A_599[%mul3A_587, %dma_wait3A_600] : memref<10000x128xf32, #tpu.memory_space<hbm>> -> memref<632x128xf32, #tpu.memory_space<hbm>>
        %dma_wait3A_602 = arith.constant 0 : i32
        %dma_wait3A_603 = tpu.memref_slice %arg7[%mul3A_585, %dma_wait3A_602] : memref<10000x128xf32, #tpu.memory_space<vmem_shared>> -> memref<632x128xf32, #tpu.memory_space<vmem_shared>>
        tpu.wait_dma2 semaphore(%run_scoped3A : memref<!tpu.dma_semaphore, #tpu.memory_space<semaphore_mem>>) src(%dma_wait3A_603 : memref<632x128xf32, #tpu.memory_space<vmem_shared>>) dst(%dma_wait3A_601 : memref<632x128xf32, #tpu.memory_space<hbm>>)
        tpu.yield
      }) : () -> ()
    } else {
    }
    %eq3A_579 = arith.constant 15 : i32
    %eq3A_580 = arith.cmpi eq, %arg1, %eq3A_579 : i32
    %convert_element_type3A_581 = arith.extui %eq3A_580 : i1 to i32
    %cond3A_582 = arith.constant 0 : i32
    %cond3A_583 = arith.cmpi ne, %convert_element_type3A_581, %cond3A_582 : i32
    scf.if %cond3A_583 {
      "tpu.region"() ({
        %run_scoped3A = tpu.sem_alloc : memref<!tpu.dma_semaphore, #tpu.memory_space<semaphore_mem>>
        %dma_start3A_584 = arith.constant 0 : i32
        %dma_start3A_585 = arith.constant 0 : i32
        %dma_start3A_586 = tpu.memref_slice %arg6[%arg0, %dma_start3A_584, %dma_start3A_585] : memref<2x10000x128xf32, #tpu.memory_space<hbm>> -> memref<1x10000x128xf32, #tpu.memory_space<hbm>>
        %dma_start3A_587 = tpu.memref_squeeze %dma_start3A_586 : memref<1x10000x128xf32, #tpu.memory_space<hbm>> -> memref<10000x128xf32, #tpu.memory_space<hbm>>
        %dma_start3A_588 = arith.constant 9480 : i32
        %dma_start3A_589 = arith.constant 0 : i32
        %dma_start3A_590 = tpu.memref_slice %dma_start3A_587[%dma_start3A_588, %dma_start3A_589] : memref<10000x128xf32, #tpu.memory_space<hbm>> -> memref<520x128xf32, #tpu.memory_space<hbm>>
        %dma_start3A_591 = arith.constant 9480 : i32
        %dma_start3A_592 = arith.constant 0 : i32
        %dma_start3A_593 = tpu.memref_slice %arg7[%dma_start3A_591, %dma_start3A_592] : memref<10000x128xf32, #tpu.memory_space<vmem_shared>> -> memref<520x128xf32, #tpu.memory_space<vmem_shared>>
        tpu.enqueue_dma source(%dma_start3A_593 : memref<520x128xf32, #tpu.memory_space<vmem_shared>>) target(%dma_start3A_590 : memref<520x128xf32, #tpu.memory_space<hbm>>) target_semaphore(%run_scoped3A : memref<!tpu.dma_semaphore, #tpu.memory_space<semaphore_mem>>)
        %dma_wait3A_594 = arith.constant 0 : i32
        %dma_wait3A_595 = arith.constant 0 : i32
        %dma_wait3A_596 = tpu.memref_slice %arg6[%arg0, %dma_wait3A_594, %dma_wait3A_595] : memref<2x10000x128xf32, #tpu.memory_space<hbm>> -> memref<1x10000x128xf32, #tpu.memory_space<hbm>>
        %dma_wait3A_597 = tpu.memref_squeeze %dma_wait3A_596 : memref<1x10000x128xf32, #tpu.memory_space<hbm>> -> memref<10000x128xf32, #tpu.memory_space<hbm>>
        %dma_wait3A_598 = arith.constant 9480 : i32
        %dma_wait3A_599 = arith.constant 0 : i32
        %dma_wait3A_600 = tpu.memref_slice %dma_wait3A_597[%dma_wait3A_598, %dma_wait3A_599] : memref<10000x128xf32, #tpu.memory_space<hbm>> -> memref<520x128xf32, #tpu.memory_space<hbm>>
        %dma_wait3A_601 = arith.constant 9480 : i32
        %dma_wait3A_602 = arith.constant 0 : i32
        %dma_wait3A_603 = tpu.memref_slice %arg7[%dma_wait3A_601, %dma_wait3A_602] : memref<10000x128xf32, #tpu.memory_space<vmem_shared>> -> memref<520x128xf32, #tpu.memory_space<vmem_shared>>
        tpu.wait_dma2 semaphore(%run_scoped3A : memref<!tpu.dma_semaphore, #tpu.memory_space<semaphore_mem>>) src(%dma_wait3A_603 : memref<520x128xf32, #tpu.memory_space<vmem_shared>>) dst(%dma_wait3A_600 : memref<520x128xf32, #tpu.memory_space<hbm>>)
        tpu.yield
      }) : () -> ()
    } else {
    }
    return
  }
}

#map = affine_map<(d0, d1) -> (0, 0)>
#map1 = affine_map<(d0, d1) -> (0, 0, 0)>
module attributes {stable_mosaic.version = 14 : i64} {
  func.func @seg_kernel(%arg0: i32, %arg1: i32, %arg2: memref<10000x128xf32, #tpu.memory_space<hbm>>, %arg3: memref<2500x128xi32, #tpu.memory_space<hbm>>, %arg4: memref<2500x128xi32, #tpu.memory_space<hbm>>, %arg5: memref<632x128xf32, #tpu.memory_space<hbm>>, %arg6: memref<2x10000x128xf32, #tpu.memory_space<hbm>>, %arg7: memref<10000x128xf32, #tpu.memory_space<vmem_shared>>, %arg8: memref<128xi32, #tpu.memory_space<vmem>>, %arg9: memref<128xi32, #tpu.memory_space<vmem>>, %arg10: memref<128xi32, #tpu.memory_space<vmem>>, %arg11: memref<128xi32, #tpu.memory_space<vmem>>, %arg12: memref<128xi32, #tpu.memory_space<vmem>>, %arg13: memref<128xi32, #tpu.memory_space<vmem>>, %arg14: memref<128xi32, #tpu.memory_space<vmem>>, %arg15: memref<128xi32, #tpu.memory_space<vmem>>, %arg16: memref<128xi32, #tpu.memory_space<vmem>>, %arg17: memref<128xi32, #tpu.memory_space<vmem>>, %arg18: memref<128xi32, #tpu.memory_space<vmem>>, %arg19: memref<128xi32, #tpu.memory_space<vmem>>, %arg20: memref<128x128xf32, #tpu.memory_space<vmem>>, %arg21: memref<128x128xf32, #tpu.memory_space<vmem>>, %arg22: memref<128x128xf32, #tpu.memory_space<vmem>>, %arg23: memref<!tpu.dma_semaphore, #tpu.memory_space<semaphore_mem>>, %arg24: memref<!tpu.dma_semaphore, #tpu.memory_space<semaphore_mem>>, %arg25: memref<!tpu.dma_semaphore, #tpu.memory_space<semaphore_mem>>, %arg26: memref<!tpu.dma_semaphore, #tpu.memory_space<semaphore_mem>>, %arg27: memref<!tpu.dma_semaphore, #tpu.memory_space<semaphore_mem>>, %arg28: memref<!tpu.dma_semaphore, #tpu.memory_space<semaphore_mem>>, %arg29: memref<!tpu.dma_semaphore, #tpu.memory_space<semaphore_mem>>, %arg30: memref<!tpu.dma_semaphore, #tpu.memory_space<semaphore_mem>>, %arg31: memref<!tpu.dma_semaphore, #tpu.memory_space<semaphore_mem>>, %arg32: memref<!tpu.dma_semaphore, #tpu.memory_space<semaphore_mem>>, %arg33: memref<!tpu.dma_semaphore, #tpu.memory_space<semaphore_mem>>, %arg34: memref<!tpu.dma_semaphore, #tpu.memory_space<semaphore_mem>>) attributes {dimension_semantics = [#tpu.dimension_semantics<core_parallel>, #tpu.dimension_semantics<subcore_parallel>], iteration_bounds = array<i64: 2, 16>, scalar_prefetch = 0 : i64, scratch_operands = 28 : i64, tpu.core_type = #tpu.core_type<sc_vector_subcore>, window_params = [{transform_indices = #map}, {transform_indices = #map}, {transform_indices = #map}, {transform_indices = #map}, {transform_indices = #map1}]} {
    %mul3A = arith.constant 16 : i32
    %mul3A_0 = arith.muli %arg0, %mul3A : i32
    %add3A = arith.addi %mul3A_0, %arg1 : i32
    %lt3A = arith.constant 4 : i32
    %lt3A_1 = arith.cmpi slt, %add3A, %lt3A : i32
    %jit3A = arith.constant 79 : i32
    %jit3A_2 = arith.constant 78 : i32
    %select_n3A = arith.select %lt3A_1, %jit3A, %jit3A_2 : i32
    %lt3A_3 = arith.constant 15 : i32
    %lt3A_4 = arith.cmpi slt, %arg1, %lt3A_3 : i32
    %convert_element_type3A = arith.extui %lt3A_4 : i1 to i32
    %cond3A = arith.constant 0 : i32
    %cond3A_5 = arith.cmpi ne, %convert_element_type3A, %cond3A : i32
    scf.if %cond3A_5 {
      %mul3A_584 = arith.constant 632 : i32
      %mul3A_585 = arith.muli %arg1, %mul3A_584 : i32
      "tpu.region"() ({
        %run_scoped3A = tpu.sem_alloc : memref<!tpu.dma_semaphore, #tpu.memory_space<semaphore_mem>>
        %dma_start3A_586 = arith.constant 0 : i32
        %dma_start3A_587 = tpu.memref_slice %arg7[%mul3A_585, %dma_start3A_586] : memref<10000x128xf32, #tpu.memory_space<vmem_shared>> -> memref<632x128xf32, #tpu.memory_space<vmem_shared>>
        tpu.enqueue_dma source(%arg5 : memref<632x128xf32, #tpu.memory_space<hbm>>) target(%dma_start3A_587 : memref<632x128xf32, #tpu.memory_space<vmem_shared>>) target_semaphore(%run_scoped3A : memref<!tpu.dma_semaphore, #tpu.memory_space<semaphore_mem>>)
        %dma_wait3A_588 = arith.constant 0 : i32
        %dma_wait3A_589 = tpu.memref_slice %arg7[%mul3A_585, %dma_wait3A_588] : memref<10000x128xf32, #tpu.memory_space<vmem_shared>> -> memref<632x128xf32, #tpu.memory_space<vmem_shared>>
        tpu.wait_dma2 semaphore(%run_scoped3A : memref<!tpu.dma_semaphore, #tpu.memory_space<semaphore_mem>>) src(%arg5 : memref<632x128xf32, #tpu.memory_space<hbm>>) dst(%dma_wait3A_589 : memref<632x128xf32, #tpu.memory_space<vmem_shared>>)
        tpu.yield
      }) : () -> ()
    } else {
    }
    %eq3A = arith.constant 15 : i32
    %eq3A_6 = arith.cmpi eq, %arg1, %eq3A : i32
    %convert_element_type3A_7 = arith.extui %eq3A_6 : i1 to i32
    %cond3A_8 = arith.constant 0 : i32
    %cond3A_9 = arith.cmpi ne, %convert_element_type3A_7, %cond3A_8 : i32
    scf.if %cond3A_9 {
      "tpu.region"() ({
        %run_scoped3A = tpu.sem_alloc : memref<!tpu.dma_semaphore, #tpu.memory_space<semaphore_mem>>
        %dma_start3A_584 = arith.constant 9480 : i32
        %dma_start3A_585 = arith.constant 0 : i32
        %dma_start3A_586 = tpu.memref_slice %arg7[%dma_start3A_584, %dma_start3A_585] : memref<10000x128xf32, #tpu.memory_space<vmem_shared>> -> memref<520x128xf32, #tpu.memory_space<vmem_shared>>
        %dma_start3A_587 = arith.constant 0 : i32
        %dma_start3A_588 = arith.constant 0 : i32
        %dma_start3A_589 = tpu.memref_slice %arg5[%dma_start3A_587, %dma_start3A_588] : memref<632x128xf32, #tpu.memory_space<hbm>> -> memref<520x128xf32, #tpu.memory_space<hbm>>
        tpu.enqueue_dma source(%dma_start3A_589 : memref<520x128xf32, #tpu.memory_space<hbm>>) target(%dma_start3A_586 : memref<520x128xf32, #tpu.memory_space<vmem_shared>>) target_semaphore(%run_scoped3A : memref<!tpu.dma_semaphore, #tpu.memory_space<semaphore_mem>>)
        %dma_wait3A_590 = arith.constant 9480 : i32
        %dma_wait3A_591 = arith.constant 0 : i32
        %dma_wait3A_592 = tpu.memref_slice %arg7[%dma_wait3A_590, %dma_wait3A_591] : memref<10000x128xf32, #tpu.memory_space<vmem_shared>> -> memref<520x128xf32, #tpu.memory_space<vmem_shared>>
        %dma_wait3A_593 = arith.constant 0 : i32
        %dma_wait3A_594 = arith.constant 0 : i32
        %dma_wait3A_595 = tpu.memref_slice %arg5[%dma_wait3A_593, %dma_wait3A_594] : memref<632x128xf32, #tpu.memory_space<hbm>> -> memref<520x128xf32, #tpu.memory_space<hbm>>
        tpu.wait_dma2 semaphore(%run_scoped3A : memref<!tpu.dma_semaphore, #tpu.memory_space<semaphore_mem>>) src(%dma_wait3A_595 : memref<520x128xf32, #tpu.memory_space<hbm>>) dst(%dma_wait3A_592 : memref<520x128xf32, #tpu.memory_space<vmem_shared>>)
        tpu.yield
      }) : () -> ()
    } else {
    }
    %barrier3A = arith.constant 0 : index
    tpu.barrier barrier_id(%barrier3A)
    %add3A_10 = arith.constant 0 : i32
    %add3A_11 = arith.addi %add3A, %add3A_10 : i32
    %dma_start3A = arith.constant 0 : i32
    %dma_start3A_12 = tpu.memref_slice %arg3[%add3A_11, %dma_start3A] : memref<2500x128xi32, #tpu.memory_space<hbm>> -> memref<1x128xi32, #tpu.memory_space<hbm>>
    %dma_start3A_13 = tpu.memref_squeeze %dma_start3A_12 : memref<1x128xi32, #tpu.memory_space<hbm>> -> memref<128xi32, #tpu.memory_space<hbm>>
    %dma_start3A_14 = arith.constant 0 : i32
    %dma_start3A_15 = tpu.memref_slice %arg3[%add3A_11, %dma_start3A_14] : memref<2500x128xi32, #tpu.memory_space<hbm>> -> memref<1x128xi32, #tpu.memory_space<hbm>>
    %dma_start3A_16 = tpu.memref_squeeze %dma_start3A_15 : memref<1x128xi32, #tpu.memory_space<hbm>> -> memref<128xi32, #tpu.memory_space<hbm>>
    tpu.enqueue_dma source(%dma_start3A_16 : memref<128xi32, #tpu.memory_space<hbm>>) target(%arg8 : memref<128xi32, #tpu.memory_space<vmem>>) target_semaphore(%arg23 : memref<!tpu.dma_semaphore, #tpu.memory_space<semaphore_mem>>)
    %add3A_17 = arith.constant 0 : i32
    %add3A_18 = arith.addi %add3A, %add3A_17 : i32
    %dma_start3A_19 = arith.constant 0 : i32
    %dma_start3A_20 = tpu.memref_slice %arg4[%add3A_18, %dma_start3A_19] : memref<2500x128xi32, #tpu.memory_space<hbm>> -> memref<1x128xi32, #tpu.memory_space<hbm>>
    %dma_start3A_21 = tpu.memref_squeeze %dma_start3A_20 : memref<1x128xi32, #tpu.memory_space<hbm>> -> memref<128xi32, #tpu.memory_space<hbm>>
    %dma_start3A_22 = arith.constant 0 : i32
    %dma_start3A_23 = tpu.memref_slice %arg4[%add3A_18, %dma_start3A_22] : memref<2500x128xi32, #tpu.memory_space<hbm>> -> memref<1x128xi32, #tpu.memory_space<hbm>>
    %dma_start3A_24 = tpu.memref_squeeze %dma_start3A_23 : memref<1x128xi32, #tpu.memory_space<hbm>> -> memref<128xi32, #tpu.memory_space<hbm>>
    tpu.enqueue_dma source(%dma_start3A_24 : memref<128xi32, #tpu.memory_space<hbm>>) target(%arg14 : memref<128xi32, #tpu.memory_space<vmem>>) target_semaphore(%arg23 : memref<!tpu.dma_semaphore, #tpu.memory_space<semaphore_mem>>)
    %add3A_25 = arith.constant 32 : i32
    %add3A_26 = arith.addi %add3A, %add3A_25 : i32
    %dma_start3A_27 = arith.constant 0 : i32
    %dma_start3A_28 = tpu.memref_slice %arg3[%add3A_26, %dma_start3A_27] : memref<2500x128xi32, #tpu.memory_space<hbm>> -> memref<1x128xi32, #tpu.memory_space<hbm>>
    %dma_start3A_29 = tpu.memref_squeeze %dma_start3A_28 : memref<1x128xi32, #tpu.memory_space<hbm>> -> memref<128xi32, #tpu.memory_space<hbm>>
    %dma_start3A_30 = arith.constant 0 : i32
    %dma_start3A_31 = tpu.memref_slice %arg3[%add3A_26, %dma_start3A_30] : memref<2500x128xi32, #tpu.memory_space<hbm>> -> memref<1x128xi32, #tpu.memory_space<hbm>>
    %dma_start3A_32 = tpu.memref_squeeze %dma_start3A_31 : memref<1x128xi32, #tpu.memory_space<hbm>> -> memref<128xi32, #tpu.memory_space<hbm>>
    tpu.enqueue_dma source(%dma_start3A_32 : memref<128xi32, #tpu.memory_space<hbm>>) target(%arg9 : memref<128xi32, #tpu.memory_space<vmem>>) target_semaphore(%arg24 : memref<!tpu.dma_semaphore, #tpu.memory_space<semaphore_mem>>)
    %add3A_33 = arith.constant 32 : i32
    %add3A_34 = arith.addi %add3A, %add3A_33 : i32
    %dma_start3A_35 = arith.constant 0 : i32
    %dma_start3A_36 = tpu.memref_slice %arg4[%add3A_34, %dma_start3A_35] : memref<2500x128xi32, #tpu.memory_space<hbm>> -> memref<1x128xi32, #tpu.memory_space<hbm>>
    %dma_start3A_37 = tpu.memref_squeeze %dma_start3A_36 : memref<1x128xi32, #tpu.memory_space<hbm>> -> memref<128xi32, #tpu.memory_space<hbm>>
    %dma_start3A_38 = arith.constant 0 : i32
    %dma_start3A_39 = tpu.memref_slice %arg4[%add3A_34, %dma_start3A_38] : memref<2500x128xi32, #tpu.memory_space<hbm>> -> memref<1x128xi32, #tpu.memory_space<hbm>>
    %dma_start3A_40 = tpu.memref_squeeze %dma_start3A_39 : memref<1x128xi32, #tpu.memory_space<hbm>> -> memref<128xi32, #tpu.memory_space<hbm>>
    tpu.enqueue_dma source(%dma_start3A_40 : memref<128xi32, #tpu.memory_space<hbm>>) target(%arg15 : memref<128xi32, #tpu.memory_space<vmem>>) target_semaphore(%arg24 : memref<!tpu.dma_semaphore, #tpu.memory_space<semaphore_mem>>)
    %add3A_41 = arith.constant 64 : i32
    %add3A_42 = arith.addi %add3A, %add3A_41 : i32
    %dma_start3A_43 = arith.constant 0 : i32
    %dma_start3A_44 = tpu.memref_slice %arg3[%add3A_42, %dma_start3A_43] : memref<2500x128xi32, #tpu.memory_space<hbm>> -> memref<1x128xi32, #tpu.memory_space<hbm>>
    %dma_start3A_45 = tpu.memref_squeeze %dma_start3A_44 : memref<1x128xi32, #tpu.memory_space<hbm>> -> memref<128xi32, #tpu.memory_space<hbm>>
    %dma_start3A_46 = arith.constant 0 : i32
    %dma_start3A_47 = tpu.memref_slice %arg3[%add3A_42, %dma_start3A_46] : memref<2500x128xi32, #tpu.memory_space<hbm>> -> memref<1x128xi32, #tpu.memory_space<hbm>>
    %dma_start3A_48 = tpu.memref_squeeze %dma_start3A_47 : memref<1x128xi32, #tpu.memory_space<hbm>> -> memref<128xi32, #tpu.memory_space<hbm>>
    tpu.enqueue_dma source(%dma_start3A_48 : memref<128xi32, #tpu.memory_space<hbm>>) target(%arg10 : memref<128xi32, #tpu.memory_space<vmem>>) target_semaphore(%arg25 : memref<!tpu.dma_semaphore, #tpu.memory_space<semaphore_mem>>)
    %add3A_49 = arith.constant 64 : i32
    %add3A_50 = arith.addi %add3A, %add3A_49 : i32
    %dma_start3A_51 = arith.constant 0 : i32
    %dma_start3A_52 = tpu.memref_slice %arg4[%add3A_50, %dma_start3A_51] : memref<2500x128xi32, #tpu.memory_space<hbm>> -> memref<1x128xi32, #tpu.memory_space<hbm>>
    %dma_start3A_53 = tpu.memref_squeeze %dma_start3A_52 : memref<1x128xi32, #tpu.memory_space<hbm>> -> memref<128xi32, #tpu.memory_space<hbm>>
    %dma_start3A_54 = arith.constant 0 : i32
    %dma_start3A_55 = tpu.memref_slice %arg4[%add3A_50, %dma_start3A_54] : memref<2500x128xi32, #tpu.memory_space<hbm>> -> memref<1x128xi32, #tpu.memory_space<hbm>>
    %dma_start3A_56 = tpu.memref_squeeze %dma_start3A_55 : memref<1x128xi32, #tpu.memory_space<hbm>> -> memref<128xi32, #tpu.memory_space<hbm>>
    tpu.enqueue_dma source(%dma_start3A_56 : memref<128xi32, #tpu.memory_space<hbm>>) target(%arg16 : memref<128xi32, #tpu.memory_space<vmem>>) target_semaphore(%arg25 : memref<!tpu.dma_semaphore, #tpu.memory_space<semaphore_mem>>)
    %add3A_57 = arith.constant 96 : i32
    %add3A_58 = arith.addi %add3A, %add3A_57 : i32
    %dma_start3A_59 = arith.constant 0 : i32
    %dma_start3A_60 = tpu.memref_slice %arg3[%add3A_58, %dma_start3A_59] : memref<2500x128xi32, #tpu.memory_space<hbm>> -> memref<1x128xi32, #tpu.memory_space<hbm>>
    %dma_start3A_61 = tpu.memref_squeeze %dma_start3A_60 : memref<1x128xi32, #tpu.memory_space<hbm>> -> memref<128xi32, #tpu.memory_space<hbm>>
    %dma_start3A_62 = arith.constant 0 : i32
    %dma_start3A_63 = tpu.memref_slice %arg3[%add3A_58, %dma_start3A_62] : memref<2500x128xi32, #tpu.memory_space<hbm>> -> memref<1x128xi32, #tpu.memory_space<hbm>>
    %dma_start3A_64 = tpu.memref_squeeze %dma_start3A_63 : memref<1x128xi32, #tpu.memory_space<hbm>> -> memref<128xi32, #tpu.memory_space<hbm>>
    tpu.enqueue_dma source(%dma_start3A_64 : memref<128xi32, #tpu.memory_space<hbm>>) target(%arg11 : memref<128xi32, #tpu.memory_space<vmem>>) target_semaphore(%arg26 : memref<!tpu.dma_semaphore, #tpu.memory_space<semaphore_mem>>)
    %add3A_65 = arith.constant 96 : i32
    %add3A_66 = arith.addi %add3A, %add3A_65 : i32
    %dma_start3A_67 = arith.constant 0 : i32
    %dma_start3A_68 = tpu.memref_slice %arg4[%add3A_66, %dma_start3A_67] : memref<2500x128xi32, #tpu.memory_space<hbm>> -> memref<1x128xi32, #tpu.memory_space<hbm>>
    %dma_start3A_69 = tpu.memref_squeeze %dma_start3A_68 : memref<1x128xi32, #tpu.memory_space<hbm>> -> memref<128xi32, #tpu.memory_space<hbm>>
    %dma_start3A_70 = arith.constant 0 : i32
    %dma_start3A_71 = tpu.memref_slice %arg4[%add3A_66, %dma_start3A_70] : memref<2500x128xi32, #tpu.memory_space<hbm>> -> memref<1x128xi32, #tpu.memory_space<hbm>>
    %dma_start3A_72 = tpu.memref_squeeze %dma_start3A_71 : memref<1x128xi32, #tpu.memory_space<hbm>> -> memref<128xi32, #tpu.memory_space<hbm>>
    tpu.enqueue_dma source(%dma_start3A_72 : memref<128xi32, #tpu.memory_space<hbm>>) target(%arg17 : memref<128xi32, #tpu.memory_space<vmem>>) target_semaphore(%arg26 : memref<!tpu.dma_semaphore, #tpu.memory_space<semaphore_mem>>)
    %add3A_73 = arith.constant 128 : i32
    %add3A_74 = arith.addi %add3A, %add3A_73 : i32
    %dma_start3A_75 = arith.constant 0 : i32
    %dma_start3A_76 = tpu.memref_slice %arg3[%add3A_74, %dma_start3A_75] : memref<2500x128xi32, #tpu.memory_space<hbm>> -> memref<1x128xi32, #tpu.memory_space<hbm>>
    %dma_start3A_77 = tpu.memref_squeeze %dma_start3A_76 : memref<1x128xi32, #tpu.memory_space<hbm>> -> memref<128xi32, #tpu.memory_space<hbm>>
    %dma_start3A_78 = arith.constant 0 : i32
    %dma_start3A_79 = tpu.memref_slice %arg3[%add3A_74, %dma_start3A_78] : memref<2500x128xi32, #tpu.memory_space<hbm>> -> memref<1x128xi32, #tpu.memory_space<hbm>>
    %dma_start3A_80 = tpu.memref_squeeze %dma_start3A_79 : memref<1x128xi32, #tpu.memory_space<hbm>> -> memref<128xi32, #tpu.memory_space<hbm>>
    tpu.enqueue_dma source(%dma_start3A_80 : memref<128xi32, #tpu.memory_space<hbm>>) target(%arg12 : memref<128xi32, #tpu.memory_space<vmem>>) target_semaphore(%arg27 : memref<!tpu.dma_semaphore, #tpu.memory_space<semaphore_mem>>)
    %add3A_81 = arith.constant 128 : i32
    %add3A_82 = arith.addi %add3A, %add3A_81 : i32
    %dma_start3A_83 = arith.constant 0 : i32
    %dma_start3A_84 = tpu.memref_slice %arg4[%add3A_82, %dma_start3A_83] : memref<2500x128xi32, #tpu.memory_space<hbm>> -> memref<1x128xi32, #tpu.memory_space<hbm>>
    %dma_start3A_85 = tpu.memref_squeeze %dma_start3A_84 : memref<1x128xi32, #tpu.memory_space<hbm>> -> memref<128xi32, #tpu.memory_space<hbm>>
    %dma_start3A_86 = arith.constant 0 : i32
    %dma_start3A_87 = tpu.memref_slice %arg4[%add3A_82, %dma_start3A_86] : memref<2500x128xi32, #tpu.memory_space<hbm>> -> memref<1x128xi32, #tpu.memory_space<hbm>>
    %dma_start3A_88 = tpu.memref_squeeze %dma_start3A_87 : memref<1x128xi32, #tpu.memory_space<hbm>> -> memref<128xi32, #tpu.memory_space<hbm>>
    tpu.enqueue_dma source(%dma_start3A_88 : memref<128xi32, #tpu.memory_space<hbm>>) target(%arg18 : memref<128xi32, #tpu.memory_space<vmem>>) target_semaphore(%arg27 : memref<!tpu.dma_semaphore, #tpu.memory_space<semaphore_mem>>)
    %add3A_89 = arith.constant 160 : i32
    %add3A_90 = arith.addi %add3A, %add3A_89 : i32
    %dma_start3A_91 = arith.constant 0 : i32
    %dma_start3A_92 = tpu.memref_slice %arg3[%add3A_90, %dma_start3A_91] : memref<2500x128xi32, #tpu.memory_space<hbm>> -> memref<1x128xi32, #tpu.memory_space<hbm>>
    %dma_start3A_93 = tpu.memref_squeeze %dma_start3A_92 : memref<1x128xi32, #tpu.memory_space<hbm>> -> memref<128xi32, #tpu.memory_space<hbm>>
    %dma_start3A_94 = arith.constant 0 : i32
    %dma_start3A_95 = tpu.memref_slice %arg3[%add3A_90, %dma_start3A_94] : memref<2500x128xi32, #tpu.memory_space<hbm>> -> memref<1x128xi32, #tpu.memory_space<hbm>>
    %dma_start3A_96 = tpu.memref_squeeze %dma_start3A_95 : memref<1x128xi32, #tpu.memory_space<hbm>> -> memref<128xi32, #tpu.memory_space<hbm>>
    tpu.enqueue_dma source(%dma_start3A_96 : memref<128xi32, #tpu.memory_space<hbm>>) target(%arg13 : memref<128xi32, #tpu.memory_space<vmem>>) target_semaphore(%arg28 : memref<!tpu.dma_semaphore, #tpu.memory_space<semaphore_mem>>)
    %add3A_97 = arith.constant 160 : i32
    %add3A_98 = arith.addi %add3A, %add3A_97 : i32
    %dma_start3A_99 = arith.constant 0 : i32
    %dma_start3A_100 = tpu.memref_slice %arg4[%add3A_98, %dma_start3A_99] : memref<2500x128xi32, #tpu.memory_space<hbm>> -> memref<1x128xi32, #tpu.memory_space<hbm>>
    %dma_start3A_101 = tpu.memref_squeeze %dma_start3A_100 : memref<1x128xi32, #tpu.memory_space<hbm>> -> memref<128xi32, #tpu.memory_space<hbm>>
    %dma_start3A_102 = arith.constant 0 : i32
    %dma_start3A_103 = tpu.memref_slice %arg4[%add3A_98, %dma_start3A_102] : memref<2500x128xi32, #tpu.memory_space<hbm>> -> memref<1x128xi32, #tpu.memory_space<hbm>>
    %dma_start3A_104 = tpu.memref_squeeze %dma_start3A_103 : memref<1x128xi32, #tpu.memory_space<hbm>> -> memref<128xi32, #tpu.memory_space<hbm>>
    tpu.enqueue_dma source(%dma_start3A_104 : memref<128xi32, #tpu.memory_space<hbm>>) target(%arg19 : memref<128xi32, #tpu.memory_space<vmem>>) target_semaphore(%arg28 : memref<!tpu.dma_semaphore, #tpu.memory_space<semaphore_mem>>)
    %dma_wait3A = arith.constant 0 : i32
    %dma_wait3A_105 = arith.constant 0 : i32
    %dma_wait3A_106 = tpu.memref_slice %arg3[%dma_wait3A, %dma_wait3A_105] : memref<2500x128xi32, #tpu.memory_space<hbm>> -> memref<1x128xi32, #tpu.memory_space<hbm>>
    %dma_wait3A_107 = tpu.memref_squeeze %dma_wait3A_106 : memref<1x128xi32, #tpu.memory_space<hbm>> -> memref<128xi32, #tpu.memory_space<hbm>>
    %dma_wait3A_108 = arith.constant 0 : i32
    %dma_wait3A_109 = tpu.memref_slice %arg3[%dma_wait3A, %dma_wait3A_108] : memref<2500x128xi32, #tpu.memory_space<hbm>> -> memref<1x128xi32, #tpu.memory_space<hbm>>
    %dma_wait3A_110 = tpu.memref_squeeze %dma_wait3A_109 : memref<1x128xi32, #tpu.memory_space<hbm>> -> memref<128xi32, #tpu.memory_space<hbm>>
    tpu.wait_dma2 semaphore(%arg23 : memref<!tpu.dma_semaphore, #tpu.memory_space<semaphore_mem>>) src(%dma_wait3A_110 : memref<128xi32, #tpu.memory_space<hbm>>) dst(%arg8 : memref<128xi32, #tpu.memory_space<vmem>>)
    %dma_wait3A_111 = arith.constant 0 : i32
    %dma_wait3A_112 = arith.constant 0 : i32
    %dma_wait3A_113 = tpu.memref_slice %arg4[%dma_wait3A_111, %dma_wait3A_112] : memref<2500x128xi32, #tpu.memory_space<hbm>> -> memref<1x128xi32, #tpu.memory_space<hbm>>
    %dma_wait3A_114 = tpu.memref_squeeze %dma_wait3A_113 : memref<1x128xi32, #tpu.memory_space<hbm>> -> memref<128xi32, #tpu.memory_space<hbm>>
    %dma_wait3A_115 = arith.constant 0 : i32
    %dma_wait3A_116 = tpu.memref_slice %arg4[%dma_wait3A_111, %dma_wait3A_115] : memref<2500x128xi32, #tpu.memory_space<hbm>> -> memref<1x128xi32, #tpu.memory_space<hbm>>
    %dma_wait3A_117 = tpu.memref_squeeze %dma_wait3A_116 : memref<1x128xi32, #tpu.memory_space<hbm>> -> memref<128xi32, #tpu.memory_space<hbm>>
    tpu.wait_dma2 semaphore(%arg23 : memref<!tpu.dma_semaphore, #tpu.memory_space<semaphore_mem>>) src(%dma_wait3A_117 : memref<128xi32, #tpu.memory_space<hbm>>) dst(%arg14 : memref<128xi32, #tpu.memory_space<vmem>>)
    %dma_start3A_118 = arith.constant 0 : i32
    %dma_start3A_119 = arith.constant 0 : i32
    %dma_start3A_120 = tpu.memref_slice %arg2[%dma_start3A_118, %dma_start3A_119] : memref<10000x128xf32, #tpu.memory_space<hbm>> -> memref<10000x128xf32, #tpu.memory_space<hbm>>
    tpu.enqueue_indirect_dma source(%dma_start3A_120 : memref<10000x128xf32, #tpu.memory_space<hbm>>) target(%arg20 : memref<128x128xf32, #tpu.memory_space<vmem>>) offsets(%arg8 : memref<128xi32, #tpu.memory_space<vmem>>) semaphore(%arg29 : memref<!tpu.dma_semaphore, #tpu.memory_space<semaphore_mem>>)
    %dma_wait3A_121 = arith.constant 0 : i32
    %dma_wait3A_122 = arith.constant 0 : i32
    %dma_wait3A_123 = tpu.memref_slice %arg3[%dma_wait3A_121, %dma_wait3A_122] : memref<2500x128xi32, #tpu.memory_space<hbm>> -> memref<1x128xi32, #tpu.memory_space<hbm>>
    %dma_wait3A_124 = tpu.memref_squeeze %dma_wait3A_123 : memref<1x128xi32, #tpu.memory_space<hbm>> -> memref<128xi32, #tpu.memory_space<hbm>>
    %dma_wait3A_125 = arith.constant 0 : i32
    %dma_wait3A_126 = tpu.memref_slice %arg3[%dma_wait3A_121, %dma_wait3A_125] : memref<2500x128xi32, #tpu.memory_space<hbm>> -> memref<1x128xi32, #tpu.memory_space<hbm>>
    %dma_wait3A_127 = tpu.memref_squeeze %dma_wait3A_126 : memref<1x128xi32, #tpu.memory_space<hbm>> -> memref<128xi32, #tpu.memory_space<hbm>>
    tpu.wait_dma2 semaphore(%arg24 : memref<!tpu.dma_semaphore, #tpu.memory_space<semaphore_mem>>) src(%dma_wait3A_127 : memref<128xi32, #tpu.memory_space<hbm>>) dst(%arg9 : memref<128xi32, #tpu.memory_space<vmem>>)
    %dma_wait3A_128 = arith.constant 0 : i32
    %dma_wait3A_129 = arith.constant 0 : i32
    %dma_wait3A_130 = tpu.memref_slice %arg4[%dma_wait3A_128, %dma_wait3A_129] : memref<2500x128xi32, #tpu.memory_space<hbm>> -> memref<1x128xi32, #tpu.memory_space<hbm>>
    %dma_wait3A_131 = tpu.memref_squeeze %dma_wait3A_130 : memref<1x128xi32, #tpu.memory_space<hbm>> -> memref<128xi32, #tpu.memory_space<hbm>>
    %dma_wait3A_132 = arith.constant 0 : i32
    %dma_wait3A_133 = tpu.memref_slice %arg4[%dma_wait3A_128, %dma_wait3A_132] : memref<2500x128xi32, #tpu.memory_space<hbm>> -> memref<1x128xi32, #tpu.memory_space<hbm>>
    %dma_wait3A_134 = tpu.memref_squeeze %dma_wait3A_133 : memref<1x128xi32, #tpu.memory_space<hbm>> -> memref<128xi32, #tpu.memory_space<hbm>>
    tpu.wait_dma2 semaphore(%arg24 : memref<!tpu.dma_semaphore, #tpu.memory_space<semaphore_mem>>) src(%dma_wait3A_134 : memref<128xi32, #tpu.memory_space<hbm>>) dst(%arg15 : memref<128xi32, #tpu.memory_space<vmem>>)
    %dma_start3A_135 = arith.constant 0 : i32
    %dma_start3A_136 = arith.constant 0 : i32
    %dma_start3A_137 = tpu.memref_slice %arg2[%dma_start3A_135, %dma_start3A_136] : memref<10000x128xf32, #tpu.memory_space<hbm>> -> memref<10000x128xf32, #tpu.memory_space<hbm>>
    tpu.enqueue_indirect_dma source(%dma_start3A_137 : memref<10000x128xf32, #tpu.memory_space<hbm>>) target(%arg21 : memref<128x128xf32, #tpu.memory_space<vmem>>) offsets(%arg9 : memref<128xi32, #tpu.memory_space<vmem>>) semaphore(%arg30 : memref<!tpu.dma_semaphore, #tpu.memory_space<semaphore_mem>>)
    %dma_wait3A_138 = arith.constant 0 : i32
    %dma_wait3A_139 = arith.constant 0 : i32
    %dma_wait3A_140 = tpu.memref_slice %arg3[%dma_wait3A_138, %dma_wait3A_139] : memref<2500x128xi32, #tpu.memory_space<hbm>> -> memref<1x128xi32, #tpu.memory_space<hbm>>
    %dma_wait3A_141 = tpu.memref_squeeze %dma_wait3A_140 : memref<1x128xi32, #tpu.memory_space<hbm>> -> memref<128xi32, #tpu.memory_space<hbm>>
    %dma_wait3A_142 = arith.constant 0 : i32
    %dma_wait3A_143 = tpu.memref_slice %arg3[%dma_wait3A_138, %dma_wait3A_142] : memref<2500x128xi32, #tpu.memory_space<hbm>> -> memref<1x128xi32, #tpu.memory_space<hbm>>
    %dma_wait3A_144 = tpu.memref_squeeze %dma_wait3A_143 : memref<1x128xi32, #tpu.memory_space<hbm>> -> memref<128xi32, #tpu.memory_space<hbm>>
    tpu.wait_dma2 semaphore(%arg25 : memref<!tpu.dma_semaphore, #tpu.memory_space<semaphore_mem>>) src(%dma_wait3A_144 : memref<128xi32, #tpu.memory_space<hbm>>) dst(%arg10 : memref<128xi32, #tpu.memory_space<vmem>>)
    %dma_wait3A_145 = arith.constant 0 : i32
    %dma_wait3A_146 = arith.constant 0 : i32
    %dma_wait3A_147 = tpu.memref_slice %arg4[%dma_wait3A_145, %dma_wait3A_146] : memref<2500x128xi32, #tpu.memory_space<hbm>> -> memref<1x128xi32, #tpu.memory_space<hbm>>
    %dma_wait3A_148 = tpu.memref_squeeze %dma_wait3A_147 : memref<1x128xi32, #tpu.memory_space<hbm>> -> memref<128xi32, #tpu.memory_space<hbm>>
    %dma_wait3A_149 = arith.constant 0 : i32
    %dma_wait3A_150 = tpu.memref_slice %arg4[%dma_wait3A_145, %dma_wait3A_149] : memref<2500x128xi32, #tpu.memory_space<hbm>> -> memref<1x128xi32, #tpu.memory_space<hbm>>
    %dma_wait3A_151 = tpu.memref_squeeze %dma_wait3A_150 : memref<1x128xi32, #tpu.memory_space<hbm>> -> memref<128xi32, #tpu.memory_space<hbm>>
    tpu.wait_dma2 semaphore(%arg25 : memref<!tpu.dma_semaphore, #tpu.memory_space<semaphore_mem>>) src(%dma_wait3A_151 : memref<128xi32, #tpu.memory_space<hbm>>) dst(%arg16 : memref<128xi32, #tpu.memory_space<vmem>>)
    %dma_start3A_152 = arith.constant 0 : i32
    %dma_start3A_153 = arith.constant 0 : i32
    %dma_start3A_154 = tpu.memref_slice %arg2[%dma_start3A_152, %dma_start3A_153] : memref<10000x128xf32, #tpu.memory_space<hbm>> -> memref<10000x128xf32, #tpu.memory_space<hbm>>
    tpu.enqueue_indirect_dma source(%dma_start3A_154 : memref<10000x128xf32, #tpu.memory_space<hbm>>) target(%arg22 : memref<128x128xf32, #tpu.memory_space<vmem>>) offsets(%arg10 : memref<128xi32, #tpu.memory_space<vmem>>) semaphore(%arg31 : memref<!tpu.dma_semaphore, #tpu.memory_space<semaphore_mem>>)
    %dma_wait3A_155 = arith.constant 0 : i32
    %dma_wait3A_156 = arith.constant 0 : i32
    %dma_wait3A_157 = tpu.memref_slice %arg2[%dma_wait3A_155, %dma_wait3A_156] : memref<10000x128xf32, #tpu.memory_space<hbm>> -> memref<128x128xf32, #tpu.memory_space<hbm>>
    %dma_wait3A_158 = arith.constant 0 : i32
    %dma_wait3A_159 = arith.constant 0 : i32
    %dma_wait3A_160 = tpu.memref_slice %arg2[%dma_wait3A_158, %dma_wait3A_159] : memref<10000x128xf32, #tpu.memory_space<hbm>> -> memref<128x128xf32, #tpu.memory_space<hbm>>
    tpu.wait_dma2 semaphore(%arg29 : memref<!tpu.dma_semaphore, #tpu.memory_space<semaphore_mem>>) src(%dma_wait3A_160 : memref<128x128xf32, #tpu.memory_space<hbm>>) dst(%arg20 : memref<128x128xf32, #tpu.memory_space<vmem>>)
    %dma_start3A_161 = arith.constant 0 : i32
    %dma_start3A_162 = arith.constant 0 : i32
    %dma_start3A_163 = tpu.memref_slice %arg7[%dma_start3A_161, %dma_start3A_162] : memref<10000x128xf32, #tpu.memory_space<vmem_shared>> -> memref<10000x128xf32, #tpu.memory_space<vmem_shared>>
    tpu.enqueue_indirect_dma source(%arg20 : memref<128x128xf32, #tpu.memory_space<vmem>>) target(%dma_start3A_163 : memref<10000x128xf32, #tpu.memory_space<vmem_shared>>) offsets(%arg14 : memref<128xi32, #tpu.memory_space<vmem>>) semaphore(%arg32 : memref<!tpu.dma_semaphore, #tpu.memory_space<semaphore_mem>>) {add = true}
    %add3A_164 = arith.constant 192 : i32
    %add3A_165 = arith.addi %add3A, %add3A_164 : i32
    %dma_start3A_166 = arith.constant 0 : i32
    %dma_start3A_167 = tpu.memref_slice %arg3[%add3A_165, %dma_start3A_166] : memref<2500x128xi32, #tpu.memory_space<hbm>> -> memref<1x128xi32, #tpu.memory_space<hbm>>
    %dma_start3A_168 = tpu.memref_squeeze %dma_start3A_167 : memref<1x128xi32, #tpu.memory_space<hbm>> -> memref<128xi32, #tpu.memory_space<hbm>>
    %dma_start3A_169 = arith.constant 0 : i32
    %dma_start3A_170 = tpu.memref_slice %arg3[%add3A_165, %dma_start3A_169] : memref<2500x128xi32, #tpu.memory_space<hbm>> -> memref<1x128xi32, #tpu.memory_space<hbm>>
    %dma_start3A_171 = tpu.memref_squeeze %dma_start3A_170 : memref<1x128xi32, #tpu.memory_space<hbm>> -> memref<128xi32, #tpu.memory_space<hbm>>
    tpu.enqueue_dma source(%dma_start3A_171 : memref<128xi32, #tpu.memory_space<hbm>>) target(%arg8 : memref<128xi32, #tpu.memory_space<vmem>>) target_semaphore(%arg23 : memref<!tpu.dma_semaphore, #tpu.memory_space<semaphore_mem>>)
    %add3A_172 = arith.constant 192 : i32
    %add3A_173 = arith.addi %add3A, %add3A_172 : i32
    %dma_start3A_174 = arith.constant 0 : i32
    %dma_start3A_175 = tpu.memref_slice %arg4[%add3A_173, %dma_start3A_174] : memref<2500x128xi32, #tpu.memory_space<hbm>> -> memref<1x128xi32, #tpu.memory_space<hbm>>
    %dma_start3A_176 = tpu.memref_squeeze %dma_start3A_175 : memref<1x128xi32, #tpu.memory_space<hbm>> -> memref<128xi32, #tpu.memory_space<hbm>>
    %dma_start3A_177 = arith.constant 0 : i32
    %dma_start3A_178 = tpu.memref_slice %arg4[%add3A_173, %dma_start3A_177] : memref<2500x128xi32, #tpu.memory_space<hbm>> -> memref<1x128xi32, #tpu.memory_space<hbm>>
    %dma_start3A_179 = tpu.memref_squeeze %dma_start3A_178 : memref<1x128xi32, #tpu.memory_space<hbm>> -> memref<128xi32, #tpu.memory_space<hbm>>
    tpu.enqueue_dma source(%dma_start3A_179 : memref<128xi32, #tpu.memory_space<hbm>>) target(%arg14 : memref<128xi32, #tpu.memory_space<vmem>>) target_semaphore(%arg23 : memref<!tpu.dma_semaphore, #tpu.memory_space<semaphore_mem>>)
    %dma_wait3A_180 = arith.constant 0 : i32
    %dma_wait3A_181 = arith.constant 0 : i32
    %dma_wait3A_182 = tpu.memref_slice %arg7[%dma_wait3A_180, %dma_wait3A_181] : memref<10000x128xf32, #tpu.memory_space<vmem_shared>> -> memref<10000x128xf32, #tpu.memory_space<vmem_shared>>
    tpu.wait_indirect_dma semaphore(%arg32 : memref<!tpu.dma_semaphore, #tpu.memory_space<semaphore_mem>>) src(%arg20 : memref<128x128xf32, #tpu.memory_space<vmem>>) dst(%dma_wait3A_182 : memref<10000x128xf32, #tpu.memory_space<vmem_shared>>)
    %dma_wait3A_183 = arith.constant 0 : i32
    %dma_wait3A_184 = arith.constant 0 : i32
    %dma_wait3A_185 = tpu.memref_slice %arg3[%dma_wait3A_183, %dma_wait3A_184] : memref<2500x128xi32, #tpu.memory_space<hbm>> -> memref<1x128xi32, #tpu.memory_space<hbm>>
    %dma_wait3A_186 = tpu.memref_squeeze %dma_wait3A_185 : memref<1x128xi32, #tpu.memory_space<hbm>> -> memref<128xi32, #tpu.memory_space<hbm>>
    %dma_wait3A_187 = arith.constant 0 : i32
    %dma_wait3A_188 = tpu.memref_slice %arg3[%dma_wait3A_183, %dma_wait3A_187] : memref<2500x128xi32, #tpu.memory_space<hbm>> -> memref<1x128xi32, #tpu.memory_space<hbm>>
    %dma_wait3A_189 = tpu.memref_squeeze %dma_wait3A_188 : memref<1x128xi32, #tpu.memory_space<hbm>> -> memref<128xi32, #tpu.memory_space<hbm>>
    tpu.wait_dma2 semaphore(%arg26 : memref<!tpu.dma_semaphore, #tpu.memory_space<semaphore_mem>>) src(%dma_wait3A_189 : memref<128xi32, #tpu.memory_space<hbm>>) dst(%arg11 : memref<128xi32, #tpu.memory_space<vmem>>)
    %dma_wait3A_190 = arith.constant 0 : i32
    %dma_wait3A_191 = arith.constant 0 : i32
    %dma_wait3A_192 = tpu.memref_slice %arg4[%dma_wait3A_190, %dma_wait3A_191] : memref<2500x128xi32, #tpu.memory_space<hbm>> -> memref<1x128xi32, #tpu.memory_space<hbm>>
    %dma_wait3A_193 = tpu.memref_squeeze %dma_wait3A_192 : memref<1x128xi32, #tpu.memory_space<hbm>> -> memref<128xi32, #tpu.memory_space<hbm>>
    %dma_wait3A_194 = arith.constant 0 : i32
    %dma_wait3A_195 = tpu.memref_slice %arg4[%dma_wait3A_190, %dma_wait3A_194] : memref<2500x128xi32, #tpu.memory_space<hbm>> -> memref<1x128xi32, #tpu.memory_space<hbm>>
    %dma_wait3A_196 = tpu.memref_squeeze %dma_wait3A_195 : memref<1x128xi32, #tpu.memory_space<hbm>> -> memref<128xi32, #tpu.memory_space<hbm>>
    tpu.wait_dma2 semaphore(%arg26 : memref<!tpu.dma_semaphore, #tpu.memory_space<semaphore_mem>>) src(%dma_wait3A_196 : memref<128xi32, #tpu.memory_space<hbm>>) dst(%arg17 : memref<128xi32, #tpu.memory_space<vmem>>)
    %dma_start3A_197 = arith.constant 0 : i32
    %dma_start3A_198 = arith.constant 0 : i32
    %dma_start3A_199 = tpu.memref_slice %arg2[%dma_start3A_197, %dma_start3A_198] : memref<10000x128xf32, #tpu.memory_space<hbm>> -> memref<10000x128xf32, #tpu.memory_space<hbm>>
    tpu.enqueue_indirect_dma source(%dma_start3A_199 : memref<10000x128xf32, #tpu.memory_space<hbm>>) target(%arg20 : memref<128x128xf32, #tpu.memory_space<vmem>>) offsets(%arg11 : memref<128xi32, #tpu.memory_space<vmem>>) semaphore(%arg29 : memref<!tpu.dma_semaphore, #tpu.memory_space<semaphore_mem>>)
    %dma_wait3A_200 = arith.constant 0 : i32
    %dma_wait3A_201 = arith.constant 0 : i32
    %dma_wait3A_202 = tpu.memref_slice %arg2[%dma_wait3A_200, %dma_wait3A_201] : memref<10000x128xf32, #tpu.memory_space<hbm>> -> memref<128x128xf32, #tpu.memory_space<hbm>>
    %dma_wait3A_203 = arith.constant 0 : i32
    %dma_wait3A_204 = arith.constant 0 : i32
    %dma_wait3A_205 = tpu.memref_slice %arg2[%dma_wait3A_203, %dma_wait3A_204] : memref<10000x128xf32, #tpu.memory_space<hbm>> -> memref<128x128xf32, #tpu.memory_space<hbm>>
    tpu.wait_dma2 semaphore(%arg30 : memref<!tpu.dma_semaphore, #tpu.memory_space<semaphore_mem>>) src(%dma_wait3A_205 : memref<128x128xf32, #tpu.memory_space<hbm>>) dst(%arg21 : memref<128x128xf32, #tpu.memory_space<vmem>>)
    %dma_start3A_206 = arith.constant 0 : i32
    %dma_start3A_207 = arith.constant 0 : i32
    %dma_start3A_208 = tpu.memref_slice %arg7[%dma_start3A_206, %dma_start3A_207] : memref<10000x128xf32, #tpu.memory_space<vmem_shared>> -> memref<10000x128xf32, #tpu.memory_space<vmem_shared>>
    tpu.enqueue_indirect_dma source(%arg21 : memref<128x128xf32, #tpu.memory_space<vmem>>) target(%dma_start3A_208 : memref<10000x128xf32, #tpu.memory_space<vmem_shared>>) offsets(%arg15 : memref<128xi32, #tpu.memory_space<vmem>>) semaphore(%arg33 : memref<!tpu.dma_semaphore, #tpu.memory_space<semaphore_mem>>) {add = true}
    %add3A_209 = arith.constant 224 : i32
    %add3A_210 = arith.addi %add3A, %add3A_209 : i32
    %dma_start3A_211 = arith.constant 0 : i32
    %dma_start3A_212 = tpu.memref_slice %arg3[%add3A_210, %dma_start3A_211] : memref<2500x128xi32, #tpu.memory_space<hbm>> -> memref<1x128xi32, #tpu.memory_space<hbm>>
    %dma_start3A_213 = tpu.memref_squeeze %dma_start3A_212 : memref<1x128xi32, #tpu.memory_space<hbm>> -> memref<128xi32, #tpu.memory_space<hbm>>
    %dma_start3A_214 = arith.constant 0 : i32
    %dma_start3A_215 = tpu.memref_slice %arg3[%add3A_210, %dma_start3A_214] : memref<2500x128xi32, #tpu.memory_space<hbm>> -> memref<1x128xi32, #tpu.memory_space<hbm>>
    %dma_start3A_216 = tpu.memref_squeeze %dma_start3A_215 : memref<1x128xi32, #tpu.memory_space<hbm>> -> memref<128xi32, #tpu.memory_space<hbm>>
    tpu.enqueue_dma source(%dma_start3A_216 : memref<128xi32, #tpu.memory_space<hbm>>) target(%arg9 : memref<128xi32, #tpu.memory_space<vmem>>) target_semaphore(%arg24 : memref<!tpu.dma_semaphore, #tpu.memory_space<semaphore_mem>>)
    %add3A_217 = arith.constant 224 : i32
    %add3A_218 = arith.addi %add3A, %add3A_217 : i32
    %dma_start3A_219 = arith.constant 0 : i32
    %dma_start3A_220 = tpu.memref_slice %arg4[%add3A_218, %dma_start3A_219] : memref<2500x128xi32, #tpu.memory_space<hbm>> -> memref<1x128xi32, #tpu.memory_space<hbm>>
    %dma_start3A_221 = tpu.memref_squeeze %dma_start3A_220 : memref<1x128xi32, #tpu.memory_space<hbm>> -> memref<128xi32, #tpu.memory_space<hbm>>
    %dma_start3A_222 = arith.constant 0 : i32
    %dma_start3A_223 = tpu.memref_slice %arg4[%add3A_218, %dma_start3A_222] : memref<2500x128xi32, #tpu.memory_space<hbm>> -> memref<1x128xi32, #tpu.memory_space<hbm>>
    %dma_start3A_224 = tpu.memref_squeeze %dma_start3A_223 : memref<1x128xi32, #tpu.memory_space<hbm>> -> memref<128xi32, #tpu.memory_space<hbm>>
    tpu.enqueue_dma source(%dma_start3A_224 : memref<128xi32, #tpu.memory_space<hbm>>) target(%arg15 : memref<128xi32, #tpu.memory_space<vmem>>) target_semaphore(%arg24 : memref<!tpu.dma_semaphore, #tpu.memory_space<semaphore_mem>>)
    %dma_wait3A_225 = arith.constant 0 : i32
    %dma_wait3A_226 = arith.constant 0 : i32
    %dma_wait3A_227 = tpu.memref_slice %arg7[%dma_wait3A_225, %dma_wait3A_226] : memref<10000x128xf32, #tpu.memory_space<vmem_shared>> -> memref<10000x128xf32, #tpu.memory_space<vmem_shared>>
    tpu.wait_indirect_dma semaphore(%arg33 : memref<!tpu.dma_semaphore, #tpu.memory_space<semaphore_mem>>) src(%arg21 : memref<128x128xf32, #tpu.memory_space<vmem>>) dst(%dma_wait3A_227 : memref<10000x128xf32, #tpu.memory_space<vmem_shared>>)
    %dma_wait3A_228 = arith.constant 0 : i32
    %dma_wait3A_229 = arith.constant 0 : i32
    %dma_wait3A_230 = tpu.memref_slice %arg3[%dma_wait3A_228, %dma_wait3A_229] : memref<2500x128xi32, #tpu.memory_space<hbm>> -> memref<1x128xi32, #tpu.memory_space<hbm>>
    %dma_wait3A_231 = tpu.memref_squeeze %dma_wait3A_230 : memref<1x128xi32, #tpu.memory_space<hbm>> -> memref<128xi32, #tpu.memory_space<hbm>>
    %dma_wait3A_232 = arith.constant 0 : i32
    %dma_wait3A_233 = tpu.memref_slice %arg3[%dma_wait3A_228, %dma_wait3A_232] : memref<2500x128xi32, #tpu.memory_space<hbm>> -> memref<1x128xi32, #tpu.memory_space<hbm>>
    %dma_wait3A_234 = tpu.memref_squeeze %dma_wait3A_233 : memref<1x128xi32, #tpu.memory_space<hbm>> -> memref<128xi32, #tpu.memory_space<hbm>>
    tpu.wait_dma2 semaphore(%arg27 : memref<!tpu.dma_semaphore, #tpu.memory_space<semaphore_mem>>) src(%dma_wait3A_234 : memref<128xi32, #tpu.memory_space<hbm>>) dst(%arg12 : memref<128xi32, #tpu.memory_space<vmem>>)
    %dma_wait3A_235 = arith.constant 0 : i32
    %dma_wait3A_236 = arith.constant 0 : i32
    %dma_wait3A_237 = tpu.memref_slice %arg4[%dma_wait3A_235, %dma_wait3A_236] : memref<2500x128xi32, #tpu.memory_space<hbm>> -> memref<1x128xi32, #tpu.memory_space<hbm>>
    %dma_wait3A_238 = tpu.memref_squeeze %dma_wait3A_237 : memref<1x128xi32, #tpu.memory_space<hbm>> -> memref<128xi32, #tpu.memory_space<hbm>>
    %dma_wait3A_239 = arith.constant 0 : i32
    %dma_wait3A_240 = tpu.memref_slice %arg4[%dma_wait3A_235, %dma_wait3A_239] : memref<2500x128xi32, #tpu.memory_space<hbm>> -> memref<1x128xi32, #tpu.memory_space<hbm>>
    %dma_wait3A_241 = tpu.memref_squeeze %dma_wait3A_240 : memref<1x128xi32, #tpu.memory_space<hbm>> -> memref<128xi32, #tpu.memory_space<hbm>>
    tpu.wait_dma2 semaphore(%arg27 : memref<!tpu.dma_semaphore, #tpu.memory_space<semaphore_mem>>) src(%dma_wait3A_241 : memref<128xi32, #tpu.memory_space<hbm>>) dst(%arg18 : memref<128xi32, #tpu.memory_space<vmem>>)
    %dma_start3A_242 = arith.constant 0 : i32
    %dma_start3A_243 = arith.constant 0 : i32
    %dma_start3A_244 = tpu.memref_slice %arg2[%dma_start3A_242, %dma_start3A_243] : memref<10000x128xf32, #tpu.memory_space<hbm>> -> memref<10000x128xf32, #tpu.memory_space<hbm>>
    tpu.enqueue_indirect_dma source(%dma_start3A_244 : memref<10000x128xf32, #tpu.memory_space<hbm>>) target(%arg21 : memref<128x128xf32, #tpu.memory_space<vmem>>) offsets(%arg12 : memref<128xi32, #tpu.memory_space<vmem>>) semaphore(%arg30 : memref<!tpu.dma_semaphore, #tpu.memory_space<semaphore_mem>>)
    %dma_wait3A_245 = arith.constant 0 : i32
    %dma_wait3A_246 = arith.constant 0 : i32
    %dma_wait3A_247 = tpu.memref_slice %arg2[%dma_wait3A_245, %dma_wait3A_246] : memref<10000x128xf32, #tpu.memory_space<hbm>> -> memref<128x128xf32, #tpu.memory_space<hbm>>
    %dma_wait3A_248 = arith.constant 0 : i32
    %dma_wait3A_249 = arith.constant 0 : i32
    %dma_wait3A_250 = tpu.memref_slice %arg2[%dma_wait3A_248, %dma_wait3A_249] : memref<10000x128xf32, #tpu.memory_space<hbm>> -> memref<128x128xf32, #tpu.memory_space<hbm>>
    tpu.wait_dma2 semaphore(%arg31 : memref<!tpu.dma_semaphore, #tpu.memory_space<semaphore_mem>>) src(%dma_wait3A_250 : memref<128x128xf32, #tpu.memory_space<hbm>>) dst(%arg22 : memref<128x128xf32, #tpu.memory_space<vmem>>)
    %dma_start3A_251 = arith.constant 0 : i32
    %dma_start3A_252 = arith.constant 0 : i32
    %dma_start3A_253 = tpu.memref_slice %arg7[%dma_start3A_251, %dma_start3A_252] : memref<10000x128xf32, #tpu.memory_space<vmem_shared>> -> memref<10000x128xf32, #tpu.memory_space<vmem_shared>>
    tpu.enqueue_indirect_dma source(%arg22 : memref<128x128xf32, #tpu.memory_space<vmem>>) target(%dma_start3A_253 : memref<10000x128xf32, #tpu.memory_space<vmem_shared>>) offsets(%arg16 : memref<128xi32, #tpu.memory_space<vmem>>) semaphore(%arg34 : memref<!tpu.dma_semaphore, #tpu.memory_space<semaphore_mem>>) {add = true}
    %add3A_254 = arith.constant 256 : i32
    %add3A_255 = arith.addi %add3A, %add3A_254 : i32
    %dma_start3A_256 = arith.constant 0 : i32
    %dma_start3A_257 = tpu.memref_slice %arg3[%add3A_255, %dma_start3A_256] : memref<2500x128xi32, #tpu.memory_space<hbm>> -> memref<1x128xi32, #tpu.memory_space<hbm>>
    %dma_start3A_258 = tpu.memref_squeeze %dma_start3A_257 : memref<1x128xi32, #tpu.memory_space<hbm>> -> memref<128xi32, #tpu.memory_space<hbm>>
    %dma_start3A_259 = arith.constant 0 : i32
    %dma_start3A_260 = tpu.memref_slice %arg3[%add3A_255, %dma_start3A_259] : memref<2500x128xi32, #tpu.memory_space<hbm>> -> memref<1x128xi32, #tpu.memory_space<hbm>>
    %dma_start3A_261 = tpu.memref_squeeze %dma_start3A_260 : memref<1x128xi32, #tpu.memory_space<hbm>> -> memref<128xi32, #tpu.memory_space<hbm>>
    tpu.enqueue_dma source(%dma_start3A_261 : memref<128xi32, #tpu.memory_space<hbm>>) target(%arg10 : memref<128xi32, #tpu.memory_space<vmem>>) target_semaphore(%arg25 : memref<!tpu.dma_semaphore, #tpu.memory_space<semaphore_mem>>)
    %add3A_262 = arith.constant 256 : i32
    %add3A_263 = arith.addi %add3A, %add3A_262 : i32
    %dma_start3A_264 = arith.constant 0 : i32
    %dma_start3A_265 = tpu.memref_slice %arg4[%add3A_263, %dma_start3A_264] : memref<2500x128xi32, #tpu.memory_space<hbm>> -> memref<1x128xi32, #tpu.memory_space<hbm>>
    %dma_start3A_266 = tpu.memref_squeeze %dma_start3A_265 : memref<1x128xi32, #tpu.memory_space<hbm>> -> memref<128xi32, #tpu.memory_space<hbm>>
    %dma_start3A_267 = arith.constant 0 : i32
    %dma_start3A_268 = tpu.memref_slice %arg4[%add3A_263, %dma_start3A_267] : memref<2500x128xi32, #tpu.memory_space<hbm>> -> memref<1x128xi32, #tpu.memory_space<hbm>>
    %dma_start3A_269 = tpu.memref_squeeze %dma_start3A_268 : memref<1x128xi32, #tpu.memory_space<hbm>> -> memref<128xi32, #tpu.memory_space<hbm>>
    tpu.enqueue_dma source(%dma_start3A_269 : memref<128xi32, #tpu.memory_space<hbm>>) target(%arg16 : memref<128xi32, #tpu.memory_space<vmem>>) target_semaphore(%arg25 : memref<!tpu.dma_semaphore, #tpu.memory_space<semaphore_mem>>)
    %dma_wait3A_270 = arith.constant 0 : i32
    %dma_wait3A_271 = arith.constant 0 : i32
    %dma_wait3A_272 = tpu.memref_slice %arg7[%dma_wait3A_270, %dma_wait3A_271] : memref<10000x128xf32, #tpu.memory_space<vmem_shared>> -> memref<10000x128xf32, #tpu.memory_space<vmem_shared>>
    tpu.wait_indirect_dma semaphore(%arg34 : memref<!tpu.dma_semaphore, #tpu.memory_space<semaphore_mem>>) src(%arg22 : memref<128x128xf32, #tpu.memory_space<vmem>>) dst(%dma_wait3A_272 : memref<10000x128xf32, #tpu.memory_space<vmem_shared>>)
    %dma_wait3A_273 = arith.constant 0 : i32
    %dma_wait3A_274 = arith.constant 0 : i32
    %dma_wait3A_275 = tpu.memref_slice %arg3[%dma_wait3A_273, %dma_wait3A_274] : memref<2500x128xi32, #tpu.memory_space<hbm>> -> memref<1x128xi32, #tpu.memory_space<hbm>>
    %dma_wait3A_276 = tpu.memref_squeeze %dma_wait3A_275 : memref<1x128xi32, #tpu.memory_space<hbm>> -> memref<128xi32, #tpu.memory_space<hbm>>
    %dma_wait3A_277 = arith.constant 0 : i32
    %dma_wait3A_278 = tpu.memref_slice %arg3[%dma_wait3A_273, %dma_wait3A_277] : memref<2500x128xi32, #tpu.memory_space<hbm>> -> memref<1x128xi32, #tpu.memory_space<hbm>>
    %dma_wait3A_279 = tpu.memref_squeeze %dma_wait3A_278 : memref<1x128xi32, #tpu.memory_space<hbm>> -> memref<128xi32, #tpu.memory_space<hbm>>
    tpu.wait_dma2 semaphore(%arg28 : memref<!tpu.dma_semaphore, #tpu.memory_space<semaphore_mem>>) src(%dma_wait3A_279 : memref<128xi32, #tpu.memory_space<hbm>>) dst(%arg13 : memref<128xi32, #tpu.memory_space<vmem>>)
    %dma_wait3A_280 = arith.constant 0 : i32
    %dma_wait3A_281 = arith.constant 0 : i32
    %dma_wait3A_282 = tpu.memref_slice %arg4[%dma_wait3A_280, %dma_wait3A_281] : memref<2500x128xi32, #tpu.memory_space<hbm>> -> memref<1x128xi32, #tpu.memory_space<hbm>>
    %dma_wait3A_283 = tpu.memref_squeeze %dma_wait3A_282 : memref<1x128xi32, #tpu.memory_space<hbm>> -> memref<128xi32, #tpu.memory_space<hbm>>
    %dma_wait3A_284 = arith.constant 0 : i32
    %dma_wait3A_285 = tpu.memref_slice %arg4[%dma_wait3A_280, %dma_wait3A_284] : memref<2500x128xi32, #tpu.memory_space<hbm>> -> memref<1x128xi32, #tpu.memory_space<hbm>>
    %dma_wait3A_286 = tpu.memref_squeeze %dma_wait3A_285 : memref<1x128xi32, #tpu.memory_space<hbm>> -> memref<128xi32, #tpu.memory_space<hbm>>
    tpu.wait_dma2 semaphore(%arg28 : memref<!tpu.dma_semaphore, #tpu.memory_space<semaphore_mem>>) src(%dma_wait3A_286 : memref<128xi32, #tpu.memory_space<hbm>>) dst(%arg19 : memref<128xi32, #tpu.memory_space<vmem>>)
    %dma_start3A_287 = arith.constant 0 : i32
    %dma_start3A_288 = arith.constant 0 : i32
    %dma_start3A_289 = tpu.memref_slice %arg2[%dma_start3A_287, %dma_start3A_288] : memref<10000x128xf32, #tpu.memory_space<hbm>> -> memref<10000x128xf32, #tpu.memory_space<hbm>>
    tpu.enqueue_indirect_dma source(%dma_start3A_289 : memref<10000x128xf32, #tpu.memory_space<hbm>>) target(%arg22 : memref<128x128xf32, #tpu.memory_space<vmem>>) offsets(%arg13 : memref<128xi32, #tpu.memory_space<vmem>>) semaphore(%arg31 : memref<!tpu.dma_semaphore, #tpu.memory_space<semaphore_mem>>)
    %dma_wait3A_290 = arith.constant 0 : i32
    %dma_wait3A_291 = arith.constant 0 : i32
    %dma_wait3A_292 = tpu.memref_slice %arg2[%dma_wait3A_290, %dma_wait3A_291] : memref<10000x128xf32, #tpu.memory_space<hbm>> -> memref<128x128xf32, #tpu.memory_space<hbm>>
    %dma_wait3A_293 = arith.constant 0 : i32
    %dma_wait3A_294 = arith.constant 0 : i32
    %dma_wait3A_295 = tpu.memref_slice %arg2[%dma_wait3A_293, %dma_wait3A_294] : memref<10000x128xf32, #tpu.memory_space<hbm>> -> memref<128x128xf32, #tpu.memory_space<hbm>>
    tpu.wait_dma2 semaphore(%arg29 : memref<!tpu.dma_semaphore, #tpu.memory_space<semaphore_mem>>) src(%dma_wait3A_295 : memref<128x128xf32, #tpu.memory_space<hbm>>) dst(%arg20 : memref<128x128xf32, #tpu.memory_space<vmem>>)
    %dma_start3A_296 = arith.constant 0 : i32
    %dma_start3A_297 = arith.constant 0 : i32
    %dma_start3A_298 = tpu.memref_slice %arg7[%dma_start3A_296, %dma_start3A_297] : memref<10000x128xf32, #tpu.memory_space<vmem_shared>> -> memref<10000x128xf32, #tpu.memory_space<vmem_shared>>
    tpu.enqueue_indirect_dma source(%arg20 : memref<128x128xf32, #tpu.memory_space<vmem>>) target(%dma_start3A_298 : memref<10000x128xf32, #tpu.memory_space<vmem_shared>>) offsets(%arg17 : memref<128xi32, #tpu.memory_space<vmem>>) semaphore(%arg32 : memref<!tpu.dma_semaphore, #tpu.memory_space<semaphore_mem>>) {add = true}
    %add3A_299 = arith.constant 288 : i32
    %add3A_300 = arith.addi %add3A, %add3A_299 : i32
    %dma_start3A_301 = arith.constant 0 : i32
    %dma_start3A_302 = tpu.memref_slice %arg3[%add3A_300, %dma_start3A_301] : memref<2500x128xi32, #tpu.memory_space<hbm>> -> memref<1x128xi32, #tpu.memory_space<hbm>>
    %dma_start3A_303 = tpu.memref_squeeze %dma_start3A_302 : memref<1x128xi32, #tpu.memory_space<hbm>> -> memref<128xi32, #tpu.memory_space<hbm>>
    %dma_start3A_304 = arith.constant 0 : i32
    %dma_start3A_305 = tpu.memref_slice %arg3[%add3A_300, %dma_start3A_304] : memref<2500x128xi32, #tpu.memory_space<hbm>> -> memref<1x128xi32, #tpu.memory_space<hbm>>
    %dma_start3A_306 = tpu.memref_squeeze %dma_start3A_305 : memref<1x128xi32, #tpu.memory_space<hbm>> -> memref<128xi32, #tpu.memory_space<hbm>>
    tpu.enqueue_dma source(%dma_start3A_306 : memref<128xi32, #tpu.memory_space<hbm>>) target(%arg11 : memref<128xi32, #tpu.memory_space<vmem>>) target_semaphore(%arg26 : memref<!tpu.dma_semaphore, #tpu.memory_space<semaphore_mem>>)
    %add3A_307 = arith.constant 288 : i32
    %add3A_308 = arith.addi %add3A, %add3A_307 : i32
    %dma_start3A_309 = arith.constant 0 : i32
    %dma_start3A_310 = tpu.memref_slice %arg4[%add3A_308, %dma_start3A_309] : memref<2500x128xi32, #tpu.memory_space<hbm>> -> memref<1x128xi32, #tpu.memory_space<hbm>>
    %dma_start3A_311 = tpu.memref_squeeze %dma_start3A_310 : memref<1x128xi32, #tpu.memory_space<hbm>> -> memref<128xi32, #tpu.memory_space<hbm>>
    %dma_start3A_312 = arith.constant 0 : i32
    %dma_start3A_313 = tpu.memref_slice %arg4[%add3A_308, %dma_start3A_312] : memref<2500x128xi32, #tpu.memory_space<hbm>> -> memref<1x128xi32, #tpu.memory_space<hbm>>
    %dma_start3A_314 = tpu.memref_squeeze %dma_start3A_313 : memref<1x128xi32, #tpu.memory_space<hbm>> -> memref<128xi32, #tpu.memory_space<hbm>>
    tpu.enqueue_dma source(%dma_start3A_314 : memref<128xi32, #tpu.memory_space<hbm>>) target(%arg17 : memref<128xi32, #tpu.memory_space<vmem>>) target_semaphore(%arg26 : memref<!tpu.dma_semaphore, #tpu.memory_space<semaphore_mem>>)
    %dma_wait3A_315 = arith.constant 0 : i32
    %dma_wait3A_316 = arith.constant 0 : i32
    %dma_wait3A_317 = tpu.memref_slice %arg7[%dma_wait3A_315, %dma_wait3A_316] : memref<10000x128xf32, #tpu.memory_space<vmem_shared>> -> memref<10000x128xf32, #tpu.memory_space<vmem_shared>>
    tpu.wait_indirect_dma semaphore(%arg32 : memref<!tpu.dma_semaphore, #tpu.memory_space<semaphore_mem>>) src(%arg20 : memref<128x128xf32, #tpu.memory_space<vmem>>) dst(%dma_wait3A_317 : memref<10000x128xf32, #tpu.memory_space<vmem_shared>>)
    %dma_wait3A_318 = arith.constant 0 : i32
    %dma_wait3A_319 = arith.constant 0 : i32
    %dma_wait3A_320 = tpu.memref_slice %arg3[%dma_wait3A_318, %dma_wait3A_319] : memref<2500x128xi32, #tpu.memory_space<hbm>> -> memref<1x128xi32, #tpu.memory_space<hbm>>
    %dma_wait3A_321 = tpu.memref_squeeze %dma_wait3A_320 : memref<1x128xi32, #tpu.memory_space<hbm>> -> memref<128xi32, #tpu.memory_space<hbm>>
    %dma_wait3A_322 = arith.constant 0 : i32
    %dma_wait3A_323 = tpu.memref_slice %arg3[%dma_wait3A_318, %dma_wait3A_322] : memref<2500x128xi32, #tpu.memory_space<hbm>> -> memref<1x128xi32, #tpu.memory_space<hbm>>
    %dma_wait3A_324 = tpu.memref_squeeze %dma_wait3A_323 : memref<1x128xi32, #tpu.memory_space<hbm>> -> memref<128xi32, #tpu.memory_space<hbm>>
    tpu.wait_dma2 semaphore(%arg23 : memref<!tpu.dma_semaphore, #tpu.memory_space<semaphore_mem>>) src(%dma_wait3A_324 : memref<128xi32, #tpu.memory_space<hbm>>) dst(%arg8 : memref<128xi32, #tpu.memory_space<vmem>>)
    %dma_wait3A_325 = arith.constant 0 : i32
    %dma_wait3A_326 = arith.constant 0 : i32
    %dma_wait3A_327 = tpu.memref_slice %arg4[%dma_wait3A_325, %dma_wait3A_326] : memref<2500x128xi32, #tpu.memory_space<hbm>> -> memref<1x128xi32, #tpu.memory_space<hbm>>
    %dma_wait3A_328 = tpu.memref_squeeze %dma_wait3A_327 : memref<1x128xi32, #tpu.memory_space<hbm>> -> memref<128xi32, #tpu.memory_space<hbm>>
    %dma_wait3A_329 = arith.constant 0 : i32
    %dma_wait3A_330 = tpu.memref_slice %arg4[%dma_wait3A_325, %dma_wait3A_329] : memref<2500x128xi32, #tpu.memory_space<hbm>> -> memref<1x128xi32, #tpu.memory_space<hbm>>
    %dma_wait3A_331 = tpu.memref_squeeze %dma_wait3A_330 : memref<1x128xi32, #tpu.memory_space<hbm>> -> memref<128xi32, #tpu.memory_space<hbm>>
    tpu.wait_dma2 semaphore(%arg23 : memref<!tpu.dma_semaphore, #tpu.memory_space<semaphore_mem>>) src(%dma_wait3A_331 : memref<128xi32, #tpu.memory_space<hbm>>) dst(%arg14 : memref<128xi32, #tpu.memory_space<vmem>>)
    %dma_start3A_332 = arith.constant 0 : i32
    %dma_start3A_333 = arith.constant 0 : i32
    %dma_start3A_334 = tpu.memref_slice %arg2[%dma_start3A_332, %dma_start3A_333] : memref<10000x128xf32, #tpu.memory_space<hbm>> -> memref<10000x128xf32, #tpu.memory_space<hbm>>
    tpu.enqueue_indirect_dma source(%dma_start3A_334 : memref<10000x128xf32, #tpu.memory_space<hbm>>) target(%arg20 : memref<128x128xf32, #tpu.memory_space<vmem>>) offsets(%arg8 : memref<128xi32, #tpu.memory_space<vmem>>) semaphore(%arg29 : memref<!tpu.dma_semaphore, #tpu.memory_space<semaphore_mem>>)
    %dma_wait3A_335 = arith.constant 0 : i32
    %dma_wait3A_336 = arith.constant 0 : i32
    %dma_wait3A_337 = tpu.memref_slice %arg2[%dma_wait3A_335, %dma_wait3A_336] : memref<10000x128xf32, #tpu.memory_space<hbm>> -> memref<128x128xf32, #tpu.memory_space<hbm>>
    %dma_wait3A_338 = arith.constant 0 : i32
    %dma_wait3A_339 = arith.constant 0 : i32
    %dma_wait3A_340 = tpu.memref_slice %arg2[%dma_wait3A_338, %dma_wait3A_339] : memref<10000x128xf32, #tpu.memory_space<hbm>> -> memref<128x128xf32, #tpu.memory_space<hbm>>
    tpu.wait_dma2 semaphore(%arg30 : memref<!tpu.dma_semaphore, #tpu.memory_space<semaphore_mem>>) src(%dma_wait3A_340 : memref<128x128xf32, #tpu.memory_space<hbm>>) dst(%arg21 : memref<128x128xf32, #tpu.memory_space<vmem>>)
    %dma_start3A_341 = arith.constant 0 : i32
    %dma_start3A_342 = arith.constant 0 : i32
    %dma_start3A_343 = tpu.memref_slice %arg7[%dma_start3A_341, %dma_start3A_342] : memref<10000x128xf32, #tpu.memory_space<vmem_shared>> -> memref<10000x128xf32, #tpu.memory_space<vmem_shared>>
    tpu.enqueue_indirect_dma source(%arg21 : memref<128x128xf32, #tpu.memory_space<vmem>>) target(%dma_start3A_343 : memref<10000x128xf32, #tpu.memory_space<vmem_shared>>) offsets(%arg18 : memref<128xi32, #tpu.memory_space<vmem>>) semaphore(%arg33 : memref<!tpu.dma_semaphore, #tpu.memory_space<semaphore_mem>>) {add = true}
    %add3A_344 = arith.constant 320 : i32
    %add3A_345 = arith.addi %add3A, %add3A_344 : i32
    %dma_start3A_346 = arith.constant 0 : i32
    %dma_start3A_347 = tpu.memref_slice %arg3[%add3A_345, %dma_start3A_346] : memref<2500x128xi32, #tpu.memory_space<hbm>> -> memref<1x128xi32, #tpu.memory_space<hbm>>
    %dma_start3A_348 = tpu.memref_squeeze %dma_start3A_347 : memref<1x128xi32, #tpu.memory_space<hbm>> -> memref<128xi32, #tpu.memory_space<hbm>>
    %dma_start3A_349 = arith.constant 0 : i32
    %dma_start3A_350 = tpu.memref_slice %arg3[%add3A_345, %dma_start3A_349] : memref<2500x128xi32, #tpu.memory_space<hbm>> -> memref<1x128xi32, #tpu.memory_space<hbm>>
    %dma_start3A_351 = tpu.memref_squeeze %dma_start3A_350 : memref<1x128xi32, #tpu.memory_space<hbm>> -> memref<128xi32, #tpu.memory_space<hbm>>
    tpu.enqueue_dma source(%dma_start3A_351 : memref<128xi32, #tpu.memory_space<hbm>>) target(%arg12 : memref<128xi32, #tpu.memory_space<vmem>>) target_semaphore(%arg27 : memref<!tpu.dma_semaphore, #tpu.memory_space<semaphore_mem>>)
    %add3A_352 = arith.constant 320 : i32
    %add3A_353 = arith.addi %add3A, %add3A_352 : i32
    %dma_start3A_354 = arith.constant 0 : i32
    %dma_start3A_355 = tpu.memref_slice %arg4[%add3A_353, %dma_start3A_354] : memref<2500x128xi32, #tpu.memory_space<hbm>> -> memref<1x128xi32, #tpu.memory_space<hbm>>
    %dma_start3A_356 = tpu.memref_squeeze %dma_start3A_355 : memref<1x128xi32, #tpu.memory_space<hbm>> -> memref<128xi32, #tpu.memory_space<hbm>>
    %dma_start3A_357 = arith.constant 0 : i32
    %dma_start3A_358 = tpu.memref_slice %arg4[%add3A_353, %dma_start3A_357] : memref<2500x128xi32, #tpu.memory_space<hbm>> -> memref<1x128xi32, #tpu.memory_space<hbm>>
    %dma_start3A_359 = tpu.memref_squeeze %dma_start3A_358 : memref<1x128xi32, #tpu.memory_space<hbm>> -> memref<128xi32, #tpu.memory_space<hbm>>
    tpu.enqueue_dma source(%dma_start3A_359 : memref<128xi32, #tpu.memory_space<hbm>>) target(%arg18 : memref<128xi32, #tpu.memory_space<vmem>>) target_semaphore(%arg27 : memref<!tpu.dma_semaphore, #tpu.memory_space<semaphore_mem>>)
    %dma_wait3A_360 = arith.constant 0 : i32
    %dma_wait3A_361 = arith.constant 0 : i32
    %dma_wait3A_362 = tpu.memref_slice %arg7[%dma_wait3A_360, %dma_wait3A_361] : memref<10000x128xf32, #tpu.memory_space<vmem_shared>> -> memref<10000x128xf32, #tpu.memory_space<vmem_shared>>
    tpu.wait_indirect_dma semaphore(%arg33 : memref<!tpu.dma_semaphore, #tpu.memory_space<semaphore_mem>>) src(%arg21 : memref<128x128xf32, #tpu.memory_space<vmem>>) dst(%dma_wait3A_362 : memref<10000x128xf32, #tpu.memory_space<vmem_shared>>)
    %dma_wait3A_363 = arith.constant 0 : i32
    %dma_wait3A_364 = arith.constant 0 : i32
    %dma_wait3A_365 = tpu.memref_slice %arg3[%dma_wait3A_363, %dma_wait3A_364] : memref<2500x128xi32, #tpu.memory_space<hbm>> -> memref<1x128xi32, #tpu.memory_space<hbm>>
    %dma_wait3A_366 = tpu.memref_squeeze %dma_wait3A_365 : memref<1x128xi32, #tpu.memory_space<hbm>> -> memref<128xi32, #tpu.memory_space<hbm>>
    %dma_wait3A_367 = arith.constant 0 : i32
    %dma_wait3A_368 = tpu.memref_slice %arg3[%dma_wait3A_363, %dma_wait3A_367] : memref<2500x128xi32, #tpu.memory_space<hbm>> -> memref<1x128xi32, #tpu.memory_space<hbm>>
    %dma_wait3A_369 = tpu.memref_squeeze %dma_wait3A_368 : memref<1x128xi32, #tpu.memory_space<hbm>> -> memref<128xi32, #tpu.memory_space<hbm>>
    tpu.wait_dma2 semaphore(%arg24 : memref<!tpu.dma_semaphore, #tpu.memory_space<semaphore_mem>>) src(%dma_wait3A_369 : memref<128xi32, #tpu.memory_space<hbm>>) dst(%arg9 : memref<128xi32, #tpu.memory_space<vmem>>)
    %dma_wait3A_370 = arith.constant 0 : i32
    %dma_wait3A_371 = arith.constant 0 : i32
    %dma_wait3A_372 = tpu.memref_slice %arg4[%dma_wait3A_370, %dma_wait3A_371] : memref<2500x128xi32, #tpu.memory_space<hbm>> -> memref<1x128xi32, #tpu.memory_space<hbm>>
    %dma_wait3A_373 = tpu.memref_squeeze %dma_wait3A_372 : memref<1x128xi32, #tpu.memory_space<hbm>> -> memref<128xi32, #tpu.memory_space<hbm>>
    %dma_wait3A_374 = arith.constant 0 : i32
    %dma_wait3A_375 = tpu.memref_slice %arg4[%dma_wait3A_370, %dma_wait3A_374] : memref<2500x128xi32, #tpu.memory_space<hbm>> -> memref<1x128xi32, #tpu.memory_space<hbm>>
    %dma_wait3A_376 = tpu.memref_squeeze %dma_wait3A_375 : memref<1x128xi32, #tpu.memory_space<hbm>> -> memref<128xi32, #tpu.memory_space<hbm>>
    tpu.wait_dma2 semaphore(%arg24 : memref<!tpu.dma_semaphore, #tpu.memory_space<semaphore_mem>>) src(%dma_wait3A_376 : memref<128xi32, #tpu.memory_space<hbm>>) dst(%arg15 : memref<128xi32, #tpu.memory_space<vmem>>)
    %dma_start3A_377 = arith.constant 0 : i32
    %dma_start3A_378 = arith.constant 0 : i32
    %dma_start3A_379 = tpu.memref_slice %arg2[%dma_start3A_377, %dma_start3A_378] : memref<10000x128xf32, #tpu.memory_space<hbm>> -> memref<10000x128xf32, #tpu.memory_space<hbm>>
    tpu.enqueue_indirect_dma source(%dma_start3A_379 : memref<10000x128xf32, #tpu.memory_space<hbm>>) target(%arg21 : memref<128x128xf32, #tpu.memory_space<vmem>>) offsets(%arg9 : memref<128xi32, #tpu.memory_space<vmem>>) semaphore(%arg30 : memref<!tpu.dma_semaphore, #tpu.memory_space<semaphore_mem>>)
    %dma_wait3A_380 = arith.constant 0 : i32
    %dma_wait3A_381 = arith.constant 0 : i32
    %dma_wait3A_382 = tpu.memref_slice %arg2[%dma_wait3A_380, %dma_wait3A_381] : memref<10000x128xf32, #tpu.memory_space<hbm>> -> memref<128x128xf32, #tpu.memory_space<hbm>>
    %dma_wait3A_383 = arith.constant 0 : i32
    %dma_wait3A_384 = arith.constant 0 : i32
    %dma_wait3A_385 = tpu.memref_slice %arg2[%dma_wait3A_383, %dma_wait3A_384] : memref<10000x128xf32, #tpu.memory_space<hbm>> -> memref<128x128xf32, #tpu.memory_space<hbm>>
    tpu.wait_dma2 semaphore(%arg31 : memref<!tpu.dma_semaphore, #tpu.memory_space<semaphore_mem>>) src(%dma_wait3A_385 : memref<128x128xf32, #tpu.memory_space<hbm>>) dst(%arg22 : memref<128x128xf32, #tpu.memory_space<vmem>>)
    %dma_start3A_386 = arith.constant 0 : i32
    %dma_start3A_387 = arith.constant 0 : i32
    %dma_start3A_388 = tpu.memref_slice %arg7[%dma_start3A_386, %dma_start3A_387] : memref<10000x128xf32, #tpu.memory_space<vmem_shared>> -> memref<10000x128xf32, #tpu.memory_space<vmem_shared>>
    tpu.enqueue_indirect_dma source(%arg22 : memref<128x128xf32, #tpu.memory_space<vmem>>) target(%dma_start3A_388 : memref<10000x128xf32, #tpu.memory_space<vmem_shared>>) offsets(%arg19 : memref<128xi32, #tpu.memory_space<vmem>>) semaphore(%arg34 : memref<!tpu.dma_semaphore, #tpu.memory_space<semaphore_mem>>) {add = true}
    %add3A_389 = arith.constant 352 : i32
    %add3A_390 = arith.addi %add3A, %add3A_389 : i32
    %dma_start3A_391 = arith.constant 0 : i32
    %dma_start3A_392 = tpu.memref_slice %arg3[%add3A_390, %dma_start3A_391] : memref<2500x128xi32, #tpu.memory_space<hbm>> -> memref<1x128xi32, #tpu.memory_space<hbm>>
    %dma_start3A_393 = tpu.memref_squeeze %dma_start3A_392 : memref<1x128xi32, #tpu.memory_space<hbm>> -> memref<128xi32, #tpu.memory_space<hbm>>
    %dma_start3A_394 = arith.constant 0 : i32
    %dma_start3A_395 = tpu.memref_slice %arg3[%add3A_390, %dma_start3A_394] : memref<2500x128xi32, #tpu.memory_space<hbm>> -> memref<1x128xi32, #tpu.memory_space<hbm>>
    %dma_start3A_396 = tpu.memref_squeeze %dma_start3A_395 : memref<1x128xi32, #tpu.memory_space<hbm>> -> memref<128xi32, #tpu.memory_space<hbm>>
    tpu.enqueue_dma source(%dma_start3A_396 : memref<128xi32, #tpu.memory_space<hbm>>) target(%arg13 : memref<128xi32, #tpu.memory_space<vmem>>) target_semaphore(%arg28 : memref<!tpu.dma_semaphore, #tpu.memory_space<semaphore_mem>>)
    %add3A_397 = arith.constant 352 : i32
    %add3A_398 = arith.addi %add3A, %add3A_397 : i32
    %dma_start3A_399 = arith.constant 0 : i32
    %dma_start3A_400 = tpu.memref_slice %arg4[%add3A_398, %dma_start3A_399] : memref<2500x128xi32, #tpu.memory_space<hbm>> -> memref<1x128xi32, #tpu.memory_space<hbm>>
    %dma_start3A_401 = tpu.memref_squeeze %dma_start3A_400 : memref<1x128xi32, #tpu.memory_space<hbm>> -> memref<128xi32, #tpu.memory_space<hbm>>
    %dma_start3A_402 = arith.constant 0 : i32
    %dma_start3A_403 = tpu.memref_slice %arg4[%add3A_398, %dma_start3A_402] : memref<2500x128xi32, #tpu.memory_space<hbm>> -> memref<1x128xi32, #tpu.memory_space<hbm>>
    %dma_start3A_404 = tpu.memref_squeeze %dma_start3A_403 : memref<1x128xi32, #tpu.memory_space<hbm>> -> memref<128xi32, #tpu.memory_space<hbm>>
    tpu.enqueue_dma source(%dma_start3A_404 : memref<128xi32, #tpu.memory_space<hbm>>) target(%arg19 : memref<128xi32, #tpu.memory_space<vmem>>) target_semaphore(%arg28 : memref<!tpu.dma_semaphore, #tpu.memory_space<semaphore_mem>>)
    %scan3A = arith.constant 0 : i32
    %scan3A_405 = arith.constant 1 : i32
    %scan3A_406 = arith.constant 11 : i32
    %scan3A_407 = arith.addi %scan3A_405, %scan3A_406 : i32
    %scan3A_408 = arith.constant 1 : i32
    scf.for %scan3A_584 = %scan3A_405 to %scan3A_407 step %scan3A_408  : i32 {
      %mul3A_585 = arith.constant 6 : i32
      %mul3A_586 = arith.muli %mul3A_585, %scan3A_584 : i32
      %add3A_587 = arith.constant 0 : i32
      %add3A_588 = arith.addi %mul3A_586, %add3A_587 : i32
      %dma_wait3A_589 = arith.constant 0 : i32
      %dma_wait3A_590 = arith.constant 0 : i32
      %dma_wait3A_591 = tpu.memref_slice %arg7[%dma_wait3A_589, %dma_wait3A_590] : memref<10000x128xf32, #tpu.memory_space<vmem_shared>> -> memref<10000x128xf32, #tpu.memory_space<vmem_shared>>
      tpu.wait_indirect_dma semaphore(%arg34 : memref<!tpu.dma_semaphore, #tpu.memory_space<semaphore_mem>>) src(%arg22 : memref<128x128xf32, #tpu.memory_space<vmem>>) dst(%dma_wait3A_591 : memref<10000x128xf32, #tpu.memory_space<vmem_shared>>)
      %dma_wait3A_592 = arith.constant 0 : i32
      %dma_wait3A_593 = arith.constant 0 : i32
      %dma_wait3A_594 = tpu.memref_slice %arg3[%dma_wait3A_592, %dma_wait3A_593] : memref<2500x128xi32, #tpu.memory_space<hbm>> -> memref<1x128xi32, #tpu.memory_space<hbm>>
      %dma_wait3A_595 = tpu.memref_squeeze %dma_wait3A_594 : memref<1x128xi32, #tpu.memory_space<hbm>> -> memref<128xi32, #tpu.memory_space<hbm>>
      %dma_wait3A_596 = arith.constant 0 : i32
      %dma_wait3A_597 = tpu.memref_slice %arg3[%dma_wait3A_592, %dma_wait3A_596] : memref<2500x128xi32, #tpu.memory_space<hbm>> -> memref<1x128xi32, #tpu.memory_space<hbm>>
      %dma_wait3A_598 = tpu.memref_squeeze %dma_wait3A_597 : memref<1x128xi32, #tpu.memory_space<hbm>> -> memref<128xi32, #tpu.memory_space<hbm>>
      tpu.wait_dma2 semaphore(%arg25 : memref<!tpu.dma_semaphore, #tpu.memory_space<semaphore_mem>>) src(%dma_wait3A_598 : memref<128xi32, #tpu.memory_space<hbm>>) dst(%arg10 : memref<128xi32, #tpu.memory_space<vmem>>)
      %dma_wait3A_599 = arith.constant 0 : i32
      %dma_wait3A_600 = arith.constant 0 : i32
      %dma_wait3A_601 = tpu.memref_slice %arg4[%dma_wait3A_599, %dma_wait3A_600] : memref<2500x128xi32, #tpu.memory_space<hbm>> -> memref<1x128xi32, #tpu.memory_space<hbm>>
      %dma_wait3A_602 = tpu.memref_squeeze %dma_wait3A_601 : memref<1x128xi32, #tpu.memory_space<hbm>> -> memref<128xi32, #tpu.memory_space<hbm>>
      %dma_wait3A_603 = arith.constant 0 : i32
      %dma_wait3A_604 = tpu.memref_slice %arg4[%dma_wait3A_599, %dma_wait3A_603] : memref<2500x128xi32, #tpu.memory_space<hbm>> -> memref<1x128xi32, #tpu.memory_space<hbm>>
      %dma_wait3A_605 = tpu.memref_squeeze %dma_wait3A_604 : memref<1x128xi32, #tpu.memory_space<hbm>> -> memref<128xi32, #tpu.memory_space<hbm>>
      tpu.wait_dma2 semaphore(%arg25 : memref<!tpu.dma_semaphore, #tpu.memory_space<semaphore_mem>>) src(%dma_wait3A_605 : memref<128xi32, #tpu.memory_space<hbm>>) dst(%arg16 : memref<128xi32, #tpu.memory_space<vmem>>)
      %dma_start3A_606 = arith.constant 0 : i32
      %dma_start3A_607 = arith.constant 0 : i32
      %dma_start3A_608 = tpu.memref_slice %arg2[%dma_start3A_606, %dma_start3A_607] : memref<10000x128xf32, #tpu.memory_space<hbm>> -> memref<10000x128xf32, #tpu.memory_space<hbm>>
      tpu.enqueue_indirect_dma source(%dma_start3A_608 : memref<10000x128xf32, #tpu.memory_space<hbm>>) target(%arg22 : memref<128x128xf32, #tpu.memory_space<vmem>>) offsets(%arg10 : memref<128xi32, #tpu.memory_space<vmem>>) semaphore(%arg31 : memref<!tpu.dma_semaphore, #tpu.memory_space<semaphore_mem>>)
      %dma_wait3A_609 = arith.constant 0 : i32
      %dma_wait3A_610 = arith.constant 0 : i32
      %dma_wait3A_611 = tpu.memref_slice %arg2[%dma_wait3A_609, %dma_wait3A_610] : memref<10000x128xf32, #tpu.memory_space<hbm>> -> memref<128x128xf32, #tpu.memory_space<hbm>>
      %dma_wait3A_612 = arith.constant 0 : i32
      %dma_wait3A_613 = arith.constant 0 : i32
      %dma_wait3A_614 = tpu.memref_slice %arg2[%dma_wait3A_612, %dma_wait3A_613] : memref<10000x128xf32, #tpu.memory_space<hbm>> -> memref<128x128xf32, #tpu.memory_space<hbm>>
      tpu.wait_dma2 semaphore(%arg29 : memref<!tpu.dma_semaphore, #tpu.memory_space<semaphore_mem>>) src(%dma_wait3A_614 : memref<128x128xf32, #tpu.memory_space<hbm>>) dst(%arg20 : memref<128x128xf32, #tpu.memory_space<vmem>>)
      %dma_start3A_615 = arith.constant 0 : i32
      %dma_start3A_616 = arith.constant 0 : i32
      %dma_start3A_617 = tpu.memref_slice %arg7[%dma_start3A_615, %dma_start3A_616] : memref<10000x128xf32, #tpu.memory_space<vmem_shared>> -> memref<10000x128xf32, #tpu.memory_space<vmem_shared>>
      tpu.enqueue_indirect_dma source(%arg20 : memref<128x128xf32, #tpu.memory_space<vmem>>) target(%dma_start3A_617 : memref<10000x128xf32, #tpu.memory_space<vmem_shared>>) offsets(%arg14 : memref<128xi32, #tpu.memory_space<vmem>>) semaphore(%arg32 : memref<!tpu.dma_semaphore, #tpu.memory_space<semaphore_mem>>) {add = true}
      %add3A_618 = arith.constant 6 : i32
      %add3A_619 = arith.addi %add3A_588, %add3A_618 : i32
      %mul3A_620 = arith.constant 32 : i32
      %mul3A_621 = arith.muli %mul3A_620, %add3A_619 : i32
      %add3A_622 = arith.addi %add3A, %mul3A_621 : i32
      %dma_start3A_623 = arith.constant 0 : i32
      %dma_start3A_624 = tpu.memref_slice %arg3[%add3A_622, %dma_start3A_623] : memref<2500x128xi32, #tpu.memory_space<hbm>> -> memref<1x128xi32, #tpu.memory_space<hbm>>
      %dma_start3A_625 = tpu.memref_squeeze %dma_start3A_624 : memref<1x128xi32, #tpu.memory_space<hbm>> -> memref<128xi32, #tpu.memory_space<hbm>>
      %dma_start3A_626 = arith.constant 0 : i32
      %dma_start3A_627 = tpu.memref_slice %arg3[%add3A_622, %dma_start3A_626] : memref<2500x128xi32, #tpu.memory_space<hbm>> -> memref<1x128xi32, #tpu.memory_space<hbm>>
      %dma_start3A_628 = tpu.memref_squeeze %dma_start3A_627 : memref<1x128xi32, #tpu.memory_space<hbm>> -> memref<128xi32, #tpu.memory_space<hbm>>
      tpu.enqueue_dma source(%dma_start3A_628 : memref<128xi32, #tpu.memory_space<hbm>>) target(%arg8 : memref<128xi32, #tpu.memory_space<vmem>>) target_semaphore(%arg23 : memref<!tpu.dma_semaphore, #tpu.memory_space<semaphore_mem>>)
      %mul3A_629 = arith.constant 32 : i32
      %mul3A_630 = arith.muli %mul3A_629, %add3A_619 : i32
      %add3A_631 = arith.addi %add3A, %mul3A_630 : i32
      %dma_start3A_632 = arith.constant 0 : i32
      %dma_start3A_633 = tpu.memref_slice %arg4[%add3A_631, %dma_start3A_632] : memref<2500x128xi32, #tpu.memory_space<hbm>> -> memref<1x128xi32, #tpu.memory_space<hbm>>
      %dma_start3A_634 = tpu.memref_squeeze %dma_start3A_633 : memref<1x128xi32, #tpu.memory_space<hbm>> -> memref<128xi32, #tpu.memory_space<hbm>>
      %dma_start3A_635 = arith.constant 0 : i32
      %dma_start3A_636 = tpu.memref_slice %arg4[%add3A_631, %dma_start3A_635] : memref<2500x128xi32, #tpu.memory_space<hbm>> -> memref<1x128xi32, #tpu.memory_space<hbm>>
      %dma_start3A_637 = tpu.memref_squeeze %dma_start3A_636 : memref<1x128xi32, #tpu.memory_space<hbm>> -> memref<128xi32, #tpu.memory_space<hbm>>
      tpu.enqueue_dma source(%dma_start3A_637 : memref<128xi32, #tpu.memory_space<hbm>>) target(%arg14 : memref<128xi32, #tpu.memory_space<vmem>>) target_semaphore(%arg23 : memref<!tpu.dma_semaphore, #tpu.memory_space<semaphore_mem>>)
      %add3A_638 = arith.constant 1 : i32
      %add3A_639 = arith.addi %mul3A_586, %add3A_638 : i32
      %dma_wait3A_640 = arith.constant 0 : i32
      %dma_wait3A_641 = arith.constant 0 : i32
      %dma_wait3A_642 = tpu.memref_slice %arg7[%dma_wait3A_640, %dma_wait3A_641] : memref<10000x128xf32, #tpu.memory_space<vmem_shared>> -> memref<10000x128xf32, #tpu.memory_space<vmem_shared>>
      tpu.wait_indirect_dma semaphore(%arg32 : memref<!tpu.dma_semaphore, #tpu.memory_space<semaphore_mem>>) src(%arg20 : memref<128x128xf32, #tpu.memory_space<vmem>>) dst(%dma_wait3A_642 : memref<10000x128xf32, #tpu.memory_space<vmem_shared>>)
      %dma_wait3A_643 = arith.constant 0 : i32
      %dma_wait3A_644 = arith.constant 0 : i32
      %dma_wait3A_645 = tpu.memref_slice %arg3[%dma_wait3A_643, %dma_wait3A_644] : memref<2500x128xi32, #tpu.memory_space<hbm>> -> memref<1x128xi32, #tpu.memory_space<hbm>>
      %dma_wait3A_646 = tpu.memref_squeeze %dma_wait3A_645 : memref<1x128xi32, #tpu.memory_space<hbm>> -> memref<128xi32, #tpu.memory_space<hbm>>
      %dma_wait3A_647 = arith.constant 0 : i32
      %dma_wait3A_648 = tpu.memref_slice %arg3[%dma_wait3A_643, %dma_wait3A_647] : memref<2500x128xi32, #tpu.memory_space<hbm>> -> memref<1x128xi32, #tpu.memory_space<hbm>>
      %dma_wait3A_649 = tpu.memref_squeeze %dma_wait3A_648 : memref<1x128xi32, #tpu.memory_space<hbm>> -> memref<128xi32, #tpu.memory_space<hbm>>
      tpu.wait_dma2 semaphore(%arg26 : memref<!tpu.dma_semaphore, #tpu.memory_space<semaphore_mem>>) src(%dma_wait3A_649 : memref<128xi32, #tpu.memory_space<hbm>>) dst(%arg11 : memref<128xi32, #tpu.memory_space<vmem>>)
      %dma_wait3A_650 = arith.constant 0 : i32
      %dma_wait3A_651 = arith.constant 0 : i32
      %dma_wait3A_652 = tpu.memref_slice %arg4[%dma_wait3A_650, %dma_wait3A_651] : memref<2500x128xi32, #tpu.memory_space<hbm>> -> memref<1x128xi32, #tpu.memory_space<hbm>>
      %dma_wait3A_653 = tpu.memref_squeeze %dma_wait3A_652 : memref<1x128xi32, #tpu.memory_space<hbm>> -> memref<128xi32, #tpu.memory_space<hbm>>
      %dma_wait3A_654 = arith.constant 0 : i32
      %dma_wait3A_655 = tpu.memref_slice %arg4[%dma_wait3A_650, %dma_wait3A_654] : memref<2500x128xi32, #tpu.memory_space<hbm>> -> memref<1x128xi32, #tpu.memory_space<hbm>>
      %dma_wait3A_656 = tpu.memref_squeeze %dma_wait3A_655 : memref<1x128xi32, #tpu.memory_space<hbm>> -> memref<128xi32, #tpu.memory_space<hbm>>
      tpu.wait_dma2 semaphore(%arg26 : memref<!tpu.dma_semaphore, #tpu.memory_space<semaphore_mem>>) src(%dma_wait3A_656 : memref<128xi32, #tpu.memory_space<hbm>>) dst(%arg17 : memref<128xi32, #tpu.memory_space<vmem>>)
      %dma_start3A_657 = arith.constant 0 : i32
      %dma_start3A_658 = arith.constant 0 : i32
      %dma_start3A_659 = tpu.memref_slice %arg2[%dma_start3A_657, %dma_start3A_658] : memref<10000x128xf32, #tpu.memory_space<hbm>> -> memref<10000x128xf32, #tpu.memory_space<hbm>>
      tpu.enqueue_indirect_dma source(%dma_start3A_659 : memref<10000x128xf32, #tpu.memory_space<hbm>>) target(%arg20 : memref<128x128xf32, #tpu.memory_space<vmem>>) offsets(%arg11 : memref<128xi32, #tpu.memory_space<vmem>>) semaphore(%arg29 : memref<!tpu.dma_semaphore, #tpu.memory_space<semaphore_mem>>)
      %dma_wait3A_660 = arith.constant 0 : i32
      %dma_wait3A_661 = arith.constant 0 : i32
      %dma_wait3A_662 = tpu.memref_slice %arg2[%dma_wait3A_660, %dma_wait3A_661] : memref<10000x128xf32, #tpu.memory_space<hbm>> -> memref<128x128xf32, #tpu.memory_space<hbm>>
      %dma_wait3A_663 = arith.constant 0 : i32
      %dma_wait3A_664 = arith.constant 0 : i32
      %dma_wait3A_665 = tpu.memref_slice %arg2[%dma_wait3A_663, %dma_wait3A_664] : memref<10000x128xf32, #tpu.memory_space<hbm>> -> memref<128x128xf32, #tpu.memory_space<hbm>>
      tpu.wait_dma2 semaphore(%arg30 : memref<!tpu.dma_semaphore, #tpu.memory_space<semaphore_mem>>) src(%dma_wait3A_665 : memref<128x128xf32, #tpu.memory_space<hbm>>) dst(%arg21 : memref<128x128xf32, #tpu.memory_space<vmem>>)
      %dma_start3A_666 = arith.constant 0 : i32
      %dma_start3A_667 = arith.constant 0 : i32
      %dma_start3A_668 = tpu.memref_slice %arg7[%dma_start3A_666, %dma_start3A_667] : memref<10000x128xf32, #tpu.memory_space<vmem_shared>> -> memref<10000x128xf32, #tpu.memory_space<vmem_shared>>
      tpu.enqueue_indirect_dma source(%arg21 : memref<128x128xf32, #tpu.memory_space<vmem>>) target(%dma_start3A_668 : memref<10000x128xf32, #tpu.memory_space<vmem_shared>>) offsets(%arg15 : memref<128xi32, #tpu.memory_space<vmem>>) semaphore(%arg33 : memref<!tpu.dma_semaphore, #tpu.memory_space<semaphore_mem>>) {add = true}
      %add3A_669 = arith.constant 6 : i32
      %add3A_670 = arith.addi %add3A_639, %add3A_669 : i32
      %mul3A_671 = arith.constant 32 : i32
      %mul3A_672 = arith.muli %mul3A_671, %add3A_670 : i32
      %add3A_673 = arith.addi %add3A, %mul3A_672 : i32
      %dma_start3A_674 = arith.constant 0 : i32
      %dma_start3A_675 = tpu.memref_slice %arg3[%add3A_673, %dma_start3A_674] : memref<2500x128xi32, #tpu.memory_space<hbm>> -> memref<1x128xi32, #tpu.memory_space<hbm>>
      %dma_start3A_676 = tpu.memref_squeeze %dma_start3A_675 : memref<1x128xi32, #tpu.memory_space<hbm>> -> memref<128xi32, #tpu.memory_space<hbm>>
      %dma_start3A_677 = arith.constant 0 : i32
      %dma_start3A_678 = tpu.memref_slice %arg3[%add3A_673, %dma_start3A_677] : memref<2500x128xi32, #tpu.memory_space<hbm>> -> memref<1x128xi32, #tpu.memory_space<hbm>>
      %dma_start3A_679 = tpu.memref_squeeze %dma_start3A_678 : memref<1x128xi32, #tpu.memory_space<hbm>> -> memref<128xi32, #tpu.memory_space<hbm>>
      tpu.enqueue_dma source(%dma_start3A_679 : memref<128xi32, #tpu.memory_space<hbm>>) target(%arg9 : memref<128xi32, #tpu.memory_space<vmem>>) target_semaphore(%arg24 : memref<!tpu.dma_semaphore, #tpu.memory_space<semaphore_mem>>)
      %mul3A_680 = arith.constant 32 : i32
      %mul3A_681 = arith.muli %mul3A_680, %add3A_670 : i32
      %add3A_682 = arith.addi %add3A, %mul3A_681 : i32
      %dma_start3A_683 = arith.constant 0 : i32
      %dma_start3A_684 = tpu.memref_slice %arg4[%add3A_682, %dma_start3A_683] : memref<2500x128xi32, #tpu.memory_space<hbm>> -> memref<1x128xi32, #tpu.memory_space<hbm>>
      %dma_start3A_685 = tpu.memref_squeeze %dma_start3A_684 : memref<1x128xi32, #tpu.memory_space<hbm>> -> memref<128xi32, #tpu.memory_space<hbm>>
      %dma_start3A_686 = arith.constant 0 : i32
      %dma_start3A_687 = tpu.memref_slice %arg4[%add3A_682, %dma_start3A_686] : memref<2500x128xi32, #tpu.memory_space<hbm>> -> memref<1x128xi32, #tpu.memory_space<hbm>>
      %dma_start3A_688 = tpu.memref_squeeze %dma_start3A_687 : memref<1x128xi32, #tpu.memory_space<hbm>> -> memref<128xi32, #tpu.memory_space<hbm>>
      tpu.enqueue_dma source(%dma_start3A_688 : memref<128xi32, #tpu.memory_space<hbm>>) target(%arg15 : memref<128xi32, #tpu.memory_space<vmem>>) target_semaphore(%arg24 : memref<!tpu.dma_semaphore, #tpu.memory_space<semaphore_mem>>)
      %add3A_689 = arith.constant 2 : i32
      %add3A_690 = arith.addi %mul3A_586, %add3A_689 : i32
      %dma_wait3A_691 = arith.constant 0 : i32
      %dma_wait3A_692 = arith.constant 0 : i32
      %dma_wait3A_693 = tpu.memref_slice %arg7[%dma_wait3A_691, %dma_wait3A_692] : memref<10000x128xf32, #tpu.memory_space<vmem_shared>> -> memref<10000x128xf32, #tpu.memory_space<vmem_shared>>
      tpu.wait_indirect_dma semaphore(%arg33 : memref<!tpu.dma_semaphore, #tpu.memory_space<semaphore_mem>>) src(%arg21 : memref<128x128xf32, #tpu.memory_space<vmem>>) dst(%dma_wait3A_693 : memref<10000x128xf32, #tpu.memory_space<vmem_shared>>)
      %dma_wait3A_694 = arith.constant 0 : i32
      %dma_wait3A_695 = arith.constant 0 : i32
      %dma_wait3A_696 = tpu.memref_slice %arg3[%dma_wait3A_694, %dma_wait3A_695] : memref<2500x128xi32, #tpu.memory_space<hbm>> -> memref<1x128xi32, #tpu.memory_space<hbm>>
      %dma_wait3A_697 = tpu.memref_squeeze %dma_wait3A_696 : memref<1x128xi32, #tpu.memory_space<hbm>> -> memref<128xi32, #tpu.memory_space<hbm>>
      %dma_wait3A_698 = arith.constant 0 : i32
      %dma_wait3A_699 = tpu.memref_slice %arg3[%dma_wait3A_694, %dma_wait3A_698] : memref<2500x128xi32, #tpu.memory_space<hbm>> -> memref<1x128xi32, #tpu.memory_space<hbm>>
      %dma_wait3A_700 = tpu.memref_squeeze %dma_wait3A_699 : memref<1x128xi32, #tpu.memory_space<hbm>> -> memref<128xi32, #tpu.memory_space<hbm>>
      tpu.wait_dma2 semaphore(%arg27 : memref<!tpu.dma_semaphore, #tpu.memory_space<semaphore_mem>>) src(%dma_wait3A_700 : memref<128xi32, #tpu.memory_space<hbm>>) dst(%arg12 : memref<128xi32, #tpu.memory_space<vmem>>)
      %dma_wait3A_701 = arith.constant 0 : i32
      %dma_wait3A_702 = arith.constant 0 : i32
      %dma_wait3A_703 = tpu.memref_slice %arg4[%dma_wait3A_701, %dma_wait3A_702] : memref<2500x128xi32, #tpu.memory_space<hbm>> -> memref<1x128xi32, #tpu.memory_space<hbm>>
      %dma_wait3A_704 = tpu.memref_squeeze %dma_wait3A_703 : memref<1x128xi32, #tpu.memory_space<hbm>> -> memref<128xi32, #tpu.memory_space<hbm>>
      %dma_wait3A_705 = arith.constant 0 : i32
      %dma_wait3A_706 = tpu.memref_slice %arg4[%dma_wait3A_701, %dma_wait3A_705] : memref<2500x128xi32, #tpu.memory_space<hbm>> -> memref<1x128xi32, #tpu.memory_space<hbm>>
      %dma_wait3A_707 = tpu.memref_squeeze %dma_wait3A_706 : memref<1x128xi32, #tpu.memory_space<hbm>> -> memref<128xi32, #tpu.memory_space<hbm>>
      tpu.wait_dma2 semaphore(%arg27 : memref<!tpu.dma_semaphore, #tpu.memory_space<semaphore_mem>>) src(%dma_wait3A_707 : memref<128xi32, #tpu.memory_space<hbm>>) dst(%arg18 : memref<128xi32, #tpu.memory_space<vmem>>)
      %dma_start3A_708 = arith.constant 0 : i32
      %dma_start3A_709 = arith.constant 0 : i32
      %dma_start3A_710 = tpu.memref_slice %arg2[%dma_start3A_708, %dma_start3A_709] : memref<10000x128xf32, #tpu.memory_space<hbm>> -> memref<10000x128xf32, #tpu.memory_space<hbm>>
      tpu.enqueue_indirect_dma source(%dma_start3A_710 : memref<10000x128xf32, #tpu.memory_space<hbm>>) target(%arg21 : memref<128x128xf32, #tpu.memory_space<vmem>>) offsets(%arg12 : memref<128xi32, #tpu.memory_space<vmem>>) semaphore(%arg30 : memref<!tpu.dma_semaphore, #tpu.memory_space<semaphore_mem>>)
      %dma_wait3A_711 = arith.constant 0 : i32
      %dma_wait3A_712 = arith.constant 0 : i32
      %dma_wait3A_713 = tpu.memref_slice %arg2[%dma_wait3A_711, %dma_wait3A_712] : memref<10000x128xf32, #tpu.memory_space<hbm>> -> memref<128x128xf32, #tpu.memory_space<hbm>>
      %dma_wait3A_714 = arith.constant 0 : i32
      %dma_wait3A_715 = arith.constant 0 : i32
      %dma_wait3A_716 = tpu.memref_slice %arg2[%dma_wait3A_714, %dma_wait3A_715] : memref<10000x128xf32, #tpu.memory_space<hbm>> -> memref<128x128xf32, #tpu.memory_space<hbm>>
      tpu.wait_dma2 semaphore(%arg31 : memref<!tpu.dma_semaphore, #tpu.memory_space<semaphore_mem>>) src(%dma_wait3A_716 : memref<128x128xf32, #tpu.memory_space<hbm>>) dst(%arg22 : memref<128x128xf32, #tpu.memory_space<vmem>>)
      %dma_start3A_717 = arith.constant 0 : i32
      %dma_start3A_718 = arith.constant 0 : i32
      %dma_start3A_719 = tpu.memref_slice %arg7[%dma_start3A_717, %dma_start3A_718] : memref<10000x128xf32, #tpu.memory_space<vmem_shared>> -> memref<10000x128xf32, #tpu.memory_space<vmem_shared>>
      tpu.enqueue_indirect_dma source(%arg22 : memref<128x128xf32, #tpu.memory_space<vmem>>) target(%dma_start3A_719 : memref<10000x128xf32, #tpu.memory_space<vmem_shared>>) offsets(%arg16 : memref<128xi32, #tpu.memory_space<vmem>>) semaphore(%arg34 : memref<!tpu.dma_semaphore, #tpu.memory_space<semaphore_mem>>) {add = true}
      %add3A_720 = arith.constant 6 : i32
      %add3A_721 = arith.addi %add3A_690, %add3A_720 : i32
      %mul3A_722 = arith.constant 32 : i32
      %mul3A_723 = arith.muli %mul3A_722, %add3A_721 : i32
      %add3A_724 = arith.addi %add3A, %mul3A_723 : i32
      %dma_start3A_725 = arith.constant 0 : i32
      %dma_start3A_726 = tpu.memref_slice %arg3[%add3A_724, %dma_start3A_725] : memref<2500x128xi32, #tpu.memory_space<hbm>> -> memref<1x128xi32, #tpu.memory_space<hbm>>
      %dma_start3A_727 = tpu.memref_squeeze %dma_start3A_726 : memref<1x128xi32, #tpu.memory_space<hbm>> -> memref<128xi32, #tpu.memory_space<hbm>>
      %dma_start3A_728 = arith.constant 0 : i32
      %dma_start3A_729 = tpu.memref_slice %arg3[%add3A_724, %dma_start3A_728] : memref<2500x128xi32, #tpu.memory_space<hbm>> -> memref<1x128xi32, #tpu.memory_space<hbm>>
      %dma_start3A_730 = tpu.memref_squeeze %dma_start3A_729 : memref<1x128xi32, #tpu.memory_space<hbm>> -> memref<128xi32, #tpu.memory_space<hbm>>
      tpu.enqueue_dma source(%dma_start3A_730 : memref<128xi32, #tpu.memory_space<hbm>>) target(%arg10 : memref<128xi32, #tpu.memory_space<vmem>>) target_semaphore(%arg25 : memref<!tpu.dma_semaphore, #tpu.memory_space<semaphore_mem>>)
      %mul3A_731 = arith.constant 32 : i32
      %mul3A_732 = arith.muli %mul3A_731, %add3A_721 : i32
      %add3A_733 = arith.addi %add3A, %mul3A_732 : i32
      %dma_start3A_734 = arith.constant 0 : i32
      %dma_start3A_735 = tpu.memref_slice %arg4[%add3A_733, %dma_start3A_734] : memref<2500x128xi32, #tpu.memory_space<hbm>> -> memref<1x128xi32, #tpu.memory_space<hbm>>
      %dma_start3A_736 = tpu.memref_squeeze %dma_start3A_735 : memref<1x128xi32, #tpu.memory_space<hbm>> -> memref<128xi32, #tpu.memory_space<hbm>>
      %dma_start3A_737 = arith.constant 0 : i32
      %dma_start3A_738 = tpu.memref_slice %arg4[%add3A_733, %dma_start3A_737] : memref<2500x128xi32, #tpu.memory_space<hbm>> -> memref<1x128xi32, #tpu.memory_space<hbm>>
      %dma_start3A_739 = tpu.memref_squeeze %dma_start3A_738 : memref<1x128xi32, #tpu.memory_space<hbm>> -> memref<128xi32, #tpu.memory_space<hbm>>
      tpu.enqueue_dma source(%dma_start3A_739 : memref<128xi32, #tpu.memory_space<hbm>>) target(%arg16 : memref<128xi32, #tpu.memory_space<vmem>>) target_semaphore(%arg25 : memref<!tpu.dma_semaphore, #tpu.memory_space<semaphore_mem>>)
      %add3A_740 = arith.constant 3 : i32
      %add3A_741 = arith.addi %mul3A_586, %add3A_740 : i32
      %dma_wait3A_742 = arith.constant 0 : i32
      %dma_wait3A_743 = arith.constant 0 : i32
      %dma_wait3A_744 = tpu.memref_slice %arg7[%dma_wait3A_742, %dma_wait3A_743] : memref<10000x128xf32, #tpu.memory_space<vmem_shared>> -> memref<10000x128xf32, #tpu.memory_space<vmem_shared>>
      tpu.wait_indirect_dma semaphore(%arg34 : memref<!tpu.dma_semaphore, #tpu.memory_space<semaphore_mem>>) src(%arg22 : memref<128x128xf32, #tpu.memory_space<vmem>>) dst(%dma_wait3A_744 : memref<10000x128xf32, #tpu.memory_space<vmem_shared>>)
      %dma_wait3A_745 = arith.constant 0 : i32
      %dma_wait3A_746 = arith.constant 0 : i32
      %dma_wait3A_747 = tpu.memref_slice %arg3[%dma_wait3A_745, %dma_wait3A_746] : memref<2500x128xi32, #tpu.memory_space<hbm>> -> memref<1x128xi32, #tpu.memory_space<hbm>>
      %dma_wait3A_748 = tpu.memref_squeeze %dma_wait3A_747 : memref<1x128xi32, #tpu.memory_space<hbm>> -> memref<128xi32, #tpu.memory_space<hbm>>
      %dma_wait3A_749 = arith.constant 0 : i32
      %dma_wait3A_750 = tpu.memref_slice %arg3[%dma_wait3A_745, %dma_wait3A_749] : memref<2500x128xi32, #tpu.memory_space<hbm>> -> memref<1x128xi32, #tpu.memory_space<hbm>>
      %dma_wait3A_751 = tpu.memref_squeeze %dma_wait3A_750 : memref<1x128xi32, #tpu.memory_space<hbm>> -> memref<128xi32, #tpu.memory_space<hbm>>
      tpu.wait_dma2 semaphore(%arg28 : memref<!tpu.dma_semaphore, #tpu.memory_space<semaphore_mem>>) src(%dma_wait3A_751 : memref<128xi32, #tpu.memory_space<hbm>>) dst(%arg13 : memref<128xi32, #tpu.memory_space<vmem>>)
      %dma_wait3A_752 = arith.constant 0 : i32
      %dma_wait3A_753 = arith.constant 0 : i32
      %dma_wait3A_754 = tpu.memref_slice %arg4[%dma_wait3A_752, %dma_wait3A_753] : memref<2500x128xi32, #tpu.memory_space<hbm>> -> memref<1x128xi32, #tpu.memory_space<hbm>>
      %dma_wait3A_755 = tpu.memref_squeeze %dma_wait3A_754 : memref<1x128xi32, #tpu.memory_space<hbm>> -> memref<128xi32, #tpu.memory_space<hbm>>
      %dma_wait3A_756 = arith.constant 0 : i32
      %dma_wait3A_757 = tpu.memref_slice %arg4[%dma_wait3A_752, %dma_wait3A_756] : memref<2500x128xi32, #tpu.memory_space<hbm>> -> memref<1x128xi32, #tpu.memory_space<hbm>>
      %dma_wait3A_758 = tpu.memref_squeeze %dma_wait3A_757 : memref<1x128xi32, #tpu.memory_space<hbm>> -> memref<128xi32, #tpu.memory_space<hbm>>
      tpu.wait_dma2 semaphore(%arg28 : memref<!tpu.dma_semaphore, #tpu.memory_space<semaphore_mem>>) src(%dma_wait3A_758 : memref<128xi32, #tpu.memory_space<hbm>>) dst(%arg19 : memref<128xi32, #tpu.memory_space<vmem>>)
      %dma_start3A_759 = arith.constant 0 : i32
      %dma_start3A_760 = arith.constant 0 : i32
      %dma_start3A_761 = tpu.memref_slice %arg2[%dma_start3A_759, %dma_start3A_760] : memref<10000x128xf32, #tpu.memory_space<hbm>> -> memref<10000x128xf32, #tpu.memory_space<hbm>>
      tpu.enqueue_indirect_dma source(%dma_start3A_761 : memref<10000x128xf32, #tpu.memory_space<hbm>>) target(%arg22 : memref<128x128xf32, #tpu.memory_space<vmem>>) offsets(%arg13 : memref<128xi32, #tpu.memory_space<vmem>>) semaphore(%arg31 : memref<!tpu.dma_semaphore, #tpu.memory_space<semaphore_mem>>)
      %dma_wait3A_762 = arith.constant 0 : i32
      %dma_wait3A_763 = arith.constant 0 : i32
      %dma_wait3A_764 = tpu.memref_slice %arg2[%dma_wait3A_762, %dma_wait3A_763] : memref<10000x128xf32, #tpu.memory_space<hbm>> -> memref<128x128xf32, #tpu.memory_space<hbm>>
      %dma_wait3A_765 = arith.constant 0 : i32
      %dma_wait3A_766 = arith.constant 0 : i32
      %dma_wait3A_767 = tpu.memref_slice %arg2[%dma_wait3A_765, %dma_wait3A_766] : memref<10000x128xf32, #tpu.memory_space<hbm>> -> memref<128x128xf32, #tpu.memory_space<hbm>>
      tpu.wait_dma2 semaphore(%arg29 : memref<!tpu.dma_semaphore, #tpu.memory_space<semaphore_mem>>) src(%dma_wait3A_767 : memref<128x128xf32, #tpu.memory_space<hbm>>) dst(%arg20 : memref<128x128xf32, #tpu.memory_space<vmem>>)
      %dma_start3A_768 = arith.constant 0 : i32
      %dma_start3A_769 = arith.constant 0 : i32
      %dma_start3A_770 = tpu.memref_slice %arg7[%dma_start3A_768, %dma_start3A_769] : memref<10000x128xf32, #tpu.memory_space<vmem_shared>> -> memref<10000x128xf32, #tpu.memory_space<vmem_shared>>
      tpu.enqueue_indirect_dma source(%arg20 : memref<128x128xf32, #tpu.memory_space<vmem>>) target(%dma_start3A_770 : memref<10000x128xf32, #tpu.memory_space<vmem_shared>>) offsets(%arg17 : memref<128xi32, #tpu.memory_space<vmem>>) semaphore(%arg32 : memref<!tpu.dma_semaphore, #tpu.memory_space<semaphore_mem>>) {add = true}
      %add3A_771 = arith.constant 6 : i32
      %add3A_772 = arith.addi %add3A_741, %add3A_771 : i32
      %mul3A_773 = arith.constant 32 : i32
      %mul3A_774 = arith.muli %mul3A_773, %add3A_772 : i32
      %add3A_775 = arith.addi %add3A, %mul3A_774 : i32
      %dma_start3A_776 = arith.constant 0 : i32
      %dma_start3A_777 = tpu.memref_slice %arg3[%add3A_775, %dma_start3A_776] : memref<2500x128xi32, #tpu.memory_space<hbm>> -> memref<1x128xi32, #tpu.memory_space<hbm>>
      %dma_start3A_778 = tpu.memref_squeeze %dma_start3A_777 : memref<1x128xi32, #tpu.memory_space<hbm>> -> memref<128xi32, #tpu.memory_space<hbm>>
      %dma_start3A_779 = arith.constant 0 : i32
      %dma_start3A_780 = tpu.memref_slice %arg3[%add3A_775, %dma_start3A_779] : memref<2500x128xi32, #tpu.memory_space<hbm>> -> memref<1x128xi32, #tpu.memory_space<hbm>>
      %dma_start3A_781 = tpu.memref_squeeze %dma_start3A_780 : memref<1x128xi32, #tpu.memory_space<hbm>> -> memref<128xi32, #tpu.memory_space<hbm>>
      tpu.enqueue_dma source(%dma_start3A_781 : memref<128xi32, #tpu.memory_space<hbm>>) target(%arg11 : memref<128xi32, #tpu.memory_space<vmem>>) target_semaphore(%arg26 : memref<!tpu.dma_semaphore, #tpu.memory_space<semaphore_mem>>)
      %mul3A_782 = arith.constant 32 : i32
      %mul3A_783 = arith.muli %mul3A_782, %add3A_772 : i32
      %add3A_784 = arith.addi %add3A, %mul3A_783 : i32
      %dma_start3A_785 = arith.constant 0 : i32
      %dma_start3A_786 = tpu.memref_slice %arg4[%add3A_784, %dma_start3A_785] : memref<2500x128xi32, #tpu.memory_space<hbm>> -> memref<1x128xi32, #tpu.memory_space<hbm>>
      %dma_start3A_787 = tpu.memref_squeeze %dma_start3A_786 : memref<1x128xi32, #tpu.memory_space<hbm>> -> memref<128xi32, #tpu.memory_space<hbm>>
      %dma_start3A_788 = arith.constant 0 : i32
      %dma_start3A_789 = tpu.memref_slice %arg4[%add3A_784, %dma_start3A_788] : memref<2500x128xi32, #tpu.memory_space<hbm>> -> memref<1x128xi32, #tpu.memory_space<hbm>>
      %dma_start3A_790 = tpu.memref_squeeze %dma_start3A_789 : memref<1x128xi32, #tpu.memory_space<hbm>> -> memref<128xi32, #tpu.memory_space<hbm>>
      tpu.enqueue_dma source(%dma_start3A_790 : memref<128xi32, #tpu.memory_space<hbm>>) target(%arg17 : memref<128xi32, #tpu.memory_space<vmem>>) target_semaphore(%arg26 : memref<!tpu.dma_semaphore, #tpu.memory_space<semaphore_mem>>)
      %add3A_791 = arith.constant 4 : i32
      %add3A_792 = arith.addi %mul3A_586, %add3A_791 : i32
      %dma_wait3A_793 = arith.constant 0 : i32
      %dma_wait3A_794 = arith.constant 0 : i32
      %dma_wait3A_795 = tpu.memref_slice %arg7[%dma_wait3A_793, %dma_wait3A_794] : memref<10000x128xf32, #tpu.memory_space<vmem_shared>> -> memref<10000x128xf32, #tpu.memory_space<vmem_shared>>
      tpu.wait_indirect_dma semaphore(%arg32 : memref<!tpu.dma_semaphore, #tpu.memory_space<semaphore_mem>>) src(%arg20 : memref<128x128xf32, #tpu.memory_space<vmem>>) dst(%dma_wait3A_795 : memref<10000x128xf32, #tpu.memory_space<vmem_shared>>)
      %dma_wait3A_796 = arith.constant 0 : i32
      %dma_wait3A_797 = arith.constant 0 : i32
      %dma_wait3A_798 = tpu.memref_slice %arg3[%dma_wait3A_796, %dma_wait3A_797] : memref<2500x128xi32, #tpu.memory_space<hbm>> -> memref<1x128xi32, #tpu.memory_space<hbm>>
      %dma_wait3A_799 = tpu.memref_squeeze %dma_wait3A_798 : memref<1x128xi32, #tpu.memory_space<hbm>> -> memref<128xi32, #tpu.memory_space<hbm>>
      %dma_wait3A_800 = arith.constant 0 : i32
      %dma_wait3A_801 = tpu.memref_slice %arg3[%dma_wait3A_796, %dma_wait3A_800] : memref<2500x128xi32, #tpu.memory_space<hbm>> -> memref<1x128xi32, #tpu.memory_space<hbm>>
      %dma_wait3A_802 = tpu.memref_squeeze %dma_wait3A_801 : memref<1x128xi32, #tpu.memory_space<hbm>> -> memref<128xi32, #tpu.memory_space<hbm>>
      tpu.wait_dma2 semaphore(%arg23 : memref<!tpu.dma_semaphore, #tpu.memory_space<semaphore_mem>>) src(%dma_wait3A_802 : memref<128xi32, #tpu.memory_space<hbm>>) dst(%arg8 : memref<128xi32, #tpu.memory_space<vmem>>)
      %dma_wait3A_803 = arith.constant 0 : i32
      %dma_wait3A_804 = arith.constant 0 : i32
      %dma_wait3A_805 = tpu.memref_slice %arg4[%dma_wait3A_803, %dma_wait3A_804] : memref<2500x128xi32, #tpu.memory_space<hbm>> -> memref<1x128xi32, #tpu.memory_space<hbm>>
      %dma_wait3A_806 = tpu.memref_squeeze %dma_wait3A_805 : memref<1x128xi32, #tpu.memory_space<hbm>> -> memref<128xi32, #tpu.memory_space<hbm>>
      %dma_wait3A_807 = arith.constant 0 : i32
      %dma_wait3A_808 = tpu.memref_slice %arg4[%dma_wait3A_803, %dma_wait3A_807] : memref<2500x128xi32, #tpu.memory_space<hbm>> -> memref<1x128xi32, #tpu.memory_space<hbm>>
      %dma_wait3A_809 = tpu.memref_squeeze %dma_wait3A_808 : memref<1x128xi32, #tpu.memory_space<hbm>> -> memref<128xi32, #tpu.memory_space<hbm>>
      tpu.wait_dma2 semaphore(%arg23 : memref<!tpu.dma_semaphore, #tpu.memory_space<semaphore_mem>>) src(%dma_wait3A_809 : memref<128xi32, #tpu.memory_space<hbm>>) dst(%arg14 : memref<128xi32, #tpu.memory_space<vmem>>)
      %dma_start3A_810 = arith.constant 0 : i32
      %dma_start3A_811 = arith.constant 0 : i32
      %dma_start3A_812 = tpu.memref_slice %arg2[%dma_start3A_810, %dma_start3A_811] : memref<10000x128xf32, #tpu.memory_space<hbm>> -> memref<10000x128xf32, #tpu.memory_space<hbm>>
      tpu.enqueue_indirect_dma source(%dma_start3A_812 : memref<10000x128xf32, #tpu.memory_space<hbm>>) target(%arg20 : memref<128x128xf32, #tpu.memory_space<vmem>>) offsets(%arg8 : memref<128xi32, #tpu.memory_space<vmem>>) semaphore(%arg29 : memref<!tpu.dma_semaphore, #tpu.memory_space<semaphore_mem>>)
      %dma_wait3A_813 = arith.constant 0 : i32
      %dma_wait3A_814 = arith.constant 0 : i32
      %dma_wait3A_815 = tpu.memref_slice %arg2[%dma_wait3A_813, %dma_wait3A_814] : memref<10000x128xf32, #tpu.memory_space<hbm>> -> memref<128x128xf32, #tpu.memory_space<hbm>>
      %dma_wait3A_816 = arith.constant 0 : i32
      %dma_wait3A_817 = arith.constant 0 : i32
      %dma_wait3A_818 = tpu.memref_slice %arg2[%dma_wait3A_816, %dma_wait3A_817] : memref<10000x128xf32, #tpu.memory_space<hbm>> -> memref<128x128xf32, #tpu.memory_space<hbm>>
      tpu.wait_dma2 semaphore(%arg30 : memref<!tpu.dma_semaphore, #tpu.memory_space<semaphore_mem>>) src(%dma_wait3A_818 : memref<128x128xf32, #tpu.memory_space<hbm>>) dst(%arg21 : memref<128x128xf32, #tpu.memory_space<vmem>>)
      %dma_start3A_819 = arith.constant 0 : i32
      %dma_start3A_820 = arith.constant 0 : i32
      %dma_start3A_821 = tpu.memref_slice %arg7[%dma_start3A_819, %dma_start3A_820] : memref<10000x128xf32, #tpu.memory_space<vmem_shared>> -> memref<10000x128xf32, #tpu.memory_space<vmem_shared>>
      tpu.enqueue_indirect_dma source(%arg21 : memref<128x128xf32, #tpu.memory_space<vmem>>) target(%dma_start3A_821 : memref<10000x128xf32, #tpu.memory_space<vmem_shared>>) offsets(%arg18 : memref<128xi32, #tpu.memory_space<vmem>>) semaphore(%arg33 : memref<!tpu.dma_semaphore, #tpu.memory_space<semaphore_mem>>) {add = true}
      %add3A_822 = arith.constant 6 : i32
      %add3A_823 = arith.addi %add3A_792, %add3A_822 : i32
      %mul3A_824 = arith.constant 32 : i32
      %mul3A_825 = arith.muli %mul3A_824, %add3A_823 : i32
      %add3A_826 = arith.addi %add3A, %mul3A_825 : i32
      %dma_start3A_827 = arith.constant 0 : i32
      %dma_start3A_828 = tpu.memref_slice %arg3[%add3A_826, %dma_start3A_827] : memref<2500x128xi32, #tpu.memory_space<hbm>> -> memref<1x128xi32, #tpu.memory_space<hbm>>
      %dma_start3A_829 = tpu.memref_squeeze %dma_start3A_828 : memref<1x128xi32, #tpu.memory_space<hbm>> -> memref<128xi32, #tpu.memory_space<hbm>>
      %dma_start3A_830 = arith.constant 0 : i32
      %dma_start3A_831 = tpu.memref_slice %arg3[%add3A_826, %dma_start3A_830] : memref<2500x128xi32, #tpu.memory_space<hbm>> -> memref<1x128xi32, #tpu.memory_space<hbm>>
      %dma_start3A_832 = tpu.memref_squeeze %dma_start3A_831 : memref<1x128xi32, #tpu.memory_space<hbm>> -> memref<128xi32, #tpu.memory_space<hbm>>
      tpu.enqueue_dma source(%dma_start3A_832 : memref<128xi32, #tpu.memory_space<hbm>>) target(%arg12 : memref<128xi32, #tpu.memory_space<vmem>>) target_semaphore(%arg27 : memref<!tpu.dma_semaphore, #tpu.memory_space<semaphore_mem>>)
      %mul3A_833 = arith.constant 32 : i32
      %mul3A_834 = arith.muli %mul3A_833, %add3A_823 : i32
      %add3A_835 = arith.addi %add3A, %mul3A_834 : i32
      %dma_start3A_836 = arith.constant 0 : i32
      %dma_start3A_837 = tpu.memref_slice %arg4[%add3A_835, %dma_start3A_836] : memref<2500x128xi32, #tpu.memory_space<hbm>> -> memref<1x128xi32, #tpu.memory_space<hbm>>
      %dma_start3A_838 = tpu.memref_squeeze %dma_start3A_837 : memref<1x128xi32, #tpu.memory_space<hbm>> -> memref<128xi32, #tpu.memory_space<hbm>>
      %dma_start3A_839 = arith.constant 0 : i32
      %dma_start3A_840 = tpu.memref_slice %arg4[%add3A_835, %dma_start3A_839] : memref<2500x128xi32, #tpu.memory_space<hbm>> -> memref<1x128xi32, #tpu.memory_space<hbm>>
      %dma_start3A_841 = tpu.memref_squeeze %dma_start3A_840 : memref<1x128xi32, #tpu.memory_space<hbm>> -> memref<128xi32, #tpu.memory_space<hbm>>
      tpu.enqueue_dma source(%dma_start3A_841 : memref<128xi32, #tpu.memory_space<hbm>>) target(%arg18 : memref<128xi32, #tpu.memory_space<vmem>>) target_semaphore(%arg27 : memref<!tpu.dma_semaphore, #tpu.memory_space<semaphore_mem>>)
      %add3A_842 = arith.constant 5 : i32
      %add3A_843 = arith.addi %mul3A_586, %add3A_842 : i32
      %dma_wait3A_844 = arith.constant 0 : i32
      %dma_wait3A_845 = arith.constant 0 : i32
      %dma_wait3A_846 = tpu.memref_slice %arg7[%dma_wait3A_844, %dma_wait3A_845] : memref<10000x128xf32, #tpu.memory_space<vmem_shared>> -> memref<10000x128xf32, #tpu.memory_space<vmem_shared>>
      tpu.wait_indirect_dma semaphore(%arg33 : memref<!tpu.dma_semaphore, #tpu.memory_space<semaphore_mem>>) src(%arg21 : memref<128x128xf32, #tpu.memory_space<vmem>>) dst(%dma_wait3A_846 : memref<10000x128xf32, #tpu.memory_space<vmem_shared>>)
      %dma_wait3A_847 = arith.constant 0 : i32
      %dma_wait3A_848 = arith.constant 0 : i32
      %dma_wait3A_849 = tpu.memref_slice %arg3[%dma_wait3A_847, %dma_wait3A_848] : memref<2500x128xi32, #tpu.memory_space<hbm>> -> memref<1x128xi32, #tpu.memory_space<hbm>>
      %dma_wait3A_850 = tpu.memref_squeeze %dma_wait3A_849 : memref<1x128xi32, #tpu.memory_space<hbm>> -> memref<128xi32, #tpu.memory_space<hbm>>
      %dma_wait3A_851 = arith.constant 0 : i32
      %dma_wait3A_852 = tpu.memref_slice %arg3[%dma_wait3A_847, %dma_wait3A_851] : memref<2500x128xi32, #tpu.memory_space<hbm>> -> memref<1x128xi32, #tpu.memory_space<hbm>>
      %dma_wait3A_853 = tpu.memref_squeeze %dma_wait3A_852 : memref<1x128xi32, #tpu.memory_space<hbm>> -> memref<128xi32, #tpu.memory_space<hbm>>
      tpu.wait_dma2 semaphore(%arg24 : memref<!tpu.dma_semaphore, #tpu.memory_space<semaphore_mem>>) src(%dma_wait3A_853 : memref<128xi32, #tpu.memory_space<hbm>>) dst(%arg9 : memref<128xi32, #tpu.memory_space<vmem>>)
      %dma_wait3A_854 = arith.constant 0 : i32
      %dma_wait3A_855 = arith.constant 0 : i32
      %dma_wait3A_856 = tpu.memref_slice %arg4[%dma_wait3A_854, %dma_wait3A_855] : memref<2500x128xi32, #tpu.memory_space<hbm>> -> memref<1x128xi32, #tpu.memory_space<hbm>>
      %dma_wait3A_857 = tpu.memref_squeeze %dma_wait3A_856 : memref<1x128xi32, #tpu.memory_space<hbm>> -> memref<128xi32, #tpu.memory_space<hbm>>
      %dma_wait3A_858 = arith.constant 0 : i32
      %dma_wait3A_859 = tpu.memref_slice %arg4[%dma_wait3A_854, %dma_wait3A_858] : memref<2500x128xi32, #tpu.memory_space<hbm>> -> memref<1x128xi32, #tpu.memory_space<hbm>>
      %dma_wait3A_860 = tpu.memref_squeeze %dma_wait3A_859 : memref<1x128xi32, #tpu.memory_space<hbm>> -> memref<128xi32, #tpu.memory_space<hbm>>
      tpu.wait_dma2 semaphore(%arg24 : memref<!tpu.dma_semaphore, #tpu.memory_space<semaphore_mem>>) src(%dma_wait3A_860 : memref<128xi32, #tpu.memory_space<hbm>>) dst(%arg15 : memref<128xi32, #tpu.memory_space<vmem>>)
      %dma_start3A_861 = arith.constant 0 : i32
      %dma_start3A_862 = arith.constant 0 : i32
      %dma_start3A_863 = tpu.memref_slice %arg2[%dma_start3A_861, %dma_start3A_862] : memref<10000x128xf32, #tpu.memory_space<hbm>> -> memref<10000x128xf32, #tpu.memory_space<hbm>>
      tpu.enqueue_indirect_dma source(%dma_start3A_863 : memref<10000x128xf32, #tpu.memory_space<hbm>>) target(%arg21 : memref<128x128xf32, #tpu.memory_space<vmem>>) offsets(%arg9 : memref<128xi32, #tpu.memory_space<vmem>>) semaphore(%arg30 : memref<!tpu.dma_semaphore, #tpu.memory_space<semaphore_mem>>)
      %dma_wait3A_864 = arith.constant 0 : i32
      %dma_wait3A_865 = arith.constant 0 : i32
      %dma_wait3A_866 = tpu.memref_slice %arg2[%dma_wait3A_864, %dma_wait3A_865] : memref<10000x128xf32, #tpu.memory_space<hbm>> -> memref<128x128xf32, #tpu.memory_space<hbm>>
      %dma_wait3A_867 = arith.constant 0 : i32
      %dma_wait3A_868 = arith.constant 0 : i32
      %dma_wait3A_869 = tpu.memref_slice %arg2[%dma_wait3A_867, %dma_wait3A_868] : memref<10000x128xf32, #tpu.memory_space<hbm>> -> memref<128x128xf32, #tpu.memory_space<hbm>>
      tpu.wait_dma2 semaphore(%arg31 : memref<!tpu.dma_semaphore, #tpu.memory_space<semaphore_mem>>) src(%dma_wait3A_869 : memref<128x128xf32, #tpu.memory_space<hbm>>) dst(%arg22 : memref<128x128xf32, #tpu.memory_space<vmem>>)
      %dma_start3A_870 = arith.constant 0 : i32
      %dma_start3A_871 = arith.constant 0 : i32
      %dma_start3A_872 = tpu.memref_slice %arg7[%dma_start3A_870, %dma_start3A_871] : memref<10000x128xf32, #tpu.memory_space<vmem_shared>> -> memref<10000x128xf32, #tpu.memory_space<vmem_shared>>
      tpu.enqueue_indirect_dma source(%arg22 : memref<128x128xf32, #tpu.memory_space<vmem>>) target(%dma_start3A_872 : memref<10000x128xf32, #tpu.memory_space<vmem_shared>>) offsets(%arg19 : memref<128xi32, #tpu.memory_space<vmem>>) semaphore(%arg34 : memref<!tpu.dma_semaphore, #tpu.memory_space<semaphore_mem>>) {add = true}
      %add3A_873 = arith.constant 6 : i32
      %add3A_874 = arith.addi %add3A_843, %add3A_873 : i32
      %mul3A_875 = arith.constant 32 : i32
      %mul3A_876 = arith.muli %mul3A_875, %add3A_874 : i32
      %add3A_877 = arith.addi %add3A, %mul3A_876 : i32
      %dma_start3A_878 = arith.constant 0 : i32
      %dma_start3A_879 = tpu.memref_slice %arg3[%add3A_877, %dma_start3A_878] : memref<2500x128xi32, #tpu.memory_space<hbm>> -> memref<1x128xi32, #tpu.memory_space<hbm>>
      %dma_start3A_880 = tpu.memref_squeeze %dma_start3A_879 : memref<1x128xi32, #tpu.memory_space<hbm>> -> memref<128xi32, #tpu.memory_space<hbm>>
      %dma_start3A_881 = arith.constant 0 : i32
      %dma_start3A_882 = tpu.memref_slice %arg3[%add3A_877, %dma_start3A_881] : memref<2500x128xi32, #tpu.memory_space<hbm>> -> memref<1x128xi32, #tpu.memory_space<hbm>>
      %dma_start3A_883 = tpu.memref_squeeze %dma_start3A_882 : memref<1x128xi32, #tpu.memory_space<hbm>> -> memref<128xi32, #tpu.memory_space<hbm>>
      tpu.enqueue_dma source(%dma_start3A_883 : memref<128xi32, #tpu.memory_space<hbm>>) target(%arg13 : memref<128xi32, #tpu.memory_space<vmem>>) target_semaphore(%arg28 : memref<!tpu.dma_semaphore, #tpu.memory_space<semaphore_mem>>)
      %mul3A_884 = arith.constant 32 : i32
      %mul3A_885 = arith.muli %mul3A_884, %add3A_874 : i32
      %add3A_886 = arith.addi %add3A, %mul3A_885 : i32
      %dma_start3A_887 = arith.constant 0 : i32
      %dma_start3A_888 = tpu.memref_slice %arg4[%add3A_886, %dma_start3A_887] : memref<2500x128xi32, #tpu.memory_space<hbm>> -> memref<1x128xi32, #tpu.memory_space<hbm>>
      %dma_start3A_889 = tpu.memref_squeeze %dma_start3A_888 : memref<1x128xi32, #tpu.memory_space<hbm>> -> memref<128xi32, #tpu.memory_space<hbm>>
      %dma_start3A_890 = arith.constant 0 : i32
      %dma_start3A_891 = tpu.memref_slice %arg4[%add3A_886, %dma_start3A_890] : memref<2500x128xi32, #tpu.memory_space<hbm>> -> memref<1x128xi32, #tpu.memory_space<hbm>>
      %dma_start3A_892 = tpu.memref_squeeze %dma_start3A_891 : memref<1x128xi32, #tpu.memory_space<hbm>> -> memref<128xi32, #tpu.memory_space<hbm>>
      tpu.enqueue_dma source(%dma_start3A_892 : memref<128xi32, #tpu.memory_space<hbm>>) target(%arg19 : memref<128xi32, #tpu.memory_space<vmem>>) target_semaphore(%arg28 : memref<!tpu.dma_semaphore, #tpu.memory_space<semaphore_mem>>)
    }
    %scan3A_409 = arith.constant 11 : i32
    %dma_wait3A_410 = arith.constant 0 : i32
    %dma_wait3A_411 = arith.constant 0 : i32
    %dma_wait3A_412 = tpu.memref_slice %arg7[%dma_wait3A_410, %dma_wait3A_411] : memref<10000x128xf32, #tpu.memory_space<vmem_shared>> -> memref<10000x128xf32, #tpu.memory_space<vmem_shared>>
    tpu.wait_indirect_dma semaphore(%arg34 : memref<!tpu.dma_semaphore, #tpu.memory_space<semaphore_mem>>) src(%arg22 : memref<128x128xf32, #tpu.memory_space<vmem>>) dst(%dma_wait3A_412 : memref<10000x128xf32, #tpu.memory_space<vmem_shared>>)
    %dma_wait3A_413 = arith.constant 0 : i32
    %dma_wait3A_414 = arith.constant 0 : i32
    %dma_wait3A_415 = tpu.memref_slice %arg3[%dma_wait3A_413, %dma_wait3A_414] : memref<2500x128xi32, #tpu.memory_space<hbm>> -> memref<1x128xi32, #tpu.memory_space<hbm>>
    %dma_wait3A_416 = tpu.memref_squeeze %dma_wait3A_415 : memref<1x128xi32, #tpu.memory_space<hbm>> -> memref<128xi32, #tpu.memory_space<hbm>>
    %dma_wait3A_417 = arith.constant 0 : i32
    %dma_wait3A_418 = tpu.memref_slice %arg3[%dma_wait3A_413, %dma_wait3A_417] : memref<2500x128xi32, #tpu.memory_space<hbm>> -> memref<1x128xi32, #tpu.memory_space<hbm>>
    %dma_wait3A_419 = tpu.memref_squeeze %dma_wait3A_418 : memref<1x128xi32, #tpu.memory_space<hbm>> -> memref<128xi32, #tpu.memory_space<hbm>>
    tpu.wait_dma2 semaphore(%arg25 : memref<!tpu.dma_semaphore, #tpu.memory_space<semaphore_mem>>) src(%dma_wait3A_419 : memref<128xi32, #tpu.memory_space<hbm>>) dst(%arg10 : memref<128xi32, #tpu.memory_space<vmem>>)
    %dma_wait3A_420 = arith.constant 0 : i32
    %dma_wait3A_421 = arith.constant 0 : i32
    %dma_wait3A_422 = tpu.memref_slice %arg4[%dma_wait3A_420, %dma_wait3A_421] : memref<2500x128xi32, #tpu.memory_space<hbm>> -> memref<1x128xi32, #tpu.memory_space<hbm>>
    %dma_wait3A_423 = tpu.memref_squeeze %dma_wait3A_422 : memref<1x128xi32, #tpu.memory_space<hbm>> -> memref<128xi32, #tpu.memory_space<hbm>>
    %dma_wait3A_424 = arith.constant 0 : i32
    %dma_wait3A_425 = tpu.memref_slice %arg4[%dma_wait3A_420, %dma_wait3A_424] : memref<2500x128xi32, #tpu.memory_space<hbm>> -> memref<1x128xi32, #tpu.memory_space<hbm>>
    %dma_wait3A_426 = tpu.memref_squeeze %dma_wait3A_425 : memref<1x128xi32, #tpu.memory_space<hbm>> -> memref<128xi32, #tpu.memory_space<hbm>>
    tpu.wait_dma2 semaphore(%arg25 : memref<!tpu.dma_semaphore, #tpu.memory_space<semaphore_mem>>) src(%dma_wait3A_426 : memref<128xi32, #tpu.memory_space<hbm>>) dst(%arg16 : memref<128xi32, #tpu.memory_space<vmem>>)
    %dma_start3A_427 = arith.constant 0 : i32
    %dma_start3A_428 = arith.constant 0 : i32
    %dma_start3A_429 = tpu.memref_slice %arg2[%dma_start3A_427, %dma_start3A_428] : memref<10000x128xf32, #tpu.memory_space<hbm>> -> memref<10000x128xf32, #tpu.memory_space<hbm>>
    tpu.enqueue_indirect_dma source(%dma_start3A_429 : memref<10000x128xf32, #tpu.memory_space<hbm>>) target(%arg22 : memref<128x128xf32, #tpu.memory_space<vmem>>) offsets(%arg10 : memref<128xi32, #tpu.memory_space<vmem>>) semaphore(%arg31 : memref<!tpu.dma_semaphore, #tpu.memory_space<semaphore_mem>>)
    %dma_wait3A_430 = arith.constant 0 : i32
    %dma_wait3A_431 = arith.constant 0 : i32
    %dma_wait3A_432 = tpu.memref_slice %arg2[%dma_wait3A_430, %dma_wait3A_431] : memref<10000x128xf32, #tpu.memory_space<hbm>> -> memref<128x128xf32, #tpu.memory_space<hbm>>
    %dma_wait3A_433 = arith.constant 0 : i32
    %dma_wait3A_434 = arith.constant 0 : i32
    %dma_wait3A_435 = tpu.memref_slice %arg2[%dma_wait3A_433, %dma_wait3A_434] : memref<10000x128xf32, #tpu.memory_space<hbm>> -> memref<128x128xf32, #tpu.memory_space<hbm>>
    tpu.wait_dma2 semaphore(%arg29 : memref<!tpu.dma_semaphore, #tpu.memory_space<semaphore_mem>>) src(%dma_wait3A_435 : memref<128x128xf32, #tpu.memory_space<hbm>>) dst(%arg20 : memref<128x128xf32, #tpu.memory_space<vmem>>)
    %dma_start3A_436 = arith.constant 0 : i32
    %dma_start3A_437 = arith.constant 0 : i32
    %dma_start3A_438 = tpu.memref_slice %arg7[%dma_start3A_436, %dma_start3A_437] : memref<10000x128xf32, #tpu.memory_space<vmem_shared>> -> memref<10000x128xf32, #tpu.memory_space<vmem_shared>>
    tpu.enqueue_indirect_dma source(%arg20 : memref<128x128xf32, #tpu.memory_space<vmem>>) target(%dma_start3A_438 : memref<10000x128xf32, #tpu.memory_space<vmem_shared>>) offsets(%arg14 : memref<128xi32, #tpu.memory_space<vmem>>) semaphore(%arg32 : memref<!tpu.dma_semaphore, #tpu.memory_space<semaphore_mem>>) {add = true}
    %gt3A = arith.constant 78 : i32
    %gt3A_439 = arith.cmpi sgt, %select_n3A, %gt3A : i32
    %convert_element_type3A_440 = arith.extui %gt3A_439 : i1 to i32
    %cond3A_441 = arith.constant 0 : i32
    %cond3A_442 = arith.cmpi ne, %convert_element_type3A_440, %cond3A_441 : i32
    scf.if %cond3A_442 {
      %add3A_584 = arith.constant 2496 : i32
      %add3A_585 = arith.addi %add3A, %add3A_584 : i32
      %dma_start3A_586 = arith.constant 0 : i32
      %dma_start3A_587 = tpu.memref_slice %arg3[%add3A_585, %dma_start3A_586] : memref<2500x128xi32, #tpu.memory_space<hbm>> -> memref<1x128xi32, #tpu.memory_space<hbm>>
      %dma_start3A_588 = tpu.memref_squeeze %dma_start3A_587 : memref<1x128xi32, #tpu.memory_space<hbm>> -> memref<128xi32, #tpu.memory_space<hbm>>
      %dma_start3A_589 = arith.constant 0 : i32
      %dma_start3A_590 = tpu.memref_slice %arg3[%add3A_585, %dma_start3A_589] : memref<2500x128xi32, #tpu.memory_space<hbm>> -> memref<1x128xi32, #tpu.memory_space<hbm>>
      %dma_start3A_591 = tpu.memref_squeeze %dma_start3A_590 : memref<1x128xi32, #tpu.memory_space<hbm>> -> memref<128xi32, #tpu.memory_space<hbm>>
      tpu.enqueue_dma source(%dma_start3A_591 : memref<128xi32, #tpu.memory_space<hbm>>) target(%arg8 : memref<128xi32, #tpu.memory_space<vmem>>) target_semaphore(%arg23 : memref<!tpu.dma_semaphore, #tpu.memory_space<semaphore_mem>>)
      %add3A_592 = arith.constant 2496 : i32
      %add3A_593 = arith.addi %add3A, %add3A_592 : i32
      %dma_start3A_594 = arith.constant 0 : i32
      %dma_start3A_595 = tpu.memref_slice %arg4[%add3A_593, %dma_start3A_594] : memref<2500x128xi32, #tpu.memory_space<hbm>> -> memref<1x128xi32, #tpu.memory_space<hbm>>
      %dma_start3A_596 = tpu.memref_squeeze %dma_start3A_595 : memref<1x128xi32, #tpu.memory_space<hbm>> -> memref<128xi32, #tpu.memory_space<hbm>>
      %dma_start3A_597 = arith.constant 0 : i32
      %dma_start3A_598 = tpu.memref_slice %arg4[%add3A_593, %dma_start3A_597] : memref<2500x128xi32, #tpu.memory_space<hbm>> -> memref<1x128xi32, #tpu.memory_space<hbm>>
      %dma_start3A_599 = tpu.memref_squeeze %dma_start3A_598 : memref<1x128xi32, #tpu.memory_space<hbm>> -> memref<128xi32, #tpu.memory_space<hbm>>
      tpu.enqueue_dma source(%dma_start3A_599 : memref<128xi32, #tpu.memory_space<hbm>>) target(%arg14 : memref<128xi32, #tpu.memory_space<vmem>>) target_semaphore(%arg23 : memref<!tpu.dma_semaphore, #tpu.memory_space<semaphore_mem>>)
    } else {
    }
    %dma_wait3A_443 = arith.constant 0 : i32
    %dma_wait3A_444 = arith.constant 0 : i32
    %dma_wait3A_445 = tpu.memref_slice %arg7[%dma_wait3A_443, %dma_wait3A_444] : memref<10000x128xf32, #tpu.memory_space<vmem_shared>> -> memref<10000x128xf32, #tpu.memory_space<vmem_shared>>
    tpu.wait_indirect_dma semaphore(%arg32 : memref<!tpu.dma_semaphore, #tpu.memory_space<semaphore_mem>>) src(%arg20 : memref<128x128xf32, #tpu.memory_space<vmem>>) dst(%dma_wait3A_445 : memref<10000x128xf32, #tpu.memory_space<vmem_shared>>)
    %dma_wait3A_446 = arith.constant 0 : i32
    %dma_wait3A_447 = arith.constant 0 : i32
    %dma_wait3A_448 = tpu.memref_slice %arg3[%dma_wait3A_446, %dma_wait3A_447] : memref<2500x128xi32, #tpu.memory_space<hbm>> -> memref<1x128xi32, #tpu.memory_space<hbm>>
    %dma_wait3A_449 = tpu.memref_squeeze %dma_wait3A_448 : memref<1x128xi32, #tpu.memory_space<hbm>> -> memref<128xi32, #tpu.memory_space<hbm>>
    %dma_wait3A_450 = arith.constant 0 : i32
    %dma_wait3A_451 = tpu.memref_slice %arg3[%dma_wait3A_446, %dma_wait3A_450] : memref<2500x128xi32, #tpu.memory_space<hbm>> -> memref<1x128xi32, #tpu.memory_space<hbm>>
    %dma_wait3A_452 = tpu.memref_squeeze %dma_wait3A_451 : memref<1x128xi32, #tpu.memory_space<hbm>> -> memref<128xi32, #tpu.memory_space<hbm>>
    tpu.wait_dma2 semaphore(%arg26 : memref<!tpu.dma_semaphore, #tpu.memory_space<semaphore_mem>>) src(%dma_wait3A_452 : memref<128xi32, #tpu.memory_space<hbm>>) dst(%arg11 : memref<128xi32, #tpu.memory_space<vmem>>)
    %dma_wait3A_453 = arith.constant 0 : i32
    %dma_wait3A_454 = arith.constant 0 : i32
    %dma_wait3A_455 = tpu.memref_slice %arg4[%dma_wait3A_453, %dma_wait3A_454] : memref<2500x128xi32, #tpu.memory_space<hbm>> -> memref<1x128xi32, #tpu.memory_space<hbm>>
    %dma_wait3A_456 = tpu.memref_squeeze %dma_wait3A_455 : memref<1x128xi32, #tpu.memory_space<hbm>> -> memref<128xi32, #tpu.memory_space<hbm>>
    %dma_wait3A_457 = arith.constant 0 : i32
    %dma_wait3A_458 = tpu.memref_slice %arg4[%dma_wait3A_453, %dma_wait3A_457] : memref<2500x128xi32, #tpu.memory_space<hbm>> -> memref<1x128xi32, #tpu.memory_space<hbm>>
    %dma_wait3A_459 = tpu.memref_squeeze %dma_wait3A_458 : memref<1x128xi32, #tpu.memory_space<hbm>> -> memref<128xi32, #tpu.memory_space<hbm>>
    tpu.wait_dma2 semaphore(%arg26 : memref<!tpu.dma_semaphore, #tpu.memory_space<semaphore_mem>>) src(%dma_wait3A_459 : memref<128xi32, #tpu.memory_space<hbm>>) dst(%arg17 : memref<128xi32, #tpu.memory_space<vmem>>)
    %dma_start3A_460 = arith.constant 0 : i32
    %dma_start3A_461 = arith.constant 0 : i32
    %dma_start3A_462 = tpu.memref_slice %arg2[%dma_start3A_460, %dma_start3A_461] : memref<10000x128xf32, #tpu.memory_space<hbm>> -> memref<10000x128xf32, #tpu.memory_space<hbm>>
    tpu.enqueue_indirect_dma source(%dma_start3A_462 : memref<10000x128xf32, #tpu.memory_space<hbm>>) target(%arg20 : memref<128x128xf32, #tpu.memory_space<vmem>>) offsets(%arg11 : memref<128xi32, #tpu.memory_space<vmem>>) semaphore(%arg29 : memref<!tpu.dma_semaphore, #tpu.memory_space<semaphore_mem>>)
    %dma_wait3A_463 = arith.constant 0 : i32
    %dma_wait3A_464 = arith.constant 0 : i32
    %dma_wait3A_465 = tpu.memref_slice %arg2[%dma_wait3A_463, %dma_wait3A_464] : memref<10000x128xf32, #tpu.memory_space<hbm>> -> memref<128x128xf32, #tpu.memory_space<hbm>>
    %dma_wait3A_466 = arith.constant 0 : i32
    %dma_wait3A_467 = arith.constant 0 : i32
    %dma_wait3A_468 = tpu.memref_slice %arg2[%dma_wait3A_466, %dma_wait3A_467] : memref<10000x128xf32, #tpu.memory_space<hbm>> -> memref<128x128xf32, #tpu.memory_space<hbm>>
    tpu.wait_dma2 semaphore(%arg30 : memref<!tpu.dma_semaphore, #tpu.memory_space<semaphore_mem>>) src(%dma_wait3A_468 : memref<128x128xf32, #tpu.memory_space<hbm>>) dst(%arg21 : memref<128x128xf32, #tpu.memory_space<vmem>>)
    %dma_start3A_469 = arith.constant 0 : i32
    %dma_start3A_470 = arith.constant 0 : i32
    %dma_start3A_471 = tpu.memref_slice %arg7[%dma_start3A_469, %dma_start3A_470] : memref<10000x128xf32, #tpu.memory_space<vmem_shared>> -> memref<10000x128xf32, #tpu.memory_space<vmem_shared>>
    tpu.enqueue_indirect_dma source(%arg21 : memref<128x128xf32, #tpu.memory_space<vmem>>) target(%dma_start3A_471 : memref<10000x128xf32, #tpu.memory_space<vmem_shared>>) offsets(%arg15 : memref<128xi32, #tpu.memory_space<vmem>>) semaphore(%arg33 : memref<!tpu.dma_semaphore, #tpu.memory_space<semaphore_mem>>) {add = true}
    %dma_wait3A_472 = arith.constant 0 : i32
    %dma_wait3A_473 = arith.constant 0 : i32
    %dma_wait3A_474 = tpu.memref_slice %arg7[%dma_wait3A_472, %dma_wait3A_473] : memref<10000x128xf32, #tpu.memory_space<vmem_shared>> -> memref<10000x128xf32, #tpu.memory_space<vmem_shared>>
    tpu.wait_indirect_dma semaphore(%arg33 : memref<!tpu.dma_semaphore, #tpu.memory_space<semaphore_mem>>) src(%arg21 : memref<128x128xf32, #tpu.memory_space<vmem>>) dst(%dma_wait3A_474 : memref<10000x128xf32, #tpu.memory_space<vmem_shared>>)
    %dma_wait3A_475 = arith.constant 0 : i32
    %dma_wait3A_476 = arith.constant 0 : i32
    %dma_wait3A_477 = tpu.memref_slice %arg3[%dma_wait3A_475, %dma_wait3A_476] : memref<2500x128xi32, #tpu.memory_space<hbm>> -> memref<1x128xi32, #tpu.memory_space<hbm>>
    %dma_wait3A_478 = tpu.memref_squeeze %dma_wait3A_477 : memref<1x128xi32, #tpu.memory_space<hbm>> -> memref<128xi32, #tpu.memory_space<hbm>>
    %dma_wait3A_479 = arith.constant 0 : i32
    %dma_wait3A_480 = tpu.memref_slice %arg3[%dma_wait3A_475, %dma_wait3A_479] : memref<2500x128xi32, #tpu.memory_space<hbm>> -> memref<1x128xi32, #tpu.memory_space<hbm>>
    %dma_wait3A_481 = tpu.memref_squeeze %dma_wait3A_480 : memref<1x128xi32, #tpu.memory_space<hbm>> -> memref<128xi32, #tpu.memory_space<hbm>>
    tpu.wait_dma2 semaphore(%arg27 : memref<!tpu.dma_semaphore, #tpu.memory_space<semaphore_mem>>) src(%dma_wait3A_481 : memref<128xi32, #tpu.memory_space<hbm>>) dst(%arg12 : memref<128xi32, #tpu.memory_space<vmem>>)
    %dma_wait3A_482 = arith.constant 0 : i32
    %dma_wait3A_483 = arith.constant 0 : i32
    %dma_wait3A_484 = tpu.memref_slice %arg4[%dma_wait3A_482, %dma_wait3A_483] : memref<2500x128xi32, #tpu.memory_space<hbm>> -> memref<1x128xi32, #tpu.memory_space<hbm>>
    %dma_wait3A_485 = tpu.memref_squeeze %dma_wait3A_484 : memref<1x128xi32, #tpu.memory_space<hbm>> -> memref<128xi32, #tpu.memory_space<hbm>>
    %dma_wait3A_486 = arith.constant 0 : i32
    %dma_wait3A_487 = tpu.memref_slice %arg4[%dma_wait3A_482, %dma_wait3A_486] : memref<2500x128xi32, #tpu.memory_space<hbm>> -> memref<1x128xi32, #tpu.memory_space<hbm>>
    %dma_wait3A_488 = tpu.memref_squeeze %dma_wait3A_487 : memref<1x128xi32, #tpu.memory_space<hbm>> -> memref<128xi32, #tpu.memory_space<hbm>>
    tpu.wait_dma2 semaphore(%arg27 : memref<!tpu.dma_semaphore, #tpu.memory_space<semaphore_mem>>) src(%dma_wait3A_488 : memref<128xi32, #tpu.memory_space<hbm>>) dst(%arg18 : memref<128xi32, #tpu.memory_space<vmem>>)
    %dma_start3A_489 = arith.constant 0 : i32
    %dma_start3A_490 = arith.constant 0 : i32
    %dma_start3A_491 = tpu.memref_slice %arg2[%dma_start3A_489, %dma_start3A_490] : memref<10000x128xf32, #tpu.memory_space<hbm>> -> memref<10000x128xf32, #tpu.memory_space<hbm>>
    tpu.enqueue_indirect_dma source(%dma_start3A_491 : memref<10000x128xf32, #tpu.memory_space<hbm>>) target(%arg21 : memref<128x128xf32, #tpu.memory_space<vmem>>) offsets(%arg12 : memref<128xi32, #tpu.memory_space<vmem>>) semaphore(%arg30 : memref<!tpu.dma_semaphore, #tpu.memory_space<semaphore_mem>>)
    %dma_wait3A_492 = arith.constant 0 : i32
    %dma_wait3A_493 = arith.constant 0 : i32
    %dma_wait3A_494 = tpu.memref_slice %arg2[%dma_wait3A_492, %dma_wait3A_493] : memref<10000x128xf32, #tpu.memory_space<hbm>> -> memref<128x128xf32, #tpu.memory_space<hbm>>
    %dma_wait3A_495 = arith.constant 0 : i32
    %dma_wait3A_496 = arith.constant 0 : i32
    %dma_wait3A_497 = tpu.memref_slice %arg2[%dma_wait3A_495, %dma_wait3A_496] : memref<10000x128xf32, #tpu.memory_space<hbm>> -> memref<128x128xf32, #tpu.memory_space<hbm>>
    tpu.wait_dma2 semaphore(%arg31 : memref<!tpu.dma_semaphore, #tpu.memory_space<semaphore_mem>>) src(%dma_wait3A_497 : memref<128x128xf32, #tpu.memory_space<hbm>>) dst(%arg22 : memref<128x128xf32, #tpu.memory_space<vmem>>)
    %dma_start3A_498 = arith.constant 0 : i32
    %dma_start3A_499 = arith.constant 0 : i32
    %dma_start3A_500 = tpu.memref_slice %arg7[%dma_start3A_498, %dma_start3A_499] : memref<10000x128xf32, #tpu.memory_space<vmem_shared>> -> memref<10000x128xf32, #tpu.memory_space<vmem_shared>>
    tpu.enqueue_indirect_dma source(%arg22 : memref<128x128xf32, #tpu.memory_space<vmem>>) target(%dma_start3A_500 : memref<10000x128xf32, #tpu.memory_space<vmem_shared>>) offsets(%arg16 : memref<128xi32, #tpu.memory_space<vmem>>) semaphore(%arg34 : memref<!tpu.dma_semaphore, #tpu.memory_space<semaphore_mem>>) {add = true}
    %dma_wait3A_501 = arith.constant 0 : i32
    %dma_wait3A_502 = arith.constant 0 : i32
    %dma_wait3A_503 = tpu.memref_slice %arg7[%dma_wait3A_501, %dma_wait3A_502] : memref<10000x128xf32, #tpu.memory_space<vmem_shared>> -> memref<10000x128xf32, #tpu.memory_space<vmem_shared>>
    tpu.wait_indirect_dma semaphore(%arg34 : memref<!tpu.dma_semaphore, #tpu.memory_space<semaphore_mem>>) src(%arg22 : memref<128x128xf32, #tpu.memory_space<vmem>>) dst(%dma_wait3A_503 : memref<10000x128xf32, #tpu.memory_space<vmem_shared>>)
    %dma_wait3A_504 = arith.constant 0 : i32
    %dma_wait3A_505 = arith.constant 0 : i32
    %dma_wait3A_506 = tpu.memref_slice %arg3[%dma_wait3A_504, %dma_wait3A_505] : memref<2500x128xi32, #tpu.memory_space<hbm>> -> memref<1x128xi32, #tpu.memory_space<hbm>>
    %dma_wait3A_507 = tpu.memref_squeeze %dma_wait3A_506 : memref<1x128xi32, #tpu.memory_space<hbm>> -> memref<128xi32, #tpu.memory_space<hbm>>
    %dma_wait3A_508 = arith.constant 0 : i32
    %dma_wait3A_509 = tpu.memref_slice %arg3[%dma_wait3A_504, %dma_wait3A_508] : memref<2500x128xi32, #tpu.memory_space<hbm>> -> memref<1x128xi32, #tpu.memory_space<hbm>>
    %dma_wait3A_510 = tpu.memref_squeeze %dma_wait3A_509 : memref<1x128xi32, #tpu.memory_space<hbm>> -> memref<128xi32, #tpu.memory_space<hbm>>
    tpu.wait_dma2 semaphore(%arg28 : memref<!tpu.dma_semaphore, #tpu.memory_space<semaphore_mem>>) src(%dma_wait3A_510 : memref<128xi32, #tpu.memory_space<hbm>>) dst(%arg13 : memref<128xi32, #tpu.memory_space<vmem>>)
    %dma_wait3A_511 = arith.constant 0 : i32
    %dma_wait3A_512 = arith.constant 0 : i32
    %dma_wait3A_513 = tpu.memref_slice %arg4[%dma_wait3A_511, %dma_wait3A_512] : memref<2500x128xi32, #tpu.memory_space<hbm>> -> memref<1x128xi32, #tpu.memory_space<hbm>>
    %dma_wait3A_514 = tpu.memref_squeeze %dma_wait3A_513 : memref<1x128xi32, #tpu.memory_space<hbm>> -> memref<128xi32, #tpu.memory_space<hbm>>
    %dma_wait3A_515 = arith.constant 0 : i32
    %dma_wait3A_516 = tpu.memref_slice %arg4[%dma_wait3A_511, %dma_wait3A_515] : memref<2500x128xi32, #tpu.memory_space<hbm>> -> memref<1x128xi32, #tpu.memory_space<hbm>>
    %dma_wait3A_517 = tpu.memref_squeeze %dma_wait3A_516 : memref<1x128xi32, #tpu.memory_space<hbm>> -> memref<128xi32, #tpu.memory_space<hbm>>
    tpu.wait_dma2 semaphore(%arg28 : memref<!tpu.dma_semaphore, #tpu.memory_space<semaphore_mem>>) src(%dma_wait3A_517 : memref<128xi32, #tpu.memory_space<hbm>>) dst(%arg19 : memref<128xi32, #tpu.memory_space<vmem>>)
    %dma_start3A_518 = arith.constant 0 : i32
    %dma_start3A_519 = arith.constant 0 : i32
    %dma_start3A_520 = tpu.memref_slice %arg2[%dma_start3A_518, %dma_start3A_519] : memref<10000x128xf32, #tpu.memory_space<hbm>> -> memref<10000x128xf32, #tpu.memory_space<hbm>>
    tpu.enqueue_indirect_dma source(%dma_start3A_520 : memref<10000x128xf32, #tpu.memory_space<hbm>>) target(%arg22 : memref<128x128xf32, #tpu.memory_space<vmem>>) offsets(%arg13 : memref<128xi32, #tpu.memory_space<vmem>>) semaphore(%arg31 : memref<!tpu.dma_semaphore, #tpu.memory_space<semaphore_mem>>)
    %dma_wait3A_521 = arith.constant 0 : i32
    %dma_wait3A_522 = arith.constant 0 : i32
    %dma_wait3A_523 = tpu.memref_slice %arg2[%dma_wait3A_521, %dma_wait3A_522] : memref<10000x128xf32, #tpu.memory_space<hbm>> -> memref<128x128xf32, #tpu.memory_space<hbm>>
    %dma_wait3A_524 = arith.constant 0 : i32
    %dma_wait3A_525 = arith.constant 0 : i32
    %dma_wait3A_526 = tpu.memref_slice %arg2[%dma_wait3A_524, %dma_wait3A_525] : memref<10000x128xf32, #tpu.memory_space<hbm>> -> memref<128x128xf32, #tpu.memory_space<hbm>>
    tpu.wait_dma2 semaphore(%arg29 : memref<!tpu.dma_semaphore, #tpu.memory_space<semaphore_mem>>) src(%dma_wait3A_526 : memref<128x128xf32, #tpu.memory_space<hbm>>) dst(%arg20 : memref<128x128xf32, #tpu.memory_space<vmem>>)
    %dma_start3A_527 = arith.constant 0 : i32
    %dma_start3A_528 = arith.constant 0 : i32
    %dma_start3A_529 = tpu.memref_slice %arg7[%dma_start3A_527, %dma_start3A_528] : memref<10000x128xf32, #tpu.memory_space<vmem_shared>> -> memref<10000x128xf32, #tpu.memory_space<vmem_shared>>
    tpu.enqueue_indirect_dma source(%arg20 : memref<128x128xf32, #tpu.memory_space<vmem>>) target(%dma_start3A_529 : memref<10000x128xf32, #tpu.memory_space<vmem_shared>>) offsets(%arg17 : memref<128xi32, #tpu.memory_space<vmem>>) semaphore(%arg32 : memref<!tpu.dma_semaphore, #tpu.memory_space<semaphore_mem>>) {add = true}
    %dma_wait3A_530 = arith.constant 0 : i32
    %dma_wait3A_531 = arith.constant 0 : i32
    %dma_wait3A_532 = tpu.memref_slice %arg7[%dma_wait3A_530, %dma_wait3A_531] : memref<10000x128xf32, #tpu.memory_space<vmem_shared>> -> memref<10000x128xf32, #tpu.memory_space<vmem_shared>>
    tpu.wait_indirect_dma semaphore(%arg32 : memref<!tpu.dma_semaphore, #tpu.memory_space<semaphore_mem>>) src(%arg20 : memref<128x128xf32, #tpu.memory_space<vmem>>) dst(%dma_wait3A_532 : memref<10000x128xf32, #tpu.memory_space<vmem_shared>>)
    %gt3A_533 = arith.constant 78 : i32
    %gt3A_534 = arith.cmpi sgt, %select_n3A, %gt3A_533 : i32
    %convert_element_type3A_535 = arith.extui %gt3A_534 : i1 to i32
    %cond3A_536 = arith.constant 0 : i32
    %cond3A_537 = arith.cmpi ne, %convert_element_type3A_535, %cond3A_536 : i32
    scf.if %cond3A_537 {
      %dma_wait3A_584 = arith.constant 0 : i32
      %dma_wait3A_585 = arith.constant 0 : i32
      %dma_wait3A_586 = tpu.memref_slice %arg3[%dma_wait3A_584, %dma_wait3A_585] : memref<2500x128xi32, #tpu.memory_space<hbm>> -> memref<1x128xi32, #tpu.memory_space<hbm>>
      %dma_wait3A_587 = tpu.memref_squeeze %dma_wait3A_586 : memref<1x128xi32, #tpu.memory_space<hbm>> -> memref<128xi32, #tpu.memory_space<hbm>>
      %dma_wait3A_588 = arith.constant 0 : i32
      %dma_wait3A_589 = tpu.memref_slice %arg3[%dma_wait3A_584, %dma_wait3A_588] : memref<2500x128xi32, #tpu.memory_space<hbm>> -> memref<1x128xi32, #tpu.memory_space<hbm>>
      %dma_wait3A_590 = tpu.memref_squeeze %dma_wait3A_589 : memref<1x128xi32, #tpu.memory_space<hbm>> -> memref<128xi32, #tpu.memory_space<hbm>>
      tpu.wait_dma2 semaphore(%arg23 : memref<!tpu.dma_semaphore, #tpu.memory_space<semaphore_mem>>) src(%dma_wait3A_590 : memref<128xi32, #tpu.memory_space<hbm>>) dst(%arg8 : memref<128xi32, #tpu.memory_space<vmem>>)
      %dma_wait3A_591 = arith.constant 0 : i32
      %dma_wait3A_592 = arith.constant 0 : i32
      %dma_wait3A_593 = tpu.memref_slice %arg4[%dma_wait3A_591, %dma_wait3A_592] : memref<2500x128xi32, #tpu.memory_space<hbm>> -> memref<1x128xi32, #tpu.memory_space<hbm>>
      %dma_wait3A_594 = tpu.memref_squeeze %dma_wait3A_593 : memref<1x128xi32, #tpu.memory_space<hbm>> -> memref<128xi32, #tpu.memory_space<hbm>>
      %dma_wait3A_595 = arith.constant 0 : i32
      %dma_wait3A_596 = tpu.memref_slice %arg4[%dma_wait3A_591, %dma_wait3A_595] : memref<2500x128xi32, #tpu.memory_space<hbm>> -> memref<1x128xi32, #tpu.memory_space<hbm>>
      %dma_wait3A_597 = tpu.memref_squeeze %dma_wait3A_596 : memref<1x128xi32, #tpu.memory_space<hbm>> -> memref<128xi32, #tpu.memory_space<hbm>>
      tpu.wait_dma2 semaphore(%arg23 : memref<!tpu.dma_semaphore, #tpu.memory_space<semaphore_mem>>) src(%dma_wait3A_597 : memref<128xi32, #tpu.memory_space<hbm>>) dst(%arg14 : memref<128xi32, #tpu.memory_space<vmem>>)
      %dma_start3A_598 = arith.constant 0 : i32
      %dma_start3A_599 = arith.constant 0 : i32
      %dma_start3A_600 = tpu.memref_slice %arg2[%dma_start3A_598, %dma_start3A_599] : memref<10000x128xf32, #tpu.memory_space<hbm>> -> memref<10000x128xf32, #tpu.memory_space<hbm>>
      tpu.enqueue_indirect_dma source(%dma_start3A_600 : memref<10000x128xf32, #tpu.memory_space<hbm>>) target(%arg20 : memref<128x128xf32, #tpu.memory_space<vmem>>) offsets(%arg8 : memref<128xi32, #tpu.memory_space<vmem>>) semaphore(%arg29 : memref<!tpu.dma_semaphore, #tpu.memory_space<semaphore_mem>>)
    } else {
    }
    %dma_wait3A_538 = arith.constant 0 : i32
    %dma_wait3A_539 = arith.constant 0 : i32
    %dma_wait3A_540 = tpu.memref_slice %arg2[%dma_wait3A_538, %dma_wait3A_539] : memref<10000x128xf32, #tpu.memory_space<hbm>> -> memref<128x128xf32, #tpu.memory_space<hbm>>
    %dma_wait3A_541 = arith.constant 0 : i32
    %dma_wait3A_542 = arith.constant 0 : i32
    %dma_wait3A_543 = tpu.memref_slice %arg2[%dma_wait3A_541, %dma_wait3A_542] : memref<10000x128xf32, #tpu.memory_space<hbm>> -> memref<128x128xf32, #tpu.memory_space<hbm>>
    tpu.wait_dma2 semaphore(%arg30 : memref<!tpu.dma_semaphore, #tpu.memory_space<semaphore_mem>>) src(%dma_wait3A_543 : memref<128x128xf32, #tpu.memory_space<hbm>>) dst(%arg21 : memref<128x128xf32, #tpu.memory_space<vmem>>)
    %dma_start3A_544 = arith.constant 0 : i32
    %dma_start3A_545 = arith.constant 0 : i32
    %dma_start3A_546 = tpu.memref_slice %arg7[%dma_start3A_544, %dma_start3A_545] : memref<10000x128xf32, #tpu.memory_space<vmem_shared>> -> memref<10000x128xf32, #tpu.memory_space<vmem_shared>>
    tpu.enqueue_indirect_dma source(%arg21 : memref<128x128xf32, #tpu.memory_space<vmem>>) target(%dma_start3A_546 : memref<10000x128xf32, #tpu.memory_space<vmem_shared>>) offsets(%arg18 : memref<128xi32, #tpu.memory_space<vmem>>) semaphore(%arg33 : memref<!tpu.dma_semaphore, #tpu.memory_space<semaphore_mem>>) {add = true}
    %dma_wait3A_547 = arith.constant 0 : i32
    %dma_wait3A_548 = arith.constant 0 : i32
    %dma_wait3A_549 = tpu.memref_slice %arg7[%dma_wait3A_547, %dma_wait3A_548] : memref<10000x128xf32, #tpu.memory_space<vmem_shared>> -> memref<10000x128xf32, #tpu.memory_space<vmem_shared>>
    tpu.wait_indirect_dma semaphore(%arg33 : memref<!tpu.dma_semaphore, #tpu.memory_space<semaphore_mem>>) src(%arg21 : memref<128x128xf32, #tpu.memory_space<vmem>>) dst(%dma_wait3A_549 : memref<10000x128xf32, #tpu.memory_space<vmem_shared>>)
    %dma_wait3A_550 = arith.constant 0 : i32
    %dma_wait3A_551 = arith.constant 0 : i32
    %dma_wait3A_552 = tpu.memref_slice %arg2[%dma_wait3A_550, %dma_wait3A_551] : memref<10000x128xf32, #tpu.memory_space<hbm>> -> memref<128x128xf32, #tpu.memory_space<hbm>>
    %dma_wait3A_553 = arith.constant 0 : i32
    %dma_wait3A_554 = arith.constant 0 : i32
    %dma_wait3A_555 = tpu.memref_slice %arg2[%dma_wait3A_553, %dma_wait3A_554] : memref<10000x128xf32, #tpu.memory_space<hbm>> -> memref<128x128xf32, #tpu.memory_space<hbm>>
    tpu.wait_dma2 semaphore(%arg31 : memref<!tpu.dma_semaphore, #tpu.memory_space<semaphore_mem>>) src(%dma_wait3A_555 : memref<128x128xf32, #tpu.memory_space<hbm>>) dst(%arg22 : memref<128x128xf32, #tpu.memory_space<vmem>>)
    %dma_start3A_556 = arith.constant 0 : i32
    %dma_start3A_557 = arith.constant 0 : i32
    %dma_start3A_558 = tpu.memref_slice %arg7[%dma_start3A_556, %dma_start3A_557] : memref<10000x128xf32, #tpu.memory_space<vmem_shared>> -> memref<10000x128xf32, #tpu.memory_space<vmem_shared>>
    tpu.enqueue_indirect_dma source(%arg22 : memref<128x128xf32, #tpu.memory_space<vmem>>) target(%dma_start3A_558 : memref<10000x128xf32, #tpu.memory_space<vmem_shared>>) offsets(%arg19 : memref<128xi32, #tpu.memory_space<vmem>>) semaphore(%arg34 : memref<!tpu.dma_semaphore, #tpu.memory_space<semaphore_mem>>) {add = true}
    %lt3A_559 = arith.constant 4 : i32
    %lt3A_560 = arith.cmpi slt, %add3A, %lt3A_559 : i32
    %convert_element_type3A_561 = arith.extui %lt3A_560 : i1 to i32
    %cond3A_562 = arith.constant 0 : i32
    %cond3A_563 = arith.cmpi ne, %convert_element_type3A_561, %cond3A_562 : i32
    scf.if %cond3A_563 {
      %dma_wait3A_584 = arith.constant 0 : i32
      %dma_wait3A_585 = arith.constant 0 : i32
      %dma_wait3A_586 = tpu.memref_slice %arg7[%dma_wait3A_584, %dma_wait3A_585] : memref<10000x128xf32, #tpu.memory_space<vmem_shared>> -> memref<10000x128xf32, #tpu.memory_space<vmem_shared>>
      tpu.wait_indirect_dma semaphore(%arg34 : memref<!tpu.dma_semaphore, #tpu.memory_space<semaphore_mem>>) src(%arg22 : memref<128x128xf32, #tpu.memory_space<vmem>>) dst(%dma_wait3A_586 : memref<10000x128xf32, #tpu.memory_space<vmem_shared>>)
      %dma_wait3A_587 = arith.constant 0 : i32
      %dma_wait3A_588 = arith.constant 0 : i32
      %dma_wait3A_589 = tpu.memref_slice %arg2[%dma_wait3A_587, %dma_wait3A_588] : memref<10000x128xf32, #tpu.memory_space<hbm>> -> memref<128x128xf32, #tpu.memory_space<hbm>>
      %dma_wait3A_590 = arith.constant 0 : i32
      %dma_wait3A_591 = arith.constant 0 : i32
      %dma_wait3A_592 = tpu.memref_slice %arg2[%dma_wait3A_590, %dma_wait3A_591] : memref<10000x128xf32, #tpu.memory_space<hbm>> -> memref<128x128xf32, #tpu.memory_space<hbm>>
      tpu.wait_dma2 semaphore(%arg29 : memref<!tpu.dma_semaphore, #tpu.memory_space<semaphore_mem>>) src(%dma_wait3A_592 : memref<128x128xf32, #tpu.memory_space<hbm>>) dst(%arg20 : memref<128x128xf32, #tpu.memory_space<vmem>>)
      %dma_start3A_593 = arith.constant 0 : i32
      %dma_start3A_594 = arith.constant 0 : i32
      %dma_start3A_595 = tpu.memref_slice %arg7[%dma_start3A_593, %dma_start3A_594] : memref<10000x128xf32, #tpu.memory_space<vmem_shared>> -> memref<10000x128xf32, #tpu.memory_space<vmem_shared>>
      tpu.enqueue_indirect_dma source(%arg20 : memref<128x128xf32, #tpu.memory_space<vmem>>) target(%dma_start3A_595 : memref<10000x128xf32, #tpu.memory_space<vmem_shared>>) offsets(%arg14 : memref<128xi32, #tpu.memory_space<vmem>>) semaphore(%arg32 : memref<!tpu.dma_semaphore, #tpu.memory_space<semaphore_mem>>) {add = true}
    } else {
    }
    %lt3A_564 = arith.constant 4 : i32
    %lt3A_565 = arith.cmpi slt, %add3A, %lt3A_564 : i32
    %convert_element_type3A_566 = arith.extui %lt3A_565 : i1 to i32
    %cond3A_567 = arith.constant 0 : i32
    %cond3A_568 = arith.cmpi ne, %convert_element_type3A_566, %cond3A_567 : i32
    scf.if %cond3A_568 {
      %dma_wait3A_584 = arith.constant 0 : i32
      %dma_wait3A_585 = arith.constant 0 : i32
      %dma_wait3A_586 = tpu.memref_slice %arg7[%dma_wait3A_584, %dma_wait3A_585] : memref<10000x128xf32, #tpu.memory_space<vmem_shared>> -> memref<10000x128xf32, #tpu.memory_space<vmem_shared>>
      tpu.wait_indirect_dma semaphore(%arg32 : memref<!tpu.dma_semaphore, #tpu.memory_space<semaphore_mem>>) src(%arg20 : memref<128x128xf32, #tpu.memory_space<vmem>>) dst(%dma_wait3A_586 : memref<10000x128xf32, #tpu.memory_space<vmem_shared>>)
    } else {
    }
    %ge3A = arith.constant 4 : i32
    %ge3A_569 = arith.cmpi sge, %add3A, %ge3A : i32
    %convert_element_type3A_570 = arith.extui %ge3A_569 : i1 to i32
    %cond3A_571 = arith.constant 0 : i32
    %cond3A_572 = arith.cmpi ne, %convert_element_type3A_570, %cond3A_571 : i32
    scf.if %cond3A_572 {
      %dma_wait3A_584 = arith.constant 0 : i32
      %dma_wait3A_585 = arith.constant 0 : i32
      %dma_wait3A_586 = tpu.memref_slice %arg7[%dma_wait3A_584, %dma_wait3A_585] : memref<10000x128xf32, #tpu.memory_space<vmem_shared>> -> memref<10000x128xf32, #tpu.memory_space<vmem_shared>>
      tpu.wait_indirect_dma semaphore(%arg34 : memref<!tpu.dma_semaphore, #tpu.memory_space<semaphore_mem>>) src(%arg22 : memref<128x128xf32, #tpu.memory_space<vmem>>) dst(%dma_wait3A_586 : memref<10000x128xf32, #tpu.memory_space<vmem_shared>>)
    } else {
    }
    %barrier3A_573 = arith.constant 0 : index
    tpu.barrier barrier_id(%barrier3A_573)
    %lt3A_574 = arith.constant 15 : i32
    %lt3A_575 = arith.cmpi slt, %arg1, %lt3A_574 : i32
    %convert_element_type3A_576 = arith.extui %lt3A_575 : i1 to i32
    %cond3A_577 = arith.constant 0 : i32
    %cond3A_578 = arith.cmpi ne, %convert_element_type3A_576, %cond3A_577 : i32
    scf.if %cond3A_578 {
      %mul3A_584 = arith.constant 632 : i32
      %mul3A_585 = arith.muli %arg1, %mul3A_584 : i32
      %mul3A_586 = arith.constant 632 : i32
      %mul3A_587 = arith.muli %arg1, %mul3A_586 : i32
      "tpu.region"() ({
        %run_scoped3A = tpu.sem_alloc : memref<!tpu.dma_semaphore, #tpu.memory_space<semaphore_mem>>
        %dma_start3A_588 = arith.constant 0 : i32
        %dma_start3A_589 = arith.constant 0 : i32
        %dma_start3A_590 = tpu.memref_slice %arg6[%arg0, %dma_start3A_588, %dma_start3A_589] : memref<2x10000x128xf32, #tpu.memory_space<hbm>> -> memref<1x10000x128xf32, #tpu.memory_space<hbm>>
        %dma_start3A_591 = tpu.memref_squeeze %dma_start3A_590 : memref<1x10000x128xf32, #tpu.memory_space<hbm>> -> memref<10000x128xf32, #tpu.memory_space<hbm>>
        %dma_start3A_592 = arith.constant 0 : i32
        %dma_start3A_593 = tpu.memref_slice %dma_start3A_591[%mul3A_587, %dma_start3A_592] : memref<10000x128xf32, #tpu.memory_space<hbm>> -> memref<632x128xf32, #tpu.memory_space<hbm>>
        %dma_start3A_594 = arith.constant 0 : i32
        %dma_start3A_595 = tpu.memref_slice %arg7[%mul3A_585, %dma_start3A_594] : memref<10000x128xf32, #tpu.memory_space<vmem_shared>> -> memref<632x128xf32, #tpu.memory_space<vmem_shared>>
        tpu.enqueue_dma source(%dma_start3A_595 : memref<632x128xf32, #tpu.memory_space<vmem_shared>>) target(%dma_start3A_593 : memref<632x128xf32, #tpu.memory_space<hbm>>) target_semaphore(%run_scoped3A : memref<!tpu.dma_semaphore, #tpu.memory_space<semaphore_mem>>)
        %dma_wait3A_596 = arith.constant 0 : i32
        %dma_wait3A_597 = arith.constant 0 : i32
        %dma_wait3A_598 = tpu.memref_slice %arg6[%arg0, %dma_wait3A_596, %dma_wait3A_597] : memref<2x10000x128xf32, #tpu.memory_space<hbm>> -> memref<1x10000x128xf32, #tpu.memory_space<hbm>>
        %dma_wait3A_599 = tpu.memref_squeeze %dma_wait3A_598 : memref<1x10000x128xf32, #tpu.memory_space<hbm>> -> memref<10000x128xf32, #tpu.memory_space<hbm>>
        %dma_wait3A_600 = arith.constant 0 : i32
        %dma_wait3A_601 = tpu.memref_slice %dma_wait3A_599[%mul3A_587, %dma_wait3A_600] : memref<10000x128xf32, #tpu.memory_space<hbm>> -> memref<632x128xf32, #tpu.memory_space<hbm>>
        %dma_wait3A_602 = arith.constant 0 : i32
        %dma_wait3A_603 = tpu.memref_slice %arg7[%mul3A_585, %dma_wait3A_602] : memref<10000x128xf32, #tpu.memory_space<vmem_shared>> -> memref<632x128xf32, #tpu.memory_space<vmem_shared>>
        tpu.wait_dma2 semaphore(%run_scoped3A : memref<!tpu.dma_semaphore, #tpu.memory_space<semaphore_mem>>) src(%dma_wait3A_603 : memref<632x128xf32, #tpu.memory_space<vmem_shared>>) dst(%dma_wait3A_601 : memref<632x128xf32, #tpu.memory_space<hbm>>)
        tpu.yield
      }) : () -> ()
    } else {
    }
    %eq3A_579 = arith.constant 15 : i32
    %eq3A_580 = arith.cmpi eq, %arg1, %eq3A_579 : i32
    %convert_element_type3A_581 = arith.extui %eq3A_580 : i1 to i32
    %cond3A_582 = arith.constant 0 : i32
    %cond3A_583 = arith.cmpi ne, %convert_element_type3A_581, %cond3A_582 : i32
    scf.if %cond3A_583 {
      "tpu.region"() ({
        %run_scoped3A = tpu.sem_alloc : memref<!tpu.dma_semaphore, #tpu.memory_space<semaphore_mem>>
        %dma_start3A_584 = arith.constant 0 : i32
        %dma_start3A_585 = arith.constant 0 : i32
        %dma_start3A_586 = tpu.memref_slice %arg6[%arg0, %dma_start3A_584, %dma_start3A_585] : memref<2x10000x128xf32, #tpu.memory_space<hbm>> -> memref<1x10000x128xf32, #tpu.memory_space<hbm>>
        %dma_start3A_587 = tpu.memref_squeeze %dma_start3A_586 : memref<1x10000x128xf32, #tpu.memory_space<hbm>> -> memref<10000x128xf32, #tpu.memory_space<hbm>>
        %dma_start3A_588 = arith.constant 9480 : i32
        %dma_start3A_589 = arith.constant 0 : i32
        %dma_start3A_590 = tpu.memref_slice %dma_start3A_587[%dma_start3A_588, %dma_start3A_589] : memref<10000x128xf32, #tpu.memory_space<hbm>> -> memref<520x128xf32, #tpu.memory_space<hbm>>
        %dma_start3A_591 = arith.constant 9480 : i32
        %dma_start3A_592 = arith.constant 0 : i32
        %dma_start3A_593 = tpu.memref_slice %arg7[%dma_start3A_591, %dma_start3A_592] : memref<10000x128xf32, #tpu.memory_space<vmem_shared>> -> memref<520x128xf32, #tpu.memory_space<vmem_shared>>
        tpu.enqueue_dma source(%dma_start3A_593 : memref<520x128xf32, #tpu.memory_space<vmem_shared>>) target(%dma_start3A_590 : memref<520x128xf32, #tpu.memory_space<hbm>>) target_semaphore(%run_scoped3A : memref<!tpu.dma_semaphore, #tpu.memory_space<semaphore_mem>>)
        %dma_wait3A_594 = arith.constant 0 : i32
        %dma_wait3A_595 = arith.constant 0 : i32
        %dma_wait3A_596 = tpu.memref_slice %arg6[%arg0, %dma_wait3A_594, %dma_wait3A_595] : memref<2x10000x128xf32, #tpu.memory_space<hbm>> -> memref<1x10000x128xf32, #tpu.memory_space<hbm>>
        %dma_wait3A_597 = tpu.memref_squeeze %dma_wait3A_596 : memref<1x10000x128xf32, #tpu.memory_space<hbm>> -> memref<10000x128xf32, #tpu.memory_space<hbm>>
        %dma_wait3A_598 = arith.constant 9480 : i32
        %dma_wait3A_599 = arith.constant 0 : i32
        %dma_wait3A_600 = tpu.memref_slice %dma_wait3A_597[%dma_wait3A_598, %dma_wait3A_599] : memref<10000x128xf32, #tpu.memory_space<hbm>> -> memref<520x128xf32, #tpu.memory_space<hbm>>
        %dma_wait3A_601 = arith.constant 9480 : i32
        %dma_wait3A_602 = arith.constant 0 : i32
        %dma_wait3A_603 = tpu.memref_slice %arg7[%dma_wait3A_601, %dma_wait3A_602] : memref<10000x128xf32, #tpu.memory_space<vmem_shared>> -> memref<520x128xf32, #tpu.memory_space<vmem_shared>>
        tpu.wait_dma2 semaphore(%run_scoped3A : memref<!tpu.dma_semaphore, #tpu.memory_space<semaphore_mem>>) src(%dma_wait3A_603 : memref<520x128xf32, #tpu.memory_space<vmem_shared>>) dst(%dma_wait3A_600 : memref<520x128xf32, #tpu.memory_space<hbm>>)
        tpu.yield
      }) : () -> ()
    } else {
    }
    return
  }
}

module attributes {stable_mosaic.version = 14 : i64} {
  func.func @body(%arg0: i32, %arg1: memref<5000x128xf32, #tpu.memory_space<vmem>>, %arg2: memref<2x5000x128xf32, #tpu.memory_space<vmem>>, %arg3: memref<128x128xf32, #tpu.memory_space<vmem>>, %arg4: memref<128x128xf32, #tpu.memory_space<vmem>>, %arg5: memref<1x128xf32, #tpu.memory_space<vmem>>, %arg6: memref<5000x128xf32, #tpu.memory_space<vmem>>) attributes {dimension_semantics = [#tpu.dimension_semantics<arbitrary>], iteration_bounds = array<i64: 2>, scalar_prefetch = 0 : i64, scratch_operands = 0 : i64, tpu.core_type = #tpu.core_type<tc>, window_params = [{transform_indices = @transform_0, window_bounds = array<i64: 5000, 128>}, {transform_indices = @transform_1, window_bounds = array<i64: 2, 5000, 128>}, {pipeline_mode = #tpu.pipeline_mode<synchronous>, transform_indices = @transform_2, window_bounds = array<i64: 128, 128>}, {pipeline_mode = #tpu.pipeline_mode<synchronous>, transform_indices = @transform_3, window_bounds = array<i64: 128, 128>}, {pipeline_mode = #tpu.pipeline_mode<synchronous>, transform_indices = @transform_4, window_bounds = array<i64: 1, 128>}, {transform_indices = @transform_5, window_bounds = array<i64: 5000, 128>}]} {
    %get3A = arith.constant 0 : index
    %get3A_0 = arith.constant 0 : index
    %get3A_1 = arith.constant 0 : index
    %get3A_2 = vector.load %arg2[%get3A, %get3A_0, %get3A_1] : memref<2x5000x128xf32, #tpu.memory_space<vmem>>, vector<1x5000x128xf32>
    %get3A_3 = vector.shape_cast %get3A_2 : vector<1x5000x128xf32> to vector<5000x128xf32>
    %get3A_4 = arith.constant 1 : index
    %get3A_5 = arith.constant 0 : index
    %get3A_6 = arith.constant 0 : index
    %get3A_7 = vector.load %arg2[%get3A_4, %get3A_5, %get3A_6] : memref<2x5000x128xf32, #tpu.memory_space<vmem>>, vector<1x5000x128xf32>
    %get3A_8 = vector.shape_cast %get3A_7 : vector<1x5000x128xf32> to vector<5000x128xf32>
    %add3A = arith.addf %get3A_3, %get3A_8 : vector<5000x128xf32>
    %get3A_9 = arith.constant 0 : index
    %get3A_10 = arith.constant 0 : index
    %get3A_11 = vector.load %arg1[%get3A_9, %get3A_10] : memref<5000x128xf32, #tpu.memory_space<vmem>>, vector<5000x128xf32>
    %get3A_12 = arith.constant 0 : index
    %get3A_13 = arith.constant 0 : index
    %get3A_14 = vector.load %arg3[%get3A_12, %get3A_13] : memref<128x128xf32, #tpu.memory_space<vmem>>, vector<128x128xf32>
    %dot_general3A = arith.constant dense<0.000000e+00> : vector<5000x128xf32>
    %dot_general3A_15 = tpu.matmul %get3A_11, %get3A_14, %dot_general3A {dimension_numbers = #tpu.dot_dimension_numbers<[1], [0], [0], [1], [0, 0, 1, 1], [], []>, transpose_lhs_hint = false} : vector<5000x128xf32>, vector<128x128xf32>, vector<5000x128xf32> -> vector<5000x128xf32>
    %get3A_16 = arith.constant 0 : index
    %get3A_17 = arith.constant 0 : index
    %get3A_18 = vector.load %arg4[%get3A_16, %get3A_17] : memref<128x128xf32, #tpu.memory_space<vmem>>, vector<128x128xf32>
    %dot_general3A_19 = arith.constant dense<0.000000e+00> : vector<5000x128xf32>
    %dot_general3A_20 = tpu.matmul %add3A, %get3A_18, %dot_general3A_19 {dimension_numbers = #tpu.dot_dimension_numbers<[1], [0], [0], [1], [0, 0, 1, 1], [], []>, transpose_lhs_hint = false} : vector<5000x128xf32>, vector<128x128xf32>, vector<5000x128xf32> -> vector<5000x128xf32>
    %add3A_21 = arith.addf %dot_general3A_15, %dot_general3A_20 : vector<5000x128xf32>
    %get3A_22 = arith.constant 0 : index
    %get3A_23 = arith.constant 0 : index
    %get3A_24 = vector.load %arg5[%get3A_22, %get3A_23] : memref<1x128xf32, #tpu.memory_space<vmem>>, vector<1x128xf32>
    %add3A_25 = vector.broadcast %get3A_24 : vector<1x128xf32> to vector<5000x128xf32>
    %add3A_26 = arith.addf %add3A_21, %add3A_25 : vector<5000x128xf32>
    %max3A = arith.constant 0.000000e+00 : f32
    %max3A_27 = vector.broadcast %max3A : f32 to vector<5000x128xf32>
    %max3A_28 = arith.maximumf %add3A_26, %max3A_27 : vector<5000x128xf32>
    %swap3A = arith.constant 0 : index
    %swap3A_29 = arith.constant 0 : index
    %swap3A_30 = vector.load %arg6[%swap3A, %swap3A_29] : memref<5000x128xf32, #tpu.memory_space<vmem>>, vector<5000x128xf32>
    tpu.vector_store %arg6[%swap3A, %swap3A_29], %max3A_28 {strides = array<i32>} : memref<5000x128xf32, #tpu.memory_space<vmem>>, vector<5000x128xf32>,
    return
  }
  func.func @transform_0(%arg0: i32) -> (i32, i32) {
    %c0_i32 = arith.constant 0 : i32
    %c0_i32_0 = arith.constant 0 : i32
    return %arg0, %c0_i32 : i32, i32
  }
  func.func @transform_1(%arg0: i32) -> (i32, i32, i32) {
    %c0_i32 = arith.constant 0 : i32
    %c0_i32_0 = arith.constant 0 : i32
    %c0_i32_1 = arith.constant 0 : i32
    return %c0_i32, %arg0, %c0_i32_0 : i32, i32, i32
  }
  func.func @transform_2(%arg0: i32) -> (i32, i32) {
    %c0_i32 = arith.constant 0 : i32
    %c0_i32_0 = arith.constant 0 : i32
    %c0_i32_1 = arith.constant 0 : i32
    return %c0_i32, %c0_i32_0 : i32, i32
  }
  func.func @transform_3(%arg0: i32) -> (i32, i32) {
    %c0_i32 = arith.constant 0 : i32
    %c0_i32_0 = arith.constant 0 : i32
    %c0_i32_1 = arith.constant 0 : i32
    return %c0_i32, %c0_i32_0 : i32, i32
  }
  func.func @transform_4(%arg0: i32) -> (i32, i32) {
    %c0_i32 = arith.constant 0 : i32
    %c0_i32_0 = arith.constant 0 : i32
    %c0_i32_1 = arith.constant 0 : i32
    return %c0_i32, %c0_i32_0 : i32, i32
  }
  func.func @transform_5(%arg0: i32) -> (i32, i32) {
    %c0_i32 = arith.constant 0 : i32
    %c0_i32_0 = arith.constant 0 : i32
    return %arg0, %c0_i32 : i32, i32
  }
}

module attributes {stable_mosaic.version = 14 : i64} {
  func.func @body(%arg0: i32, %arg1: memref<5000x128xf32, #tpu.memory_space<vmem>>, %arg2: memref<2x5000x128xf32, #tpu.memory_space<vmem>>, %arg3: memref<128x64xf32, #tpu.memory_space<vmem>>, %arg4: memref<128x64xf32, #tpu.memory_space<vmem>>, %arg5: memref<1x64xf32, #tpu.memory_space<vmem>>, %arg6: memref<5000x64xf32, #tpu.memory_space<vmem>>) attributes {dimension_semantics = [#tpu.dimension_semantics<arbitrary>], iteration_bounds = array<i64: 2>, scalar_prefetch = 0 : i64, scratch_operands = 0 : i64, tpu.core_type = #tpu.core_type<tc>, window_params = [{transform_indices = @transform_0, window_bounds = array<i64: 5000, 128>}, {transform_indices = @transform_1, window_bounds = array<i64: 2, 5000, 128>}, {pipeline_mode = #tpu.pipeline_mode<synchronous>, transform_indices = @transform_2, window_bounds = array<i64: 128, 64>}, {pipeline_mode = #tpu.pipeline_mode<synchronous>, transform_indices = @transform_3, window_bounds = array<i64: 128, 64>}, {pipeline_mode = #tpu.pipeline_mode<synchronous>, transform_indices = @transform_4, window_bounds = array<i64: 1, 64>}, {transform_indices = @transform_5, window_bounds = array<i64: 5000, 64>}]} {
    %get3A = arith.constant 0 : index
    %get3A_0 = arith.constant 0 : index
    %get3A_1 = arith.constant 0 : index
    %get3A_2 = vector.load %arg2[%get3A, %get3A_0, %get3A_1] : memref<2x5000x128xf32, #tpu.memory_space<vmem>>, vector<1x5000x128xf32>
    %get3A_3 = vector.shape_cast %get3A_2 : vector<1x5000x128xf32> to vector<5000x128xf32>
    %get3A_4 = arith.constant 1 : index
    %get3A_5 = arith.constant 0 : index
    %get3A_6 = arith.constant 0 : index
    %get3A_7 = vector.load %arg2[%get3A_4, %get3A_5, %get3A_6] : memref<2x5000x128xf32, #tpu.memory_space<vmem>>, vector<1x5000x128xf32>
    %get3A_8 = vector.shape_cast %get3A_7 : vector<1x5000x128xf32> to vector<5000x128xf32>
    %add3A = arith.addf %get3A_3, %get3A_8 : vector<5000x128xf32>
    %get3A_9 = arith.constant 0 : index
    %get3A_10 = arith.constant 0 : index
    %get3A_11 = vector.load %arg1[%get3A_9, %get3A_10] : memref<5000x128xf32, #tpu.memory_space<vmem>>, vector<5000x128xf32>
    %get3A_12 = arith.constant 0 : index
    %get3A_13 = arith.constant 0 : index
    %get3A_14 = vector.load %arg3[%get3A_12, %get3A_13] : memref<128x64xf32, #tpu.memory_space<vmem>>, vector<128x64xf32>
    %dot_general3A = arith.constant dense<0.000000e+00> : vector<5000x64xf32>
    %dot_general3A_15 = tpu.matmul %get3A_11, %get3A_14, %dot_general3A {dimension_numbers = #tpu.dot_dimension_numbers<[1], [0], [0], [1], [0, 0, 1, 1], [], []>, transpose_lhs_hint = false} : vector<5000x128xf32>, vector<128x64xf32>, vector<5000x64xf32> -> vector<5000x64xf32>
    %get3A_16 = arith.constant 0 : index
    %get3A_17 = arith.constant 0 : index
    %get3A_18 = vector.load %arg4[%get3A_16, %get3A_17] : memref<128x64xf32, #tpu.memory_space<vmem>>, vector<128x64xf32>
    %dot_general3A_19 = arith.constant dense<0.000000e+00> : vector<5000x64xf32>
    %dot_general3A_20 = tpu.matmul %add3A, %get3A_18, %dot_general3A_19 {dimension_numbers = #tpu.dot_dimension_numbers<[1], [0], [0], [1], [0, 0, 1, 1], [], []>, transpose_lhs_hint = false} : vector<5000x128xf32>, vector<128x64xf32>, vector<5000x64xf32> -> vector<5000x64xf32>
    %add3A_21 = arith.addf %dot_general3A_15, %dot_general3A_20 : vector<5000x64xf32>
    %get3A_22 = arith.constant 0 : index
    %get3A_23 = arith.constant 0 : index
    %get3A_24 = vector.load %arg5[%get3A_22, %get3A_23] : memref<1x64xf32, #tpu.memory_space<vmem>>, vector<1x64xf32>
    %add3A_25 = vector.broadcast %get3A_24 : vector<1x64xf32> to vector<5000x64xf32>
    %add3A_26 = arith.addf %add3A_21, %add3A_25 : vector<5000x64xf32>
    %swap3A = arith.constant 0 : index
    %swap3A_27 = arith.constant 0 : index
    %swap3A_28 = vector.load %arg6[%swap3A, %swap3A_27] : memref<5000x64xf32, #tpu.memory_space<vmem>>, vector<5000x64xf32>
    tpu.vector_store %arg6[%swap3A, %swap3A_27], %add3A_26 {strides = array<i32>} : memref<5000x64xf32, #tpu.memory_space<vmem>>, vector<5000x64xf32>,
    return
  }
  func.func @transform_0(%arg0: i32) -> (i32, i32) {
    %c0_i32 = arith.constant 0 : i32
    %c0_i32_0 = arith.constant 0 : i32
    return %arg0, %c0_i32 : i32, i32
  }
  func.func @transform_1(%arg0: i32) -> (i32, i32, i32) {
    %c0_i32 = arith.constant 0 : i32
    %c0_i32_0 = arith.constant 0 : i32
    %c0_i32_1 = arith.constant 0 : i32
    return %c0_i32, %arg0, %c0_i32_0 : i32, i32, i32
  }
  func.func @transform_2(%arg0: i32) -> (i32, i32) {
    %c0_i32 = arith.constant 0 : i32
    %c0_i32_0 = arith.constant 0 : i32
    %c0_i32_1 = arith.constant 0 : i32
    return %c0_i32, %c0_i32_0 : i32, i32
  }
  func.func @transform_3(%arg0: i32) -> (i32, i32) {
    %c0_i32 = arith.constant 0 : i32
    %c0_i32_0 = arith.constant 0 : i32
    %c0_i32_1 = arith.constant 0 : i32
    return %c0_i32, %c0_i32_0 : i32, i32
  }
  func.func @transform_4(%arg0: i32) -> (i32, i32) {
    %c0_i32 = arith.constant 0 : i32
    %c0_i32_0 = arith.constant 0 : i32
    %c0_i32_1 = arith.constant 0 : i32
    return %c0_i32, %c0_i32_0 : i32, i32
  }
  func.func @transform_5(%arg0: i32) -> (i32, i32) {
    %c0_i32 = arith.constant 0 : i32
    %c0_i32_0 = arith.constant 0 : i32
    return %arg0, %c0_i32 : i32, i32
  }
}

</mosaic_0001>

<sc_bundles>
// kernel: kernel.6.cloned.1.call-start
scs
__scs_entry_jumppad:
0x0: {  	(pc) =	sbr.rel $0x88, $3  }
0x1: {  	(tag) =	ssettag $0x0;
	lr =	simm.s32 $0x1  }
0x2: {  	[smem:$0x3F98] =	sst lr;
	_ =	strace $0xD0000000  }
0x3: {  	_ = 	snop  }
0x4: {  	_ = 	snop  }
0x5: {  	_ = 	snop  }
0x6: {  	_ = 	snop  }
0x7: {  	_ = 	snop  }
__scs_overlays_trampoline_lowered:
0x8: {  	[smem:$0x3FA7] =	sst s0  }
0x9: {  	[smem:$0x3FA8] =	sst s1  }
0xa: {  	[smem:$0x3FA9] =	sst s2  }
0xb: {  	[smem:$0x3FAA] =	sst s3  }
0xc: {  	[smem:$0x3FAB] =	sst s4  }
0xd: {  	[smem:$0x3FAC] =	sst s5  }
0xe: {  	[smem:$0x3FAD] =	sst s6  }
0xf: {  	[smem:$0x3FAE] =	sst s7  }
0x10: {  	[smem:$0x3FAF] =	sst s8  }
0x11: {  	[smem:$0x3FB0] =	sst s9;
	s0 =	simm.s32 @!p0 $0x0  }
0x12: {  	s1 =	sld [smem:$0x3F96];
	s0 =	simm.s32 @p0 $0x1  }
0x13: {  	[smem:$0x3FB1] =	sst s0;
	s0 =	simm.s32 @!p1 $0x0  }
0x14: {  	s2 =	sld [smem:$0x3F95];
	s0 =	simm.s32 @p1 $0x1  }
0x15: {  	[smem:$0x3FB2] =	sst s0;
	s0 =	simm.s32 @!p2 $0x0  }
0x16: {  	s3 =	sld [smem:$0x3FDB];
	s0 =	simm.s32 @p2 $0x1  }
0x17: {  	s4 =	simm.s32 $0x1BF5;
	[smem:$0x3FB4] =	sst s0  }
0x18: {  	s0 =	sld [smem:$0x3F97];
	_ =	swait.ge [sflag:s4], $0x0  }
0x19: {  	s7 =	sld [smem:$0x3F98]  }
0x1a: {  	s8 =	sadd.s32 $0xFFFFE003, lr  }
0x1b: {  	s9 =	sadd.s32 $0xFFFFFEF7, lr;
	s5 =	simm.s32 $0xFFFFFFFF;
	p2 =	slt.u32 s8, $0xFFFFF086  }
0x1c: {  	p1 =	slt.u32 s9, $0xF7A;
	s5 =	simm.s32 @!p2 $0x0  }
0x1d: {  	s5 =	simm.s32 @p1 $0x1;
	p0 =	seq.s32 s7, s2  }
0x1e: {  	s7 =	smul.u32 @!p0 $0xF7A, s2;
	p2 =	seq.s32 @!p0 s5, $0x0  }
0x1f: {  	s9 =	smul.u32 $0xF7A, s1;
	s8 =	simm.s32 @!p0 $0x1BF5;
	p2 =	por !p2, p0  }
0x20: {  	[sflag:s8] =	ssyncset.s32 @!p0 $0xFFFFF086;
	s6 =	sadd.s32 @!p0 s3, s7;
	s7 =	simm.s32 @!p0 $0x108  }
0x21: {  	s3 =	sadd.s32 s3, s9;
	s6 =	sadd.s32 @!p0 $0x88, s6;
	s7 =	simm.s32 @p2 $0x1082  }
0x22: {  	[simem:s7], [sflag:s8] =	dma.local @!p0 [hbm:s6], $0xF7A  }
0x23: {  	s9 =	sor.u32 $0xD0000000, s2;
	s6 =	simm.s32 $0x108;
	_ =	swait.ge @!p0 [sflag:s8], $0x0  }
0x24: {  	s3 =	sadd.s32 $0x88, s3;
	s6 =	simm.s32 @!p1 $0x1082;
	[sflag:s4] =	ssyncset.s32 $0xFFFFF086  }
0x25: {  	[simem:s6], [sflag:s4] =	dma.local [hbm:s3], $0xF7A  }
0x26: {  	[smem:$0x3F98] =	sst s1;
	(tag) =	ssettag s2;
	_ =	strace s9  }
0x27: {  	s1 =	sld [smem:$0x3FA8]  }
0x28: {  	s2 =	sld [smem:$0x3FA9]  }
0x29: {  	s4 =	sld [smem:$0x3FAB]  }
0x2a: {  	p0 =	seq.s32 s5, $0x0;
	s5 =	sld [smem:$0x3FAC]  }
0x2b: {  	s6 =	sld [smem:$0x3FAD]  }
0x2c: {  	s7 =	sld [smem:$0x3FAE]  }
0x2d: {  	s3 =	simm.s32 $0x108;
	s8 =	sld [smem:$0x3FAF]  }
0x2e: {  	s3 =	simm.s32 @!p0 $0x1082;
	s9 =	sld [smem:$0x3FB0]  }
0x2f: {  	lr =	sadd.s32 s0, s3;
	s0 =	sld [smem:$0x3FA7]  }
0x30: {  	s3 =	sld [smem:$0x3FAA]  }
0x31: {  	[smem:$0x3FB3] =	sst s10  }
0x32: {  	s10 =	sld [smem:$0x3FB1];
	_ =	sdelay $0x3  }
0x33: {  	p0 =	seq.s32 s10, $0x1;
	s10 =	sld [smem:$0x3FB3];
	_ =	sdelay $0x3  }
0x34: {  	[smem:$0x3FB3] =	sst s10  }
0x35: {  	s10 =	sld [smem:$0x3FB2];
	_ =	sdelay $0x3  }
0x36: {  	p1 =	seq.s32 s10, $0x1;
	s10 =	sld [smem:$0x3FB3];
	_ =	sdelay $0x3  }
0x37: {  	[smem:$0x3FB3] =	sst s10  }
0x38: {  	s10 =	sld [smem:$0x3FB4]  }
0x39: {  	_ = 	snop;
	(pc) =	sbr.ind lr, $3  }
0x3a: {  	_ = 	snop  }
0x3b: {  	_ = 	snop  }
0x3c: {  	p2 =	seq.s32 s10, $0x1;
	s10 =	sld [smem:$0x3FB3]  }
0x3d: {  	_ =	shalt  }
0x3e: {  	_ =	shalt  }
0x3f: {  	_ =	shalt  }
0x40: {  	_ =	shalt  }
0x41: {  	_ =	shalt  }
0x42: {  	_ =	shalt  }
0x43: {  	_ =	shalt  }
0x44: {  	_ =	shalt  }
0x45: {  	_ =	shalt  }
0x46: {  	_ =	shalt  }
0x47: {  	_ =	shalt  }
0x48: {  	_ =	shalt  }
0x49: {  	_ =	shalt  }
0x4a: {  	_ =	shalt  }
0x4b: {  	_ =	shalt  }
0x4c: {  	_ =	shalt  }
0x4d: {  	_ =	shalt  }
0x4e: {  	_ =	shalt  }
0x4f: {  	_ =	shalt  }
0x50: {  	_ =	shalt  }
0x51: {  	_ =	shalt  }
0x52: {  	_ =	shalt  }
0x53: {  	_ =	shalt  }
0x54: {  	_ =	shalt  }
0x55: {  	_ =	shalt  }
0x56: {  	_ =	shalt  }
0x57: {  	_ =	shalt  }
0x58: {  	_ =	shalt  }
0x59: {  	_ =	shalt  }
0x5a: {  	_ =	shalt  }
0x5b: {  	_ =	shalt  }
0x5c: {  	_ =	shalt  }
0x5d: {  	_ =	shalt  }
0x5e: {  	_ =	shalt  }
0x5f: {  	_ =	shalt  }
0x60: {  	_ =	shalt  }
0x61: {  	_ =	shalt  }
0x62: {  	_ =	shalt  }
0x63: {  	_ =	shalt  }
0x64: {  	_ =	shalt  }
0x65: {  	_ =	shalt  }
0x66: {  	_ =	shalt  }
0x67: {  	_ =	shalt  }
0x68: {  	_ =	shalt  }
0x69: {  	_ =	shalt  }
0x6a: {  	_ =	shalt  }
0x6b: {  	_ =	shalt  }
0x6c: {  	_ =	shalt  }
0x6d: {  	_ =	shalt  }
0x6e: {  	_ =	shalt  }
0x6f: {  	_ =	shalt  }
0x70: {  	_ =	shalt  }
0x71: {  	_ =	shalt  }
0x72: {  	_ =	shalt  }
0x73: {  	_ =	shalt  }
0x74: {  	_ =	shalt  }
0x75: {  	_ =	shalt  }
0x76: {  	_ =	shalt  }
0x77: {  	_ =	shalt  }
0x78: {  	_ =	shalt  }
0x79: {  	_ =	shalt  }
0x7a: {  	_ =	shalt  }
0x7b: {  	_ =	shalt  }
0x7c: {  	_ =	shalt  }
0x7d: {  	_ =	shalt  }
0x7e: {  	_ =	shalt  }
0x7f: {  	_ =	shalt  }
0x80: {  	_ =	shalt  }
0x81: {  	_ =	shalt  }
0x82: {  	_ =	shalt  }
0x83: {  	_ =	shalt  }
0x84: {  	_ =	shalt  }
0x85: {  	_ =	shalt  }
0x86: {  	_ =	shalt  }
0x87: {  	_ =	shalt  }
.Lfunc_end0:
.L_simem_size_0:
called_computation_lowered:
.L_overlay_start_0:
0x88: {  	s2 =	sld [smem:$0x3FD9]  }
0x89: {  	s3 =	sld [smem:$0x3FFE];
	_ =	sdelay $0x1  }
0x8a: {  	s1 =	srdreg.scid  }
0x8b: {  	s0 =	sand.u32 $0x1, s1  }
0x8c: {  	s17 =	sshll.u32 s0, $0xA;
	s2 =	sadd.s32 s3, s2  }
0x8d: {  	s2 =	sadd.s32 s2, s17  }
0x8e: {  	[smem:$0x3FBF] =	sst s2  }
0x8f: {  	_ = 	snop  }
0x90: {  	s2 =	sld [smem:$0x3FC9]  }
0x91: {  	s18 =	sld [smem:$0x3FD0];
	(tm) =	ssettm $0x1  }
0x92: {  	s4 =	sld [smem:$0x3FFB];
	_ =	sdelay $0x3  }
0x93: {  	_ =	strace s4  }
0x94: {  	s4 =	sld [smem:$0x3FFC];
	_ =	sdelay $0x3  }
0x95: {  	_ =	strace s4  }
0x96: {  	s4 =	sld [smem:$0x3FFD];
	_ =	sdelay $0x3  }
0x97: {  	_ =	strace s4  }
0x98: {  	_ =	strace $0x8FFFFFFF  }
0x99: {  	s19 =	sld [smem:$0x3FDB];
	_ =	sdelay $0x1  }
0x9a: {  	s5 =	simm.s32 $_scs_section_size  }
0x9b: {  	s6 =	simm.s32 $_size__tile_overlayer_lowered;
	s7 =	simm.s32 $_tile_overlayer_lowered  }
0x9c: {  	s22 =	simm.s32 $0x1BFF;
	s21 =	sshll.u32 s7, $0x1;
	s4 =	sadd.s32 s5, s19  }
0x9d: {  	s8 =	simm.s32 $0x0;
	s20 =	sshll.u32 s6, $0x1;
	s6 =	sadd.s32 s21, s4  }
0x9e: {  	[timem:s8], [sflag:s22] =	dma.local [hbm:s6], s20  }
0x9f: {  	_ =	swait.ge [sflag:s22], s20  }
0xa0: {  	s5 =	ssub.s32 $0x0, s20;
	[sflag:s22] =	ssyncset.done $0x0  }
0xa1: {  	[sflag:s22] =	ssyncadd.s32 s5;
	_ =	sdelay $0x1  }
0xa2: {  	s23 =	simm.s32 $0x1B8B  }
0xa3: {  	_ =	swait.ge [sflag:s23], $0x1  }
0xa4: {  	[sflag:s23] =	ssyncset.done $0x0  }
0xa5: {  	s25 =	simm.s32 $0x1B8E;
	s24 =	sld [smem:$0x3FFE];
	[sflag:s23] =	ssyncadd.s32 $0xFFFFFFFF  }
0xa6: {  	s26 =	simm.s32 $execute0_lowered;
	[smem:$0x3FD2] =	sst s25  }
0xa7: {  	s6 =	sshll.u32 s26, $0x1;
	_ =	strace $0x80000046;
	[dreg:$0x1] =	wrdreg $0xFFFFFFFF  }
0xa8: {  	s28 =	simm.s32 $_size_execute0_lowered;
	s4 =	sadd.s32 s4, s6;
	[dreg:$0x0] =	wrdreg $0x0  }
0xa9: {  	s6 =	sshll.u32 s28, $0x1;
	[dreg:$0x2] =	wrdreg s4  }
0xaa: {  	[dreg:$0x3] =	wrdreg s6  }
0xab: {  	[dreg:$0x4] =	wrdreg $0xC0  }
0xac: {  	_ =	task [dreg:s8], $0x5FFFF  }
0xad: {  	[dreg:$0x1] =	wrdreg $0xFFFFFFFF  }
0xae: {  	[dreg:$0x0] =	wrdreg $0x60  }
0xaf: {  	[dreg:$0x2] =	wrdreg s2  }
0xb0: {  	[dreg:$0x3] =	wrdreg s24  }
0xb1: {  	[dreg:$0x4] =	wrdreg s18  }
0xb2: {  	[dreg:$0x5] =	wrdreg $0x0  }
0xb3: {  	[dreg:$0x6] =	wrdreg $0x9  }
0xb4: {  	_ =	task.clear_ibuf [dreg:s8], $0x7FFFF;
	_ =	strace $0x90000046  }
0xb5: {  	s29 =	simm.s32 $0x9;
	_ =	strace $0x80000048  }
0xb6: {  	_ =	swait.ge [sflag:s29], $0x1  }
0xb7: {  	[sflag:s29] =	ssyncadd.s32 $0xFFFFFFFF  }
0xb8: {  	_ =	strace $0x90000048  }
0xb9: {  	_ =	sfence  }
0xba: {  	s30 =	sld [smem:$0x0];
	_ =	sdelay $0x2  }
0xbb: {  	s31 =	sshll.u32 s1, $0xD;
	s1 =	sshrl.u32 s1, $0x2  }
0xbc: {  	s3 =	sand.u32 $0x4000, s31;
	s1 =	sadd.s32 s1, s30  }
0xbd: {  	s0 =	sor.u32 s3, s0;
	s1 =	sshll.u32 s1, $0x11  }
0xbe: {  	s0 =	sor.u32 s1, s0  }
0xbf: {  	s0 =	sadd.s32 $0x8F2B, s0  }
0xc0: {  	[sflag:s0] =	ssyncadd.remote.s32 $0x1  }
0xc1: {  	_ =	sfence.sel $0xFFFF  }
0xc2: {  	[dreg:$0x0] =	wrdreg $0xFFFFFFFF;
	(pc) =	sbr.abs _section_cstart, $3  }
0xc3: {  	[dreg:$0x1] =	wrdreg $0xFFFFFFFF  }
0xc4: {  	_ =	task.clear_ibuf [dreg:s8], $0x2FFFF;
	_ =	strace $0x9FFFFFFF  }
0xc5: {  	(tm) =	ssettm $0x7FFFFFFF  }
tec
execute0_lowered:
.L_overlay_start_1:
0x0: {  	(tag) =	ssettag $0x1  }
0x1: {  	s1 =	rddreg [dreg:$0x1]  }
0x2: {  	s3 =	srdreg.scid;
	s2 =	rddreg [dreg:$0x2]  }
0x3: {  	s0 =	rddreg [dreg:$0x3];
	s17 =	stileid.u32  }
0x4: {  	s4 =	simm.s32 $0x0;
	s28 =	simm.s32 $0xA;
	s29 =	simm.s32 $0x8  }
0x5: {  	s6 =	sand.u32 $0x1, s3;
	[smem:$0x7FF] =	sst s4;
	s7 =	sshll.u32 s17, $0x4  }
0x6: {  	s9 =	sadd.s32 $0x1A00, s1;
	p1 =	seq.s32 s17, $0xF;
	s5 =	sshll.u32 s6, $0x4  }
0x7: {  	_ =	strace $0x80000047;
	s11 =	sand.u32 $0x70, s7;
	s5 =	sor.u32 s17, s5  }
0x8: {  	s13 =	ssub.s32 $0x2, s6;
	s7 =	sor.u32 $0x9C00, s7;
	s12 =	sshll.u32 s5, $0x4  }
0x9: {  	s22 =	sshrl.u32 s13, $0x1;
	p0 =	sgt.u32 s5, $0x3;
	s8 =	sand.u32 $0x180, s12  }
0xa: {  	s5 =	simm.s32 $0xB;
	s26 =	sor.u32 $0x2200, s12;
	s10 =	sor.u32 s11, s8  }
0xb: {  	s3 =	sor.u32 $0x2000, s12;
	s8 =	smul.u32 $0x27100, s6;
	s14 =	sor.u32 $0x200, s10  }
0xc: {  	s6 =	ssub.s32 s13, s22;
	s18 =	sand.u32 $0x2180, s3;
	s23 =	sadd.s32 s9, s14  }
0xd: {  	s24 =	sor.u32 $0x400, s10;
	s14 =	sadd.s32 s2, s14;
	[dreg:$0x11] =	wrdreg s23  }
0xe: {  	s3 =	sor.u32 $0x1A00, s12;
	s25 =	sadd.s32 s9, s24;
	[dreg:$0x12] =	wrdreg s14  }
0xf: {  	s30 =	sor.u32 $0x600, s10;
	s13 =	sadd.s32 s2, s24;
	[dreg:$0x13] =	wrdreg s25  }
0x10: {  	s19 =	sor.u32 $0x800, s10;
	s15 =	sadd.s32 s9, s30;
	[dreg:$0x14] =	wrdreg s13  }
0x11: {  	s20 =	sadd.s32 s18, s9;
	s14 =	sand.u32 $0x2380, s26;
	[dreg:$0x15] =	wrdreg s15  }
0x12: {  	s13 =	sadd.s32 s2, s30;
	s23 =	sadd.s32 s9, s19;
	s25 =	sor.u32 $0x1C00, s12  }
0x13: {  	s15 =	sadd.s32 s2, s19;
	[dreg:$0x16] =	wrdreg s13;
	s31 =	sadd.s32 s14, s9  }
0x14: {  	s14 =	sadd.s32 s14, s2;
	[dreg:$0x17] =	wrdreg s23;
	s30 =	sand.u32 $0x1D80, s25  }
0x15: {  	[dreg:$0x18] =	wrdreg s15;
	s15 =	sand.u32 $0x1B80, s3;
	s23 =	sor.u32 $0xC00, s10  }
0x16: {  	s13 =	sadd.s32 s11, s31;
	s16 =	sadd.s32 s11, s14;
	s14 =	sadd.s32 s18, s2  }
0x17: {  	s31 =	sadd.s32 s30, s9;
	s18 =	sadd.s32 s15, s9;
	[dreg:$0x5] =	wrdreg s13  }
0x18: {  	s25 =	sadd.s32 s2, s23;
	[dreg:$0x6] =	wrdreg s16;
	s13 =	sadd.s32 s11, s20  }
0x19: {  	s16 =	sor.u32 $0x1E00, s12;
	s21 =	sadd.s32 s11, s14;
	[dreg:$0x1c] =	wrdreg s25  }
0x1a: {  	[dreg:$0x7] =	wrdreg s13;
	s22 =	sand.u32 $0x1F80, s16;
	s16 =	sor.u32 $0xA00, s10  }
0x1b: {  	[dreg:$0x8] =	wrdreg s21;
	s24 =	sadd.s32 s22, s9;
	s20 =	sadd.s32 s9, s16  }
0x1c: {  	s14 =	sadd.s32 s22, s2;
	s22 =	sadd.s32 s2, s16;
	[dreg:$0x19] =	wrdreg s20  }
0x1d: {  	s12 =	sor.u32 $0x1800, s12;
	s16 =	sadd.s32 s9, s10;
	[dreg:$0x1a] =	wrdreg s22  }
0x1e: {  	s12 =	sand.u32 $0x1980, s12;
	s13 =	sadd.s32 s11, s24;
	[smem:$0x7F0] =	sst s16  }
0x1f: {  	s21 =	sadd.s32 s12, s9;
	s26 =	sadd.s32 s11, s14;
	[dreg:$0x9] =	wrdreg s13  }
0x20: {  	s12 =	sadd.s32 s12, s2;
	s24 =	sadd.s32 s9, s23;
	[dreg:$0xa] =	wrdreg s26  }
0x21: {  	s23 =	sadd.s32 s8, s1;
	s1 =	sadd.s32 $0xB800, s1;
	[dreg:$0x1b] =	wrdreg s24  }
0x22: {  	s14 =	sadd.s32 s30, s2;
	s13 =	sadd.s32 s11, s31;
	[smem:$0x7F8] =	sst s1  }
0x23: {  	s22 =	smul.u32 $0x4F000, s17;
	s14 =	sadd.s32 s11, s14;
	[dreg:$0xb] =	wrdreg s13  }
0x24: {  	s26 =	sor.u32 $0xE00, s10;
	[dreg:$0xc] =	wrdreg s14;
	s13 =	sadd.s32 s11, s18  }
0x25: {  	s31 =	sor.u32 $0x1000, s10;
	s30 =	sadd.s32 s9, s26;
	[dreg:$0xd] =	wrdreg s13  }
0x26: {  	s16 =	simm.s32 $0x13A00;
	s3 =	sadd.s32 s9, s31;
	[dreg:$0x1d] =	wrdreg s30  }
0x27: {  	s14 =	sadd.s32 s15, s2;
	s18 =	sadd.s32 s2, s10;
	[dreg:$0x1f] =	wrdreg s3  }
0x28: {  	s24 =	sshrl.u32 s22, $0x2;
	s19 =	sadd.s32 s11, s14;
	[smem:$0x7F1] =	sst s18  }
0x29: {  	s22 =	simm.s32 $0x2;
	s13 =	sadd.s32 s11, s21;
	[dreg:$0xe] =	wrdreg s19  }
0x2a: {  	s11 =	sadd.s32 s11, s12;
	s12 =	sadd.s32 s2, s26;
	[dreg:$0xf] =	wrdreg s13  }
0x2b: {  	s14 =	sor.u32 $0x1200, s10;
	s25 =	sadd.s32 s24, s0;
	[dreg:$0x1e] =	wrdreg s12  }
0x2c: {  	s26 =	smul.u32 $0x2780, s17;
	s30 =	smax.u32 s6, $0x1;
	[dreg:$0x10] =	wrdreg s11  }
0x2d: {  	s3 =	simm.s32 $0x13B80;
	s17 =	simm.s32 $0x13D00;
	[smem:$0x7F9] =	sst s25  }
0x2e: {  	s18 =	simm.s32 $0x13D80;
	s12 =	sadd.s32 s2, s31;
	[smem:$0x7FA] =	sst s30  }
0x2f: {  	s24 =	simm.s32 $0x3;
	s15 =	sadd.s32 s9, s14;
	[smem:$0x7ED] =	sst s12  }
0x30: {  	s19 =	sor.u32 $0x1400, s10;
	s31 =	sadd.s32 $0x128400, s0;
	[smem:$0x7EE] =	sst s15  }
0x31: {  	s10 =	sor.u32 $0x1600, s10;
	s12 =	sadd.s32 s2, s14;
	[smem:$0x7FD] =	sst s31  }
0x32: {  	s13 =	simm.s32 $0x13C00;
	s20 =	sadd.s32 s9, s19;
	[smem:$0x7EF] =	sst s12  }
0x33: {  	s21 =	sadd.s32 s9, s10;
	s10 =	sadd.s32 s2, s10;
	[smem:$0x7F2] =	sst s20  }
0x34: {  	s9 =	sadd.s32 s9, s7;
	s14 =	simm.s32 $0x13980;
	[smem:$0x7F4] =	sst s21  }
0x35: {  	s15 =	simm.s32 $0x13C80;
	s12 =	sadd.s32 s2, s19;
	[smem:$0x7F5] =	sst s10  }
0x36: {  	[smem:$0x7F6] =	sst s9;
	s2 =	sadd.s32 s2, s7;
	s10 =	simm.s32 $0x13880  }
.Ltmp0:
0x37: {  	s21 =	simm.s32 $0x13A80;
	s19 =	simm.s32 $0x1;
	(pc) =	sbr.rel .LBB2_1-.Ltmp0, $4  }
0x38: {  	s20 =	simm.s32 $0x80;
	s7 =	simm.s32 $0x0;
	[smem:$0x7F3] =	sst s12  }
0x39: {  	[smem:$0x7F7] =	sst s2;
	s2 =	sadd.s32 $0xE000, s23;
	s12 =	simm.s32 $0x13900  }
0x3a: {  	[smem:$0x7FB] =	sst s2;
	s1 =	sadd.s32 s26, s2;
	s26 =	simm.s32 $0x7  }
0x3b: {  	s2 =	simm.s32 $0x9;
	[smem:$0x7FC] =	sst s1;
	s1 =	simm.s32 $0xC  }
.LBB2_7:
0x3c: {  	s7 =	sld [smem:$0x7FB]  }
0x3d: {  	s8 =	sld [smem:$0x7FD];
	_ =	sdelay $0x1  }
0x3e: {  	s9 =	simm.s32 $0x1FCD  }
0x3f: {  	s31 =	simm.s32 $0xD;
	s7 =	sadd.s32 $0x25080, s7;
	s8 =	sshrl.u32 s8, $0x3  }
0x40: {  	[hbm:s7], [sflag:s9] =	dma.local [spmem:s8], $0x2080  }
0x41: {  	_ =	swait.ge [sflag:s31], $0x2080  }
0x42: {  	s14 =	simm.s32 $0x13980;
	s16 =	simm.s32 $0x13A00;
	[sflag:s31] =	ssyncset.done $0x0  }
0x43: {  	s21 =	simm.s32 $0x13A80;
	s8 =	sld [smem:$0x7EC];
	[sflag:s31] =	ssyncadd.s32 $0xFFFFDF80  }
.LBB2_8:
0x44: {  	s7 =	sld [smem:$0x7FA];
	_ =	sdelay $0x1  }
0x45: {  	s8 =	sadd.s32 $0x1, s8  }
0x46: {  	p2 =	sne.s32 s8, s7  }
.Ltmp1:
0x47: {  	_ = 	snop;
	(pc) =	sbr.rel @!p2 .LBB2_9-.Ltmp1, $2  }
0x48: {  	_ =	sdelay $0x2  }
0x49: {  	s7 =	smov.u32 s8  }
.LBB2_1:
0x4a: {  	[smem:$0x7EC] =	sst s7  }
0x4b: {  	s7 =	sld [smem:$0x7FD]  }
0x4c: {  	s9 =	sld [smem:$0x7F8];
	_ =	sdelay $0x1  }
0x4d: {  	s8 =	simm.s32 @p1 $0x1FCD;
	s7 =	sshrl.u32 @p1 s7, $0x3  }
0x4e: {  	[spmem:s7], [sflag:s8] =	dma.local @p1 [hbm:s9], $0x2080  }
0x4f: {  	s7 =	simm.s32 @p1 $0xD  }
0x50: {  	s8 =	stileid.u32;
	_ =	swait.ge @p1 [sflag:s7], $0x2080  }
0x51: {  	s8 =	sshll.u32 @!p1 s8, $0x6;
	[sflag:s7] =	ssyncset.done @p1 $0x0  }
0x52: {  	[sflag:s7] =	ssyncadd.s32 @p1 $0xFFFFDF80;
	s7 =	sor.u32 @!p1 $0x1C0D, s8;
	s8 =	sld [smem:$0x7F9]  }
0x53: {  	_ =	sdelay $0x1  }
0x54: {  	s8 =	sshrl.u32 @!p1 s8, $0x3  }
0x55: {  	[spmem:s8], [sflag:s7] =	dma.local @!p1 [hbm:s9], $0x2780  }
0x56: {  	s7 =	simm.s32 @!p1 $0xD  }
0x57: {  	_ =	swait.ge @!p1 [sflag:s7], $0x2780  }
0x58: {  	[sflag:s7] =	ssyncset.done @!p1 $0x0  }
0x59: {  	[sflag:s7] =	ssyncadd.s32 @!p1 $0xFFFFD880  }
0x5a: {  	[bflag:$0x0] =	sbarrier.arrive $0xFFFF  }
0x5b: {  	s25 =	sld [smem:$0x7F0];
	_ =	sdelay $0x1  }
0x5c: {  	s30 =	sld [smem:$0x7F1]  }
0x5d: {  	[tilespmem:s10], [sflag:$0x1] =	stream.linear.gather [hbm4b:s25+s4], $0x80, $0x38;
	[tilespmem:$0x1FE80] =	vst v63  }
0x5e: {  	_ = 	snop  }
0x5f: {  	[tilespmem:s3], [sflag:$0x1] =	stream.linear.gather [hbm4b:s30+s4], $0x80, $0x38;
	[tilespmem:$0x1FE80] =	vst v63  }
0x60: {  	s0 =	rddreg [dreg:$0x11]  }
0x61: {  	[tilespmem:s12], [sflag:$0x2] =	stream.linear.gather [hbm4b:s0+s4], $0x80, $0x38;
	[tilespmem:$0x1FE80] =	vst v63  }
0x62: {  	s6 =	rddreg [dreg:$0x12]  }
0x63: {  	[tilespmem:s13], [sflag:$0x2] =	stream.linear.gather [hbm4b:s6+s4], $0x80, $0x38;
	[tilespmem:$0x1FE80] =	vst v63  }
0x64: {  	s8 =	rddreg [dreg:$0x13]  }
0x65: {  	[tilespmem:s14], [sflag:$0x3] =	stream.linear.gather [hbm4b:s8+s4], $0x80, $0x38;
	[tilespmem:$0x1FE80] =	vst v63  }
0x66: {  	s9 =	rddreg [dreg:$0x14]  }
0x67: {  	[tilespmem:s15], [sflag:$0x3] =	stream.linear.gather [hbm4b:s9+s4], $0x80, $0x38;
	[tilespmem:$0x1FE80] =	vst v63  }
0x68: {  	s11 =	rddreg [dreg:$0x15]  }
0x69: {  	[tilespmem:s16], [sflag:$0x4] =	stream.linear.gather [hbm4b:s11+s4], $0x80, $0x38;
	[tilespmem:$0x1FE80] =	vst v63  }
0x6a: {  	s23 =	rddreg [dreg:$0x16]  }
0x6b: {  	[tilespmem:s17], [sflag:$0x4] =	stream.linear.gather [hbm4b:s23+s4], $0x80, $0x38;
	[tilespmem:$0x1FE80] =	vst v63  }
0x6c: {  	s25 =	rddreg [dreg:$0x17]  }
0x6d: {  	[tilespmem:s21], [sflag:$0x5] =	stream.linear.gather [hbm4b:s25+s4], $0x80, $0x38;
	[tilespmem:$0x1FE80] =	vst v63  }
0x6e: {  	s30 =	rddreg [dreg:$0x18]  }
0x6f: {  	[tilespmem:s18], [sflag:$0x5] =	stream.linear.gather [hbm4b:s30+s4], $0x80, $0x38;
	[tilespmem:$0x1FE80] =	vst v63  }
0x70: {  	s0 =	rddreg [dreg:$0x19];
	s9 =	simm.s32 $0x13B00  }
0x71: {  	[tilespmem:s9], [sflag:$0x6] =	stream.linear.gather [hbm4b:s0+s4], $0x80, $0x38;
	[tilespmem:$0x1FE80] =	vst v63  }
0x72: {  	s6 =	rddreg [dreg:$0x1a];
	s0 =	simm.s32 $0x13E00  }
0x73: {  	[tilespmem:s0], [sflag:$0x6] =	stream.linear.gather [hbm4b:s6+s4], $0x80, $0x38;
	[tilespmem:$0x1FE80] =	vst v63  }
0x74: {  	_ =	swait.ge [sflag:s19], $0x80  }
0x75: {  	[sflag:s19] =	ssyncset.done $0x0  }
0x76: {  	[sflag:s19] =	ssyncadd.s32 $0xFFFFFF80  }
0x77: {  	_ =	swait.ge [sflag:s19], $0x80  }
0x78: {  	[sflag:s19] =	ssyncset.done $0x0  }
0x79: {  	[sflag:s19] =	ssyncadd.s32 $0xFFFFFF80  }
0x7a: {  	s23 =	simm.s32 $0x13E80;
	s0 =	rddreg [dreg:$0x0]  }
0x7b: {  	[tilespmem:s23], [sflag:$0x7] =	stream.indirect.gather [hbm4b:s0+s20], $0x80, s10, s20, $0xb8;
	[tilespmem:$0x1FE80] =	vst v63  }
0x7c: {  	_ =	swait.ge [sflag:s22], $0x80  }
0x7d: {  	[sflag:s22] =	ssyncset.done $0x0  }
0x7e: {  	[sflag:s22] =	ssyncadd.s32 $0xFFFFFF80  }
0x7f: {  	_ =	swait.ge [sflag:s22], $0x80  }
0x80: {  	[sflag:s22] =	ssyncset.done $0x0  }
0x81: {  	s25 =	simm.s32 $0x17E80;
	[sflag:s22] =	ssyncadd.s32 $0xFFFFFF80  }
0x82: {  	[tilespmem:s25], [sflag:$0x8] =	stream.indirect.gather [hbm4b:s0+s20], $0x80, s12, s20, $0xb8;
	[tilespmem:$0x1FE80] =	vst v63  }
0x83: {  	_ =	swait.ge [sflag:s24], $0x80  }
0x84: {  	[sflag:s24] =	ssyncset.done $0x0  }
0x85: {  	[sflag:s24] =	ssyncadd.s32 $0xFFFFFF80  }
0x86: {  	_ =	swait.ge [sflag:s24], $0x80  }
0x87: {  	[sflag:s24] =	ssyncset.done $0x0  }
0x88: {  	s18 =	simm.s32 $0x1BE80;
	[sflag:s24] =	ssyncadd.s32 $0xFFFFFF80  }
0x89: {  	[tilespmem:s18], [sflag:$0x9] =	stream.indirect.gather [hbm4b:s0+s20], $0x80, s14, s20, $0xb8;
	[tilespmem:$0x1FE80] =	vst v63  }
0x8a: {  	_ =	swait.ge [sflag:s26], $0x4000  }
0x8b: {  	[sflag:s26] =	ssyncset.done $0x0  }
0x8c: {  	[sflag:s26] =	ssyncadd.s32 $0xFFFFC000  }
0x8d: {  	s11 =	rddreg [dreg:$0x3]  }
0x8e: {  	[spmem:s11] =	stream.indirect.scatter.add.f32 [tilespmem:s23], [sflag:$0xA], $0x80, s3, s20, $0xb8;
	[tilespmem:$0x1FE80] =	vst v63  }
0x8f: {  	s8 =	rddreg [dreg:$0x1b]  }
0x90: {  	[tilespmem:s10], [sflag:$0x1] =	stream.linear.gather [hbm4b:s8+s4], $0x80, $0x38;
	[tilespmem:$0x1FE80] =	vst v63  }
0x91: {  	s8 =	rddreg [dreg:$0x1c]  }
0x92: {  	[tilespmem:s3], [sflag:$0x1] =	stream.linear.gather [hbm4b:s8+s4], $0x80, $0x38;
	[tilespmem:$0x1FE80] =	vst v63  }
0x93: {  	_ =	swait.ge [sflag:s28], $0x4000  }
0x94: {  	[sflag:s28] =	ssyncset.done $0x0  }
0x95: {  	s30 =	simm.s32 $0x4;
	[sflag:s28] =	ssyncadd.s32 $0xFFFFC000  }
0x96: {  	_ =	swait.ge [sflag:s30], $0x80  }
0x97: {  	[sflag:s30] =	ssyncset.done $0x0  }
0x98: {  	[sflag:s30] =	ssyncadd.s32 $0xFFFFFF80  }
0x99: {  	_ =	swait.ge [sflag:s30], $0x80  }
0x9a: {  	[sflag:s30] =	ssyncset.done $0x0  }
0x9b: {  	[sflag:s30] =	ssyncadd.s32 $0xFFFFFF80  }
0x9c: {  	[tilespmem:s23], [sflag:$0x7] =	stream.indirect.gather [hbm4b:s0+s20], $0x80, s16, s20, $0xb8;
	[tilespmem:$0x1FE80] =	vst v63  }
0x9d: {  	_ =	swait.ge [sflag:s29], $0x4000  }
0x9e: {  	[sflag:s29] =	ssyncset.done $0x0  }
0x9f: {  	[sflag:s29] =	ssyncadd.s32 $0xFFFFC000  }
0xa0: {  	[spmem:s11] =	stream.indirect.scatter.add.f32 [tilespmem:s25], [sflag:$0xB], $0x80, s13, s20, $0xb8;
	[tilespmem:$0x1FE80] =	vst v63  }
0xa1: {  	s8 =	rddreg [dreg:$0x1d]  }
0xa2: {  	[tilespmem:s12], [sflag:$0x2] =	stream.linear.gather [hbm4b:s8+s4], $0x80, $0x38;
	[tilespmem:$0x1FE80] =	vst v63  }
0xa3: {  	s8 =	rddreg [dreg:$0x1e]  }
0xa4: {  	[tilespmem:s13], [sflag:$0x2] =	stream.linear.gather [hbm4b:s8+s4], $0x80, $0x38;
	[tilespmem:$0x1FE80] =	vst v63  }
0xa5: {  	_ =	swait.ge [sflag:s5], $0x4000  }
0xa6: {  	[sflag:s5] =	ssyncset.done $0x0  }
0xa7: {  	s6 =	simm.s32 $0x5;
	[sflag:s5] =	ssyncadd.s32 $0xFFFFC000  }
0xa8: {  	_ =	swait.ge [sflag:s6], $0x80  }
0xa9: {  	[sflag:s6] =	ssyncset.done $0x0  }
0xaa: {  	[sflag:s6] =	ssyncadd.s32 $0xFFFFFF80  }
0xab: {  	_ =	swait.ge [sflag:s6], $0x80  }
0xac: {  	[sflag:s6] =	ssyncset.done $0x0  }
0xad: {  	[sflag:s6] =	ssyncadd.s32 $0xFFFFFF80  }
0xae: {  	[tilespmem:s25], [sflag:$0x8] =	stream.indirect.gather [hbm4b:s0+s20], $0x80, s21, s20, $0xb8;
	[tilespmem:$0x1FE80] =	vst v63  }
0xaf: {  	_ =	swait.ge [sflag:s2], $0x4000  }
0xb0: {  	[sflag:s2] =	ssyncset.done $0x0  }
0xb1: {  	[sflag:s2] =	ssyncadd.s32 $0xFFFFC000  }
0xb2: {  	[spmem:s11] =	stream.indirect.scatter.add.f32 [tilespmem:s18], [sflag:$0xC], $0x80, s15, s20, $0xb8;
	[tilespmem:$0x1FE80] =	vst v63  }
0xb3: {  	s8 =	rddreg [dreg:$0x1f]  }
0xb4: {  	[tilespmem:s14], [sflag:$0x3] =	stream.linear.gather [hbm4b:s8+s4], $0x80, $0x38;
	[tilespmem:$0x1FE80] =	vst v63  }
0xb5: {  	s8 =	sld [smem:$0x7ED];
	_ =	sdelay $0x2  }
0xb6: {  	[tilespmem:s15], [sflag:$0x3] =	stream.linear.gather [hbm4b:s8+s4], $0x80, $0x38;
	[tilespmem:$0x1FE80] =	vst v63  }
0xb7: {  	_ =	swait.ge [sflag:s1], $0x4000  }
0xb8: {  	[sflag:s1] =	ssyncset.done $0x0  }
0xb9: {  	s31 =	simm.s32 $0x6;
	[sflag:s1] =	ssyncadd.s32 $0xFFFFC000  }
0xba: {  	_ =	swait.ge [sflag:s31], $0x80  }
0xbb: {  	[sflag:s31] =	ssyncset.done $0x0  }
0xbc: {  	[sflag:s31] =	ssyncadd.s32 $0xFFFFFF80  }
0xbd: {  	_ =	swait.ge [sflag:s31], $0x80  }
0xbe: {  	[sflag:s31] =	ssyncset.done $0x0  }
0xbf: {  	[sflag:s31] =	ssyncadd.s32 $0xFFFFFF80  }
0xc0: {  	[tilespmem:s18], [sflag:$0x9] =	stream.indirect.gather [hbm4b:s0+s20], $0x80, s9, s20, $0xb8;
	[tilespmem:$0x1FE80] =	vst v63  }
0xc1: {  	_ =	swait.ge [sflag:s26], $0x4000  }
0xc2: {  	[sflag:s26] =	ssyncset.done $0x0  }
0xc3: {  	s8 =	sld [smem:$0x7EE];
	[sflag:s26] =	ssyncadd.s32 $0xFFFFC000  }
0xc4: {  	[spmem:s11] =	stream.indirect.scatter.add.f32 [tilespmem:s23], [sflag:$0xA], $0x80, s17, s20, $0xb8;
	[tilespmem:$0x1FE80] =	vst v63  }
0xc5: {  	_ = 	snop  }
0xc6: {  	[tilespmem:s16], [sflag:$0x4] =	stream.linear.gather [hbm4b:s8+s4], $0x80, $0x38;
	[tilespmem:$0x1FE80] =	vst v63  }
0xc7: {  	s8 =	sld [smem:$0x7EF];
	_ =	sdelay $0x2  }
0xc8: {  	[tilespmem:s17], [sflag:$0x4] =	stream.linear.gather [hbm4b:s8+s4], $0x80, $0x38;
	[tilespmem:$0x1FE80] =	vst v63  }
0xc9: {  	_ =	swait.ge [sflag:s28], $0x4000  }
0xca: {  	[sflag:s28] =	ssyncset.done $0x0  }
0xcb: {  	[sflag:s28] =	ssyncadd.s32 $0xFFFFC000  }
0xcc: {  	_ =	swait.ge [sflag:s19], $0x80  }
0xcd: {  	[sflag:s19] =	ssyncset.done $0x0  }
0xce: {  	[sflag:s19] =	ssyncadd.s32 $0xFFFFFF80  }
0xcf: {  	_ =	swait.ge [sflag:s19], $0x80  }
0xd0: {  	[sflag:s19] =	ssyncset.done $0x0  }
0xd1: {  	[sflag:s19] =	ssyncadd.s32 $0xFFFFFF80  }
0xd2: {  	[tilespmem:s23], [sflag:$0x7] =	stream.indirect.gather [hbm4b:s0+s20], $0x80, s10, s20, $0xb8;
	[tilespmem:$0x1FE80] =	vst v63  }
0xd3: {  	_ =	swait.ge [sflag:s29], $0x4000  }
0xd4: {  	[sflag:s29] =	ssyncset.done $0x0  }
0xd5: {  	s8 =	simm.s32 $0x13D80;
	s7 =	sld [smem:$0x7F2];
	[sflag:s29] =	ssyncadd.s32 $0xFFFFC000  }
0xd6: {  	[spmem:s11] =	stream.indirect.scatter.add.f32 [tilespmem:s25], [sflag:$0xB], $0x80, s8, s20, $0xb8;
	[tilespmem:$0x1FE80] =	vst v63  }
0xd7: {  	_ = 	snop  }
0xd8: {  	[tilespmem:s21], [sflag:$0x5] =	stream.linear.gather [hbm4b:s7+s4], $0x80, $0x38;
	[tilespmem:$0x1FE80] =	vst v63  }
0xd9: {  	s7 =	sld [smem:$0x7F3];
	_ =	sdelay $0x2  }
0xda: {  	[tilespmem:s8], [sflag:$0x5] =	stream.linear.gather [hbm4b:s7+s4], $0x80, $0x38;
	[tilespmem:$0x1FE80] =	vst v63  }
0xdb: {  	_ =	swait.ge [sflag:s5], $0x4000  }
0xdc: {  	[sflag:s5] =	ssyncset.done $0x0  }
0xdd: {  	[sflag:s5] =	ssyncadd.s32 $0xFFFFC000  }
0xde: {  	_ =	swait.ge [sflag:s22], $0x80  }
0xdf: {  	[sflag:s22] =	ssyncset.done $0x0  }
0xe0: {  	[sflag:s22] =	ssyncadd.s32 $0xFFFFFF80  }
0xe1: {  	_ =	swait.ge [sflag:s22], $0x80  }
0xe2: {  	[sflag:s22] =	ssyncset.done $0x0  }
0xe3: {  	[sflag:s22] =	ssyncadd.s32 $0xFFFFFF80  }
0xe4: {  	[tilespmem:s25], [sflag:$0x8] =	stream.indirect.gather [hbm4b:s0+s20], $0x80, s12, s20, $0xb8;
	[tilespmem:$0x1FE80] =	vst v63  }
0xe5: {  	_ =	swait.ge [sflag:s2], $0x4000  }
0xe6: {  	[sflag:s2] =	ssyncset.done $0x0  }
0xe7: {  	s8 =	simm.s32 $0x13E00;
	s7 =	sld [smem:$0x7F4];
	[sflag:s2] =	ssyncadd.s32 $0xFFFFC000  }
0xe8: {  	[spmem:s11] =	stream.indirect.scatter.add.f32 [tilespmem:s18], [sflag:$0xC], $0x80, s8, s20, $0xb8;
	[tilespmem:$0x1FE80] =	vst v63  }
0xe9: {  	_ = 	snop  }
0xea: {  	[tilespmem:s9], [sflag:$0x6] =	stream.linear.gather [hbm4b:s7+s4], $0x80, $0x38;
	[tilespmem:$0x1FE80] =	vst v63  }
0xeb: {  	s7 =	sld [smem:$0x7F5];
	_ =	sdelay $0x2  }
0xec: {  	[tilespmem:s8], [sflag:$0x6] =	stream.linear.gather [hbm4b:s7+s4], $0x80, $0x38;
	[tilespmem:$0x1FE80] =	vst v63  }
0xed: {  	_ =	swait.ge [sflag:s1], $0x4000  }
0xee: {  	[sflag:s1] =	ssyncset.done $0x0  }
0xef: {  	[sflag:s1] =	ssyncadd.s32 $0xFFFFC000  }
0xf0: {  	_ =	swait.ge [sflag:s24], $0x80  }
0xf1: {  	[sflag:s24] =	ssyncset.done $0x0  }
0xf2: {  	[sflag:s24] =	ssyncadd.s32 $0xFFFFFF80  }
0xf3: {  	_ =	swait.ge [sflag:s24], $0x80  }
0xf4: {  	[sflag:s24] =	ssyncset.done $0x0  }
0xf5: {  	[sflag:s24] =	ssyncadd.s32 $0xFFFFFF80  }
0xf6: {  	[tilespmem:s18], [sflag:$0x9] =	stream.indirect.gather [hbm4b:s0+s20], $0x80, s14, s20, $0xb8;
	[tilespmem:$0x1FE80] =	vst v63  }
0xf7: {  	_ =	swait.ge [sflag:s26], $0x4000  }
0xf8: {  	[sflag:s26] =	ssyncset.done $0x0  }
0xf9: {  	s8 =	rddreg [dreg:$0xf];
	[sflag:s26] =	ssyncadd.s32 $0xFFFFC000  }
0xfa: {  	[spmem:s11] =	stream.indirect.scatter.add.f32 [tilespmem:s23], [sflag:$0xA], $0x80, s3, s20, $0xb8;
	[tilespmem:$0x1FE80] =	vst v63  }
0xfb: {  	s24 =	rddreg [dreg:$0x10];
	s7 =	sadd.s32 $0x0, s8  }
0xfc: {  	[tilespmem:s10], [sflag:$0x1] =	stream.linear.gather [hbm4b:s7+s4], $0x80, $0x38;
	[tilespmem:$0x1FE80] =	vst v63  }
0xfd: {  	s24 =	sadd.s32 $0x0, s24  }
0xfe: {  	[tilespmem:s3], [sflag:$0x1] =	stream.linear.gather [hbm4b:s24+s4], $0x80, $0x38;
	[tilespmem:$0x1FE80] =	vst v63  }
0xff: {  	_ =	swait.ge [sflag:s28], $0x4000  }
0x100: {  	[sflag:s28] =	ssyncset.done $0x0  }
0x101: {  	[sflag:s28] =	ssyncadd.s32 $0xFFFFC000  }
0x102: {  	_ =	swait.ge [sflag:s30], $0x80  }
0x103: {  	[sflag:s30] =	ssyncset.done $0x0  }
0x104: {  	[sflag:s30] =	ssyncadd.s32 $0xFFFFFF80  }
0x105: {  	_ =	swait.ge [sflag:s30], $0x80  }
0x106: {  	[sflag:s30] =	ssyncset.done $0x0  }
0x107: {  	[sflag:s30] =	ssyncadd.s32 $0xFFFFFF80  }
0x108: {  	[tilespmem:s23], [sflag:$0x7] =	stream.indirect.gather [hbm4b:s0+s20], $0x80, s16, s20, $0xb8;
	[tilespmem:$0x1FE80] =	vst v63  }
0x109: {  	_ =	swait.ge [sflag:s29], $0x4000  }
0x10a: {  	[sflag:s29] =	ssyncset.done $0x0  }
0x10b: {  	s8 =	rddreg [dreg:$0xd];
	[sflag:s29] =	ssyncadd.s32 $0xFFFFC000  }
0x10c: {  	[spmem:s11] =	stream.indirect.scatter.add.f32 [tilespmem:s25], [sflag:$0xB], $0x80, s13, s20, $0xb8;
	[tilespmem:$0x1FE80] =	vst v63  }
0x10d: {  	s24 =	rddreg [dreg:$0xe];
	s7 =	sadd.s32 $0x0, s8  }
0x10e: {  	[tilespmem:s12], [sflag:$0x2] =	stream.linear.gather [hbm4b:s7+s4], $0x80, $0x38;
	[tilespmem:$0x1FE80] =	vst v63  }
0x10f: {  	s30 =	sadd.s32 $0x0, s24  }
0x110: {  	[tilespmem:s13], [sflag:$0x2] =	stream.linear.gather [hbm4b:s30+s4], $0x80, $0x38;
	[tilespmem:$0x1FE80] =	vst v63  }
0x111: {  	_ =	swait.ge [sflag:s5], $0x4000  }
0x112: {  	[sflag:s5] =	ssyncset.done $0x0  }
0x113: {  	[sflag:s5] =	ssyncadd.s32 $0xFFFFC000  }
0x114: {  	_ =	swait.ge [sflag:s6], $0x80  }
0x115: {  	[sflag:s6] =	ssyncset.done $0x0  }
0x116: {  	[sflag:s6] =	ssyncadd.s32 $0xFFFFFF80  }
0x117: {  	_ =	swait.ge [sflag:s6], $0x80  }
0x118: {  	[sflag:s6] =	ssyncset.done $0x0  }
0x119: {  	[sflag:s6] =	ssyncadd.s32 $0xFFFFFF80  }
0x11a: {  	[tilespmem:s25], [sflag:$0x8] =	stream.indirect.gather [hbm4b:s0+s20], $0x80, s21, s20, $0xb8;
	[tilespmem:$0x1FE80] =	vst v63  }
0x11b: {  	_ =	swait.ge [sflag:s2], $0x4000  }
0x11c: {  	[sflag:s2] =	ssyncset.done $0x0  }
0x11d: {  	s3 =	rddreg [dreg:$0xb];
	[sflag:s2] =	ssyncadd.s32 $0xFFFFC000  }
0x11e: {  	[spmem:s11] =	stream.indirect.scatter.add.f32 [tilespmem:s18], [sflag:$0xC], $0x80, s15, s20, $0xb8;
	[tilespmem:$0x1FE80] =	vst v63  }
0x11f: {  	s6 =	rddreg [dreg:$0xc];
	s7 =	sadd.s32 $0x0, s3  }
0x120: {  	[tilespmem:s14], [sflag:$0x3] =	stream.linear.gather [hbm4b:s7+s4], $0x80, $0x38;
	[tilespmem:$0x1FE80] =	vst v63  }
0x121: {  	s8 =	sadd.s32 $0x0, s6  }
0x122: {  	[tilespmem:s15], [sflag:$0x3] =	stream.linear.gather [hbm4b:s8+s4], $0x80, $0x38;
	[tilespmem:$0x1FE80] =	vst v63  }
0x123: {  	_ =	swait.ge [sflag:s1], $0x4000  }
0x124: {  	[sflag:s1] =	ssyncset.done $0x0  }
0x125: {  	[sflag:s1] =	ssyncadd.s32 $0xFFFFC000  }
0x126: {  	_ =	swait.ge [sflag:s31], $0x80  }
0x127: {  	[sflag:s31] =	ssyncset.done $0x0  }
0x128: {  	[sflag:s31] =	ssyncadd.s32 $0xFFFFFF80  }
0x129: {  	_ =	swait.ge [sflag:s31], $0x80  }
0x12a: {  	[sflag:s31] =	ssyncset.done $0x0  }
0x12b: {  	[sflag:s31] =	ssyncadd.s32 $0xFFFFFF80  }
0x12c: {  	[tilespmem:s18], [sflag:$0x9] =	stream.indirect.gather [hbm4b:s0+s20], $0x80, s9, s20, $0xb8;
	[tilespmem:$0x1FE80] =	vst v63  }
0x12d: {  	_ =	swait.ge [sflag:s26], $0x4000  }
0x12e: {  	[sflag:s26] =	ssyncset.done $0x0  }
0x12f: {  	s13 =	rddreg [dreg:$0x9];
	[sflag:s26] =	ssyncadd.s32 $0xFFFFC000  }
0x130: {  	[spmem:s11] =	stream.indirect.scatter.add.f32 [tilespmem:s23], [sflag:$0xA], $0x80, s17, s20, $0xb8;
	[tilespmem:$0x1FE80] =	vst v63  }
0x131: {  	s14 =	rddreg [dreg:$0xa];
	s7 =	sadd.s32 $0x0, s13  }
0x132: {  	[tilespmem:s16], [sflag:$0x4] =	stream.linear.gather [hbm4b:s7+s4], $0x80, $0x38;
	[tilespmem:$0x1FE80] =	vst v63  }
0x133: {  	s16 =	sadd.s32 $0x0, s14  }
0x134: {  	[tilespmem:s17], [sflag:$0x4] =	stream.linear.gather [hbm4b:s16+s4], $0x80, $0x38;
	[tilespmem:$0x1FE80] =	vst v63  }
0x135: {  	_ =	swait.ge [sflag:s28], $0x4000  }
0x136: {  	[sflag:s28] =	ssyncset.done $0x0  }
0x137: {  	[sflag:s28] =	ssyncadd.s32 $0xFFFFC000  }
0x138: {  	_ =	swait.ge [sflag:s19], $0x80  }
0x139: {  	[sflag:s19] =	ssyncset.done $0x0  }
0x13a: {  	[sflag:s19] =	ssyncadd.s32 $0xFFFFFF80  }
0x13b: {  	_ =	swait.ge [sflag:s19], $0x80  }
0x13c: {  	[sflag:s19] =	ssyncset.done $0x0  }
0x13d: {  	[sflag:s19] =	ssyncadd.s32 $0xFFFFFF80  }
0x13e: {  	[tilespmem:s23], [sflag:$0x7] =	stream.indirect.gather [hbm4b:s0+s20], $0x80, s10, s20, $0xb8;
	[tilespmem:$0x1FE80] =	vst v63  }
0x13f: {  	_ =	swait.ge [sflag:s29], $0x4000  }
0x140: {  	[sflag:s29] =	ssyncset.done $0x0  }
0x141: {  	s23 =	simm.s32 $0x13D80;
	s17 =	rddreg [dreg:$0x7];
	[sflag:s29] =	ssyncadd.s32 $0xFFFFC000  }
0x142: {  	[spmem:s11] =	stream.indirect.scatter.add.f32 [tilespmem:s25], [sflag:$0xB], $0x80, s23, s20, $0xb8;
	[tilespmem:$0x1FE80] =	vst v63  }
0x143: {  	s19 =	rddreg [dreg:$0x8];
	s7 =	sadd.s32 $0x0, s17  }
0x144: {  	[tilespmem:s21], [sflag:$0x5] =	stream.linear.gather [hbm4b:s7+s4], $0x80, $0x38;
	[tilespmem:$0x1FE80] =	vst v63  }
0x145: {  	s24 =	sadd.s32 $0x0, s19  }
0x146: {  	[tilespmem:s23], [sflag:$0x5] =	stream.linear.gather [hbm4b:s24+s4], $0x80, $0x38;
	[tilespmem:$0x1FE80] =	vst v63  }
0x147: {  	_ =	swait.ge [sflag:s5], $0x4000  }
0x148: {  	[sflag:s5] =	ssyncset.done $0x0  }
0x149: {  	[sflag:s5] =	ssyncadd.s32 $0xFFFFC000  }
0x14a: {  	_ =	swait.ge [sflag:s22], $0x80  }
0x14b: {  	[sflag:s22] =	ssyncset.done $0x0  }
0x14c: {  	[sflag:s22] =	ssyncadd.s32 $0xFFFFFF80  }
0x14d: {  	_ =	swait.ge [sflag:s22], $0x80  }
0x14e: {  	s15 =	smov.u32 s0;
	s1 =	simm.s32 $0xC;
	[sflag:s22] =	ssyncset.done $0x0  }
0x14f: {  	s31 =	simm.s32 $0x8;
	s26 =	simm.s32 $0x13E00;
	[sflag:s22] =	ssyncadd.s32 $0xFFFFFF80  }
0x150: {  	[tilespmem:s25], [sflag:$0x8] =	stream.indirect.gather [hbm4b:s15+s20], $0x80, s12, s20, $0xb8;
	[tilespmem:$0x1FE80] =	vst v63  }
0x151: {  	s28 =	simm.s32 $0x7;
	s29 =	simm.s32 $0xA;
	_ =	swait.ge [sflag:s2], $0x4000  }
0x152: {  	s24 =	simm.s32 $0x2;
	[sflag:s2] =	ssyncset.done $0x0;
	s25 =	rddreg [dreg:$0x5]  }
0x153: {  	s5 =	simm.s32 $0xB;
	s30 =	rddreg [dreg:$0x6];
	[sflag:s2] =	ssyncadd.s32 $0xFFFFC000  }
0x154: {  	[spmem:s11] =	stream.indirect.scatter.add.f32 [tilespmem:s18], [sflag:$0xC], $0x80, s26, s20, $0xb8;
	[tilespmem:$0x1FE80] =	vst v63  }
0x155: {  	s22 =	simm.s32 $0x1;
	s7 =	sadd.s32 $0x0, s25;
	s8 =	sadd.s32 $0x0, s30  }
0x156: {  	[tilespmem:s9], [sflag:$0x6] =	stream.linear.gather [hbm4b:s7+s4], $0x80, $0x38;
	[tilespmem:$0x1FE80] =	vst v63  }
0x157: {  	s2 =	simm.s32 $0x9;
	s26 =	simm.s32 $0x3;
	s7 =	simm.s32 $0xC00  }
.LBB2_2:
0x158: {  	s16 =	simm.s32 $0x13E00  }
0x159: {  	[tilespmem:s16], [sflag:$0x6] =	stream.linear.gather [hbm4b:s8+s4], $0x80, $0x38;
	[tilespmem:$0x1FE80] =	vst v63  }
0x15a: {  	_ =	swait.ge [sflag:s1], $0x4000  }
0x15b: {  	[sflag:s1] =	ssyncset.done $0x0  }
0x15c: {  	[sflag:s1] =	ssyncadd.s32 $0xFFFFC000  }
0x15d: {  	_ =	swait.ge [sflag:s26], $0x80  }
0x15e: {  	[sflag:s26] =	ssyncset.done $0x0  }
0x15f: {  	[sflag:s26] =	ssyncadd.s32 $0xFFFFFF80  }
0x160: {  	_ =	swait.ge [sflag:s26], $0x80  }
0x161: {  	[sflag:s26] =	ssyncset.done $0x0  }
0x162: {  	s25 =	simm.s32 $0x1BE80;
	s13 =	simm.s32 $0x13980;
	[sflag:s26] =	ssyncadd.s32 $0xFFFFFF80  }
0x163: {  	[tilespmem:s25], [sflag:$0x9] =	stream.indirect.gather [hbm4b:s15+s20], $0x80, s13, s20, $0xb8;
	[tilespmem:$0x1FE80] =	vst v63  }
0x164: {  	_ =	swait.ge [sflag:s28], $0x4000  }
0x165: {  	[sflag:s28] =	ssyncset.done $0x0  }
0x166: {  	s17 =	simm.s32 $0x13E80;
	s9 =	rddreg [dreg:$0xf];
	[sflag:s28] =	ssyncadd.s32 $0xFFFFC000  }
0x167: {  	s0 =	simm.s32 $0x13B80;
	s8 =	smov.u32 s7;
	s6 =	rddreg [dreg:$0x3]  }
0x168: {  	[spmem:s6] =	stream.indirect.scatter.add.f32 [tilespmem:s17], [sflag:$0xA], $0x80, s0, s20, $0xb8;
	[tilespmem:$0x1FE80] =	vst v63  }
0x169: {  	s19 =	simm.s32 $0x13880;
	s10 =	rddreg [dreg:$0x10];
	s9 =	sadd.s32 s8, s9  }
0x16a: {  	[tilespmem:s19], [sflag:$0x1] =	stream.linear.gather [hbm4b:s9+s4], $0x80, $0x38;
	[tilespmem:$0x1FE80] =	vst v63  }
0x16b: {  	s23 =	sadd.s32 s8, s10  }
0x16c: {  	[tilespmem:s0], [sflag:$0x1] =	stream.linear.gather [hbm4b:s23+s4], $0x80, $0x38;
	[tilespmem:$0x1FE80] =	vst v63  }
0x16d: {  	_ =	swait.ge [sflag:s29], $0x4000  }
0x16e: {  	[sflag:s29] =	ssyncset.done $0x0  }
0x16f: {  	s30 =	simm.s32 $0x4;
	[sflag:s29] =	ssyncadd.s32 $0xFFFFC000  }
0x170: {  	_ =	swait.ge [sflag:s30], $0x80  }
0x171: {  	[sflag:s30] =	ssyncset.done $0x0  }
0x172: {  	[sflag:s30] =	ssyncadd.s32 $0xFFFFFF80  }
0x173: {  	_ =	swait.ge [sflag:s30], $0x80  }
0x174: {  	[sflag:s30] =	ssyncset.done $0x0  }
0x175: {  	s18 =	simm.s32 $0x13A00;
	[sflag:s30] =	ssyncadd.s32 $0xFFFFFF80  }
0x176: {  	[tilespmem:s17], [sflag:$0x7] =	stream.indirect.gather [hbm4b:s15+s20], $0x80, s18, s20, $0xb8;
	[tilespmem:$0x1FE80] =	vst v63  }
0x177: {  	_ =	swait.ge [sflag:s31], $0x4000  }
0x178: {  	s12 =	simm.s32 $0x17E80;
	[sflag:s31] =	ssyncset.done $0x0  }
0x179: {  	s11 =	simm.s32 $0x13C00;
	s0 =	rddreg [dreg:$0xd];
	[sflag:s31] =	ssyncadd.s32 $0xFFFFC000  }
0x17a: {  	[spmem:s6] =	stream.indirect.scatter.add.f32 [tilespmem:s12], [sflag:$0xB], $0x80, s11, s20, $0xb8;
	[tilespmem:$0x1FE80] =	vst v63  }
0x17b: {  	s30 =	simm.s32 $0x13900;
	s3 =	rddreg [dreg:$0xe];
	s9 =	sadd.s32 s8, s0  }
0x17c: {  	[tilespmem:s30], [sflag:$0x2] =	stream.linear.gather [hbm4b:s9+s4], $0x80, $0x38;
	[tilespmem:$0x1FE80] =	vst v63  }
0x17d: {  	s14 =	sadd.s32 s8, s3  }
0x17e: {  	[tilespmem:s11], [sflag:$0x2] =	stream.linear.gather [hbm4b:s14+s4], $0x80, $0x38;
	[tilespmem:$0x1FE80] =	vst v63  }
0x17f: {  	_ =	swait.ge [sflag:s5], $0x4000  }
0x180: {  	[sflag:s5] =	ssyncset.done $0x0  }
0x181: {  	s15 =	simm.s32 $0x5;
	[sflag:s5] =	ssyncadd.s32 $0xFFFFC000  }
0x182: {  	_ =	swait.ge [sflag:s15], $0x80  }
0x183: {  	[sflag:s15] =	ssyncset.done $0x0  }
0x184: {  	[sflag:s15] =	ssyncadd.s32 $0xFFFFFF80  }
0x185: {  	_ =	swait.ge [sflag:s15], $0x80  }
0x186: {  	[sflag:s15] =	ssyncset.done $0x0  }
0x187: {  	[sflag:s15] =	ssyncadd.s32 $0xFFFFFF80  }
0x188: {  	s15 =	simm.s32 $0x13A80;
	s0 =	rddreg [dreg:$0x0]  }
0x189: {  	[tilespmem:s12], [sflag:$0x8] =	stream.indirect.gather [hbm4b:s0+s20], $0x80, s15, s20, $0xb8;
	[tilespmem:$0x1FE80] =	vst v63  }
0x18a: {  	_ =	swait.ge [sflag:s2], $0x4000  }
0x18b: {  	[sflag:s2] =	ssyncset.done $0x0  }
0x18c: {  	s14 =	simm.s32 $0x13C80;
	s21 =	rddreg [dreg:$0xb];
	[sflag:s2] =	ssyncadd.s32 $0xFFFFC000  }
0x18d: {  	[spmem:s6] =	stream.indirect.scatter.add.f32 [tilespmem:s25], [sflag:$0xC], $0x80, s14, s20, $0xb8;
	[tilespmem:$0x1FE80] =	vst v63  }
0x18e: {  	s23 =	rddreg [dreg:$0xc];
	s9 =	sadd.s32 s8, s21  }
0x18f: {  	[tilespmem:s13], [sflag:$0x3] =	stream.linear.gather [hbm4b:s9+s4], $0x80, $0x38;
	[tilespmem:$0x1FE80] =	vst v63  }
0x190: {  	s0 =	sadd.s32 s8, s23  }
0x191: {  	[tilespmem:s14], [sflag:$0x3] =	stream.linear.gather [hbm4b:s0+s4], $0x80, $0x38;
	[tilespmem:$0x1FE80] =	vst v63  }
0x192: {  	_ =	swait.ge [sflag:s1], $0x4000  }
0x193: {  	[sflag:s1] =	ssyncset.done $0x0  }
0x194: {  	s10 =	simm.s32 $0x6;
	[sflag:s1] =	ssyncadd.s32 $0xFFFFC000  }
0x195: {  	_ =	swait.ge [sflag:s10], $0x80  }
0x196: {  	[sflag:s10] =	ssyncset.done $0x0  }
0x197: {  	[sflag:s10] =	ssyncadd.s32 $0xFFFFFF80  }
0x198: {  	_ =	swait.ge [sflag:s10], $0x80  }
0x199: {  	[sflag:s10] =	ssyncset.done $0x0  }
0x19a: {  	[sflag:s10] =	ssyncadd.s32 $0xFFFFFF80  }
0x19b: {  	s21 =	simm.s32 $0x13B00;
	s0 =	rddreg [dreg:$0x0]  }
0x19c: {  	[tilespmem:s25], [sflag:$0x9] =	stream.indirect.gather [hbm4b:s0+s20], $0x80, s21, s20, $0xb8;
	[tilespmem:$0x1FE80] =	vst v63  }
0x19d: {  	_ =	swait.ge [sflag:s28], $0x4000  }
0x19e: {  	[sflag:s28] =	ssyncset.done $0x0  }
0x19f: {  	s14 =	simm.s32 $0x13D00;
	s13 =	rddreg [dreg:$0x9];
	[sflag:s28] =	ssyncadd.s32 $0xFFFFC000  }
0x1a0: {  	[spmem:s6] =	stream.indirect.scatter.add.f32 [tilespmem:s17], [sflag:$0xA], $0x80, s14, s20, $0xb8;
	[tilespmem:$0x1FE80] =	vst v63  }
0x1a1: {  	s0 =	rddreg [dreg:$0xa];
	s9 =	sadd.s32 s8, s13  }
0x1a2: {  	[tilespmem:s18], [sflag:$0x4] =	stream.linear.gather [hbm4b:s9+s4], $0x80, $0x38;
	[tilespmem:$0x1FE80] =	vst v63  }
0x1a3: {  	s0 =	sadd.s32 s8, s0  }
0x1a4: {  	[tilespmem:s14], [sflag:$0x4] =	stream.linear.gather [hbm4b:s0+s4], $0x80, $0x38;
	[tilespmem:$0x1FE80] =	vst v63  }
0x1a5: {  	_ =	swait.ge [sflag:s29], $0x4000  }
0x1a6: {  	[sflag:s29] =	ssyncset.done $0x0  }
0x1a7: {  	[sflag:s29] =	ssyncadd.s32 $0xFFFFC000  }
0x1a8: {  	_ =	swait.ge [sflag:s22], $0x80  }
0x1a9: {  	[sflag:s22] =	ssyncset.done $0x0  }
0x1aa: {  	[sflag:s22] =	ssyncadd.s32 $0xFFFFFF80  }
0x1ab: {  	_ =	swait.ge [sflag:s22], $0x80  }
0x1ac: {  	[sflag:s22] =	ssyncset.done $0x0  }
0x1ad: {  	[sflag:s22] =	ssyncadd.s32 $0xFFFFFF80  }
0x1ae: {  	s10 =	rddreg [dreg:$0x0]  }
0x1af: {  	[tilespmem:s17], [sflag:$0x7] =	stream.indirect.gather [hbm4b:s10+s20], $0x80, s19, s20, $0xb8;
	[tilespmem:$0x1FE80] =	vst v63  }
0x1b0: {  	_ =	swait.ge [sflag:s31], $0x4000  }
0x1b1: {  	[sflag:s31] =	ssyncset.done $0x0  }
0x1b2: {  	s19 =	simm.s32 $0x13D80;
	s14 =	rddreg [dreg:$0x7];
	[sflag:s31] =	ssyncadd.s32 $0xFFFFC000  }
0x1b3: {  	[spmem:s6] =	stream.indirect.scatter.add.f32 [tilespmem:s12], [sflag:$0xB], $0x80, s19, s20, $0xb8;
	[tilespmem:$0x1FE80] =	vst v63  }
0x1b4: {  	s17 =	rddreg [dreg:$0x8];
	s9 =	sadd.s32 s8, s14  }
0x1b5: {  	[tilespmem:s15], [sflag:$0x5] =	stream.linear.gather [hbm4b:s9+s4], $0x80, $0x38;
	[tilespmem:$0x1FE80] =	vst v63  }
0x1b6: {  	s10 =	sadd.s32 s8, s17  }
0x1b7: {  	[tilespmem:s19], [sflag:$0x5] =	stream.linear.gather [hbm4b:s10+s4], $0x80, $0x38;
	[tilespmem:$0x1FE80] =	vst v63  }
0x1b8: {  	s15 =	rddreg [dreg:$0x0];
	_ =	swait.ge [sflag:s5], $0x4000  }
0x1b9: {  	[sflag:s5] =	ssyncset.done $0x0  }
0x1ba: {  	[sflag:s5] =	ssyncadd.s32 $0xFFFFC000  }
0x1bb: {  	_ =	swait.ge [sflag:s24], $0x80  }
0x1bc: {  	[sflag:s24] =	ssyncset.done $0x0  }
0x1bd: {  	[sflag:s24] =	ssyncadd.s32 $0xFFFFFF80  }
0x1be: {  	p2 =	sne.s32 s7, $0x7800;
	s7 =	sadd.s32 $0xC00, s7;
	_ =	swait.ge [sflag:s24], $0x80  }
0x1bf: {  	s3 =	simm.s32 $0x13C00;
	s11 =	simm.s32 $0x13980;
	[sflag:s24] =	ssyncset.done $0x0  }
0x1c0: {  	s23 =	simm.s32 $0x13C80;
	s13 =	simm.s32 $0x13A00;
	[sflag:s24] =	ssyncadd.s32 $0xFFFFFF80  }
0x1c1: {  	[tilespmem:s12], [sflag:$0x8] =	stream.indirect.gather [hbm4b:s15+s20], $0x80, s30, s20, $0xb8;
	[tilespmem:$0x1FE80] =	vst v63  }
0x1c2: {  	s18 =	simm.s32 $0x13D00;
	s0 =	simm.s32 $0x13A80;
	_ =	swait.ge [sflag:s2], $0x4000  }
.Ltmp2:
0x1c3: {  	[sflag:s2] =	ssyncset.done $0x0;
	s19 =	rddreg [dreg:$0x5];
	(pc) =	sbr.rel @p2 .LBB2_2-.Ltmp2, $4  }
0x1c4: {  	s14 =	simm.s32 $0x13D80;
	s30 =	rddreg [dreg:$0x6];
	[sflag:s2] =	ssyncadd.s32 $0xFFFFC000  }
0x1c5: {  	[spmem:s6] =	stream.indirect.scatter.add.f32 [tilespmem:s25], [sflag:$0xC], $0x80, s16, s20, $0xb8;
	[tilespmem:$0x1FE80] =	vst v63  }
0x1c6: {  	s9 =	sadd.s32 s8, s19;
	s8 =	sadd.s32 s8, s30;
	s16 =	simm.s32 $0x13B00  }
0x1c7: {  	[tilespmem:s21], [sflag:$0x6] =	stream.linear.gather [hbm4b:s9+s4], $0x80, $0x38;
	[tilespmem:$0x1FE80] =	vst v63  }
0x1c8: {  	s17 =	simm.s32 $0x13E00  }
0x1c9: {  	[tilespmem:s17], [sflag:$0x6] =	stream.linear.gather [hbm4b:s8+s4], $0x80, $0x38;
	[tilespmem:$0x1FE80] =	vst v63  }
0x1ca: {  	_ =	swait.ge [sflag:s1], $0x4000  }
0x1cb: {  	[sflag:s1] =	ssyncset.done $0x0  }
0x1cc: {  	[sflag:s1] =	ssyncadd.s32 $0xFFFFC000  }
0x1cd: {  	_ =	swait.ge [sflag:s26], $0x80  }
0x1ce: {  	[sflag:s26] =	ssyncset.done $0x0  }
0x1cf: {  	[sflag:s26] =	ssyncadd.s32 $0xFFFFFF80  }
0x1d0: {  	_ =	swait.ge [sflag:s26], $0x80  }
0x1d1: {  	[sflag:s26] =	ssyncset.done $0x0  }
0x1d2: {  	s21 =	simm.s32 $0x1BE80;
	[sflag:s26] =	ssyncadd.s32 $0xFFFFFF80  }
0x1d3: {  	[tilespmem:s21], [sflag:$0x9] =	stream.indirect.gather [hbm4b:s15+s20], $0x80, s11, s20, $0xb8;
	[tilespmem:$0x1FE80] =	vst v63  }
0x1d4: {  	_ =	swait.ge [sflag:s28], $0x4000  }
0x1d5: {  	[sflag:s28] =	ssyncset.done $0x0  }
0x1d6: {  	s9 =	sld [smem:$0x7F6];
	[sflag:s28] =	ssyncadd.s32 $0xFFFFC000  }
0x1d7: {  	s12 =	simm.s32 $0x13E80;
	s6 =	simm.s32 $0x13B80;
	s11 =	rddreg [dreg:$0x3]  }
0x1d8: {  	[spmem:s11] =	stream.indirect.scatter.add.f32 [tilespmem:s12], [sflag:$0xA], $0x80, s6, s20, $0xb8;
	[tilespmem:$0x1FE80] =	vst v63  }
0x1d9: {  	s7 =	simm.s32 @!p0 $0x0;
	s8 =	simm.s32 @!p0 $0x13880;
	s10 =	sld [smem:$0x7F7]  }
0x1da: {  	[tilespmem:s8], [sflag:$0x1] =	stream.linear.gather @!p0 [hbm4b:s9+s7], $0x80, $0x38;
	[tilespmem:$0x1FE80] =	vst v63  }
0x1db: {  	s9 =	simm.s32 @!p0 $0x13B80  }
0x1dc: {  	[tilespmem:s9], [sflag:$0x1] =	stream.linear.gather @!p0 [hbm4b:s10+s7], $0x80, $0x38;
	[tilespmem:$0x1FE80] =	vst v63  }
0x1dd: {  	_ =	swait.ge [sflag:s29], $0x4000  }
0x1de: {  	[sflag:s29] =	ssyncset.done $0x0  }
0x1df: {  	s24 =	simm.s32 $0x4;
	[sflag:s29] =	ssyncadd.s32 $0xFFFFC000  }
0x1e0: {  	_ =	swait.ge [sflag:s24], $0x80  }
0x1e1: {  	[sflag:s24] =	ssyncset.done $0x0  }
0x1e2: {  	[sflag:s24] =	ssyncadd.s32 $0xFFFFFF80  }
0x1e3: {  	_ =	swait.ge [sflag:s24], $0x80  }
0x1e4: {  	[sflag:s24] =	ssyncset.done $0x0  }
0x1e5: {  	[sflag:s24] =	ssyncadd.s32 $0xFFFFFF80  }
0x1e6: {  	[tilespmem:s12], [sflag:$0x7] =	stream.indirect.gather [hbm4b:s15+s20], $0x80, s13, s20, $0xb8;
	[tilespmem:$0x1FE80] =	vst v63  }
0x1e7: {  	_ =	swait.ge [sflag:s31], $0x4000  }
0x1e8: {  	[sflag:s31] =	ssyncset.done $0x0  }
0x1e9: {  	s25 =	simm.s32 $0x17E80;
	[sflag:s31] =	ssyncadd.s32 $0xFFFFC000  }
0x1ea: {  	[spmem:s11] =	stream.indirect.scatter.add.f32 [tilespmem:s25], [sflag:$0xB], $0x80, s3, s20, $0xb8;
	[tilespmem:$0x1FE80] =	vst v63  }
0x1eb: {  	_ =	swait.ge [sflag:s5], $0x4000  }
0x1ec: {  	[sflag:s5] =	ssyncset.done $0x0  }
0x1ed: {  	s26 =	simm.s32 $0x5;
	[sflag:s5] =	ssyncadd.s32 $0xFFFFC000  }
0x1ee: {  	_ =	swait.ge [sflag:s26], $0x80  }
0x1ef: {  	[sflag:s26] =	ssyncset.done $0x0  }
0x1f0: {  	[sflag:s26] =	ssyncadd.s32 $0xFFFFFF80  }
0x1f1: {  	_ =	swait.ge [sflag:s26], $0x80  }
0x1f2: {  	[sflag:s26] =	ssyncset.done $0x0  }
0x1f3: {  	[sflag:s26] =	ssyncadd.s32 $0xFFFFFF80  }
0x1f4: {  	[tilespmem:s25], [sflag:$0x8] =	stream.indirect.gather [hbm4b:s15+s20], $0x80, s0, s20, $0xb8;
	[tilespmem:$0x1FE80] =	vst v63  }
0x1f5: {  	_ =	swait.ge [sflag:s2], $0x4000  }
0x1f6: {  	[sflag:s2] =	ssyncset.done $0x0  }
0x1f7: {  	[sflag:s2] =	ssyncadd.s32 $0xFFFFC000  }
0x1f8: {  	[spmem:s11] =	stream.indirect.scatter.add.f32 [tilespmem:s21], [sflag:$0xC], $0x80, s23, s20, $0xb8;
	[tilespmem:$0x1FE80] =	vst v63  }
0x1f9: {  	_ =	swait.ge [sflag:s1], $0x4000  }
0x1fa: {  	[sflag:s1] =	ssyncset.done $0x0  }
0x1fb: {  	s30 =	simm.s32 $0x6;
	[sflag:s1] =	ssyncadd.s32 $0xFFFFC000  }
0x1fc: {  	_ =	swait.ge [sflag:s30], $0x80  }
0x1fd: {  	[sflag:s30] =	ssyncset.done $0x0  }
0x1fe: {  	[sflag:s30] =	ssyncadd.s32 $0xFFFFFF80  }
0x1ff: {  	_ =	swait.ge [sflag:s30], $0x80  }
0x200: {  	[sflag:s30] =	ssyncset.done $0x0  }
0x201: {  	[sflag:s30] =	ssyncadd.s32 $0xFFFFFF80  }
0x202: {  	[tilespmem:s21], [sflag:$0x9] =	stream.indirect.gather [hbm4b:s15+s20], $0x80, s16, s20, $0xb8;
	[tilespmem:$0x1FE80] =	vst v63  }
0x203: {  	_ =	swait.ge [sflag:s28], $0x4000  }
0x204: {  	[sflag:s28] =	ssyncset.done $0x0  }
0x205: {  	[sflag:s28] =	ssyncadd.s32 $0xFFFFC000  }
0x206: {  	[spmem:s11] =	stream.indirect.scatter.add.f32 [tilespmem:s12], [sflag:$0xA], $0x80, s18, s20, $0xb8;
	[tilespmem:$0x1FE80] =	vst v63  }
0x207: {  	_ =	swait.ge [sflag:s29], $0x4000  }
0x208: {  	[sflag:s29] =	ssyncset.done $0x0  }
0x209: {  	s7 =	simm.s32 @!p0 $0x1;
	[sflag:s29] =	ssyncadd.s32 $0xFFFFC000  }
0x20a: {  	_ =	swait.ge @!p0 [sflag:s7], $0x80  }
0x20b: {  	[sflag:s7] =	ssyncset.done @!p0 $0x0  }
0x20c: {  	[sflag:s7] =	ssyncadd.s32 @!p0 $0xFFFFFF80  }
0x20d: {  	_ =	swait.ge @!p0 [sflag:s7], $0x80  }
0x20e: {  	[sflag:s7] =	ssyncset.done @!p0 $0x0  }
0x20f: {  	s9 =	simm.s32 @!p0 $0x13E80;
	[sflag:s7] =	ssyncadd.s32 @!p0 $0xFFFFFF80;
	s7 =	simm.s32 @!p0 $0x80  }
0x210: {  	[tilespmem:s9], [sflag:$0x7] =	stream.indirect.gather @!p0 [hbm4b:s15+s7], $0x80, s8, s7, $0xb8;
	[tilespmem:$0x1FE80] =	vst v63  }
0x211: {  	_ =	swait.ge [sflag:s31], $0x4000  }
0x212: {  	[sflag:s31] =	ssyncset.done $0x0  }
0x213: {  	[sflag:s31] =	ssyncadd.s32 $0xFFFFC000  }
0x214: {  	[spmem:s11] =	stream.indirect.scatter.add.f32 [tilespmem:s25], [sflag:$0xB], $0x80, s14, s20, $0xb8;
	[tilespmem:$0x1FE80] =	vst v63  }
0x215: {  	_ =	swait.ge [sflag:s5], $0x4000  }
0x216: {  	[sflag:s5] =	ssyncset.done $0x0  }
0x217: {  	s24 =	simm.s32 $0x3;
	s13 =	simm.s32 $0x13C00;
	[sflag:s5] =	ssyncadd.s32 $0xFFFFC000  }
0x218: {  	s3 =	simm.s32 $0x13B80;
	s26 =	simm.s32 $0x7;
	_ =	swait.ge [sflag:s2], $0x4000  }
0x219: {  	s28 =	simm.s32 $0xA;
	s18 =	simm.s32 $0x13D80;
	[sflag:s2] =	ssyncset.done $0x0  }
.Ltmp3:
0x21a: {  	s29 =	simm.s32 $0x8;
	[sflag:s2] =	ssyncadd.s32 $0xFFFFC000;
	(pc) =	sbr.rel @p0 .LBB2_5-.Ltmp3, $4  }
0x21b: {  	[spmem:s11] =	stream.indirect.scatter.add.f32 [tilespmem:s21], [sflag:$0xC], $0x80, s17, s20, $0xb8;
	[tilespmem:$0x1FE80] =	vst v63  }
0x21c: {  	s15 =	simm.s32 $0x13C80;
	s7 =	simm.s32 $0x13E80;
	_ =	swait.ge [sflag:s1], $0x4000  }
0x21d: {  	s5 =	simm.s32 $0xB;
	s2 =	simm.s32 $0x9;
	[sflag:s1] =	ssyncset.done $0x0  }
0x21e: {  	s17 =	simm.s32 $0x13D00;
	[sflag:s1] =	ssyncadd.s32 $0xFFFFC000;
	s1 =	simm.s32 $0xC  }
0x21f: {  	_ =	swait.ge [sflag:s26], $0x4000  }
0x220: {  	[sflag:s26] =	ssyncset.done $0x0  }
0x221: {  	[sflag:s26] =	ssyncadd.s32 $0xFFFFC000  }
0x222: {  	[spmem:s11] =	stream.indirect.scatter.add.f32 [tilespmem:s7], [sflag:$0xA], $0x80, s3, s20, $0xb8;
	[tilespmem:$0x1FE80] =	vst v63  }
.Ltmp4:
0x223: {  	_ =	swait.ge [sflag:s28], $0x4000;
	(pc) =	sbr.rel .LBB2_6-.Ltmp4, $4  }
0x224: {  	[sflag:s28] =	ssyncset.done $0x0  }
0x225: {  	[sflag:s28] =	ssyncadd.s32 $0xFFFFC000  }
0x226: {  	s10 =	simm.s32 $0x13880;
	[bflag:$0x0] =	sbarrier.arrive $0xFFFF  }
0x227: {  	s12 =	simm.s32 $0x13900;
	s19 =	simm.s32 $0x1;
	s22 =	simm.s32 $0x2  }
.LBB2_5:
.Ltmp5:
0x228: {  	(pc) =	sbr.rel @p1 .LBB2_7-.Ltmp5, $3  }
0x229: {  	_ =	sdelay $0x1  }
0x22a: {  	[bflag:$0x0] =	sbarrier.arrive $0xFFFF;
	s10 =	simm.s32 $0x13880  }
0x22b: {  	s12 =	simm.s32 $0x13900;
	s19 =	simm.s32 $0x1;
	s22 =	simm.s32 $0x2  }
.LBB2_6:
0x22c: {  	s8 =	sld [smem:$0x7F9]  }
0x22d: {  	s7 =	stileid.u32;
	s9 =	sld [smem:$0x7FC]  }
0x22e: {  	s31 =	simm.s32 $0xD;
	s7 =	sshll.u32 s7, $0x6  }
.Ltmp6:
0x22f: {  	s7 =	sor.u32 $0x1C0D, s7;
	s8 =	sshrl.u32 s8, $0x3;
	(pc) =	sbr.rel .LBB2_8-.Ltmp6, $4  }
0x230: {  	[hbm:s9], [sflag:s7] =	dma.local [spmem:s8], $0x2780  }
0x231: {  	_ =	swait.ge [sflag:s31], $0x2780  }
0x232: {  	s14 =	simm.s32 $0x13980;
	s16 =	simm.s32 $0x13A00;
	[sflag:s31] =	ssyncset.done $0x0  }
0x233: {  	s21 =	simm.s32 $0x13A80;
	s8 =	sld [smem:$0x7EC];
	[sflag:s31] =	ssyncadd.s32 $0xFFFFD880  }
.LBB2_9:
0x234: {  	_ =	sfence.sel $0x180000  }
0x235: {  	[bflag:$0x0] =	sbarrier.arrive $0xFFFF  }
0x236: {  	_ =	strace $0x90000047  }
0x237: {  	s0 =	stileid.u32;
	[bflag:$0x2] =	sbarrier.arrive $0xFFFF  }
0x238: {  	p0 =	sne.s32 s0, $0x0;
	s0 =	rddreg [dreg:$0x4]  }
0x239: {  	s0 =	sadd.s32 @!p0 $0x100000, s0  }
0x23a: {  	[sflag:s0] =	ssyncadd.tile.s32 @!p0 $0x1;
	_ =	shalt  }
.Lfunc_end2:
_tile_overlayer_lowered:
.L_overlay_start_2:
0x23b: {  	(tag) =	ssettag $0x2  }
0x23c: {  	s0 =	rddreg [dreg:$0x0];
	s2 =	stileid.u32  }
0x23d: {  	s1 =	rddreg [dreg:$0x1];
	p0 =	sne.s32 s2, $0x0  }
0x23e: {  	s3 =	rddreg [dreg:$0x2];
	[bflag:$0x3] =	sbarrier.arrive $0xFFFF;
	s2 =	simm.s32 @!p0 $0x1C0D  }
0x23f: {  	[timem:s3], [sflag:s2] =	dma.local @!p0 [hbm:s0], s1  }
0x240: {  	s0 =	simm.s32 @!p0 $0xD  }
0x241: {  	_ =	swait.ge @!p0 [sflag:s0], s1  }
0x242: {  	s1 =	ssub.s32 @!p0 $0x0, s1;
	[sflag:s0] =	ssyncset.done @!p0 $0x0  }
0x243: {  	[sflag:s0] =	ssyncadd.s32 @!p0 s1  }
0x244: {  	[bflag:$0x3] =	sbarrier.arrive $0xFFFF  }
0x245: {  	_ =	shalt  }

// kernel: kernel.9.cloned.1.call-start
scs
__scs_entry_jumppad:
0x0: {  	(pc) =	sbr.rel $0x88, $3  }
0x1: {  	(tag) =	ssettag $0x0;
	lr =	simm.s32 $0x1  }
0x2: {  	[smem:$0x3F98] =	sst lr;
	_ =	strace $0xD0000000  }
0x3: {  	_ = 	snop  }
0x4: {  	_ = 	snop  }
0x5: {  	_ = 	snop  }
0x6: {  	_ = 	snop  }
0x7: {  	_ = 	snop  }
__scs_overlays_trampoline_lowered:
0x8: {  	[smem:$0x3FA7] =	sst s0  }
0x9: {  	[smem:$0x3FA8] =	sst s1  }
0xa: {  	[smem:$0x3FA9] =	sst s2  }
0xb: {  	[smem:$0x3FAA] =	sst s3  }
0xc: {  	[smem:$0x3FAB] =	sst s4  }
0xd: {  	[smem:$0x3FAC] =	sst s5  }
0xe: {  	[smem:$0x3FAD] =	sst s6  }
0xf: {  	[smem:$0x3FAE] =	sst s7  }
0x10: {  	[smem:$0x3FAF] =	sst s8  }
0x11: {  	[smem:$0x3FB0] =	sst s9;
	s0 =	simm.s32 @!p0 $0x0  }
0x12: {  	s1 =	sld [smem:$0x3F96];
	s0 =	simm.s32 @p0 $0x1  }
0x13: {  	[smem:$0x3FB1] =	sst s0;
	s0 =	simm.s32 @!p1 $0x0  }
0x14: {  	s2 =	sld [smem:$0x3F95];
	s0 =	simm.s32 @p1 $0x1  }
0x15: {  	[smem:$0x3FB2] =	sst s0;
	s0 =	simm.s32 @!p2 $0x0  }
0x16: {  	s3 =	sld [smem:$0x3FDB];
	s0 =	simm.s32 @p2 $0x1  }
0x17: {  	s4 =	simm.s32 $0x1BF5;
	[smem:$0x3FB4] =	sst s0  }
0x18: {  	s0 =	sld [smem:$0x3F97];
	_ =	swait.ge [sflag:s4], $0x0  }
0x19: {  	s7 =	sld [smem:$0x3F98]  }
0x1a: {  	s8 =	sadd.s32 $0xFFFFE003, lr  }
0x1b: {  	s9 =	sadd.s32 $0xFFFFFEF7, lr;
	s5 =	simm.s32 $0xFFFFFFFF;
	p2 =	slt.u32 s8, $0xFFFFF086  }
0x1c: {  	p1 =	slt.u32 s9, $0xF7A;
	s5 =	simm.s32 @!p2 $0x0  }
0x1d: {  	s5 =	simm.s32 @p1 $0x1;
	p0 =	seq.s32 s7, s2  }
0x1e: {  	s7 =	smul.u32 @!p0 $0xF7A, s2;
	p2 =	seq.s32 @!p0 s5, $0x0  }
0x1f: {  	s9 =	smul.u32 $0xF7A, s1;
	s8 =	simm.s32 @!p0 $0x1BF5;
	p2 =	por !p2, p0  }
0x20: {  	[sflag:s8] =	ssyncset.s32 @!p0 $0xFFFFF086;
	s6 =	sadd.s32 @!p0 s3, s7;
	s7 =	simm.s32 @!p0 $0x108  }
0x21: {  	s3 =	sadd.s32 s3, s9;
	s6 =	sadd.s32 @!p0 $0x88, s6;
	s7 =	simm.s32 @p2 $0x1082  }
0x22: {  	[simem:s7], [sflag:s8] =	dma.local @!p0 [hbm:s6], $0xF7A  }
0x23: {  	s9 =	sor.u32 $0xD0000000, s2;
	s6 =	simm.s32 $0x108;
	_ =	swait.ge @!p0 [sflag:s8], $0x0  }
0x24: {  	s3 =	sadd.s32 $0x88, s3;
	s6 =	simm.s32 @!p1 $0x1082;
	[sflag:s4] =	ssyncset.s32 $0xFFFFF086  }
0x25: {  	[simem:s6], [sflag:s4] =	dma.local [hbm:s3], $0xF7A  }
0x26: {  	[smem:$0x3F98] =	sst s1;
	(tag) =	ssettag s2;
	_ =	strace s9  }
0x27: {  	s1 =	sld [smem:$0x3FA8]  }
0x28: {  	s2 =	sld [smem:$0x3FA9]  }
0x29: {  	s4 =	sld [smem:$0x3FAB]  }
0x2a: {  	p0 =	seq.s32 s5, $0x0;
	s5 =	sld [smem:$0x3FAC]  }
0x2b: {  	s6 =	sld [smem:$0x3FAD]  }
0x2c: {  	s7 =	sld [smem:$0x3FAE]  }
0x2d: {  	s3 =	simm.s32 $0x108;
	s8 =	sld [smem:$0x3FAF]  }
0x2e: {  	s3 =	simm.s32 @!p0 $0x1082;
	s9 =	sld [smem:$0x3FB0]  }
0x2f: {  	lr =	sadd.s32 s0, s3;
	s0 =	sld [smem:$0x3FA7]  }
0x30: {  	s3 =	sld [smem:$0x3FAA]  }
0x31: {  	[smem:$0x3FB3] =	sst s10  }
0x32: {  	s10 =	sld [smem:$0x3FB1];
	_ =	sdelay $0x3  }
0x33: {  	p0 =	seq.s32 s10, $0x1;
	s10 =	sld [smem:$0x3FB3];
	_ =	sdelay $0x3  }
0x34: {  	[smem:$0x3FB3] =	sst s10  }
0x35: {  	s10 =	sld [smem:$0x3FB2];
	_ =	sdelay $0x3  }
0x36: {  	p1 =	seq.s32 s10, $0x1;
	s10 =	sld [smem:$0x3FB3];
	_ =	sdelay $0x3  }
0x37: {  	[smem:$0x3FB3] =	sst s10  }
0x38: {  	s10 =	sld [smem:$0x3FB4]  }
0x39: {  	_ = 	snop;
	(pc) =	sbr.ind lr, $3  }
0x3a: {  	_ = 	snop  }
0x3b: {  	_ = 	snop  }
0x3c: {  	p2 =	seq.s32 s10, $0x1;
	s10 =	sld [smem:$0x3FB3]  }
0x3d: {  	_ =	shalt  }
0x3e: {  	_ =	shalt  }
0x3f: {  	_ =	shalt  }
0x40: {  	_ =	shalt  }
0x41: {  	_ =	shalt  }
0x42: {  	_ =	shalt  }
0x43: {  	_ =	shalt  }
0x44: {  	_ =	shalt  }
0x45: {  	_ =	shalt  }
0x46: {  	_ =	shalt  }
0x47: {  	_ =	shalt  }
0x48: {  	_ =	shalt  }
0x49: {  	_ =	shalt  }
0x4a: {  	_ =	shalt  }
0x4b: {  	_ =	shalt  }
0x4c: {  	_ =	shalt  }
0x4d: {  	_ =	shalt  }
0x4e: {  	_ =	shalt  }
0x4f: {  	_ =	shalt  }
0x50: {  	_ =	shalt  }
0x51: {  	_ =	shalt  }
0x52: {  	_ =	shalt  }
0x53: {  	_ =	shalt  }
0x54: {  	_ =	shalt  }
0x55: {  	_ =	shalt  }
0x56: {  	_ =	shalt  }
0x57: {  	_ =	shalt  }
0x58: {  	_ =	shalt  }
0x59: {  	_ =	shalt  }
0x5a: {  	_ =	shalt  }
0x5b: {  	_ =	shalt  }
0x5c: {  	_ =	shalt  }
0x5d: {  	_ =	shalt  }
0x5e: {  	_ =	shalt  }
0x5f: {  	_ =	shalt  }
0x60: {  	_ =	shalt  }
0x61: {  	_ =	shalt  }
0x62: {  	_ =	shalt  }
0x63: {  	_ =	shalt  }
0x64: {  	_ =	shalt  }
0x65: {  	_ =	shalt  }
0x66: {  	_ =	shalt  }
0x67: {  	_ =	shalt  }
0x68: {  	_ =	shalt  }
0x69: {  	_ =	shalt  }
0x6a: {  	_ =	shalt  }
0x6b: {  	_ =	shalt  }
0x6c: {  	_ =	shalt  }
0x6d: {  	_ =	shalt  }
0x6e: {  	_ =	shalt  }
0x6f: {  	_ =	shalt  }
0x70: {  	_ =	shalt  }
0x71: {  	_ =	shalt  }
0x72: {  	_ =	shalt  }
0x73: {  	_ =	shalt  }
0x74: {  	_ =	shalt  }
0x75: {  	_ =	shalt  }
0x76: {  	_ =	shalt  }
0x77: {  	_ =	shalt  }
0x78: {  	_ =	shalt  }
0x79: {  	_ =	shalt  }
0x7a: {  	_ =	shalt  }
0x7b: {  	_ =	shalt  }
0x7c: {  	_ =	shalt  }
0x7d: {  	_ =	shalt  }
0x7e: {  	_ =	shalt  }
0x7f: {  	_ =	shalt  }
0x80: {  	_ =	shalt  }
0x81: {  	_ =	shalt  }
0x82: {  	_ =	shalt  }
0x83: {  	_ =	shalt  }
0x84: {  	_ =	shalt  }
0x85: {  	_ =	shalt  }
0x86: {  	_ =	shalt  }
0x87: {  	_ =	shalt  }
.Lfunc_end0:
.L_simem_size_0:
called_computation.1_lowered:
.L_overlay_start_0:
0x88: {  	s2 =	sld [smem:$0x3FD9]  }
0x89: {  	s3 =	sld [smem:$0x3FFE];
	_ =	sdelay $0x1  }
0x8a: {  	s1 =	srdreg.scid  }
0x8b: {  	s0 =	sand.u32 $0x1, s1  }
0x8c: {  	s16 =	sshll.u32 s0, $0xA;
	s2 =	sadd.s32 s3, s2  }
0x8d: {  	s2 =	sadd.s32 s2, s16  }
0x8e: {  	[smem:$0x3FBF] =	sst s2  }
0x8f: {  	_ = 	snop  }
0x90: {  	(tm) =	ssettm $0x1  }
0x91: {  	s17 =	sld [smem:$0x3FFB];
	_ =	sdelay $0x3  }
0x92: {  	_ =	strace s17  }
0x93: {  	s2 =	sld [smem:$0x3FFC];
	_ =	sdelay $0x3  }
0x94: {  	_ =	strace s2  }
0x95: {  	s2 =	sld [smem:$0x3FFD];
	_ =	sdelay $0x3  }
0x96: {  	_ =	strace s2  }
0x97: {  	_ =	strace $0x8FFFFFFF  }
0x98: {  	s18 =	sld [smem:$0x3FDB];
	_ =	sdelay $0x1  }
0x99: {  	s19 =	simm.s32 $_scs_section_size  }
0x9a: {  	s4 =	simm.s32 $_size__tile_overlayer_lowered;
	s5 =	simm.s32 $_tile_overlayer_lowered  }
0x9b: {  	s22 =	simm.s32 $0x1BFF;
	s21 =	sshll.u32 s5, $0x1;
	s2 =	sadd.s32 s19, s18  }
0x9c: {  	s6 =	simm.s32 $0x0;
	s20 =	sshll.u32 s4, $0x1;
	s4 =	sadd.s32 s21, s2  }
0x9d: {  	[timem:s6], [sflag:s22] =	dma.local [hbm:s4], s20  }
0x9e: {  	_ =	swait.ge [sflag:s22], s20  }
0x9f: {  	s3 =	ssub.s32 $0x0, s20;
	[sflag:s22] =	ssyncset.done $0x0  }
0xa0: {  	[sflag:s22] =	ssyncadd.s32 s3;
	_ =	sdelay $0x1  }
0xa1: {  	s23 =	simm.s32 $0x1B8B  }
0xa2: {  	_ =	swait.ge [sflag:s23], $0x1  }
0xa3: {  	[sflag:s23] =	ssyncset.done $0x0  }
0xa4: {  	s25 =	simm.s32 $0x1B8E;
	s24 =	sld [smem:$0x3FFE];
	[sflag:s23] =	ssyncadd.s32 $0xFFFFFFFF  }
0xa5: {  	s26 =	simm.s32 $execute0_lowered;
	[smem:$0x3FD2] =	sst s25  }
0xa6: {  	s4 =	sshll.u32 s26, $0x1;
	_ =	strace $0x80000049;
	[dreg:$0x1] =	wrdreg $0xFFFFFFFF  }
0xa7: {  	s28 =	simm.s32 $_size_execute0_lowered;
	s2 =	sadd.s32 s2, s4;
	[dreg:$0x0] =	wrdreg $0x0  }
0xa8: {  	s4 =	sshll.u32 s28, $0x1;
	[dreg:$0x2] =	wrdreg s2  }
0xa9: {  	[dreg:$0x3] =	wrdreg s4  }
0xaa: {  	[dreg:$0x4] =	wrdreg $0xC0  }
0xab: {  	_ =	task [dreg:s6], $0x5FFFF  }
0xac: {  	[dreg:$0x1] =	wrdreg $0xFFFFFFFF  }
0xad: {  	[dreg:$0x0] =	wrdreg $0x60  }
0xae: {  	[dreg:$0x2] =	wrdreg s24  }
0xaf: {  	[dreg:$0x3] =	wrdreg $0x0  }
0xb0: {  	[dreg:$0x4] =	wrdreg $0x9  }
0xb1: {  	_ =	task.clear_ibuf [dreg:s6], $0x5FFFF;
	_ =	strace $0x90000049  }
0xb2: {  	s29 =	simm.s32 $0x9;
	_ =	strace $0x8000004B  }
0xb3: {  	_ =	swait.ge [sflag:s29], $0x1  }
0xb4: {  	[sflag:s29] =	ssyncadd.s32 $0xFFFFFFFF  }
0xb5: {  	_ =	strace $0x9000004B  }
0xb6: {  	_ =	sfence  }
0xb7: {  	s30 =	sld [smem:$0x0];
	_ =	sdelay $0x2  }
0xb8: {  	s31 =	sshll.u32 s1, $0xD;
	s1 =	sshrl.u32 s1, $0x2  }
0xb9: {  	s3 =	sand.u32 $0x4000, s31;
	s1 =	sadd.s32 s1, s30  }
0xba: {  	s0 =	sor.u32 s3, s0;
	s1 =	sshll.u32 s1, $0x11  }
0xbb: {  	s0 =	sor.u32 s1, s0  }
0xbc: {  	s0 =	sadd.s32 $0x8F2B, s0  }
0xbd: {  	[sflag:s0] =	ssyncadd.remote.s32 $0x1  }
0xbe: {  	_ =	sfence.sel $0xFFFF  }
0xbf: {  	[dreg:$0x0] =	wrdreg $0xFFFFFFFF;
	(pc) =	sbr.abs _section_cstart, $3  }
0xc0: {  	[dreg:$0x1] =	wrdreg $0xFFFFFFFF  }
0xc1: {  	_ =	task.clear_ibuf [dreg:s6], $0x2FFFF;
	_ =	strace $0x9FFFFFFF  }
0xc2: {  	(tm) =	ssettm $0x7FFFFFFF  }
0xc3: {  	_ =	shalt  }
tec
execute0_lowered:
.L_overlay_start_1:
0x0: {  	(tag) =	ssettag $0x1  }
0x1: {  	s0 =	rddreg [dreg:$0x0]  }
0x2: {  	s1 =	rddreg [dreg:$0x1];
	s2 =	srdreg.scid  }
0x3: {  	s3 =	simm.s32 $0x0;
	s16 =	stileid.u32;
	s28 =	simm.s32 $0x8  }
0x4: {  	s4 =	sand.u32 $0x1, s2;
	[smem:$0x7FF] =	sst s3;
	s5 =	sadd.s32 $0x66000, s0  }
0x5: {  	s8 =	sshll.u32 s16, $0x4;
	s6 =	sadd.s32 $0x5C200, s0;
	s31 =	sadd.s32 $0xE000, s0  }
0x6: {  	p1 =	seq.s32 s16, $0xF;
	s2 =	sshll.u32 s4, $0x4;
	_ =	strace $0x8000004A  }
0x7: {  	s12 =	ssub.s32 $0x2, s4;
	s10 =	sand.u32 $0x70, s8;
	s2 =	sor.u32 s16, s2  }
0x8: {  	s8 =	sor.u32 $0x9C00, s8;
	s13 =	sshrl.u32 s12, $0x1;
	s11 =	sshll.u32 s2, $0x4  }
0x9: {  	p0 =	sgt.u32 s2, $0x3;
	s7 =	sand.u32 $0x180, s11;
	s14 =	sor.u32 $0x2200, s11  }
0xa: {  	s15 =	sor.u32 $0x2000, s11;
	s18 =	sor.u32 $0x1E00, s11;
	s9 =	sor.u32 s10, s7  }
0xb: {  	s7 =	smul.u32 $0x27100, s4;
	s4 =	ssub.s32 s12, s13;
	s25 =	sand.u32 $0x2380, s14  }
0xc: {  	s29 =	sand.u32 $0x2180, s15;
	s19 =	sor.u32 $0x200, s9;
	s4 =	smax.u32 s4, $0x1  }
0xd: {  	s21 =	sor.u32 $0x400, s9;
	s20 =	sadd.s32 s5, s19;
	[smem:$0x7FA] =	sst s4  }
0xe: {  	s23 =	sor.u32 $0x600, s9;
	s12 =	sadd.s32 s6, s19;
	[dreg:$0xf] =	wrdreg s20  }
0xf: {  	s26 =	sor.u32 $0x800, s9;
	s22 =	sadd.s32 s5, s21;
	[dreg:$0x10] =	wrdreg s12  }
0x10: {  	s14 =	sadd.s32 s25, s5;
	s24 =	sadd.s32 s5, s23;
	[dreg:$0x11] =	wrdreg s22  }
0x11: {  	s17 =	sadd.s32 s29, s5;
	s13 =	sadd.s32 s6, s23;
	[dreg:$0x13] =	wrdreg s24  }
0x12: {  	s14 =	sadd.s32 s10, s14;
	s30 =	sadd.s32 s5, s26;
	[dreg:$0x14] =	wrdreg s13  }
0x13: {  	s23 =	sor.u32 $0x1C00, s11;
	s4 =	simm.s32 $0xB;
	[dreg:$0x3] =	wrdreg s14  }
0x14: {  	s12 =	sadd.s32 s6, s21;
	[dreg:$0x15] =	wrdreg s30;
	s14 =	sadd.s32 s29, s6  }
0x15: {  	s20 =	sand.u32 $0x1F80, s18;
	s13 =	sadd.s32 s6, s26;
	s26 =	sor.u32 $0xA00, s9  }
0x16: {  	s30 =	sor.u32 $0x1A00, s11;
	s11 =	sor.u32 $0x1800, s11;
	[dreg:$0x12] =	wrdreg s12  }
0x17: {  	s12 =	sadd.s32 s25, s6;
	s19 =	sadd.s32 s10, s14;
	[dreg:$0x16] =	wrdreg s13  }
0x18: {  	s21 =	sadd.s32 s20, s5;
	s22 =	sadd.s32 s20, s6;
	s25 =	sand.u32 $0x1D80, s23  }
0x19: {  	s18 =	sadd.s32 s5, s26;
	s23 =	sor.u32 $0xC00, s9;
	[dreg:$0x6] =	wrdreg s19  }
0x1a: {  	s14 =	sor.u32 $0x1200, s9;
	s12 =	sadd.s32 s10, s12;
	[dreg:$0x17] =	wrdreg s18  }
0x1b: {  	s24 =	sadd.s32 s10, s22;
	s29 =	sadd.s32 s25, s5;
	[dreg:$0x4] =	wrdreg s12  }
0x1c: {  	s13 =	sadd.s32 s25, s6;
	s25 =	sadd.s32 s5, s23;
	[dreg:$0x8] =	wrdreg s24  }
0x1d: {  	s11 =	sand.u32 $0x1980, s11;
	s18 =	sadd.s32 s6, s14;
	[dreg:$0x19] =	wrdreg s25  }
0x1e: {  	s22 =	sadd.s32 s11, s5;
	s12 =	sadd.s32 s10, s17;
	[smem:$0x7EF] =	sst s18  }
0x1f: {  	s11 =	sadd.s32 s11, s6;
	s13 =	sadd.s32 s10, s13;
	[dreg:$0x5] =	wrdreg s12  }
0x20: {  	s25 =	sadd.s32 s7, s0;
	s0 =	sadd.s32 $0xB800, s0;
	[dreg:$0xa] =	wrdreg s13  }
0x21: {  	s17 =	sand.u32 $0x1B80, s30;
	s12 =	sadd.s32 s10, s21;
	[smem:$0x7F8] =	sst s0  }
0x22: {  	s24 =	sor.u32 $0xE00, s9;
	s21 =	sadd.s32 s6, s26;
	[dreg:$0x7] =	wrdreg s12  }
0x23: {  	s18 =	simm.s32 $0x1;
	s26 =	sadd.s32 s6, s23;
	[dreg:$0x18] =	wrdreg s21  }
0x24: {  	s19 =	sadd.s32 s17, s5;
	s30 =	sadd.s32 s6, s24;
	[dreg:$0x1a] =	wrdreg s26  }
0x25: {  	s13 =	sadd.s32 s17, s6;
	s17 =	sadd.s32 s5, s14;
	[dreg:$0x1c] =	wrdreg s30  }
0x26: {  	s2 =	sadd.s32 $0x6FE00, s25;
	s14 =	simm.s32 $0x13C80;
	[dreg:$0x1f] =	wrdreg s17  }
0x27: {  	s25 =	simm.s32 $0x7;
	s12 =	sadd.s32 s10, s29;
	[smem:$0x7FB] =	sst s2  }
0x28: {  	s20 =	sadd.s32 s10, s13;
	s29 =	sadd.s32 s5, s24;
	[dreg:$0x9] =	wrdreg s12  }
0x29: {  	s21 =	sadd.s32 s6, s9;
	s24 =	smul.u32 $0x4F000, s16;
	[dreg:$0xc] =	wrdreg s20  }
0x2a: {  	s30 =	sadd.s32 $0x128400, s1;
	s13 =	simm.s32 $0x13980;
	[dreg:$0x1b] =	wrdreg s29  }
0x2b: {  	s17 =	simm.s32 $0x13D80;
	s12 =	sadd.s32 s10, s19;
	[smem:$0x7F1] =	sst s21  }
0x2c: {  	s19 =	sadd.s32 s5, s9;
	s20 =	sor.u32 $0x1400, s9;
	[smem:$0x7FD] =	sst s30  }
0x2d: {  	s29 =	smul.u32 $0x2780, s16;
	s16 =	simm.s32 $0x13D00;
	[dreg:$0xb] =	wrdreg s12  }
0x2e: {  	s21 =	simm.s32 $0x2;
	s12 =	sadd.s32 s10, s22;
	[smem:$0x7F0] =	sst s19  }
0x2f: {  	s10 =	sadd.s32 s10, s11;
	s22 =	sadd.s32 s5, s20;
	[dreg:$0xd] =	wrdreg s12  }
0x30: {  	s19 =	simm.s32 $0x80;
	s12 =	sor.u32 $0x1000, s9;
	[smem:$0x7F2] =	sst s22  }
0x31: {  	s9 =	sor.u32 $0x1600, s9;
	[dreg:$0xe] =	wrdreg s10;
	s0 =	sadd.s32 s29, s2  }
0x32: {  	s10 =	simm.s32 $0x13B80;
	s15 =	sadd.s32 s5, s12;
	[smem:$0x7FC] =	sst s0  }
0x33: {  	s2 =	simm.s32 $0x9;
	s11 =	sadd.s32 s6, s12;
	[dreg:$0x1d] =	wrdreg s15  }
0x34: {  	s23 =	sadd.s32 s5, s9;
	s9 =	sadd.s32 s6, s9;
	[dreg:$0x1e] =	wrdreg s11  }
0x35: {  	s5 =	sadd.s32 s5, s8;
	s12 =	simm.s32 $0x13C00;
	[smem:$0x7F4] =	sst s23  }
0x36: {  	s0 =	simm.s32 $0xC;
	s11 =	sadd.s32 s6, s20;
	[smem:$0x7F5] =	sst s9  }
.Ltmp0:
0x37: {  	[smem:$0x7F6] =	sst s5;
	s6 =	sadd.s32 s6, s8;
	(pc) =	sbr.rel .LBB2_1-.Ltmp0, $4  }
0x38: {  	s5 =	sshrl.u32 s24, $0x2;
	s9 =	simm.s32 $0x13880;
	s15 =	simm.s32 $0x13A00  }
0x39: {  	s20 =	simm.s32 $0x13A80;
	s23 =	simm.s32 $0x3;
	[smem:$0x7F3] =	sst s11  }
0x3a: {  	[smem:$0x7F7] =	sst s6;
	s26 =	sadd.s32 s5, s1;
	s11 =	simm.s32 $0x13900  }
0x3b: {  	s6 =	simm.s32 $0x0;
	[smem:$0x7F9] =	sst s26;
	s26 =	simm.s32 $0xA  }
.LBB2_7:
0x3c: {  	s6 =	sld [smem:$0x7FB]  }
0x3d: {  	s7 =	sld [smem:$0x7FD];
	_ =	sdelay $0x1  }
0x3e: {  	s8 =	simm.s32 $0x1FCD  }
0x3f: {  	s30 =	simm.s32 $0xD;
	s6 =	sadd.s32 $0x25080, s6;
	s7 =	sshrl.u32 s7, $0x3  }
0x40: {  	[hbm:s6], [sflag:s8] =	dma.local [spmem:s7], $0x2080  }
0x41: {  	_ =	swait.ge [sflag:s30], $0x2080  }
0x42: {  	s13 =	simm.s32 $0x13980;
	s15 =	simm.s32 $0x13A00;
	[sflag:s30] =	ssyncset.done $0x0  }
0x43: {  	s20 =	simm.s32 $0x13A80;
	s7 =	sld [smem:$0x7EE];
	[sflag:s30] =	ssyncadd.s32 $0xFFFFDF80  }
.LBB2_8:
0x44: {  	s6 =	sld [smem:$0x7FA];
	_ =	sdelay $0x1  }
0x45: {  	s7 =	sadd.s32 $0x1, s7  }
0x46: {  	p2 =	sne.s32 s7, s6  }
.Ltmp1:
0x47: {  	_ = 	snop;
	(pc) =	sbr.rel @!p2 .LBB2_9-.Ltmp1, $2  }
0x48: {  	_ =	sdelay $0x2  }
0x49: {  	s6 =	smov.u32 s7  }
.LBB2_1:
0x4a: {  	[smem:$0x7EE] =	sst s6  }
0x4b: {  	s6 =	sld [smem:$0x7FD]  }
0x4c: {  	s8 =	sld [smem:$0x7F8];
	_ =	sdelay $0x1  }
0x4d: {  	s7 =	simm.s32 @p1 $0x1FCD;
	s6 =	sshrl.u32 @p1 s6, $0x3  }
0x4e: {  	[spmem:s6], [sflag:s7] =	dma.local @p1 [hbm:s8], $0x2080  }
0x4f: {  	s6 =	simm.s32 @p1 $0xD  }
0x50: {  	s7 =	stileid.u32;
	_ =	swait.ge @p1 [sflag:s6], $0x2080  }
0x51: {  	s7 =	sshll.u32 @!p1 s7, $0x6;
	[sflag:s6] =	ssyncset.done @p1 $0x0  }
0x52: {  	[sflag:s6] =	ssyncadd.s32 @p1 $0xFFFFDF80;
	s6 =	sor.u32 @!p1 $0x1C0D, s7;
	s7 =	sld [smem:$0x7F9]  }
0x53: {  	_ =	sdelay $0x1  }
0x54: {  	s7 =	sshrl.u32 @!p1 s7, $0x3  }
0x55: {  	[spmem:s7], [sflag:s6] =	dma.local @!p1 [hbm:s8], $0x2780  }
0x56: {  	s6 =	simm.s32 @!p1 $0xD  }
0x57: {  	_ =	swait.ge @!p1 [sflag:s6], $0x2780  }
0x58: {  	[sflag:s6] =	ssyncset.done @!p1 $0x0  }
0x59: {  	[sflag:s6] =	ssyncadd.s32 @!p1 $0xFFFFD880  }
0x5a: {  	[bflag:$0x0] =	sbarrier.arrive $0xFFFF  }
0x5b: {  	s22 =	sld [smem:$0x7F0];
	_ =	sdelay $0x1  }
0x5c: {  	s24 =	sld [smem:$0x7F1]  }
0x5d: {  	[tilespmem:s9], [sflag:$0x1] =	stream.linear.gather [hbm4b:s22+s3], $0x80, $0x38;
	[tilespmem:$0x1FE80] =	vst v63  }
0x5e: {  	_ = 	snop  }
0x5f: {  	[tilespmem:s10], [sflag:$0x1] =	stream.linear.gather [hbm4b:s24+s3], $0x80, $0x38;
	[tilespmem:$0x1FE80] =	vst v63  }
0x60: {  	s29 =	rddreg [dreg:$0xf]  }
0x61: {  	[tilespmem:s11], [sflag:$0x2] =	stream.linear.gather [hbm4b:s29+s3], $0x80, $0x38;
	[tilespmem:$0x1FE80] =	vst v63  }
0x62: {  	s1 =	rddreg [dreg:$0x10]  }
0x63: {  	[tilespmem:s12], [sflag:$0x2] =	stream.linear.gather [hbm4b:s1+s3], $0x80, $0x38;
	[tilespmem:$0x1FE80] =	vst v63  }
0x64: {  	s5 =	rddreg [dreg:$0x11]  }
0x65: {  	[tilespmem:s13], [sflag:$0x3] =	stream.linear.gather [hbm4b:s5+s3], $0x80, $0x38;
	[tilespmem:$0x1FE80] =	vst v63  }
0x66: {  	s7 =	rddreg [dreg:$0x12]  }
0x67: {  	[tilespmem:s14], [sflag:$0x3] =	stream.linear.gather [hbm4b:s7+s3], $0x80, $0x38;
	[tilespmem:$0x1FE80] =	vst v63  }
0x68: {  	s8 =	rddreg [dreg:$0x13]  }
0x69: {  	[tilespmem:s15], [sflag:$0x4] =	stream.linear.gather [hbm4b:s8+s3], $0x80, $0x38;
	[tilespmem:$0x1FE80] =	vst v63  }
0x6a: {  	s22 =	rddreg [dreg:$0x14]  }
0x6b: {  	[tilespmem:s16], [sflag:$0x4] =	stream.linear.gather [hbm4b:s22+s3], $0x80, $0x38;
	[tilespmem:$0x1FE80] =	vst v63  }
0x6c: {  	s24 =	rddreg [dreg:$0x15]  }
0x6d: {  	[tilespmem:s20], [sflag:$0x5] =	stream.linear.gather [hbm4b:s24+s3], $0x80, $0x38;
	[tilespmem:$0x1FE80] =	vst v63  }
0x6e: {  	s29 =	rddreg [dreg:$0x16]  }
0x6f: {  	[tilespmem:s17], [sflag:$0x5] =	stream.linear.gather [hbm4b:s29+s3], $0x80, $0x38;
	[tilespmem:$0x1FE80] =	vst v63  }
0x70: {  	s1 =	rddreg [dreg:$0x17];
	s8 =	simm.s32 $0x13B00  }
0x71: {  	[tilespmem:s8], [sflag:$0x6] =	stream.linear.gather [hbm4b:s1+s3], $0x80, $0x38;
	[tilespmem:$0x1FE80] =	vst v63  }
0x72: {  	s5 =	rddreg [dreg:$0x18];
	s1 =	simm.s32 $0x13E00  }
0x73: {  	[tilespmem:s1], [sflag:$0x6] =	stream.linear.gather [hbm4b:s5+s3], $0x80, $0x38;
	[tilespmem:$0x1FE80] =	vst v63  }
0x74: {  	_ =	swait.ge [sflag:s18], $0x80  }
0x75: {  	[sflag:s18] =	ssyncset.done $0x0  }
0x76: {  	[sflag:s18] =	ssyncadd.s32 $0xFFFFFF80  }
0x77: {  	_ =	swait.ge [sflag:s18], $0x80  }
0x78: {  	[sflag:s18] =	ssyncset.done $0x0  }
0x79: {  	s22 =	simm.s32 $0x13E80;
	[sflag:s18] =	ssyncadd.s32 $0xFFFFFF80  }
0x7a: {  	[tilespmem:s22], [sflag:$0x7] =	stream.indirect.gather [hbm4b:s31+s19], $0x80, s9, s19, $0xb8;
	[tilespmem:$0x1FE80] =	vst v63  }
0x7b: {  	_ =	swait.ge [sflag:s21], $0x80  }
0x7c: {  	[sflag:s21] =	ssyncset.done $0x0  }
0x7d: {  	[sflag:s21] =	ssyncadd.s32 $0xFFFFFF80  }
0x7e: {  	_ =	swait.ge [sflag:s21], $0x80  }
0x7f: {  	[sflag:s21] =	ssyncset.done $0x0  }
0x80: {  	s24 =	simm.s32 $0x17E80;
	[sflag:s21] =	ssyncadd.s32 $0xFFFFFF80  }
0x81: {  	[tilespmem:s24], [sflag:$0x8] =	stream.indirect.gather [hbm4b:s31+s19], $0x80, s11, s19, $0xb8;
	[tilespmem:$0x1FE80] =	vst v63  }
0x82: {  	_ =	swait.ge [sflag:s23], $0x80  }
0x83: {  	[sflag:s23] =	ssyncset.done $0x0  }
0x84: {  	[sflag:s23] =	ssyncadd.s32 $0xFFFFFF80  }
0x85: {  	_ =	swait.ge [sflag:s23], $0x80  }
0x86: {  	[sflag:s23] =	ssyncset.done $0x0  }
0x87: {  	s17 =	simm.s32 $0x1BE80;
	[sflag:s23] =	ssyncadd.s32 $0xFFFFFF80  }
0x88: {  	[tilespmem:s17], [sflag:$0x9] =	stream.indirect.gather [hbm4b:s31+s19], $0x80, s13, s19, $0xb8;
	[tilespmem:$0x1FE80] =	vst v63  }
0x89: {  	_ =	swait.ge [sflag:s25], $0x4000  }
0x8a: {  	[sflag:s25] =	ssyncset.done $0x0  }
0x8b: {  	[sflag:s25] =	ssyncadd.s32 $0xFFFFC000  }
0x8c: {  	s1 =	rddreg [dreg:$0x1]  }
0x8d: {  	[spmem:s1] =	stream.indirect.scatter.add.f32 [tilespmem:s22], [sflag:$0xA], $0x80, s10, s19, $0xb8;
	[tilespmem:$0x1FE80] =	vst v63  }
0x8e: {  	s7 =	rddreg [dreg:$0x19]  }
0x8f: {  	[tilespmem:s9], [sflag:$0x1] =	stream.linear.gather [hbm4b:s7+s3], $0x80, $0x38;
	[tilespmem:$0x1FE80] =	vst v63  }
0x90: {  	s7 =	rddreg [dreg:$0x1a]  }
0x91: {  	[tilespmem:s10], [sflag:$0x1] =	stream.linear.gather [hbm4b:s7+s3], $0x80, $0x38;
	[tilespmem:$0x1FE80] =	vst v63  }
0x92: {  	_ =	swait.ge [sflag:s26], $0x4000  }
0x93: {  	[sflag:s26] =	ssyncset.done $0x0  }
0x94: {  	s29 =	simm.s32 $0x4;
	[sflag:s26] =	ssyncadd.s32 $0xFFFFC000  }
0x95: {  	_ =	swait.ge [sflag:s29], $0x80  }
0x96: {  	[sflag:s29] =	ssyncset.done $0x0  }
0x97: {  	[sflag:s29] =	ssyncadd.s32 $0xFFFFFF80  }
0x98: {  	_ =	swait.ge [sflag:s29], $0x80  }
0x99: {  	[sflag:s29] =	ssyncset.done $0x0  }
0x9a: {  	[sflag:s29] =	ssyncadd.s32 $0xFFFFFF80  }
0x9b: {  	[tilespmem:s22], [sflag:$0x7] =	stream.indirect.gather [hbm4b:s31+s19], $0x80, s15, s19, $0xb8;
	[tilespmem:$0x1FE80] =	vst v63  }
0x9c: {  	_ =	swait.ge [sflag:s28], $0x4000  }
0x9d: {  	[sflag:s28] =	ssyncset.done $0x0  }
0x9e: {  	[sflag:s28] =	ssyncadd.s32 $0xFFFFC000  }
0x9f: {  	[spmem:s1] =	stream.indirect.scatter.add.f32 [tilespmem:s24], [sflag:$0xB], $0x80, s12, s19, $0xb8;
	[tilespmem:$0x1FE80] =	vst v63  }
0xa0: {  	s7 =	rddreg [dreg:$0x1b]  }
0xa1: {  	[tilespmem:s11], [sflag:$0x2] =	stream.linear.gather [hbm4b:s7+s3], $0x80, $0x38;
	[tilespmem:$0x1FE80] =	vst v63  }
0xa2: {  	s7 =	rddreg [dreg:$0x1c]  }
0xa3: {  	[tilespmem:s12], [sflag:$0x2] =	stream.linear.gather [hbm4b:s7+s3], $0x80, $0x38;
	[tilespmem:$0x1FE80] =	vst v63  }
0xa4: {  	_ =	swait.ge [sflag:s4], $0x4000  }
0xa5: {  	[sflag:s4] =	ssyncset.done $0x0  }
0xa6: {  	s5 =	simm.s32 $0x5;
	[sflag:s4] =	ssyncadd.s32 $0xFFFFC000  }
0xa7: {  	_ =	swait.ge [sflag:s5], $0x80  }
0xa8: {  	[sflag:s5] =	ssyncset.done $0x0  }
0xa9: {  	[sflag:s5] =	ssyncadd.s32 $0xFFFFFF80  }
0xaa: {  	_ =	swait.ge [sflag:s5], $0x80  }
0xab: {  	[sflag:s5] =	ssyncset.done $0x0  }
0xac: {  	[sflag:s5] =	ssyncadd.s32 $0xFFFFFF80  }
0xad: {  	[tilespmem:s24], [sflag:$0x8] =	stream.indirect.gather [hbm4b:s31+s19], $0x80, s20, s19, $0xb8;
	[tilespmem:$0x1FE80] =	vst v63  }
0xae: {  	_ =	swait.ge [sflag:s2], $0x4000  }
0xaf: {  	[sflag:s2] =	ssyncset.done $0x0  }
0xb0: {  	[sflag:s2] =	ssyncadd.s32 $0xFFFFC000  }
0xb1: {  	[spmem:s1] =	stream.indirect.scatter.add.f32 [tilespmem:s17], [sflag:$0xC], $0x80, s14, s19, $0xb8;
	[tilespmem:$0x1FE80] =	vst v63  }
0xb2: {  	s7 =	rddreg [dreg:$0x1d]  }
0xb3: {  	[tilespmem:s13], [sflag:$0x3] =	stream.linear.gather [hbm4b:s7+s3], $0x80, $0x38;
	[tilespmem:$0x1FE80] =	vst v63  }
0xb4: {  	s7 =	rddreg [dreg:$0x1e]  }
0xb5: {  	[tilespmem:s14], [sflag:$0x3] =	stream.linear.gather [hbm4b:s7+s3], $0x80, $0x38;
	[tilespmem:$0x1FE80] =	vst v63  }
0xb6: {  	_ =	swait.ge [sflag:s0], $0x4000  }
0xb7: {  	[sflag:s0] =	ssyncset.done $0x0  }
0xb8: {  	s30 =	simm.s32 $0x6;
	[sflag:s0] =	ssyncadd.s32 $0xFFFFC000  }
0xb9: {  	_ =	swait.ge [sflag:s30], $0x80  }
0xba: {  	[sflag:s30] =	ssyncset.done $0x0  }
0xbb: {  	[sflag:s30] =	ssyncadd.s32 $0xFFFFFF80  }
0xbc: {  	_ =	swait.ge [sflag:s30], $0x80  }
0xbd: {  	[sflag:s30] =	ssyncset.done $0x0  }
0xbe: {  	[sflag:s30] =	ssyncadd.s32 $0xFFFFFF80  }
0xbf: {  	[tilespmem:s17], [sflag:$0x9] =	stream.indirect.gather [hbm4b:s31+s19], $0x80, s8, s19, $0xb8;
	[tilespmem:$0x1FE80] =	vst v63  }
0xc0: {  	_ =	swait.ge [sflag:s25], $0x4000  }
0xc1: {  	[sflag:s25] =	ssyncset.done $0x0  }
0xc2: {  	[sflag:s25] =	ssyncadd.s32 $0xFFFFC000  }
0xc3: {  	[spmem:s1] =	stream.indirect.scatter.add.f32 [tilespmem:s22], [sflag:$0xA], $0x80, s16, s19, $0xb8;
	[tilespmem:$0x1FE80] =	vst v63  }
0xc4: {  	s7 =	rddreg [dreg:$0x1f]  }
0xc5: {  	[tilespmem:s15], [sflag:$0x4] =	stream.linear.gather [hbm4b:s7+s3], $0x80, $0x38;
	[tilespmem:$0x1FE80] =	vst v63  }
0xc6: {  	s7 =	sld [smem:$0x7EF];
	_ =	sdelay $0x2  }
0xc7: {  	[tilespmem:s16], [sflag:$0x4] =	stream.linear.gather [hbm4b:s7+s3], $0x80, $0x38;
	[tilespmem:$0x1FE80] =	vst v63  }
0xc8: {  	_ =	swait.ge [sflag:s26], $0x4000  }
0xc9: {  	[sflag:s26] =	ssyncset.done $0x0  }
0xca: {  	[sflag:s26] =	ssyncadd.s32 $0xFFFFC000  }
0xcb: {  	_ =	swait.ge [sflag:s18], $0x80  }
0xcc: {  	[sflag:s18] =	ssyncset.done $0x0  }
0xcd: {  	[sflag:s18] =	ssyncadd.s32 $0xFFFFFF80  }
0xce: {  	_ =	swait.ge [sflag:s18], $0x80  }
0xcf: {  	[sflag:s18] =	ssyncset.done $0x0  }
0xd0: {  	[sflag:s18] =	ssyncadd.s32 $0xFFFFFF80  }
0xd1: {  	[tilespmem:s22], [sflag:$0x7] =	stream.indirect.gather [hbm4b:s31+s19], $0x80, s9, s19, $0xb8;
	[tilespmem:$0x1FE80] =	vst v63  }
0xd2: {  	_ =	swait.ge [sflag:s28], $0x4000  }
0xd3: {  	[sflag:s28] =	ssyncset.done $0x0  }
0xd4: {  	s7 =	simm.s32 $0x13D80;
	s6 =	sld [smem:$0x7F2];
	[sflag:s28] =	ssyncadd.s32 $0xFFFFC000  }
0xd5: {  	[spmem:s1] =	stream.indirect.scatter.add.f32 [tilespmem:s24], [sflag:$0xB], $0x80, s7, s19, $0xb8;
	[tilespmem:$0x1FE80] =	vst v63  }
0xd6: {  	_ = 	snop  }
0xd7: {  	[tilespmem:s20], [sflag:$0x5] =	stream.linear.gather [hbm4b:s6+s3], $0x80, $0x38;
	[tilespmem:$0x1FE80] =	vst v63  }
0xd8: {  	s6 =	sld [smem:$0x7F3];
	_ =	sdelay $0x2  }
0xd9: {  	[tilespmem:s7], [sflag:$0x5] =	stream.linear.gather [hbm4b:s6+s3], $0x80, $0x38;
	[tilespmem:$0x1FE80] =	vst v63  }
0xda: {  	_ =	swait.ge [sflag:s4], $0x4000  }
0xdb: {  	[sflag:s4] =	ssyncset.done $0x0  }
0xdc: {  	[sflag:s4] =	ssyncadd.s32 $0xFFFFC000  }
0xdd: {  	_ =	swait.ge [sflag:s21], $0x80  }
0xde: {  	[sflag:s21] =	ssyncset.done $0x0  }
0xdf: {  	[sflag:s21] =	ssyncadd.s32 $0xFFFFFF80  }
0xe0: {  	_ =	swait.ge [sflag:s21], $0x80  }
0xe1: {  	[sflag:s21] =	ssyncset.done $0x0  }
0xe2: {  	[sflag:s21] =	ssyncadd.s32 $0xFFFFFF80  }
0xe3: {  	[tilespmem:s24], [sflag:$0x8] =	stream.indirect.gather [hbm4b:s31+s19], $0x80, s11, s19, $0xb8;
	[tilespmem:$0x1FE80] =	vst v63  }
0xe4: {  	_ =	swait.ge [sflag:s2], $0x4000  }
0xe5: {  	[sflag:s2] =	ssyncset.done $0x0  }
0xe6: {  	s7 =	simm.s32 $0x13E00;
	s6 =	sld [smem:$0x7F4];
	[sflag:s2] =	ssyncadd.s32 $0xFFFFC000  }
0xe7: {  	[spmem:s1] =	stream.indirect.scatter.add.f32 [tilespmem:s17], [sflag:$0xC], $0x80, s7, s19, $0xb8;
	[tilespmem:$0x1FE80] =	vst v63  }
0xe8: {  	_ = 	snop  }
0xe9: {  	[tilespmem:s8], [sflag:$0x6] =	stream.linear.gather [hbm4b:s6+s3], $0x80, $0x38;
	[tilespmem:$0x1FE80] =	vst v63  }
0xea: {  	s6 =	sld [smem:$0x7F5];
	_ =	sdelay $0x2  }
0xeb: {  	[tilespmem:s7], [sflag:$0x6] =	stream.linear.gather [hbm4b:s6+s3], $0x80, $0x38;
	[tilespmem:$0x1FE80] =	vst v63  }
0xec: {  	_ =	swait.ge [sflag:s0], $0x4000  }
0xed: {  	[sflag:s0] =	ssyncset.done $0x0  }
0xee: {  	[sflag:s0] =	ssyncadd.s32 $0xFFFFC000  }
0xef: {  	_ =	swait.ge [sflag:s23], $0x80  }
0xf0: {  	[sflag:s23] =	ssyncset.done $0x0  }
0xf1: {  	[sflag:s23] =	ssyncadd.s32 $0xFFFFFF80  }
0xf2: {  	_ =	swait.ge [sflag:s23], $0x80  }
0xf3: {  	[sflag:s23] =	ssyncset.done $0x0  }
0xf4: {  	[sflag:s23] =	ssyncadd.s32 $0xFFFFFF80  }
0xf5: {  	[tilespmem:s17], [sflag:$0x9] =	stream.indirect.gather [hbm4b:s31+s19], $0x80, s13, s19, $0xb8;
	[tilespmem:$0x1FE80] =	vst v63  }
0xf6: {  	_ =	swait.ge [sflag:s25], $0x4000  }
0xf7: {  	[sflag:s25] =	ssyncset.done $0x0  }
0xf8: {  	s7 =	rddreg [dreg:$0xd];
	[sflag:s25] =	ssyncadd.s32 $0xFFFFC000  }
0xf9: {  	[spmem:s1] =	stream.indirect.scatter.add.f32 [tilespmem:s22], [sflag:$0xA], $0x80, s10, s19, $0xb8;
	[tilespmem:$0x1FE80] =	vst v63  }
0xfa: {  	s23 =	rddreg [dreg:$0xe];
	s6 =	sadd.s32 $0x0, s7  }
0xfb: {  	[tilespmem:s9], [sflag:$0x1] =	stream.linear.gather [hbm4b:s6+s3], $0x80, $0x38;
	[tilespmem:$0x1FE80] =	vst v63  }
0xfc: {  	s23 =	sadd.s32 $0x0, s23  }
0xfd: {  	[tilespmem:s10], [sflag:$0x1] =	stream.linear.gather [hbm4b:s23+s3], $0x80, $0x38;
	[tilespmem:$0x1FE80] =	vst v63  }
0xfe: {  	_ =	swait.ge [sflag:s26], $0x4000  }
0xff: {  	[sflag:s26] =	ssyncset.done $0x0  }
0x100: {  	[sflag:s26] =	ssyncadd.s32 $0xFFFFC000  }
0x101: {  	_ =	swait.ge [sflag:s29], $0x80  }
0x102: {  	[sflag:s29] =	ssyncset.done $0x0  }
0x103: {  	[sflag:s29] =	ssyncadd.s32 $0xFFFFFF80  }
0x104: {  	_ =	swait.ge [sflag:s29], $0x80  }
0x105: {  	[sflag:s29] =	ssyncset.done $0x0  }
0x106: {  	[sflag:s29] =	ssyncadd.s32 $0xFFFFFF80  }
0x107: {  	[tilespmem:s22], [sflag:$0x7] =	stream.indirect.gather [hbm4b:s31+s19], $0x80, s15, s19, $0xb8;
	[tilespmem:$0x1FE80] =	vst v63  }
0x108: {  	_ =	swait.ge [sflag:s28], $0x4000  }
0x109: {  	[sflag:s28] =	ssyncset.done $0x0  }
0x10a: {  	s7 =	rddreg [dreg:$0xb];
	[sflag:s28] =	ssyncadd.s32 $0xFFFFC000  }
0x10b: {  	[spmem:s1] =	stream.indirect.scatter.add.f32 [tilespmem:s24], [sflag:$0xB], $0x80, s12, s19, $0xb8;
	[tilespmem:$0x1FE80] =	vst v63  }
0x10c: {  	s10 =	rddreg [dreg:$0xc];
	s6 =	sadd.s32 $0x0, s7  }
0x10d: {  	[tilespmem:s11], [sflag:$0x2] =	stream.linear.gather [hbm4b:s6+s3], $0x80, $0x38;
	[tilespmem:$0x1FE80] =	vst v63  }
0x10e: {  	s23 =	sadd.s32 $0x0, s10  }
0x10f: {  	[tilespmem:s12], [sflag:$0x2] =	stream.linear.gather [hbm4b:s23+s3], $0x80, $0x38;
	[tilespmem:$0x1FE80] =	vst v63  }
0x110: {  	_ =	swait.ge [sflag:s4], $0x4000  }
0x111: {  	[sflag:s4] =	ssyncset.done $0x0  }
0x112: {  	[sflag:s4] =	ssyncadd.s32 $0xFFFFC000  }
0x113: {  	_ =	swait.ge [sflag:s5], $0x80  }
0x114: {  	[sflag:s5] =	ssyncset.done $0x0  }
0x115: {  	[sflag:s5] =	ssyncadd.s32 $0xFFFFFF80  }
0x116: {  	_ =	swait.ge [sflag:s5], $0x80  }
0x117: {  	[sflag:s5] =	ssyncset.done $0x0  }
0x118: {  	[sflag:s5] =	ssyncadd.s32 $0xFFFFFF80  }
0x119: {  	[tilespmem:s24], [sflag:$0x8] =	stream.indirect.gather [hbm4b:s31+s19], $0x80, s20, s19, $0xb8;
	[tilespmem:$0x1FE80] =	vst v63  }
0x11a: {  	_ =	swait.ge [sflag:s2], $0x4000  }
0x11b: {  	[sflag:s2] =	ssyncset.done $0x0  }
0x11c: {  	s29 =	rddreg [dreg:$0x9];
	[sflag:s2] =	ssyncadd.s32 $0xFFFFC000  }
0x11d: {  	[spmem:s1] =	stream.indirect.scatter.add.f32 [tilespmem:s17], [sflag:$0xC], $0x80, s14, s19, $0xb8;
	[tilespmem:$0x1FE80] =	vst v63  }
0x11e: {  	s5 =	rddreg [dreg:$0xa];
	s6 =	sadd.s32 $0x0, s29  }
0x11f: {  	[tilespmem:s13], [sflag:$0x3] =	stream.linear.gather [hbm4b:s6+s3], $0x80, $0x38;
	[tilespmem:$0x1FE80] =	vst v63  }
0x120: {  	s10 =	sadd.s32 $0x0, s5  }
0x121: {  	[tilespmem:s14], [sflag:$0x3] =	stream.linear.gather [hbm4b:s10+s3], $0x80, $0x38;
	[tilespmem:$0x1FE80] =	vst v63  }
0x122: {  	_ =	swait.ge [sflag:s0], $0x4000  }
0x123: {  	[sflag:s0] =	ssyncset.done $0x0  }
0x124: {  	[sflag:s0] =	ssyncadd.s32 $0xFFFFC000  }
0x125: {  	_ =	swait.ge [sflag:s30], $0x80  }
0x126: {  	[sflag:s30] =	ssyncset.done $0x0  }
0x127: {  	[sflag:s30] =	ssyncadd.s32 $0xFFFFFF80  }
0x128: {  	_ =	swait.ge [sflag:s30], $0x80  }
0x129: {  	[sflag:s30] =	ssyncset.done $0x0  }
0x12a: {  	[sflag:s30] =	ssyncadd.s32 $0xFFFFFF80  }
0x12b: {  	[tilespmem:s17], [sflag:$0x9] =	stream.indirect.gather [hbm4b:s31+s19], $0x80, s8, s19, $0xb8;
	[tilespmem:$0x1FE80] =	vst v63  }
0x12c: {  	_ =	swait.ge [sflag:s25], $0x4000  }
0x12d: {  	[sflag:s25] =	ssyncset.done $0x0  }
0x12e: {  	s12 =	rddreg [dreg:$0x7];
	[sflag:s25] =	ssyncadd.s32 $0xFFFFC000  }
0x12f: {  	[spmem:s1] =	stream.indirect.scatter.add.f32 [tilespmem:s22], [sflag:$0xA], $0x80, s16, s19, $0xb8;
	[tilespmem:$0x1FE80] =	vst v63  }
0x130: {  	s13 =	rddreg [dreg:$0x8];
	s6 =	sadd.s32 $0x0, s12  }
0x131: {  	[tilespmem:s15], [sflag:$0x4] =	stream.linear.gather [hbm4b:s6+s3], $0x80, $0x38;
	[tilespmem:$0x1FE80] =	vst v63  }
0x132: {  	s15 =	sadd.s32 $0x0, s13  }
0x133: {  	[tilespmem:s16], [sflag:$0x4] =	stream.linear.gather [hbm4b:s15+s3], $0x80, $0x38;
	[tilespmem:$0x1FE80] =	vst v63  }
0x134: {  	_ =	swait.ge [sflag:s26], $0x4000  }
0x135: {  	[sflag:s26] =	ssyncset.done $0x0  }
0x136: {  	[sflag:s26] =	ssyncadd.s32 $0xFFFFC000  }
0x137: {  	_ =	swait.ge [sflag:s18], $0x80  }
0x138: {  	[sflag:s18] =	ssyncset.done $0x0  }
0x139: {  	[sflag:s18] =	ssyncadd.s32 $0xFFFFFF80  }
0x13a: {  	_ =	swait.ge [sflag:s18], $0x80  }
0x13b: {  	[sflag:s18] =	ssyncset.done $0x0  }
0x13c: {  	[sflag:s18] =	ssyncadd.s32 $0xFFFFFF80  }
0x13d: {  	[tilespmem:s22], [sflag:$0x7] =	stream.indirect.gather [hbm4b:s31+s19], $0x80, s9, s19, $0xb8;
	[tilespmem:$0x1FE80] =	vst v63  }
0x13e: {  	_ =	swait.ge [sflag:s28], $0x4000  }
0x13f: {  	[sflag:s28] =	ssyncset.done $0x0  }
0x140: {  	s22 =	simm.s32 $0x13D80;
	s16 =	rddreg [dreg:$0x5];
	[sflag:s28] =	ssyncadd.s32 $0xFFFFC000  }
0x141: {  	[spmem:s1] =	stream.indirect.scatter.add.f32 [tilespmem:s24], [sflag:$0xB], $0x80, s22, s19, $0xb8;
	[tilespmem:$0x1FE80] =	vst v63  }
0x142: {  	s18 =	rddreg [dreg:$0x6];
	s6 =	sadd.s32 $0x0, s16  }
0x143: {  	[tilespmem:s20], [sflag:$0x5] =	stream.linear.gather [hbm4b:s6+s3], $0x80, $0x38;
	[tilespmem:$0x1FE80] =	vst v63  }
0x144: {  	s23 =	sadd.s32 $0x0, s18  }
0x145: {  	[tilespmem:s22], [sflag:$0x5] =	stream.linear.gather [hbm4b:s23+s3], $0x80, $0x38;
	[tilespmem:$0x1FE80] =	vst v63  }
0x146: {  	_ =	swait.ge [sflag:s4], $0x4000  }
0x147: {  	[sflag:s4] =	ssyncset.done $0x0  }
0x148: {  	[sflag:s4] =	ssyncadd.s32 $0xFFFFC000  }
0x149: {  	_ =	swait.ge [sflag:s21], $0x80  }
0x14a: {  	[sflag:s21] =	ssyncset.done $0x0  }
0x14b: {  	[sflag:s21] =	ssyncadd.s32 $0xFFFFFF80  }
0x14c: {  	_ =	swait.ge [sflag:s21], $0x80  }
0x14d: {  	s14 =	smov.u32 s1;
	s0 =	simm.s32 $0xC;
	[sflag:s21] =	ssyncset.done $0x0  }
0x14e: {  	s30 =	simm.s32 $0x8;
	s26 =	simm.s32 $0x13E00;
	[sflag:s21] =	ssyncadd.s32 $0xFFFFFF80  }
0x14f: {  	[tilespmem:s24], [sflag:$0x8] =	stream.indirect.gather [hbm4b:s31+s19], $0x80, s11, s19, $0xb8;
	[tilespmem:$0x1FE80] =	vst v63  }
0x150: {  	s28 =	simm.s32 $0xA;
	s23 =	simm.s32 $0x2;
	_ =	swait.ge [sflag:s2], $0x4000  }
0x151: {  	s4 =	simm.s32 $0xB;
	[sflag:s2] =	ssyncset.done $0x0;
	s25 =	rddreg [dreg:$0x3]  }
0x152: {  	s21 =	simm.s32 $0x1;
	s29 =	rddreg [dreg:$0x4];
	[sflag:s2] =	ssyncadd.s32 $0xFFFFC000  }
0x153: {  	[spmem:s1] =	stream.indirect.scatter.add.f32 [tilespmem:s17], [sflag:$0xC], $0x80, s26, s19, $0xb8;
	[tilespmem:$0x1FE80] =	vst v63  }
0x154: {  	s6 =	sadd.s32 $0x0, s25;
	s7 =	sadd.s32 $0x0, s29;
	s2 =	simm.s32 $0x9  }
0x155: {  	[tilespmem:s8], [sflag:$0x6] =	stream.linear.gather [hbm4b:s6+s3], $0x80, $0x38;
	[tilespmem:$0x1FE80] =	vst v63  }
0x156: {  	s25 =	simm.s32 $0x3;
	s26 =	simm.s32 $0x7;
	s6 =	simm.s32 $0xC00  }
.LBB2_2:
0x157: {  	s15 =	simm.s32 $0x13E00  }
0x158: {  	[tilespmem:s15], [sflag:$0x6] =	stream.linear.gather [hbm4b:s7+s3], $0x80, $0x38;
	[tilespmem:$0x1FE80] =	vst v63  }
0x159: {  	_ =	swait.ge [sflag:s0], $0x4000  }
0x15a: {  	[sflag:s0] =	ssyncset.done $0x0  }
0x15b: {  	[sflag:s0] =	ssyncadd.s32 $0xFFFFC000  }
0x15c: {  	_ =	swait.ge [sflag:s25], $0x80  }
0x15d: {  	[sflag:s25] =	ssyncset.done $0x0  }
0x15e: {  	[sflag:s25] =	ssyncadd.s32 $0xFFFFFF80  }
0x15f: {  	_ =	swait.ge [sflag:s25], $0x80  }
0x160: {  	[sflag:s25] =	ssyncset.done $0x0  }
0x161: {  	s24 =	simm.s32 $0x1BE80;
	s12 =	simm.s32 $0x13980;
	[sflag:s25] =	ssyncadd.s32 $0xFFFFFF80  }
0x162: {  	[tilespmem:s24], [sflag:$0x9] =	stream.indirect.gather [hbm4b:s31+s19], $0x80, s12, s19, $0xb8;
	[tilespmem:$0x1FE80] =	vst v63  }
0x163: {  	_ =	swait.ge [sflag:s26], $0x4000  }
0x164: {  	s16 =	simm.s32 $0x13E80;
	s1 =	simm.s32 $0x13B80;
	[sflag:s26] =	ssyncset.done $0x0  }
0x165: {  	s7 =	smov.u32 s6;
	s8 =	rddreg [dreg:$0xd];
	[sflag:s26] =	ssyncadd.s32 $0xFFFFC000  }
0x166: {  	[spmem:s14] =	stream.indirect.scatter.add.f32 [tilespmem:s16], [sflag:$0xA], $0x80, s1, s19, $0xb8;
	[tilespmem:$0x1FE80] =	vst v63  }
0x167: {  	s18 =	simm.s32 $0x13880;
	s9 =	rddreg [dreg:$0xe];
	s8 =	sadd.s32 s7, s8  }
0x168: {  	[tilespmem:s18], [sflag:$0x1] =	stream.linear.gather [hbm4b:s8+s3], $0x80, $0x38;
	[tilespmem:$0x1FE80] =	vst v63  }
0x169: {  	s10 =	sadd.s32 s7, s9  }
0x16a: {  	[tilespmem:s1], [sflag:$0x1] =	stream.linear.gather [hbm4b:s10+s3], $0x80, $0x38;
	[tilespmem:$0x1FE80] =	vst v63  }
0x16b: {  	_ =	swait.ge [sflag:s28], $0x4000  }
0x16c: {  	[sflag:s28] =	ssyncset.done $0x0  }
0x16d: {  	s11 =	simm.s32 $0x4;
	[sflag:s28] =	ssyncadd.s32 $0xFFFFC000  }
0x16e: {  	_ =	swait.ge [sflag:s11], $0x80  }
0x16f: {  	[sflag:s11] =	ssyncset.done $0x0  }
0x170: {  	[sflag:s11] =	ssyncadd.s32 $0xFFFFFF80  }
0x171: {  	_ =	swait.ge [sflag:s11], $0x80  }
0x172: {  	[sflag:s11] =	ssyncset.done $0x0  }
0x173: {  	s17 =	simm.s32 $0x13A00;
	[sflag:s11] =	ssyncadd.s32 $0xFFFFFF80  }
0x174: {  	[tilespmem:s16], [sflag:$0x7] =	stream.indirect.gather [hbm4b:s31+s19], $0x80, s17, s19, $0xb8;
	[tilespmem:$0x1FE80] =	vst v63  }
0x175: {  	_ =	swait.ge [sflag:s30], $0x4000  }
0x176: {  	s22 =	simm.s32 $0x13C00;
	[sflag:s30] =	ssyncset.done $0x0  }
0x177: {  	s11 =	simm.s32 $0x17E80;
	s13 =	rddreg [dreg:$0xb];
	[sflag:s30] =	ssyncadd.s32 $0xFFFFC000  }
0x178: {  	[spmem:s14] =	stream.indirect.scatter.add.f32 [tilespmem:s11], [sflag:$0xB], $0x80, s22, s19, $0xb8;
	[tilespmem:$0x1FE80] =	vst v63  }
0x179: {  	s29 =	simm.s32 $0x13900;
	s20 =	rddreg [dreg:$0xc];
	s8 =	sadd.s32 s7, s13  }
0x17a: {  	[tilespmem:s29], [sflag:$0x2] =	stream.linear.gather [hbm4b:s8+s3], $0x80, $0x38;
	[tilespmem:$0x1FE80] =	vst v63  }
0x17b: {  	s5 =	sadd.s32 s7, s20  }
0x17c: {  	[tilespmem:s22], [sflag:$0x2] =	stream.linear.gather [hbm4b:s5+s3], $0x80, $0x38;
	[tilespmem:$0x1FE80] =	vst v63  }
0x17d: {  	_ =	swait.ge [sflag:s4], $0x4000  }
0x17e: {  	[sflag:s4] =	ssyncset.done $0x0  }
0x17f: {  	s8 =	simm.s32 $0x5;
	[sflag:s4] =	ssyncadd.s32 $0xFFFFC000  }
0x180: {  	_ =	swait.ge [sflag:s8], $0x80  }
0x181: {  	[sflag:s8] =	ssyncset.done $0x0  }
0x182: {  	[sflag:s8] =	ssyncadd.s32 $0xFFFFFF80  }
0x183: {  	_ =	swait.ge [sflag:s8], $0x80  }
0x184: {  	[sflag:s8] =	ssyncset.done $0x0  }
0x185: {  	s14 =	simm.s32 $0x13A80;
	[sflag:s8] =	ssyncadd.s32 $0xFFFFFF80  }
0x186: {  	[tilespmem:s11], [sflag:$0x8] =	stream.indirect.gather [hbm4b:s31+s19], $0x80, s14, s19, $0xb8;
	[tilespmem:$0x1FE80] =	vst v63  }
0x187: {  	_ =	swait.ge [sflag:s2], $0x4000  }
0x188: {  	[sflag:s2] =	ssyncset.done $0x0  }
0x189: {  	s9 =	rddreg [dreg:$0x9];
	[sflag:s2] =	ssyncadd.s32 $0xFFFFC000  }
0x18a: {  	s13 =	simm.s32 $0x13C80;
	s22 =	rddreg [dreg:$0x1]  }
0x18b: {  	[spmem:s22] =	stream.indirect.scatter.add.f32 [tilespmem:s24], [sflag:$0xC], $0x80, s13, s19, $0xb8;
	[tilespmem:$0x1FE80] =	vst v63  }
0x18c: {  	s20 =	rddreg [dreg:$0xa];
	s8 =	sadd.s32 s7, s9  }
0x18d: {  	[tilespmem:s12], [sflag:$0x3] =	stream.linear.gather [hbm4b:s8+s3], $0x80, $0x38;
	[tilespmem:$0x1FE80] =	vst v63  }
0x18e: {  	s1 =	sadd.s32 s7, s20  }
0x18f: {  	[tilespmem:s13], [sflag:$0x3] =	stream.linear.gather [hbm4b:s1+s3], $0x80, $0x38;
	[tilespmem:$0x1FE80] =	vst v63  }
0x190: {  	_ =	swait.ge [sflag:s0], $0x4000  }
0x191: {  	[sflag:s0] =	ssyncset.done $0x0  }
0x192: {  	s9 =	simm.s32 $0x6;
	[sflag:s0] =	ssyncadd.s32 $0xFFFFC000  }
0x193: {  	_ =	swait.ge [sflag:s9], $0x80  }
0x194: {  	[sflag:s9] =	ssyncset.done $0x0  }
0x195: {  	[sflag:s9] =	ssyncadd.s32 $0xFFFFFF80  }
0x196: {  	_ =	swait.ge [sflag:s9], $0x80  }
0x197: {  	[sflag:s9] =	ssyncset.done $0x0  }
0x198: {  	s20 =	simm.s32 $0x13B00;
	[sflag:s9] =	ssyncadd.s32 $0xFFFFFF80  }
0x199: {  	[tilespmem:s24], [sflag:$0x9] =	stream.indirect.gather [hbm4b:s31+s19], $0x80, s20, s19, $0xb8;
	[tilespmem:$0x1FE80] =	vst v63  }
0x19a: {  	_ =	swait.ge [sflag:s26], $0x4000  }
0x19b: {  	[sflag:s26] =	ssyncset.done $0x0  }
0x19c: {  	s8 =	rddreg [dreg:$0x7];
	[sflag:s26] =	ssyncadd.s32 $0xFFFFC000  }
0x19d: {  	s13 =	simm.s32 $0x13D00;
	s12 =	rddreg [dreg:$0x1]  }
0x19e: {  	[spmem:s12] =	stream.indirect.scatter.add.f32 [tilespmem:s16], [sflag:$0xA], $0x80, s13, s19, $0xb8;
	[tilespmem:$0x1FE80] =	vst v63  }
0x19f: {  	s9 =	rddreg [dreg:$0x8];
	s8 =	sadd.s32 s7, s8  }
0x1a0: {  	[tilespmem:s17], [sflag:$0x4] =	stream.linear.gather [hbm4b:s8+s3], $0x80, $0x38;
	[tilespmem:$0x1FE80] =	vst v63  }
0x1a1: {  	s1 =	sadd.s32 s7, s9  }
0x1a2: {  	[tilespmem:s13], [sflag:$0x4] =	stream.linear.gather [hbm4b:s1+s3], $0x80, $0x38;
	[tilespmem:$0x1FE80] =	vst v63  }
0x1a3: {  	_ =	swait.ge [sflag:s28], $0x4000  }
0x1a4: {  	[sflag:s28] =	ssyncset.done $0x0  }
0x1a5: {  	[sflag:s28] =	ssyncadd.s32 $0xFFFFC000  }
0x1a6: {  	_ =	swait.ge [sflag:s21], $0x80  }
0x1a7: {  	[sflag:s21] =	ssyncset.done $0x0  }
0x1a8: {  	[sflag:s21] =	ssyncadd.s32 $0xFFFFFF80  }
0x1a9: {  	_ =	swait.ge [sflag:s21], $0x80  }
0x1aa: {  	[sflag:s21] =	ssyncset.done $0x0  }
0x1ab: {  	[sflag:s21] =	ssyncadd.s32 $0xFFFFFF80  }
0x1ac: {  	[tilespmem:s16], [sflag:$0x7] =	stream.indirect.gather [hbm4b:s31+s19], $0x80, s18, s19, $0xb8;
	[tilespmem:$0x1FE80] =	vst v63  }
0x1ad: {  	_ =	swait.ge [sflag:s30], $0x4000  }
0x1ae: {  	[sflag:s30] =	ssyncset.done $0x0  }
0x1af: {  	s9 =	rddreg [dreg:$0x5];
	[sflag:s30] =	ssyncadd.s32 $0xFFFFC000  }
0x1b0: {  	s16 =	simm.s32 $0x13D80;
	s18 =	rddreg [dreg:$0x1]  }
0x1b1: {  	[spmem:s18] =	stream.indirect.scatter.add.f32 [tilespmem:s11], [sflag:$0xB], $0x80, s16, s19, $0xb8;
	[tilespmem:$0x1FE80] =	vst v63  }
0x1b2: {  	s13 =	rddreg [dreg:$0x6];
	s8 =	sadd.s32 s7, s9  }
0x1b3: {  	[tilespmem:s14], [sflag:$0x5] =	stream.linear.gather [hbm4b:s8+s3], $0x80, $0x38;
	[tilespmem:$0x1FE80] =	vst v63  }
0x1b4: {  	s9 =	sadd.s32 s7, s13  }
0x1b5: {  	[tilespmem:s16], [sflag:$0x5] =	stream.linear.gather [hbm4b:s9+s3], $0x80, $0x38;
	[tilespmem:$0x1FE80] =	vst v63  }
0x1b6: {  	s14 =	rddreg [dreg:$0x1];
	_ =	swait.ge [sflag:s4], $0x4000  }
0x1b7: {  	[sflag:s4] =	ssyncset.done $0x0  }
0x1b8: {  	[sflag:s4] =	ssyncadd.s32 $0xFFFFC000  }
0x1b9: {  	_ =	swait.ge [sflag:s23], $0x80  }
0x1ba: {  	[sflag:s23] =	ssyncset.done $0x0  }
0x1bb: {  	[sflag:s23] =	ssyncadd.s32 $0xFFFFFF80  }
0x1bc: {  	p2 =	sne.s32 s6, $0x7800;
	s6 =	sadd.s32 $0xC00, s6;
	_ =	swait.ge [sflag:s23], $0x80  }
0x1bd: {  	s10 =	simm.s32 $0x13C00;
	s5 =	simm.s32 $0x13980;
	[sflag:s23] =	ssyncset.done $0x0  }
0x1be: {  	s22 =	simm.s32 $0x13C80;
	s12 =	simm.s32 $0x13A00;
	[sflag:s23] =	ssyncadd.s32 $0xFFFFFF80  }
0x1bf: {  	[tilespmem:s11], [sflag:$0x8] =	stream.indirect.gather [hbm4b:s31+s19], $0x80, s29, s19, $0xb8;
	[tilespmem:$0x1FE80] =	vst v63  }
0x1c0: {  	s17 =	simm.s32 $0x13D00;
	s1 =	simm.s32 $0x13A80;
	_ =	swait.ge [sflag:s2], $0x4000  }
.Ltmp2:
0x1c1: {  	[sflag:s2] =	ssyncset.done $0x0;
	s18 =	rddreg [dreg:$0x3];
	(pc) =	sbr.rel @p2 .LBB2_2-.Ltmp2, $4  }
0x1c2: {  	s13 =	simm.s32 $0x13D80;
	s29 =	rddreg [dreg:$0x4];
	[sflag:s2] =	ssyncadd.s32 $0xFFFFC000  }
0x1c3: {  	[spmem:s14] =	stream.indirect.scatter.add.f32 [tilespmem:s24], [sflag:$0xC], $0x80, s15, s19, $0xb8;
	[tilespmem:$0x1FE80] =	vst v63  }
0x1c4: {  	s8 =	sadd.s32 s7, s18;
	s7 =	sadd.s32 s7, s29;
	s15 =	simm.s32 $0x13B00  }
0x1c5: {  	[tilespmem:s20], [sflag:$0x6] =	stream.linear.gather [hbm4b:s8+s3], $0x80, $0x38;
	[tilespmem:$0x1FE80] =	vst v63  }
0x1c6: {  	s16 =	simm.s32 $0x13E00  }
0x1c7: {  	[tilespmem:s16], [sflag:$0x6] =	stream.linear.gather [hbm4b:s7+s3], $0x80, $0x38;
	[tilespmem:$0x1FE80] =	vst v63  }
0x1c8: {  	_ =	swait.ge [sflag:s0], $0x4000  }
0x1c9: {  	[sflag:s0] =	ssyncset.done $0x0  }
0x1ca: {  	[sflag:s0] =	ssyncadd.s32 $0xFFFFC000  }
0x1cb: {  	_ =	swait.ge [sflag:s25], $0x80  }
0x1cc: {  	[sflag:s25] =	ssyncset.done $0x0  }
0x1cd: {  	[sflag:s25] =	ssyncadd.s32 $0xFFFFFF80  }
0x1ce: {  	_ =	swait.ge [sflag:s25], $0x80  }
0x1cf: {  	[sflag:s25] =	ssyncset.done $0x0  }
0x1d0: {  	s20 =	simm.s32 $0x1BE80;
	[sflag:s25] =	ssyncadd.s32 $0xFFFFFF80  }
0x1d1: {  	[tilespmem:s20], [sflag:$0x9] =	stream.indirect.gather [hbm4b:s31+s19], $0x80, s5, s19, $0xb8;
	[tilespmem:$0x1FE80] =	vst v63  }
0x1d2: {  	_ =	swait.ge [sflag:s26], $0x4000  }
0x1d3: {  	s11 =	simm.s32 $0x13E80;
	[sflag:s26] =	ssyncset.done $0x0  }
0x1d4: {  	s21 =	simm.s32 $0x13B80;
	s8 =	sld [smem:$0x7F6];
	[sflag:s26] =	ssyncadd.s32 $0xFFFFC000  }
0x1d5: {  	[spmem:s14] =	stream.indirect.scatter.add.f32 [tilespmem:s11], [sflag:$0xA], $0x80, s21, s19, $0xb8;
	[tilespmem:$0x1FE80] =	vst v63  }
0x1d6: {  	s6 =	simm.s32 @!p0 $0x0;
	s7 =	simm.s32 @!p0 $0x13880;
	s9 =	sld [smem:$0x7F7]  }
0x1d7: {  	[tilespmem:s7], [sflag:$0x1] =	stream.linear.gather @!p0 [hbm4b:s8+s6], $0x80, $0x38;
	[tilespmem:$0x1FE80] =	vst v63  }
0x1d8: {  	s8 =	simm.s32 @!p0 $0x13B80  }
0x1d9: {  	[tilespmem:s8], [sflag:$0x1] =	stream.linear.gather @!p0 [hbm4b:s9+s6], $0x80, $0x38;
	[tilespmem:$0x1FE80] =	vst v63  }
0x1da: {  	_ =	swait.ge [sflag:s28], $0x4000  }
0x1db: {  	[sflag:s28] =	ssyncset.done $0x0  }
0x1dc: {  	s23 =	simm.s32 $0x4;
	[sflag:s28] =	ssyncadd.s32 $0xFFFFC000  }
0x1dd: {  	_ =	swait.ge [sflag:s23], $0x80  }
0x1de: {  	[sflag:s23] =	ssyncset.done $0x0  }
0x1df: {  	[sflag:s23] =	ssyncadd.s32 $0xFFFFFF80  }
0x1e0: {  	_ =	swait.ge [sflag:s23], $0x80  }
0x1e1: {  	[sflag:s23] =	ssyncset.done $0x0  }
0x1e2: {  	[sflag:s23] =	ssyncadd.s32 $0xFFFFFF80  }
0x1e3: {  	[tilespmem:s11], [sflag:$0x7] =	stream.indirect.gather [hbm4b:s31+s19], $0x80, s12, s19, $0xb8;
	[tilespmem:$0x1FE80] =	vst v63  }
0x1e4: {  	_ =	swait.ge [sflag:s30], $0x4000  }
0x1e5: {  	[sflag:s30] =	ssyncset.done $0x0  }
0x1e6: {  	s24 =	simm.s32 $0x17E80;
	[sflag:s30] =	ssyncadd.s32 $0xFFFFC000  }
0x1e7: {  	[spmem:s14] =	stream.indirect.scatter.add.f32 [tilespmem:s24], [sflag:$0xB], $0x80, s10, s19, $0xb8;
	[tilespmem:$0x1FE80] =	vst v63  }
0x1e8: {  	_ =	swait.ge [sflag:s4], $0x4000  }
0x1e9: {  	[sflag:s4] =	ssyncset.done $0x0  }
0x1ea: {  	s25 =	simm.s32 $0x5;
	[sflag:s4] =	ssyncadd.s32 $0xFFFFC000  }
0x1eb: {  	_ =	swait.ge [sflag:s25], $0x80  }
0x1ec: {  	[sflag:s25] =	ssyncset.done $0x0  }
0x1ed: {  	[sflag:s25] =	ssyncadd.s32 $0xFFFFFF80  }
0x1ee: {  	_ =	swait.ge [sflag:s25], $0x80  }
0x1ef: {  	[sflag:s25] =	ssyncset.done $0x0  }
0x1f0: {  	[sflag:s25] =	ssyncadd.s32 $0xFFFFFF80  }
0x1f1: {  	[tilespmem:s24], [sflag:$0x8] =	stream.indirect.gather [hbm4b:s31+s19], $0x80, s1, s19, $0xb8;
	[tilespmem:$0x1FE80] =	vst v63  }
0x1f2: {  	_ =	swait.ge [sflag:s2], $0x4000  }
0x1f3: {  	[sflag:s2] =	ssyncset.done $0x0  }
0x1f4: {  	[sflag:s2] =	ssyncadd.s32 $0xFFFFC000  }
0x1f5: {  	[spmem:s14] =	stream.indirect.scatter.add.f32 [tilespmem:s20], [sflag:$0xC], $0x80, s22, s19, $0xb8;
	[tilespmem:$0x1FE80] =	vst v63  }
0x1f6: {  	_ =	swait.ge [sflag:s0], $0x4000  }
0x1f7: {  	[sflag:s0] =	ssyncset.done $0x0  }
0x1f8: {  	s29 =	simm.s32 $0x6;
	[sflag:s0] =	ssyncadd.s32 $0xFFFFC000  }
0x1f9: {  	_ =	swait.ge [sflag:s29], $0x80  }
0x1fa: {  	[sflag:s29] =	ssyncset.done $0x0  }
0x1fb: {  	[sflag:s29] =	ssyncadd.s32 $0xFFFFFF80  }
0x1fc: {  	_ =	swait.ge [sflag:s29], $0x80  }
0x1fd: {  	[sflag:s29] =	ssyncset.done $0x0  }
0x1fe: {  	[sflag:s29] =	ssyncadd.s32 $0xFFFFFF80  }
0x1ff: {  	[tilespmem:s20], [sflag:$0x9] =	stream.indirect.gather [hbm4b:s31+s19], $0x80, s15, s19, $0xb8;
	[tilespmem:$0x1FE80] =	vst v63  }
0x200: {  	_ =	swait.ge [sflag:s26], $0x4000  }
0x201: {  	[sflag:s26] =	ssyncset.done $0x0  }
0x202: {  	[sflag:s26] =	ssyncadd.s32 $0xFFFFC000  }
0x203: {  	[spmem:s14] =	stream.indirect.scatter.add.f32 [tilespmem:s11], [sflag:$0xA], $0x80, s17, s19, $0xb8;
	[tilespmem:$0x1FE80] =	vst v63  }
0x204: {  	_ =	swait.ge [sflag:s28], $0x4000  }
0x205: {  	[sflag:s28] =	ssyncset.done $0x0  }
0x206: {  	s6 =	simm.s32 @!p0 $0x1;
	[sflag:s28] =	ssyncadd.s32 $0xFFFFC000  }
0x207: {  	_ =	swait.ge @!p0 [sflag:s6], $0x80  }
0x208: {  	[sflag:s6] =	ssyncset.done @!p0 $0x0  }
0x209: {  	[sflag:s6] =	ssyncadd.s32 @!p0 $0xFFFFFF80  }
0x20a: {  	_ =	swait.ge @!p0 [sflag:s6], $0x80  }
0x20b: {  	[sflag:s6] =	ssyncset.done @!p0 $0x0  }
0x20c: {  	s8 =	simm.s32 @!p0 $0x13E80;
	[sflag:s6] =	ssyncadd.s32 @!p0 $0xFFFFFF80;
	s6 =	simm.s32 @!p0 $0x80  }
0x20d: {  	[tilespmem:s8], [sflag:$0x7] =	stream.indirect.gather @!p0 [hbm4b:s31+s6], $0x80, s7, s6, $0xb8;
	[tilespmem:$0x1FE80] =	vst v63  }
0x20e: {  	_ =	swait.ge [sflag:s30], $0x4000  }
0x20f: {  	[sflag:s30] =	ssyncset.done $0x0  }
0x210: {  	[sflag:s30] =	ssyncadd.s32 $0xFFFFC000  }
0x211: {  	[spmem:s14] =	stream.indirect.scatter.add.f32 [tilespmem:s24], [sflag:$0xB], $0x80, s13, s19, $0xb8;
	[tilespmem:$0x1FE80] =	vst v63  }
0x212: {  	_ =	swait.ge [sflag:s4], $0x4000  }
0x213: {  	s23 =	simm.s32 $0x3;
	[sflag:s4] =	ssyncset.done $0x0  }
0x214: {  	s12 =	simm.s32 $0x13C00;
	s10 =	simm.s32 $0x13B80;
	[sflag:s4] =	ssyncadd.s32 $0xFFFFC000  }
0x215: {  	s25 =	simm.s32 $0x7;
	s1 =	smov.u32 s14;
	_ =	swait.ge [sflag:s2], $0x4000  }
0x216: {  	s26 =	simm.s32 $0xA;
	s17 =	simm.s32 $0x13D80;
	[sflag:s2] =	ssyncset.done $0x0  }
.Ltmp3:
0x217: {  	s28 =	simm.s32 $0x8;
	[sflag:s2] =	ssyncadd.s32 $0xFFFFC000;
	(pc) =	sbr.rel @p0 .LBB2_5-.Ltmp3, $4  }
0x218: {  	[spmem:s14] =	stream.indirect.scatter.add.f32 [tilespmem:s20], [sflag:$0xC], $0x80, s16, s19, $0xb8;
	[tilespmem:$0x1FE80] =	vst v63  }
0x219: {  	s6 =	simm.s32 $0x13E80;
	s4 =	simm.s32 $0xB;
	_ =	swait.ge [sflag:s0], $0x4000  }
0x21a: {  	s2 =	simm.s32 $0x9;
	s14 =	simm.s32 $0x13C80;
	[sflag:s0] =	ssyncset.done $0x0  }
0x21b: {  	s16 =	simm.s32 $0x13D00;
	[sflag:s0] =	ssyncadd.s32 $0xFFFFC000;
	s0 =	simm.s32 $0xC  }
0x21c: {  	_ =	swait.ge [sflag:s25], $0x4000  }
0x21d: {  	[sflag:s25] =	ssyncset.done $0x0  }
0x21e: {  	[sflag:s25] =	ssyncadd.s32 $0xFFFFC000  }
0x21f: {  	[spmem:s1] =	stream.indirect.scatter.add.f32 [tilespmem:s6], [sflag:$0xA], $0x80, s10, s19, $0xb8;
	[tilespmem:$0x1FE80] =	vst v63  }
.Ltmp4:
0x220: {  	_ =	swait.ge [sflag:s26], $0x4000;
	(pc) =	sbr.rel .LBB2_6-.Ltmp4, $4  }
0x221: {  	[sflag:s26] =	ssyncset.done $0x0  }
0x222: {  	[sflag:s26] =	ssyncadd.s32 $0xFFFFC000  }
0x223: {  	s9 =	simm.s32 $0x13880;
	[bflag:$0x0] =	sbarrier.arrive $0xFFFF  }
0x224: {  	s11 =	simm.s32 $0x13900;
	s18 =	simm.s32 $0x1;
	s21 =	simm.s32 $0x2  }
.LBB2_5:
.Ltmp5:
0x225: {  	(pc) =	sbr.rel @p1 .LBB2_7-.Ltmp5, $3  }
0x226: {  	_ =	sdelay $0x1  }
0x227: {  	[bflag:$0x0] =	sbarrier.arrive $0xFFFF;
	s9 =	simm.s32 $0x13880  }
0x228: {  	s11 =	simm.s32 $0x13900;
	s18 =	simm.s32 $0x1;
	s21 =	simm.s32 $0x2  }
.LBB2_6:
0x229: {  	s7 =	sld [smem:$0x7F9]  }
0x22a: {  	s6 =	stileid.u32;
	s8 =	sld [smem:$0x7FC]  }
0x22b: {  	s30 =	simm.s32 $0xD;
	s6 =	sshll.u32 s6, $0x6  }
.Ltmp6:
0x22c: {  	s6 =	sor.u32 $0x1C0D, s6;
	s7 =	sshrl.u32 s7, $0x3;
	(pc) =	sbr.rel .LBB2_8-.Ltmp6, $4  }
0x22d: {  	[hbm:s8], [sflag:s6] =	dma.local [spmem:s7], $0x2780  }
0x22e: {  	_ =	swait.ge [sflag:s30], $0x2780  }
0x22f: {  	s13 =	simm.s32 $0x13980;
	s15 =	simm.s32 $0x13A00;
	[sflag:s30] =	ssyncset.done $0x0  }
0x230: {  	s20 =	simm.s32 $0x13A80;
	s7 =	sld [smem:$0x7EE];
	[sflag:s30] =	ssyncadd.s32 $0xFFFFD880  }
.LBB2_9:
0x231: {  	_ =	sfence.sel $0x180000  }
0x232: {  	[bflag:$0x0] =	sbarrier.arrive $0xFFFF  }
0x233: {  	_ =	strace $0x9000004A  }
0x234: {  	s0 =	stileid.u32;
	[bflag:$0x2] =	sbarrier.arrive $0xFFFF  }
0x235: {  	p0 =	sne.s32 s0, $0x0;
	s0 =	rddreg [dreg:$0x2]  }
0x236: {  	s0 =	sadd.s32 @!p0 $0x100000, s0  }
0x237: {  	[sflag:s0] =	ssyncadd.tile.s32 @!p0 $0x1;
	_ =	shalt  }
.Lfunc_end2:
_tile_overlayer_lowered:
.L_overlay_start_2:
0x238: {  	(tag) =	ssettag $0x2  }
0x239: {  	s0 =	rddreg [dreg:$0x0];
	s2 =	stileid.u32  }
0x23a: {  	s1 =	rddreg [dreg:$0x1];
	p0 =	sne.s32 s2, $0x0  }
0x23b: {  	s3 =	rddreg [dreg:$0x2];
	[bflag:$0x3] =	sbarrier.arrive $0xFFFF;
	s2 =	simm.s32 @!p0 $0x1C0D  }
0x23c: {  	[timem:s3], [sflag:s2] =	dma.local @!p0 [hbm:s0], s1  }
0x23d: {  	s0 =	simm.s32 @!p0 $0xD  }
0x23e: {  	_ =	swait.ge @!p0 [sflag:s0], s1  }
0x23f: {  	s1 =	ssub.s32 @!p0 $0x0, s1;
	[sflag:s0] =	ssyncset.done @!p0 $0x0  }
0x240: {  	[sflag:s0] =	ssyncadd.s32 @!p0 s1  }
0x241: {  	[bflag:$0x3] =	sbarrier.arrive $0xFFFF  }
0x242: {  	_ =	shalt  }

</sc_bundles>
